<compile_context>
chip_gen: v7x
topology: tpu7x:2x2x1
jax: 0.10.2.dev20260603
libtpu: 0.0.44.dev20260713+nightly
codegen_flags: <defaults>
</compile_context>

<pallas_src>
import functools
import math

import jax
import jax.numpy as jnp
from jax import lax
from jax.experimental import pallas as pl
from jax.experimental.pallas import tpu as pltpu
from jax.experimental.pallas import tpu_sc as plsc

_N = 10000
_E = 320000
_D = 128
_HEAD_DIM = 32

_NC = 2
_NS = 16
_L = 16
_NW = _NC * _NS
_C = 80
_NCHT = _E // _C
_CPW = _NCHT // _NW
_NBLK = _N // 8
_BPS = _NBLK // _NS

_INV_SQRT_HD = 1.0 / math.sqrt(float(_HEAD_DIM))

_GATHER_DNUMS = lax.GatherDimensionNumbers(
    offset_dims=(), collapsed_slice_dims=(0,), start_index_map=(0,))


def _lane_shuffle(x, idx2d):
    return lax.gather(x, idx2d, _GATHER_DNUMS, slice_sizes=(1,),
                      mode=lax.GatherScatterMode.PROMISE_IN_BOUNDS)


def _pack_cols(arr):
    bits = lax.bitcast_convert_type(arr.astype(jnp.bfloat16), jnp.uint16)
    b32 = bits.astype(jnp.int32)
    return b32[:, : _D // 2] | (b32[:, _D // 2:] << 16)


def _qkv_body(x_ref, wq_ref, wk_ref, wv_ref, bq_ref, bk_ref, bv_ref,
              q_ref, kv_ref):
    xb = x_ref[...]
    q_ref[...] = jnp.dot(xb, wq_ref[...], preferred_element_type=jnp.float32,
                         precision=lax.Precision.HIGHEST) + bq_ref[...]
    k = jnp.dot(xb, wk_ref[...], preferred_element_type=jnp.float32,
                precision=lax.Precision.HIGHEST) + bk_ref[...]
    v = jnp.dot(xb, wv_ref[...], preferred_element_type=jnp.float32,
                precision=lax.Precision.HIGHEST) + bv_ref[...]
    kv = jnp.concatenate([_pack_cols(k), _pack_cols(v)], axis=1)
    kv_ref[...] = lax.bitcast_convert_type(kv, jnp.float32)


def _qkv_proj(x2d, Wq, bq, Wk, bk, Wv, bv):
    blk = 2000
    grid = (_N // blk,)
    row_spec = pl.BlockSpec((blk, _D), lambda i: (i, 0))
    w_spec = pl.BlockSpec((_D, _D), lambda i: (0, 0))
    b_spec = pl.BlockSpec((1, _D), lambda i: (0, 0))
    out = jax.ShapeDtypeStruct((_N, _D), jnp.float32)
    return pl.pallas_call(
        _qkv_body,
        grid=grid,
        in_specs=[row_spec, w_spec, w_spec, w_spec, b_spec, b_spec, b_spec],
        out_specs=[row_spec, row_spec],
        out_shape=[out, out],
    )(x2d, Wq, Wk, Wv, bq.reshape(1, _D), bk.reshape(1, _D), bv.reshape(1, _D))


def _out_body(p_ref, wo_ref, bo_ref, o_ref):
    s = p_ref[0] + p_ref[1]
    o_ref[...] = jnp.dot(s, wo_ref[...], preferred_element_type=jnp.float32,
                         precision=lax.Precision.HIGHEST) + bo_ref[...]


def _out_proj(partials, Wo, bo):
    blk = 2000
    grid = (_N // blk,)
    return pl.pallas_call(
        _out_body,
        grid=grid,
        in_specs=[
            pl.BlockSpec((2, blk, _D), lambda i: (0, i, 0)),
            pl.BlockSpec((_D, _D), lambda i: (0, 0)),
            pl.BlockSpec((1, _D), lambda i: (0, 0)),
        ],
        out_specs=pl.BlockSpec((blk, _D), lambda i: (i, 0)),
        out_shape=jax.ShapeDtypeStruct((_N, _D), jnp.float32),
    )(partials, Wo, bo.reshape(1, _D))


def _sc_edges(q_hbm, kv_hbm, ei_hbm, out_hbm,
              ib0, ib1, ib2, ib3, qd0, kv0, qd1, kv1,
              zero_v, acc_sh, gsem0, gsem1, ssem0, ssem1,
              isem0, isem1, isem2, isem3):
    c = lax.axis_index("c")
    s = lax.axis_index("s")
    wid = c * _NS + s
    zvec = jnp.zeros((_L,), jnp.float32)

    nb = jnp.where(s < 2, _BPS + 1, _BPS)
    b0 = s * _BPS + jnp.minimum(s, 2)

    for i in range(8):
        for j in range(_D // _L):
            zero_v[i, pl.ds(j * _L, _L)] = zvec

    def zblk(i, _):
        r0 = pl.multiple_of((b0 + i) * 8, 8)
        pltpu.async_copy(zero_v, acc_sh.at[pl.ds(r0, 8)], isem0)
        return 0

    def zdrain(i, _):
        r0 = pl.multiple_of((b0 + i) * 8, 8)
        pltpu.make_async_copy(zero_v, acc_sh.at[pl.ds(r0, 8)], isem0).wait()
        return 0

    lax.fori_loop(0, nb, zblk, 0)
    lax.fori_loop(0, nb, zdrain, 0)
    plsc.subcore_barrier()

    lanes = lax.iota(jnp.int32, _L)
    bfly = [jnp.bitwise_xor(lanes, jnp.int32(w))[:, None] for w in (8, 4, 2, 1)]

    def idx_start(i, ib, isem):
        g = wid * _CPW + jnp.minimum(i, _CPW - 1)
        pltpu.async_copy(ei_hbm.at[g], ib, isem)

    def idx_wait(i, ib, isem):
        g = wid * _CPW + jnp.minimum(i, _CPW - 1)
        pltpu.make_async_copy(ei_hbm.at[g], ib, isem).wait()

    def issue_gathers(ib, qd, kv, gsem):
        pltpu.async_copy(q_hbm.at[ib.at[1]], qd, gsem)
        pltpu.async_copy(kv_hbm.at[ib.at[0]], kv, gsem)

    def wait_gathers(ib, qd, kv, gsem):
        pltpu.make_async_copy(q_hbm.at[ib.at[1]], qd, gsem).wait()
        pltpu.make_async_copy(kv_hbm.at[ib.at[0]], kv, gsem).wait()

    def compute(qd, kv):
        @plsc.parallel_loop(0, _C, unroll=2)
        def edge(e):
            acc0 = jnp.zeros((_L,), jnp.float32)
            acc1 = jnp.zeros((_L,), jnp.float32)
            hi_mask = jnp.full((_L,), -65536, jnp.int32)
            half = _D // 2
            for j in range(_D // (2 * _L)):
                kw = lax.bitcast_convert_type(kv[e, pl.ds(j * _L, _L)], jnp.int32)
                qa = qd[e, pl.ds(j * _L, _L)]
                qb = qd[e, pl.ds(half + j * _L, _L)]
                ka = lax.bitcast_convert_type(jnp.left_shift(kw, 16), jnp.float32)
                kb = lax.bitcast_convert_type(jnp.bitwise_and(kw, hi_mask), jnp.float32)
                acc0 = acc0 + qa * ka
                acc1 = acc1 + qb * kb
            acc = acc0 + acc1
            for idx in bfly:
                acc = acc + _lane_shuffle(acc, idx)
            a = 1.0 / (1.0 + jnp.exp(acc * (-_INV_SQRT_HD)))
            for j in range(_D // (2 * _L)):
                vw = lax.bitcast_convert_type(
                    kv[e, pl.ds(half + j * _L, _L)], jnp.int32)
                va = lax.bitcast_convert_type(jnp.left_shift(vw, 16), jnp.float32)
                vb = lax.bitcast_convert_type(jnp.bitwise_and(vw, hi_mask), jnp.float32)
                kv[e, pl.ds(j * _L, _L)] = va * a
                kv[e, pl.ds(half + j * _L, _L)] = vb * a

    def scatter(ib, ms, ssem):
        pltpu.async_copy(ms, acc_sh.at[ib.at[1]], ssem, add=True)

    def wait_scatter(ib, ms, ssem):
        pltpu.make_async_copy(ms, acc_sh.at[ib.at[1]], ssem).wait()

    def slot(m, ibm, isemm, ibn, isemn, qd, kvb, gsem, ssem):
        wait_gathers(ibm, qd, kvb, gsem)
        compute(qd, kvb)
        scatter(ibm, kvb, ssem)
        wait_scatter(ibm, kvb, ssem)
        idx_wait(m + 2, ibn, isemn)
        issue_gathers(ibn, qd, kvb, gsem)
        idx_start(m + 4, ibm, isemm)

    idx_start(0, ib0, isem0)
    idx_start(1, ib1, isem1)
    idx_start(2, ib2, isem2)
    idx_start(3, ib3, isem3)
    idx_wait(0, ib0, isem0)
    issue_gathers(ib0, qd0, kv0, gsem0)
    idx_wait(1, ib1, isem1)
    issue_gathers(ib1, qd1, kv1, gsem1)

    def quad(j, _):
        m = 4 * j
        slot(m + 0, ib0, isem0, ib2, isem2, qd0, kv0, gsem0, ssem0)
        slot(m + 1, ib1, isem1, ib3, isem3, qd1, kv1, gsem1, ssem1)
        slot(m + 2, ib2, isem2, ib0, isem0, qd0, kv0, gsem0, ssem0)
        slot(m + 3, ib3, isem3, ib1, isem1, qd1, kv1, gsem1, ssem1)
        return 0

    lax.fori_loop(0, _CPW // 4, quad, 0)

    wait_gathers(ib0, qd0, kv0, gsem0)
    compute(qd0, kv0)
    scatter(ib0, kv0, ssem0)
    wait_scatter(ib0, kv0, ssem0)
    wait_gathers(ib1, qd1, kv1, gsem1)
    idx_wait(_CPW + 1, ib2, isem2)
    idx_wait(_CPW + 2, ib3, isem3)

    plsc.subcore_barrier()

    r0 = pl.multiple_of(b0 * 8, 8)

    @pl.when(s < 2)
    def _():
        pltpu.sync_copy(acc_sh.at[pl.ds(r0, (_BPS + 1) * 8)],
                        out_hbm.at[c, pl.ds(r0, (_BPS + 1) * 8)])

    @pl.when(s >= 2)
    def _():
        pltpu.sync_copy(acc_sh.at[pl.ds(r0, _BPS * 8)],
                        out_hbm.at[c, pl.ds(r0, _BPS * 8)])


def _sc_gat(q, kv, ei):
    mesh = plsc.VectorSubcoreMesh(core_axis_name="c", subcore_axis_name="s")
    f = pl.kernel(
        _sc_edges,
        mesh=mesh,
        out_type=jax.ShapeDtypeStruct((_NC, _N, _D), jnp.float32),
        scratch_types=[
            pltpu.VMEM((2, _C), jnp.int32),
            pltpu.VMEM((2, _C), jnp.int32),
            pltpu.VMEM((2, _C), jnp.int32),
            pltpu.VMEM((2, _C), jnp.int32),
            pltpu.VMEM((_C, _D), jnp.float32),
            pltpu.VMEM((_C, _D), jnp.float32),
            pltpu.VMEM((_C, _D), jnp.float32),
            pltpu.VMEM((_C, _D), jnp.float32),
            pltpu.VMEM((8, _D), jnp.float32),
            pltpu.VMEM_SHARED((_N, _D), jnp.float32),
            pltpu.SemaphoreType.DMA,
            pltpu.SemaphoreType.DMA,
            pltpu.SemaphoreType.DMA,
            pltpu.SemaphoreType.DMA,
            pltpu.SemaphoreType.DMA,
            pltpu.SemaphoreType.DMA,
            pltpu.SemaphoreType.DMA,
            pltpu.SemaphoreType.DMA,
        ],
    )
    return f(q, kv, ei)


def kernel(x, edge_index, Wq, bq, Wk, bk, Wv, bv, Wo, bo):
    x2d = x.reshape(_N, _D)
    q, kv = _qkv_proj(x2d, Wq, bq, Wk, bk, Wv, bv)
    ei = edge_index.reshape(2, _NCHT, _C).transpose(1, 0, 2)
    partials = _sc_gat(q, kv, ei)
    out = _out_proj(partials, Wo, bo)
    return out.reshape(1, _N, _D)

# --- scband reference (transcript-rebuilt; emitter-appended) ---
"""Pipeline reference for scband-gatlayer-48756468744912 (READ-ONLY COPY).

The authoritative reference and input builder live on the scoring server;
editing this copy changes nothing except your own understanding.
"""

import jax, jax.numpy as jnp
import numpy as np

N = 10000
E = 320000
D = 128
NUM_HEADS = 4
HEAD_DIM = D // NUM_HEADS


def setup_inputs(seed: int = 0) -> dict:
    key = jax.random.key(seed)
    ks = jax.random.split(key, 12)
    x = jax.random.normal(ks[0], (1, N, D), dtype=jnp.float32)
    edge_index = jax.random.randint(ks[1], (2, E), 0, N, dtype=jnp.int32)
    s = 1.0 / np.sqrt(D)
    Wq = jax.random.uniform(ks[2], (D, D), jnp.float32, -s, s)
    bq = jax.random.uniform(ks[3], (D,), jnp.float32, -s, s)
    Wk = jax.random.uniform(ks[4], (D, D), jnp.float32, -s, s)
    bk = jax.random.uniform(ks[5], (D,), jnp.float32, -s, s)
    Wv = jax.random.uniform(ks[6], (D, D), jnp.float32, -s, s)
    bv = jax.random.uniform(ks[7], (D,), jnp.float32, -s, s)
    Wo = jax.random.uniform(ks[8], (D, D), jnp.float32, -s, s)
    bo = jax.random.uniform(ks[9], (D,), jnp.float32, -s, s)
    return {"x": x, "edge_index": edge_index, "Wq": Wq, "bq": bq, "Wk": Wk, "bk": bk, "Wv": Wv, "bv": bv, "Wo": Wo, "bo": bo}


def reference(x, edge_index, Wq, bq, Wk, bk, Wv, bv, Wo, bo):
    # q/k/v projections (nn.Linear: y = x @ W + b with W stored as [in, out])
    q = x @ Wq + bq
    k = x @ Wk + bk
    v = x @ Wv + bv
    src = edge_index[0]
    dst = edge_index[1]
    # per-edge scalar attention: sigmoid(<q[dst], k[src]> / sqrt(head_dim))
    q_d = jnp.take(q, dst, axis=1)  # [B, E, D]
    k_s = jnp.take(k, src, axis=1)  # [B, E, D]
    v_s = jnp.take(v, src, axis=1)  # [B, E, D]
    attn = jax.nn.sigmoid(jnp.sum(q_d * k_s, axis=-1) / jnp.sqrt(jnp.float32(HEAD_DIM)))  # [B, E]
    msgs = attn[..., None] * v_s  # [B, E, D]
    out = jnp.zeros_like(q).at[:, dst].add(msgs)  # scatter-add into dst nodes
    return out @ Wo + bo

if __name__ == "__main__":
    import jax
    _d = setup_inputs()
    print(jax.jit(kernel)(*tuple(_d.values())))

</pallas_src>

<mosaic_0001>
#map = affine_map<(d0, d1) -> (0, 0)>
#map1 = affine_map<(d0, d1) -> (0, 0, 0)>
module attributes {stable_mosaic.version = 14 : i64} {
  func.func @_sc_edges(%arg0: i32, %arg1: i32, %arg2: memref<10000x128xf32, #tpu.memory_space<hbm>>, %arg3: memref<10000x128xf32, #tpu.memory_space<hbm>>, %arg4: memref<4000x2x80xi32, #tpu.memory_space<hbm>>, %arg5: memref<2x10000x128xf32, #tpu.memory_space<hbm>>, %arg6: memref<2x80xi32, #tpu.memory_space<vmem>>, %arg7: memref<2x80xi32, #tpu.memory_space<vmem>>, %arg8: memref<2x80xi32, #tpu.memory_space<vmem>>, %arg9: memref<2x80xi32, #tpu.memory_space<vmem>>, %arg10: memref<80x128xf32, #tpu.memory_space<vmem>>, %arg11: memref<80x128xf32, #tpu.memory_space<vmem>>, %arg12: memref<80x128xf32, #tpu.memory_space<vmem>>, %arg13: memref<80x128xf32, #tpu.memory_space<vmem>>, %arg14: memref<8x128xf32, #tpu.memory_space<vmem>>, %arg15: memref<10000x128xf32, #tpu.memory_space<vmem_shared>>, %arg16: memref<!tpu.dma_semaphore, #tpu.memory_space<semaphore_mem>>, %arg17: memref<!tpu.dma_semaphore, #tpu.memory_space<semaphore_mem>>, %arg18: memref<!tpu.dma_semaphore, #tpu.memory_space<semaphore_mem>>, %arg19: memref<!tpu.dma_semaphore, #tpu.memory_space<semaphore_mem>>, %arg20: memref<!tpu.dma_semaphore, #tpu.memory_space<semaphore_mem>>, %arg21: memref<!tpu.dma_semaphore, #tpu.memory_space<semaphore_mem>>, %arg22: memref<!tpu.dma_semaphore, #tpu.memory_space<semaphore_mem>>, %arg23: memref<!tpu.dma_semaphore, #tpu.memory_space<semaphore_mem>>) attributes {dimension_semantics = [#tpu.dimension_semantics<core_parallel>, #tpu.dimension_semantics<subcore_parallel>], iteration_bounds = array<i64: 2, 16>, scalar_prefetch = 0 : i64, scratch_operands = 18 : i64, tpu.core_type = #tpu.core_type<sc_vector_subcore>, window_params = [{transform_indices = #map}, {transform_indices = #map}, {transform_indices = #map1}, {transform_indices = #map1}]} {
    %mul3A = arith.constant 16 : i32
    %mul3A_0 = arith.muli %arg0, %mul3A : i32
    %add3A = arith.addi %mul3A_0, %arg1 : i32
    %broadcast_in_dim3A = arith.constant 0.000000e+00 : f32
    %broadcast_in_dim3A_1 = vector.broadcast %broadcast_in_dim3A : f32 to vector<16xf32>
    %lt3A = arith.constant 2 : i32
    %lt3A_2 = arith.cmpi slt, %arg1, %lt3A : i32
    %jit3A = arith.constant 79 : i32
    %jit3A_3 = arith.constant 78 : i32
    %select_n3A = arith.select %lt3A_2, %jit3A, %jit3A_3 : i32
    %mul3A_4 = arith.constant 78 : i32
    %mul3A_5 = arith.muli %arg1, %mul3A_4 : i32
    %min3A = arith.constant 2 : i32
    %min3A_6 = arith.minsi %arg1, %min3A : i32
    %add3A_7 = arith.addi %mul3A_5, %min3A_6 : i32
    %swap3A = arith.constant 0 : i32
    %swap3A_8 = arith.index_cast %swap3A : i32 to index
    %swap3A_9 = arith.constant 0 : index
    %swap3A_10 = tpu.vector_load %arg14[%swap3A_8, %swap3A_9] {strides = array<i32>} : memref<8x128xf32, #tpu.memory_space<vmem>>, vector<1x16xf32>,
    %swap3A_11 = vector.shape_cast %swap3A_10 : vector<1x16xf32> to vector<16xf32>
    %swap3A_12 = vector.shape_cast %broadcast_in_dim3A_1 : vector<16xf32> to vector<1x16xf32>
    tpu.vector_store %arg14[%swap3A_8, %swap3A_9], %swap3A_12 {strides = array<i32>} : memref<8x128xf32, #tpu.memory_space<vmem>>, vector<1x16xf32>,
    %swap3A_13 = arith.constant 0 : i32
    %swap3A_14 = arith.index_cast %swap3A_13 : i32 to index
    %swap3A_15 = arith.constant 16 : index
    %swap3A_16 = tpu.vector_load %arg14[%swap3A_14, %swap3A_15] {strides = array<i32>} : memref<8x128xf32, #tpu.memory_space<vmem>>, vector<1x16xf32>,
    %swap3A_17 = vector.shape_cast %swap3A_16 : vector<1x16xf32> to vector<16xf32>
    %swap3A_18 = vector.shape_cast %broadcast_in_dim3A_1 : vector<16xf32> to vector<1x16xf32>
    tpu.vector_store %arg14[%swap3A_14, %swap3A_15], %swap3A_18 {strides = array<i32>} : memref<8x128xf32, #tpu.memory_space<vmem>>, vector<1x16xf32>,
    %swap3A_19 = arith.constant 0 : i32
    %swap3A_20 = arith.index_cast %swap3A_19 : i32 to index
    %swap3A_21 = arith.constant 32 : index
    %swap3A_22 = tpu.vector_load %arg14[%swap3A_20, %swap3A_21] {strides = array<i32>} : memref<8x128xf32, #tpu.memory_space<vmem>>, vector<1x16xf32>,
    %swap3A_23 = vector.shape_cast %swap3A_22 : vector<1x16xf32> to vector<16xf32>
    %swap3A_24 = vector.shape_cast %broadcast_in_dim3A_1 : vector<16xf32> to vector<1x16xf32>
    tpu.vector_store %arg14[%swap3A_20, %swap3A_21], %swap3A_24 {strides = array<i32>} : memref<8x128xf32, #tpu.memory_space<vmem>>, vector<1x16xf32>,
    %swap3A_25 = arith.constant 0 : i32
    %swap3A_26 = arith.index_cast %swap3A_25 : i32 to index
    %swap3A_27 = arith.constant 48 : index
    %swap3A_28 = tpu.vector_load %arg14[%swap3A_26, %swap3A_27] {strides = array<i32>} : memref<8x128xf32, #tpu.memory_space<vmem>>, vector<1x16xf32>,
    %swap3A_29 = vector.shape_cast %swap3A_28 : vector<1x16xf32> to vector<16xf32>
    %swap3A_30 = vector.shape_cast %broadcast_in_dim3A_1 : vector<16xf32> to vector<1x16xf32>
    tpu.vector_store %arg14[%swap3A_26, %swap3A_27], %swap3A_30 {strides = array<i32>} : memref<8x128xf32, #tpu.memory_space<vmem>>, vector<1x16xf32>,
    %swap3A_31 = arith.constant 0 : i32
    %swap3A_32 = arith.index_cast %swap3A_31 : i32 to index
    %swap3A_33 = arith.constant 64 : index
    %swap3A_34 = tpu.vector_load %arg14[%swap3A_32, %swap3A_33] {strides = array<i32>} : memref<8x128xf32, #tpu.memory_space<vmem>>, vector<1x16xf32>,
    %swap3A_35 = vector.shape_cast %swap3A_34 : vector<1x16xf32> to vector<16xf32>
    %swap3A_36 = vector.shape_cast %broadcast_in_dim3A_1 : vector<16xf32> to vector<1x16xf32>
    tpu.vector_store %arg14[%swap3A_32, %swap3A_33], %swap3A_36 {strides = array<i32>} : memref<8x128xf32, #tpu.memory_space<vmem>>, vector<1x16xf32>,
    %swap3A_37 = arith.constant 0 : i32
    %swap3A_38 = arith.index_cast %swap3A_37 : i32 to index
    %swap3A_39 = arith.constant 80 : index
    %swap3A_40 = tpu.vector_load %arg14[%swap3A_38, %swap3A_39] {strides = array<i32>} : memref<8x128xf32, #tpu.memory_space<vmem>>, vector<1x16xf32>,
    %swap3A_41 = vector.shape_cast %swap3A_40 : vector<1x16xf32> to vector<16xf32>
    %swap3A_42 = vector.shape_cast %broadcast_in_dim3A_1 : vector<16xf32> to vector<1x16xf32>
    tpu.vector_store %arg14[%swap3A_38, %swap3A_39], %swap3A_42 {strides = array<i32>} : memref<8x128xf32, #tpu.memory_space<vmem>>, vector<1x16xf32>,
    %swap3A_43 = arith.constant 0 : i32
    %swap3A_44 = arith.index_cast %swap3A_43 : i32 to index
    %swap3A_45 = arith.constant 96 : index
    %swap3A_46 = tpu.vector_load %arg14[%swap3A_44, %swap3A_45] {strides = array<i32>} : memref<8x128xf32, #tpu.memory_space<vmem>>, vector<1x16xf32>,
    %swap3A_47 = vector.shape_cast %swap3A_46 : vector<1x16xf32> to vector<16xf32>
    %swap3A_48 = vector.shape_cast %broadcast_in_dim3A_1 : vector<16xf32> to vector<1x16xf32>
    tpu.vector_store %arg14[%swap3A_44, %swap3A_45], %swap3A_48 {strides = array<i32>} : memref<8x128xf32, #tpu.memory_space<vmem>>, vector<1x16xf32>,
    %swap3A_49 = arith.constant 0 : i32
    %swap3A_50 = arith.index_cast %swap3A_49 : i32 to index
    %swap3A_51 = arith.constant 112 : index
    %swap3A_52 = tpu.vector_load %arg14[%swap3A_50, %swap3A_51] {strides = array<i32>} : memref<8x128xf32, #tpu.memory_space<vmem>>, vector<1x16xf32>,
    %swap3A_53 = vector.shape_cast %swap3A_52 : vector<1x16xf32> to vector<16xf32>
    %swap3A_54 = vector.shape_cast %broadcast_in_dim3A_1 : vector<16xf32> to vector<1x16xf32>
    tpu.vector_store %arg14[%swap3A_50, %swap3A_51], %swap3A_54 {strides = array<i32>} : memref<8x128xf32, #tpu.memory_space<vmem>>, vector<1x16xf32>,
    %swap3A_55 = arith.constant 1 : i32
    %swap3A_56 = arith.index_cast %swap3A_55 : i32 to index
    %swap3A_57 = arith.constant 0 : index
    %swap3A_58 = tpu.vector_load %arg14[%swap3A_56, %swap3A_57] {strides = array<i32>} : memref<8x128xf32, #tpu.memory_space<vmem>>, vector<1x16xf32>,
    %swap3A_59 = vector.shape_cast %swap3A_58 : vector<1x16xf32> to vector<16xf32>
    %swap3A_60 = vector.shape_cast %broadcast_in_dim3A_1 : vector<16xf32> to vector<1x16xf32>
    tpu.vector_store %arg14[%swap3A_56, %swap3A_57], %swap3A_60 {strides = array<i32>} : memref<8x128xf32, #tpu.memory_space<vmem>>, vector<1x16xf32>,
    %swap3A_61 = arith.constant 1 : i32
    %swap3A_62 = arith.index_cast %swap3A_61 : i32 to index
    %swap3A_63 = arith.constant 16 : index
    %swap3A_64 = tpu.vector_load %arg14[%swap3A_62, %swap3A_63] {strides = array<i32>} : memref<8x128xf32, #tpu.memory_space<vmem>>, vector<1x16xf32>,
    %swap3A_65 = vector.shape_cast %swap3A_64 : vector<1x16xf32> to vector<16xf32>
    %swap3A_66 = vector.shape_cast %broadcast_in_dim3A_1 : vector<16xf32> to vector<1x16xf32>
    tpu.vector_store %arg14[%swap3A_62, %swap3A_63], %swap3A_66 {strides = array<i32>} : memref<8x128xf32, #tpu.memory_space<vmem>>, vector<1x16xf32>,
    %swap3A_67 = arith.constant 1 : i32
    %swap3A_68 = arith.index_cast %swap3A_67 : i32 to index
    %swap3A_69 = arith.constant 32 : index
    %swap3A_70 = tpu.vector_load %arg14[%swap3A_68, %swap3A_69] {strides = array<i32>} : memref<8x128xf32, #tpu.memory_space<vmem>>, vector<1x16xf32>,
    %swap3A_71 = vector.shape_cast %swap3A_70 : vector<1x16xf32> to vector<16xf32>
    %swap3A_72 = vector.shape_cast %broadcast_in_dim3A_1 : vector<16xf32> to vector<1x16xf32>
    tpu.vector_store %arg14[%swap3A_68, %swap3A_69], %swap3A_72 {strides = array<i32>} : memref<8x128xf32, #tpu.memory_space<vmem>>, vector<1x16xf32>,
    %swap3A_73 = arith.constant 1 : i32
    %swap3A_74 = arith.index_cast %swap3A_73 : i32 to index
    %swap3A_75 = arith.constant 48 : index
    %swap3A_76 = tpu.vector_load %arg14[%swap3A_74, %swap3A_75] {strides = array<i32>} : memref<8x128xf32, #tpu.memory_space<vmem>>, vector<1x16xf32>,
    %swap3A_77 = vector.shape_cast %swap3A_76 : vector<1x16xf32> to vector<16xf32>
    %swap3A_78 = vector.shape_cast %broadcast_in_dim3A_1 : vector<16xf32> to vector<1x16xf32>
    tpu.vector_store %arg14[%swap3A_74, %swap3A_75], %swap3A_78 {strides = array<i32>} : memref<8x128xf32, #tpu.memory_space<vmem>>, vector<1x16xf32>,
    %swap3A_79 = arith.constant 1 : i32
    %swap3A_80 = arith.index_cast %swap3A_79 : i32 to index
    %swap3A_81 = arith.constant 64 : index
    %swap3A_82 = tpu.vector_load %arg14[%swap3A_80, %swap3A_81] {strides = array<i32>} : memref<8x128xf32, #tpu.memory_space<vmem>>, vector<1x16xf32>,
    %swap3A_83 = vector.shape_cast %swap3A_82 : vector<1x16xf32> to vector<16xf32>
    %swap3A_84 = vector.shape_cast %broadcast_in_dim3A_1 : vector<16xf32> to vector<1x16xf32>
    tpu.vector_store %arg14[%swap3A_80, %swap3A_81], %swap3A_84 {strides = array<i32>} : memref<8x128xf32, #tpu.memory_space<vmem>>, vector<1x16xf32>,
    %swap3A_85 = arith.constant 1 : i32
    %swap3A_86 = arith.index_cast %swap3A_85 : i32 to index
    %swap3A_87 = arith.constant 80 : index
    %swap3A_88 = tpu.vector_load %arg14[%swap3A_86, %swap3A_87] {strides = array<i32>} : memref<8x128xf32, #tpu.memory_space<vmem>>, vector<1x16xf32>,
    %swap3A_89 = vector.shape_cast %swap3A_88 : vector<1x16xf32> to vector<16xf32>
    %swap3A_90 = vector.shape_cast %broadcast_in_dim3A_1 : vector<16xf32> to vector<1x16xf32>
    tpu.vector_store %arg14[%swap3A_86, %swap3A_87], %swap3A_90 {strides = array<i32>} : memref<8x128xf32, #tpu.memory_space<vmem>>, vector<1x16xf32>,
    %swap3A_91 = arith.constant 1 : i32
    %swap3A_92 = arith.index_cast %swap3A_91 : i32 to index
    %swap3A_93 = arith.constant 96 : index
    %swap3A_94 = tpu.vector_load %arg14[%swap3A_92, %swap3A_93] {strides = array<i32>} : memref<8x128xf32, #tpu.memory_space<vmem>>, vector<1x16xf32>,
    %swap3A_95 = vector.shape_cast %swap3A_94 : vector<1x16xf32> to vector<16xf32>
    %swap3A_96 = vector.shape_cast %broadcast_in_dim3A_1 : vector<16xf32> to vector<1x16xf32>
    tpu.vector_store %arg14[%swap3A_92, %swap3A_93], %swap3A_96 {strides = array<i32>} : memref<8x128xf32, #tpu.memory_space<vmem>>, vector<1x16xf32>,
    %swap3A_97 = arith.constant 1 : i32
    %swap3A_98 = arith.index_cast %swap3A_97 : i32 to index
    %swap3A_99 = arith.constant 112 : index
    %swap3A_100 = tpu.vector_load %arg14[%swap3A_98, %swap3A_99] {strides = array<i32>} : memref<8x128xf32, #tpu.memory_space<vmem>>, vector<1x16xf32>,
    %swap3A_101 = vector.shape_cast %swap3A_100 : vector<1x16xf32> to vector<16xf32>
    %swap3A_102 = vector.shape_cast %broadcast_in_dim3A_1 : vector<16xf32> to vector<1x16xf32>
    tpu.vector_store %arg14[%swap3A_98, %swap3A_99], %swap3A_102 {strides = array<i32>} : memref<8x128xf32, #tpu.memory_space<vmem>>, vector<1x16xf32>,
    %swap3A_103 = arith.constant 2 : i32
    %swap3A_104 = arith.index_cast %swap3A_103 : i32 to index
    %swap3A_105 = arith.constant 0 : index
    %swap3A_106 = tpu.vector_load %arg14[%swap3A_104, %swap3A_105] {strides = array<i32>} : memref<8x128xf32, #tpu.memory_space<vmem>>, vector<1x16xf32>,
    %swap3A_107 = vector.shape_cast %swap3A_106 : vector<1x16xf32> to vector<16xf32>
    %swap3A_108 = vector.shape_cast %broadcast_in_dim3A_1 : vector<16xf32> to vector<1x16xf32>
    tpu.vector_store %arg14[%swap3A_104, %swap3A_105], %swap3A_108 {strides = array<i32>} : memref<8x128xf32, #tpu.memory_space<vmem>>, vector<1x16xf32>,
    %swap3A_109 = arith.constant 2 : i32
    %swap3A_110 = arith.index_cast %swap3A_109 : i32 to index
    %swap3A_111 = arith.constant 16 : index
    %swap3A_112 = tpu.vector_load %arg14[%swap3A_110, %swap3A_111] {strides = array<i32>} : memref<8x128xf32, #tpu.memory_space<vmem>>, vector<1x16xf32>,
    %swap3A_113 = vector.shape_cast %swap3A_112 : vector<1x16xf32> to vector<16xf32>
    %swap3A_114 = vector.shape_cast %broadcast_in_dim3A_1 : vector<16xf32> to vector<1x16xf32>
    tpu.vector_store %arg14[%swap3A_110, %swap3A_111], %swap3A_114 {strides = array<i32>} : memref<8x128xf32, #tpu.memory_space<vmem>>, vector<1x16xf32>,
    %swap3A_115 = arith.constant 2 : i32
    %swap3A_116 = arith.index_cast %swap3A_115 : i32 to index
    %swap3A_117 = arith.constant 32 : index
    %swap3A_118 = tpu.vector_load %arg14[%swap3A_116, %swap3A_117] {strides = array<i32>} : memref<8x128xf32, #tpu.memory_space<vmem>>, vector<1x16xf32>,
    %swap3A_119 = vector.shape_cast %swap3A_118 : vector<1x16xf32> to vector<16xf32>
    %swap3A_120 = vector.shape_cast %broadcast_in_dim3A_1 : vector<16xf32> to vector<1x16xf32>
    tpu.vector_store %arg14[%swap3A_116, %swap3A_117], %swap3A_120 {strides = array<i32>} : memref<8x128xf32, #tpu.memory_space<vmem>>, vector<1x16xf32>,
    %swap3A_121 = arith.constant 2 : i32
    %swap3A_122 = arith.index_cast %swap3A_121 : i32 to index
    %swap3A_123 = arith.constant 48 : index
    %swap3A_124 = tpu.vector_load %arg14[%swap3A_122, %swap3A_123] {strides = array<i32>} : memref<8x128xf32, #tpu.memory_space<vmem>>, vector<1x16xf32>,
    %swap3A_125 = vector.shape_cast %swap3A_124 : vector<1x16xf32> to vector<16xf32>
    %swap3A_126 = vector.shape_cast %broadcast_in_dim3A_1 : vector<16xf32> to vector<1x16xf32>
    tpu.vector_store %arg14[%swap3A_122, %swap3A_123], %swap3A_126 {strides = array<i32>} : memref<8x128xf32, #tpu.memory_space<vmem>>, vector<1x16xf32>,
    %swap3A_127 = arith.constant 2 : i32
    %swap3A_128 = arith.index_cast %swap3A_127 : i32 to index
    %swap3A_129 = arith.constant 64 : index
    %swap3A_130 = tpu.vector_load %arg14[%swap3A_128, %swap3A_129] {strides = array<i32>} : memref<8x128xf32, #tpu.memory_space<vmem>>, vector<1x16xf32>,
    %swap3A_131 = vector.shape_cast %swap3A_130 : vector<1x16xf32> to vector<16xf32>
    %swap3A_132 = vector.shape_cast %broadcast_in_dim3A_1 : vector<16xf32> to vector<1x16xf32>
    tpu.vector_store %arg14[%swap3A_128, %swap3A_129], %swap3A_132 {strides = array<i32>} : memref<8x128xf32, #tpu.memory_space<vmem>>, vector<1x16xf32>,
    %swap3A_133 = arith.constant 2 : i32
    %swap3A_134 = arith.index_cast %swap3A_133 : i32 to index
    %swap3A_135 = arith.constant 80 : index
    %swap3A_136 = tpu.vector_load %arg14[%swap3A_134, %swap3A_135] {strides = array<i32>} : memref<8x128xf32, #tpu.memory_space<vmem>>, vector<1x16xf32>,
    %swap3A_137 = vector.shape_cast %swap3A_136 : vector<1x16xf32> to vector<16xf32>
    %swap3A_138 = vector.shape_cast %broadcast_in_dim3A_1 : vector<16xf32> to vector<1x16xf32>
    tpu.vector_store %arg14[%swap3A_134, %swap3A_135], %swap3A_138 {strides = array<i32>} : memref<8x128xf32, #tpu.memory_space<vmem>>, vector<1x16xf32>,
    %swap3A_139 = arith.constant 2 : i32
    %swap3A_140 = arith.index_cast %swap3A_139 : i32 to index
    %swap3A_141 = arith.constant 96 : index
    %swap3A_142 = tpu.vector_load %arg14[%swap3A_140, %swap3A_141] {strides = array<i32>} : memref<8x128xf32, #tpu.memory_space<vmem>>, vector<1x16xf32>,
    %swap3A_143 = vector.shape_cast %swap3A_142 : vector<1x16xf32> to vector<16xf32>
    %swap3A_144 = vector.shape_cast %broadcast_in_dim3A_1 : vector<16xf32> to vector<1x16xf32>
    tpu.vector_store %arg14[%swap3A_140, %swap3A_141], %swap3A_144 {strides = array<i32>} : memref<8x128xf32, #tpu.memory_space<vmem>>, vector<1x16xf32>,
    %swap3A_145 = arith.constant 2 : i32
    %swap3A_146 = arith.index_cast %swap3A_145 : i32 to index
    %swap3A_147 = arith.constant 112 : index
    %swap3A_148 = tpu.vector_load %arg14[%swap3A_146, %swap3A_147] {strides = array<i32>} : memref<8x128xf32, #tpu.memory_space<vmem>>, vector<1x16xf32>,
    %swap3A_149 = vector.shape_cast %swap3A_148 : vector<1x16xf32> to vector<16xf32>
    %swap3A_150 = vector.shape_cast %broadcast_in_dim3A_1 : vector<16xf32> to vector<1x16xf32>
    tpu.vector_store %arg14[%swap3A_146, %swap3A_147], %swap3A_150 {strides = array<i32>} : memref<8x128xf32, #tpu.memory_space<vmem>>, vector<1x16xf32>,
    %swap3A_151 = arith.constant 3 : i32
    %swap3A_152 = arith.index_cast %swap3A_151 : i32 to index
    %swap3A_153 = arith.constant 0 : index
    %swap3A_154 = tpu.vector_load %arg14[%swap3A_152, %swap3A_153] {strides = array<i32>} : memref<8x128xf32, #tpu.memory_space<vmem>>, vector<1x16xf32>,
    %swap3A_155 = vector.shape_cast %swap3A_154 : vector<1x16xf32> to vector<16xf32>
    %swap3A_156 = vector.shape_cast %broadcast_in_dim3A_1 : vector<16xf32> to vector<1x16xf32>
    tpu.vector_store %arg14[%swap3A_152, %swap3A_153], %swap3A_156 {strides = array<i32>} : memref<8x128xf32, #tpu.memory_space<vmem>>, vector<1x16xf32>,
    %swap3A_157 = arith.constant 3 : i32
    %swap3A_158 = arith.index_cast %swap3A_157 : i32 to index
    %swap3A_159 = arith.constant 16 : index
    %swap3A_160 = tpu.vector_load %arg14[%swap3A_158, %swap3A_159] {strides = array<i32>} : memref<8x128xf32, #tpu.memory_space<vmem>>, vector<1x16xf32>,
    %swap3A_161 = vector.shape_cast %swap3A_160 : vector<1x16xf32> to vector<16xf32>
    %swap3A_162 = vector.shape_cast %broadcast_in_dim3A_1 : vector<16xf32> to vector<1x16xf32>
    tpu.vector_store %arg14[%swap3A_158, %swap3A_159], %swap3A_162 {strides = array<i32>} : memref<8x128xf32, #tpu.memory_space<vmem>>, vector<1x16xf32>,
    %swap3A_163 = arith.constant 3 : i32
    %swap3A_164 = arith.index_cast %swap3A_163 : i32 to index
    %swap3A_165 = arith.constant 32 : index
    %swap3A_166 = tpu.vector_load %arg14[%swap3A_164, %swap3A_165] {strides = array<i32>} : memref<8x128xf32, #tpu.memory_space<vmem>>, vector<1x16xf32>,
    %swap3A_167 = vector.shape_cast %swap3A_166 : vector<1x16xf32> to vector<16xf32>
    %swap3A_168 = vector.shape_cast %broadcast_in_dim3A_1 : vector<16xf32> to vector<1x16xf32>
    tpu.vector_store %arg14[%swap3A_164, %swap3A_165], %swap3A_168 {strides = array<i32>} : memref<8x128xf32, #tpu.memory_space<vmem>>, vector<1x16xf32>,
    %swap3A_169 = arith.constant 3 : i32
    %swap3A_170 = arith.index_cast %swap3A_169 : i32 to index
    %swap3A_171 = arith.constant 48 : index
    %swap3A_172 = tpu.vector_load %arg14[%swap3A_170, %swap3A_171] {strides = array<i32>} : memref<8x128xf32, #tpu.memory_space<vmem>>, vector<1x16xf32>,
    %swap3A_173 = vector.shape_cast %swap3A_172 : vector<1x16xf32> to vector<16xf32>
    %swap3A_174 = vector.shape_cast %broadcast_in_dim3A_1 : vector<16xf32> to vector<1x16xf32>
    tpu.vector_store %arg14[%swap3A_170, %swap3A_171], %swap3A_174 {strides = array<i32>} : memref<8x128xf32, #tpu.memory_space<vmem>>, vector<1x16xf32>,
    %swap3A_175 = arith.constant 3 : i32
    %swap3A_176 = arith.index_cast %swap3A_175 : i32 to index
    %swap3A_177 = arith.constant 64 : index
    %swap3A_178 = tpu.vector_load %arg14[%swap3A_176, %swap3A_177] {strides = array<i32>} : memref<8x128xf32, #tpu.memory_space<vmem>>, vector<1x16xf32>,
    %swap3A_179 = vector.shape_cast %swap3A_178 : vector<1x16xf32> to vector<16xf32>
    %swap3A_180 = vector.shape_cast %broadcast_in_dim3A_1 : vector<16xf32> to vector<1x16xf32>
    tpu.vector_store %arg14[%swap3A_176, %swap3A_177], %swap3A_180 {strides = array<i32>} : memref<8x128xf32, #tpu.memory_space<vmem>>, vector<1x16xf32>,
    %swap3A_181 = arith.constant 3 : i32
    %swap3A_182 = arith.index_cast %swap3A_181 : i32 to index
    %swap3A_183 = arith.constant 80 : index
    %swap3A_184 = tpu.vector_load %arg14[%swap3A_182, %swap3A_183] {strides = array<i32>} : memref<8x128xf32, #tpu.memory_space<vmem>>, vector<1x16xf32>,
    %swap3A_185 = vector.shape_cast %swap3A_184 : vector<1x16xf32> to vector<16xf32>
    %swap3A_186 = vector.shape_cast %broadcast_in_dim3A_1 : vector<16xf32> to vector<1x16xf32>
    tpu.vector_store %arg14[%swap3A_182, %swap3A_183], %swap3A_186 {strides = array<i32>} : memref<8x128xf32, #tpu.memory_space<vmem>>, vector<1x16xf32>,
    %swap3A_187 = arith.constant 3 : i32
    %swap3A_188 = arith.index_cast %swap3A_187 : i32 to index
    %swap3A_189 = arith.constant 96 : index
    %swap3A_190 = tpu.vector_load %arg14[%swap3A_188, %swap3A_189] {strides = array<i32>} : memref<8x128xf32, #tpu.memory_space<vmem>>, vector<1x16xf32>,
    %swap3A_191 = vector.shape_cast %swap3A_190 : vector<1x16xf32> to vector<16xf32>
    %swap3A_192 = vector.shape_cast %broadcast_in_dim3A_1 : vector<16xf32> to vector<1x16xf32>
    tpu.vector_store %arg14[%swap3A_188, %swap3A_189], %swap3A_192 {strides = array<i32>} : memref<8x128xf32, #tpu.memory_space<vmem>>, vector<1x16xf32>,
    %swap3A_193 = arith.constant 3 : i32
    %swap3A_194 = arith.index_cast %swap3A_193 : i32 to index
    %swap3A_195 = arith.constant 112 : index
    %swap3A_196 = tpu.vector_load %arg14[%swap3A_194, %swap3A_195] {strides = array<i32>} : memref<8x128xf32, #tpu.memory_space<vmem>>, vector<1x16xf32>,
    %swap3A_197 = vector.shape_cast %swap3A_196 : vector<1x16xf32> to vector<16xf32>
    %swap3A_198 = vector.shape_cast %broadcast_in_dim3A_1 : vector<16xf32> to vector<1x16xf32>
    tpu.vector_store %arg14[%swap3A_194, %swap3A_195], %swap3A_198 {strides = array<i32>} : memref<8x128xf32, #tpu.memory_space<vmem>>, vector<1x16xf32>,
    %swap3A_199 = arith.constant 4 : i32
    %swap3A_200 = arith.index_cast %swap3A_199 : i32 to index
    %swap3A_201 = arith.constant 0 : index
    %swap3A_202 = tpu.vector_load %arg14[%swap3A_200, %swap3A_201] {strides = array<i32>} : memref<8x128xf32, #tpu.memory_space<vmem>>, vector<1x16xf32>,
    %swap3A_203 = vector.shape_cast %swap3A_202 : vector<1x16xf32> to vector<16xf32>
    %swap3A_204 = vector.shape_cast %broadcast_in_dim3A_1 : vector<16xf32> to vector<1x16xf32>
    tpu.vector_store %arg14[%swap3A_200, %swap3A_201], %swap3A_204 {strides = array<i32>} : memref<8x128xf32, #tpu.memory_space<vmem>>, vector<1x16xf32>,
    %swap3A_205 = arith.constant 4 : i32
    %swap3A_206 = arith.index_cast %swap3A_205 : i32 to index
    %swap3A_207 = arith.constant 16 : index
    %swap3A_208 = tpu.vector_load %arg14[%swap3A_206, %swap3A_207] {strides = array<i32>} : memref<8x128xf32, #tpu.memory_space<vmem>>, vector<1x16xf32>,
    %swap3A_209 = vector.shape_cast %swap3A_208 : vector<1x16xf32> to vector<16xf32>
    %swap3A_210 = vector.shape_cast %broadcast_in_dim3A_1 : vector<16xf32> to vector<1x16xf32>
    tpu.vector_store %arg14[%swap3A_206, %swap3A_207], %swap3A_210 {strides = array<i32>} : memref<8x128xf32, #tpu.memory_space<vmem>>, vector<1x16xf32>,
    %swap3A_211 = arith.constant 4 : i32
    %swap3A_212 = arith.index_cast %swap3A_211 : i32 to index
    %swap3A_213 = arith.constant 32 : index
    %swap3A_214 = tpu.vector_load %arg14[%swap3A_212, %swap3A_213] {strides = array<i32>} : memref<8x128xf32, #tpu.memory_space<vmem>>, vector<1x16xf32>,
    %swap3A_215 = vector.shape_cast %swap3A_214 : vector<1x16xf32> to vector<16xf32>
    %swap3A_216 = vector.shape_cast %broadcast_in_dim3A_1 : vector<16xf32> to vector<1x16xf32>
    tpu.vector_store %arg14[%swap3A_212, %swap3A_213], %swap3A_216 {strides = array<i32>} : memref<8x128xf32, #tpu.memory_space<vmem>>, vector<1x16xf32>,
    %swap3A_217 = arith.constant 4 : i32
    %swap3A_218 = arith.index_cast %swap3A_217 : i32 to index
    %swap3A_219 = arith.constant 48 : index
    %swap3A_220 = tpu.vector_load %arg14[%swap3A_218, %swap3A_219] {strides = array<i32>} : memref<8x128xf32, #tpu.memory_space<vmem>>, vector<1x16xf32>,
    %swap3A_221 = vector.shape_cast %swap3A_220 : vector<1x16xf32> to vector<16xf32>
    %swap3A_222 = vector.shape_cast %broadcast_in_dim3A_1 : vector<16xf32> to vector<1x16xf32>
    tpu.vector_store %arg14[%swap3A_218, %swap3A_219], %swap3A_222 {strides = array<i32>} : memref<8x128xf32, #tpu.memory_space<vmem>>, vector<1x16xf32>,
    %swap3A_223 = arith.constant 4 : i32
    %swap3A_224 = arith.index_cast %swap3A_223 : i32 to index
    %swap3A_225 = arith.constant 64 : index
    %swap3A_226 = tpu.vector_load %arg14[%swap3A_224, %swap3A_225] {strides = array<i32>} : memref<8x128xf32, #tpu.memory_space<vmem>>, vector<1x16xf32>,
    %swap3A_227 = vector.shape_cast %swap3A_226 : vector<1x16xf32> to vector<16xf32>
    %swap3A_228 = vector.shape_cast %broadcast_in_dim3A_1 : vector<16xf32> to vector<1x16xf32>
    tpu.vector_store %arg14[%swap3A_224, %swap3A_225], %swap3A_228 {strides = array<i32>} : memref<8x128xf32, #tpu.memory_space<vmem>>, vector<1x16xf32>,
    %swap3A_229 = arith.constant 4 : i32
    %swap3A_230 = arith.index_cast %swap3A_229 : i32 to index
    %swap3A_231 = arith.constant 80 : index
    %swap3A_232 = tpu.vector_load %arg14[%swap3A_230, %swap3A_231] {strides = array<i32>} : memref<8x128xf32, #tpu.memory_space<vmem>>, vector<1x16xf32>,
    %swap3A_233 = vector.shape_cast %swap3A_232 : vector<1x16xf32> to vector<16xf32>
    %swap3A_234 = vector.shape_cast %broadcast_in_dim3A_1 : vector<16xf32> to vector<1x16xf32>
    tpu.vector_store %arg14[%swap3A_230, %swap3A_231], %swap3A_234 {strides = array<i32>} : memref<8x128xf32, #tpu.memory_space<vmem>>, vector<1x16xf32>,
    %swap3A_235 = arith.constant 4 : i32
    %swap3A_236 = arith.index_cast %swap3A_235 : i32 to index
    %swap3A_237 = arith.constant 96 : index
    %swap3A_238 = tpu.vector_load %arg14[%swap3A_236, %swap3A_237] {strides = array<i32>} : memref<8x128xf32, #tpu.memory_space<vmem>>, vector<1x16xf32>,
    %swap3A_239 = vector.shape_cast %swap3A_238 : vector<1x16xf32> to vector<16xf32>
    %swap3A_240 = vector.shape_cast %broadcast_in_dim3A_1 : vector<16xf32> to vector<1x16xf32>
    tpu.vector_store %arg14[%swap3A_236, %swap3A_237], %swap3A_240 {strides = array<i32>} : memref<8x128xf32, #tpu.memory_space<vmem>>, vector<1x16xf32>,
    %swap3A_241 = arith.constant 4 : i32
    %swap3A_242 = arith.index_cast %swap3A_241 : i32 to index
    %swap3A_243 = arith.constant 112 : index
    %swap3A_244 = tpu.vector_load %arg14[%swap3A_242, %swap3A_243] {strides = array<i32>} : memref<8x128xf32, #tpu.memory_space<vmem>>, vector<1x16xf32>,
    %swap3A_245 = vector.shape_cast %swap3A_244 : vector<1x16xf32> to vector<16xf32>
    %swap3A_246 = vector.shape_cast %broadcast_in_dim3A_1 : vector<16xf32> to vector<1x16xf32>
    tpu.vector_store %arg14[%swap3A_242, %swap3A_243], %swap3A_246 {strides = array<i32>} : memref<8x128xf32, #tpu.memory_space<vmem>>, vector<1x16xf32>,
    %swap3A_247 = arith.constant 5 : i32
    %swap3A_248 = arith.index_cast %swap3A_247 : i32 to index
    %swap3A_249 = arith.constant 0 : index
    %swap3A_250 = tpu.vector_load %arg14[%swap3A_248, %swap3A_249] {strides = array<i32>} : memref<8x128xf32, #tpu.memory_space<vmem>>, vector<1x16xf32>,
    %swap3A_251 = vector.shape_cast %swap3A_250 : vector<1x16xf32> to vector<16xf32>
    %swap3A_252 = vector.shape_cast %broadcast_in_dim3A_1 : vector<16xf32> to vector<1x16xf32>
    tpu.vector_store %arg14[%swap3A_248, %swap3A_249], %swap3A_252 {strides = array<i32>} : memref<8x128xf32, #tpu.memory_space<vmem>>, vector<1x16xf32>,
    %swap3A_253 = arith.constant 5 : i32
    %swap3A_254 = arith.index_cast %swap3A_253 : i32 to index
    %swap3A_255 = arith.constant 16 : index
    %swap3A_256 = tpu.vector_load %arg14[%swap3A_254, %swap3A_255] {strides = array<i32>} : memref<8x128xf32, #tpu.memory_space<vmem>>, vector<1x16xf32>,
    %swap3A_257 = vector.shape_cast %swap3A_256 : vector<1x16xf32> to vector<16xf32>
    %swap3A_258 = vector.shape_cast %broadcast_in_dim3A_1 : vector<16xf32> to vector<1x16xf32>
    tpu.vector_store %arg14[%swap3A_254, %swap3A_255], %swap3A_258 {strides = array<i32>} : memref<8x128xf32, #tpu.memory_space<vmem>>, vector<1x16xf32>,
    %swap3A_259 = arith.constant 5 : i32
    %swap3A_260 = arith.index_cast %swap3A_259 : i32 to index
    %swap3A_261 = arith.constant 32 : index
    %swap3A_262 = tpu.vector_load %arg14[%swap3A_260, %swap3A_261] {strides = array<i32>} : memref<8x128xf32, #tpu.memory_space<vmem>>, vector<1x16xf32>,
    %swap3A_263 = vector.shape_cast %swap3A_262 : vector<1x16xf32> to vector<16xf32>
    %swap3A_264 = vector.shape_cast %broadcast_in_dim3A_1 : vector<16xf32> to vector<1x16xf32>
    tpu.vector_store %arg14[%swap3A_260, %swap3A_261], %swap3A_264 {strides = array<i32>} : memref<8x128xf32, #tpu.memory_space<vmem>>, vector<1x16xf32>,
    %swap3A_265 = arith.constant 5 : i32
    %swap3A_266 = arith.index_cast %swap3A_265 : i32 to index
    %swap3A_267 = arith.constant 48 : index
    %swap3A_268 = tpu.vector_load %arg14[%swap3A_266, %swap3A_267] {strides = array<i32>} : memref<8x128xf32, #tpu.memory_space<vmem>>, vector<1x16xf32>,
    %swap3A_269 = vector.shape_cast %swap3A_268 : vector<1x16xf32> to vector<16xf32>
    %swap3A_270 = vector.shape_cast %broadcast_in_dim3A_1 : vector<16xf32> to vector<1x16xf32>
    tpu.vector_store %arg14[%swap3A_266, %swap3A_267], %swap3A_270 {strides = array<i32>} : memref<8x128xf32, #tpu.memory_space<vmem>>, vector<1x16xf32>,
    %swap3A_271 = arith.constant 5 : i32
    %swap3A_272 = arith.index_cast %swap3A_271 : i32 to index
    %swap3A_273 = arith.constant 64 : index
    %swap3A_274 = tpu.vector_load %arg14[%swap3A_272, %swap3A_273] {strides = array<i32>} : memref<8x128xf32, #tpu.memory_space<vmem>>, vector<1x16xf32>,
    %swap3A_275 = vector.shape_cast %swap3A_274 : vector<1x16xf32> to vector<16xf32>
    %swap3A_276 = vector.shape_cast %broadcast_in_dim3A_1 : vector<16xf32> to vector<1x16xf32>
    tpu.vector_store %arg14[%swap3A_272, %swap3A_273], %swap3A_276 {strides = array<i32>} : memref<8x128xf32, #tpu.memory_space<vmem>>, vector<1x16xf32>,
    %swap3A_277 = arith.constant 5 : i32
    %swap3A_278 = arith.index_cast %swap3A_277 : i32 to index
    %swap3A_279 = arith.constant 80 : index
    %swap3A_280 = tpu.vector_load %arg14[%swap3A_278, %swap3A_279] {strides = array<i32>} : memref<8x128xf32, #tpu.memory_space<vmem>>, vector<1x16xf32>,
    %swap3A_281 = vector.shape_cast %swap3A_280 : vector<1x16xf32> to vector<16xf32>
    %swap3A_282 = vector.shape_cast %broadcast_in_dim3A_1 : vector<16xf32> to vector<1x16xf32>
    tpu.vector_store %arg14[%swap3A_278, %swap3A_279], %swap3A_282 {strides = array<i32>} : memref<8x128xf32, #tpu.memory_space<vmem>>, vector<1x16xf32>,
    %swap3A_283 = arith.constant 5 : i32
    %swap3A_284 = arith.index_cast %swap3A_283 : i32 to index
    %swap3A_285 = arith.constant 96 : index
    %swap3A_286 = tpu.vector_load %arg14[%swap3A_284, %swap3A_285] {strides = array<i32>} : memref<8x128xf32, #tpu.memory_space<vmem>>, vector<1x16xf32>,
    %swap3A_287 = vector.shape_cast %swap3A_286 : vector<1x16xf32> to vector<16xf32>
    %swap3A_288 = vector.shape_cast %broadcast_in_dim3A_1 : vector<16xf32> to vector<1x16xf32>
    tpu.vector_store %arg14[%swap3A_284, %swap3A_285], %swap3A_288 {strides = array<i32>} : memref<8x128xf32, #tpu.memory_space<vmem>>, vector<1x16xf32>,
    %swap3A_289 = arith.constant 5 : i32
    %swap3A_290 = arith.index_cast %swap3A_289 : i32 to index
    %swap3A_291 = arith.constant 112 : index
    %swap3A_292 = tpu.vector_load %arg14[%swap3A_290, %swap3A_291] {strides = array<i32>} : memref<8x128xf32, #tpu.memory_space<vmem>>, vector<1x16xf32>,
    %swap3A_293 = vector.shape_cast %swap3A_292 : vector<1x16xf32> to vector<16xf32>
    %swap3A_294 = vector.shape_cast %broadcast_in_dim3A_1 : vector<16xf32> to vector<1x16xf32>
    tpu.vector_store %arg14[%swap3A_290, %swap3A_291], %swap3A_294 {strides = array<i32>} : memref<8x128xf32, #tpu.memory_space<vmem>>, vector<1x16xf32>,
    %swap3A_295 = arith.constant 6 : i32
    %swap3A_296 = arith.index_cast %swap3A_295 : i32 to index
    %swap3A_297 = arith.constant 0 : index
    %swap3A_298 = tpu.vector_load %arg14[%swap3A_296, %swap3A_297] {strides = array<i32>} : memref<8x128xf32, #tpu.memory_space<vmem>>, vector<1x16xf32>,
    %swap3A_299 = vector.shape_cast %swap3A_298 : vector<1x16xf32> to vector<16xf32>
    %swap3A_300 = vector.shape_cast %broadcast_in_dim3A_1 : vector<16xf32> to vector<1x16xf32>
    tpu.vector_store %arg14[%swap3A_296, %swap3A_297], %swap3A_300 {strides = array<i32>} : memref<8x128xf32, #tpu.memory_space<vmem>>, vector<1x16xf32>,
    %swap3A_301 = arith.constant 6 : i32
    %swap3A_302 = arith.index_cast %swap3A_301 : i32 to index
    %swap3A_303 = arith.constant 16 : index
    %swap3A_304 = tpu.vector_load %arg14[%swap3A_302, %swap3A_303] {strides = array<i32>} : memref<8x128xf32, #tpu.memory_space<vmem>>, vector<1x16xf32>,
    %swap3A_305 = vector.shape_cast %swap3A_304 : vector<1x16xf32> to vector<16xf32>
    %swap3A_306 = vector.shape_cast %broadcast_in_dim3A_1 : vector<16xf32> to vector<1x16xf32>
    tpu.vector_store %arg14[%swap3A_302, %swap3A_303], %swap3A_306 {strides = array<i32>} : memref<8x128xf32, #tpu.memory_space<vmem>>, vector<1x16xf32>,
    %swap3A_307 = arith.constant 6 : i32
    %swap3A_308 = arith.index_cast %swap3A_307 : i32 to index
    %swap3A_309 = arith.constant 32 : index
    %swap3A_310 = tpu.vector_load %arg14[%swap3A_308, %swap3A_309] {strides = array<i32>} : memref<8x128xf32, #tpu.memory_space<vmem>>, vector<1x16xf32>,
    %swap3A_311 = vector.shape_cast %swap3A_310 : vector<1x16xf32> to vector<16xf32>
    %swap3A_312 = vector.shape_cast %broadcast_in_dim3A_1 : vector<16xf32> to vector<1x16xf32>
    tpu.vector_store %arg14[%swap3A_308, %swap3A_309], %swap3A_312 {strides = array<i32>} : memref<8x128xf32, #tpu.memory_space<vmem>>, vector<1x16xf32>,
    %swap3A_313 = arith.constant 6 : i32
    %swap3A_314 = arith.index_cast %swap3A_313 : i32 to index
    %swap3A_315 = arith.constant 48 : index
    %swap3A_316 = tpu.vector_load %arg14[%swap3A_314, %swap3A_315] {strides = array<i32>} : memref<8x128xf32, #tpu.memory_space<vmem>>, vector<1x16xf32>,
    %swap3A_317 = vector.shape_cast %swap3A_316 : vector<1x16xf32> to vector<16xf32>
    %swap3A_318 = vector.shape_cast %broadcast_in_dim3A_1 : vector<16xf32> to vector<1x16xf32>
    tpu.vector_store %arg14[%swap3A_314, %swap3A_315], %swap3A_318 {strides = array<i32>} : memref<8x128xf32, #tpu.memory_space<vmem>>, vector<1x16xf32>,
    %swap3A_319 = arith.constant 6 : i32
    %swap3A_320 = arith.index_cast %swap3A_319 : i32 to index
    %swap3A_321 = arith.constant 64 : index
    %swap3A_322 = tpu.vector_load %arg14[%swap3A_320, %swap3A_321] {strides = array<i32>} : memref<8x128xf32, #tpu.memory_space<vmem>>, vector<1x16xf32>,
    %swap3A_323 = vector.shape_cast %swap3A_322 : vector<1x16xf32> to vector<16xf32>
    %swap3A_324 = vector.shape_cast %broadcast_in_dim3A_1 : vector<16xf32> to vector<1x16xf32>
    tpu.vector_store %arg14[%swap3A_320, %swap3A_321], %swap3A_324 {strides = array<i32>} : memref<8x128xf32, #tpu.memory_space<vmem>>, vector<1x16xf32>,
    %swap3A_325 = arith.constant 6 : i32
    %swap3A_326 = arith.index_cast %swap3A_325 : i32 to index
    %swap3A_327 = arith.constant 80 : index
    %swap3A_328 = tpu.vector_load %arg14[%swap3A_326, %swap3A_327] {strides = array<i32>} : memref<8x128xf32, #tpu.memory_space<vmem>>, vector<1x16xf32>,
    %swap3A_329 = vector.shape_cast %swap3A_328 : vector<1x16xf32> to vector<16xf32>
    %swap3A_330 = vector.shape_cast %broadcast_in_dim3A_1 : vector<16xf32> to vector<1x16xf32>
    tpu.vector_store %arg14[%swap3A_326, %swap3A_327], %swap3A_330 {strides = array<i32>} : memref<8x128xf32, #tpu.memory_space<vmem>>, vector<1x16xf32>,
    %swap3A_331 = arith.constant 6 : i32
    %swap3A_332 = arith.index_cast %swap3A_331 : i32 to index
    %swap3A_333 = arith.constant 96 : index
    %swap3A_334 = tpu.vector_load %arg14[%swap3A_332, %swap3A_333] {strides = array<i32>} : memref<8x128xf32, #tpu.memory_space<vmem>>, vector<1x16xf32>,
    %swap3A_335 = vector.shape_cast %swap3A_334 : vector<1x16xf32> to vector<16xf32>
    %swap3A_336 = vector.shape_cast %broadcast_in_dim3A_1 : vector<16xf32> to vector<1x16xf32>
    tpu.vector_store %arg14[%swap3A_332, %swap3A_333], %swap3A_336 {strides = array<i32>} : memref<8x128xf32, #tpu.memory_space<vmem>>, vector<1x16xf32>,
    %swap3A_337 = arith.constant 6 : i32
    %swap3A_338 = arith.index_cast %swap3A_337 : i32 to index
    %swap3A_339 = arith.constant 112 : index
    %swap3A_340 = tpu.vector_load %arg14[%swap3A_338, %swap3A_339] {strides = array<i32>} : memref<8x128xf32, #tpu.memory_space<vmem>>, vector<1x16xf32>,
    %swap3A_341 = vector.shape_cast %swap3A_340 : vector<1x16xf32> to vector<16xf32>
    %swap3A_342 = vector.shape_cast %broadcast_in_dim3A_1 : vector<16xf32> to vector<1x16xf32>
    tpu.vector_store %arg14[%swap3A_338, %swap3A_339], %swap3A_342 {strides = array<i32>} : memref<8x128xf32, #tpu.memory_space<vmem>>, vector<1x16xf32>,
    %swap3A_343 = arith.constant 7 : i32
    %swap3A_344 = arith.index_cast %swap3A_343 : i32 to index
    %swap3A_345 = arith.constant 0 : index
    %swap3A_346 = tpu.vector_load %arg14[%swap3A_344, %swap3A_345] {strides = array<i32>} : memref<8x128xf32, #tpu.memory_space<vmem>>, vector<1x16xf32>,
    %swap3A_347 = vector.shape_cast %swap3A_346 : vector<1x16xf32> to vector<16xf32>
    %swap3A_348 = vector.shape_cast %broadcast_in_dim3A_1 : vector<16xf32> to vector<1x16xf32>
    tpu.vector_store %arg14[%swap3A_344, %swap3A_345], %swap3A_348 {strides = array<i32>} : memref<8x128xf32, #tpu.memory_space<vmem>>, vector<1x16xf32>,
    %swap3A_349 = arith.constant 7 : i32
    %swap3A_350 = arith.index_cast %swap3A_349 : i32 to index
    %swap3A_351 = arith.constant 16 : index
    %swap3A_352 = tpu.vector_load %arg14[%swap3A_350, %swap3A_351] {strides = array<i32>} : memref<8x128xf32, #tpu.memory_space<vmem>>, vector<1x16xf32>,
    %swap3A_353 = vector.shape_cast %swap3A_352 : vector<1x16xf32> to vector<16xf32>
    %swap3A_354 = vector.shape_cast %broadcast_in_dim3A_1 : vector<16xf32> to vector<1x16xf32>
    tpu.vector_store %arg14[%swap3A_350, %swap3A_351], %swap3A_354 {strides = array<i32>} : memref<8x128xf32, #tpu.memory_space<vmem>>, vector<1x16xf32>,
    %swap3A_355 = arith.constant 7 : i32
    %swap3A_356 = arith.index_cast %swap3A_355 : i32 to index
    %swap3A_357 = arith.constant 32 : index
    %swap3A_358 = tpu.vector_load %arg14[%swap3A_356, %swap3A_357] {strides = array<i32>} : memref<8x128xf32, #tpu.memory_space<vmem>>, vector<1x16xf32>,
    %swap3A_359 = vector.shape_cast %swap3A_358 : vector<1x16xf32> to vector<16xf32>
    %swap3A_360 = vector.shape_cast %broadcast_in_dim3A_1 : vector<16xf32> to vector<1x16xf32>
    tpu.vector_store %arg14[%swap3A_356, %swap3A_357], %swap3A_360 {strides = array<i32>} : memref<8x128xf32, #tpu.memory_space<vmem>>, vector<1x16xf32>,
    %swap3A_361 = arith.constant 7 : i32
    %swap3A_362 = arith.index_cast %swap3A_361 : i32 to index
    %swap3A_363 = arith.constant 48 : index
    %swap3A_364 = tpu.vector_load %arg14[%swap3A_362, %swap3A_363] {strides = array<i32>} : memref<8x128xf32, #tpu.memory_space<vmem>>, vector<1x16xf32>,
    %swap3A_365 = vector.shape_cast %swap3A_364 : vector<1x16xf32> to vector<16xf32>
    %swap3A_366 = vector.shape_cast %broadcast_in_dim3A_1 : vector<16xf32> to vector<1x16xf32>
    tpu.vector_store %arg14[%swap3A_362, %swap3A_363], %swap3A_366 {strides = array<i32>} : memref<8x128xf32, #tpu.memory_space<vmem>>, vector<1x16xf32>,
    %swap3A_367 = arith.constant 7 : i32
    %swap3A_368 = arith.index_cast %swap3A_367 : i32 to index
    %swap3A_369 = arith.constant 64 : index
    %swap3A_370 = tpu.vector_load %arg14[%swap3A_368, %swap3A_369] {strides = array<i32>} : memref<8x128xf32, #tpu.memory_space<vmem>>, vector<1x16xf32>,
    %swap3A_371 = vector.shape_cast %swap3A_370 : vector<1x16xf32> to vector<16xf32>
    %swap3A_372 = vector.shape_cast %broadcast_in_dim3A_1 : vector<16xf32> to vector<1x16xf32>
    tpu.vector_store %arg14[%swap3A_368, %swap3A_369], %swap3A_372 {strides = array<i32>} : memref<8x128xf32, #tpu.memory_space<vmem>>, vector<1x16xf32>,
    %swap3A_373 = arith.constant 7 : i32
    %swap3A_374 = arith.index_cast %swap3A_373 : i32 to index
    %swap3A_375 = arith.constant 80 : index
    %swap3A_376 = tpu.vector_load %arg14[%swap3A_374, %swap3A_375] {strides = array<i32>} : memref<8x128xf32, #tpu.memory_space<vmem>>, vector<1x16xf32>,
    %swap3A_377 = vector.shape_cast %swap3A_376 : vector<1x16xf32> to vector<16xf32>
    %swap3A_378 = vector.shape_cast %broadcast_in_dim3A_1 : vector<16xf32> to vector<1x16xf32>
    tpu.vector_store %arg14[%swap3A_374, %swap3A_375], %swap3A_378 {strides = array<i32>} : memref<8x128xf32, #tpu.memory_space<vmem>>, vector<1x16xf32>,
    %swap3A_379 = arith.constant 7 : i32
    %swap3A_380 = arith.index_cast %swap3A_379 : i32 to index
    %swap3A_381 = arith.constant 96 : index
    %swap3A_382 = tpu.vector_load %arg14[%swap3A_380, %swap3A_381] {strides = array<i32>} : memref<8x128xf32, #tpu.memory_space<vmem>>, vector<1x16xf32>,
    %swap3A_383 = vector.shape_cast %swap3A_382 : vector<1x16xf32> to vector<16xf32>
    %swap3A_384 = vector.shape_cast %broadcast_in_dim3A_1 : vector<16xf32> to vector<1x16xf32>
    tpu.vector_store %arg14[%swap3A_380, %swap3A_381], %swap3A_384 {strides = array<i32>} : memref<8x128xf32, #tpu.memory_space<vmem>>, vector<1x16xf32>,
    %swap3A_385 = arith.constant 7 : i32
    %swap3A_386 = arith.index_cast %swap3A_385 : i32 to index
    %swap3A_387 = arith.constant 112 : index
    %swap3A_388 = tpu.vector_load %arg14[%swap3A_386, %swap3A_387] {strides = array<i32>} : memref<8x128xf32, #tpu.memory_space<vmem>>, vector<1x16xf32>,
    %swap3A_389 = vector.shape_cast %swap3A_388 : vector<1x16xf32> to vector<16xf32>
    %swap3A_390 = vector.shape_cast %broadcast_in_dim3A_1 : vector<16xf32> to vector<1x16xf32>
    tpu.vector_store %arg14[%swap3A_386, %swap3A_387], %swap3A_390 {strides = array<i32>} : memref<8x128xf32, #tpu.memory_space<vmem>>, vector<1x16xf32>,
    %while3A = arith.constant 0 : i32
    %while3A_391 = arith.constant 0 : i32
    %while3A_392 = arith.subi %select_n3A, %while3A : i32
    %while3A_393 = arith.addi %while3A, %while3A_392 : i32
    %while3A_394 = arith.constant 1 : i32
    %while3A_395 = arith.divsi %while3A_392, %while3A_394 : i32
    %while3A_396 = arith.muli %while3A_395, %while3A_394 : i32
    %while3A_397 = arith.addi %while3A, %while3A_396 : i32
    %while3A_398 = arith.constant 1 : i32
    %while3A_399 = scf.for %while3A_627 = %while3A to %while3A_397 step %while3A_398 iter_args(%while3A_628 = %while3A_391) -> (i32)  : i32 {
      %add3A_629 = arith.addi %add3A_7, %while3A_627 : i32
      %mul3A_630 = arith.constant 8 : i32
      %mul3A_631 = arith.muli %add3A_629, %mul3A_630 : i32
      %multiple_of3A_632 = tpu.assume_multiple %mul3A_631, 8 : i32
      %dma_start3A_633 = arith.constant 0 : i32
      %dma_start3A_634 = tpu.memref_slice %arg15[%multiple_of3A_632, %dma_start3A_633] : memref<10000x128xf32, #tpu.memory_space<vmem_shared>> -> memref<8x128xf32, #tpu.memory_space<vmem_shared>>
      %dma_start3A_635 = arith.constant 0 : i32
      %dma_start3A_636 = tpu.memref_slice %arg15[%multiple_of3A_632, %dma_start3A_635] : memref<10000x128xf32, #tpu.memory_space<vmem_shared>> -> memref<8x128xf32, #tpu.memory_space<vmem_shared>>
      tpu.enqueue_dma source(%arg14 : memref<8x128xf32, #tpu.memory_space<vmem>>) target(%dma_start3A_636 : memref<8x128xf32, #tpu.memory_space<vmem_shared>>) target_semaphore(%arg20 : memref<!tpu.dma_semaphore, #tpu.memory_space<semaphore_mem>>)
      %while3A_637 = arith.constant 0 : i32
      scf.yield %while3A_637 : i32
    }
    %while3A_400 = arith.constant 1 : i32
    %while3A_401 = scf.for %while3A_627 = %while3A_397 to %while3A_393 step %while3A_400 iter_args(%while3A_628 = %while3A_399) -> (i32)  : i32 {
      %add3A_629 = arith.addi %add3A_7, %while3A_627 : i32
      %mul3A_630 = arith.constant 8 : i32
      %mul3A_631 = arith.muli %add3A_629, %mul3A_630 : i32
      %multiple_of3A_632 = tpu.assume_multiple %mul3A_631, 8 : i32
      %dma_start3A_633 = arith.constant 0 : i32
      %dma_start3A_634 = tpu.memref_slice %arg15[%multiple_of3A_632, %dma_start3A_633] : memref<10000x128xf32, #tpu.memory_space<vmem_shared>> -> memref<8x128xf32, #tpu.memory_space<vmem_shared>>
      %dma_start3A_635 = arith.constant 0 : i32
      %dma_start3A_636 = tpu.memref_slice %arg15[%multiple_of3A_632, %dma_start3A_635] : memref<10000x128xf32, #tpu.memory_space<vmem_shared>> -> memref<8x128xf32, #tpu.memory_space<vmem_shared>>
      tpu.enqueue_dma source(%arg14 : memref<8x128xf32, #tpu.memory_space<vmem>>) target(%dma_start3A_636 : memref<8x128xf32, #tpu.memory_space<vmem_shared>>) target_semaphore(%arg20 : memref<!tpu.dma_semaphore, #tpu.memory_space<semaphore_mem>>)
      %while3A_637 = arith.constant 0 : i32
      scf.yield %while3A_637 : i32
    }
    %while3A_402 = arith.constant 0 : i32
    %while3A_403 = arith.constant 0 : i32
    %while3A_404 = arith.subi %select_n3A, %while3A_402 : i32
    %while3A_405 = arith.addi %while3A_402, %while3A_404 : i32
    %while3A_406 = arith.constant 1 : i32
    %while3A_407 = arith.divsi %while3A_404, %while3A_406 : i32
    %while3A_408 = arith.muli %while3A_407, %while3A_406 : i32
    %while3A_409 = arith.addi %while3A_402, %while3A_408 : i32
    %while3A_410 = arith.constant 1 : i32
    %while3A_411 = scf.for %while3A_627 = %while3A_402 to %while3A_409 step %while3A_410 iter_args(%while3A_628 = %while3A_403) -> (i32)  : i32 {
      %add3A_629 = arith.addi %add3A_7, %while3A_627 : i32
      %mul3A_630 = arith.constant 8 : i32
      %mul3A_631 = arith.muli %add3A_629, %mul3A_630 : i32
      %multiple_of3A_632 = tpu.assume_multiple %mul3A_631, 8 : i32
      %dma_wait3A_633 = arith.constant 0 : i32
      %dma_wait3A_634 = tpu.memref_slice %arg15[%multiple_of3A_632, %dma_wait3A_633] : memref<10000x128xf32, #tpu.memory_space<vmem_shared>> -> memref<8x128xf32, #tpu.memory_space<vmem_shared>>
      %dma_wait3A_635 = arith.constant 0 : i32
      %dma_wait3A_636 = tpu.memref_slice %arg15[%multiple_of3A_632, %dma_wait3A_635] : memref<10000x128xf32, #tpu.memory_space<vmem_shared>> -> memref<8x128xf32, #tpu.memory_space<vmem_shared>>
      tpu.wait_dma2 semaphore(%arg20 : memref<!tpu.dma_semaphore, #tpu.memory_space<semaphore_mem>>) src(%arg14 : memref<8x128xf32, #tpu.memory_space<vmem>>) dst(%dma_wait3A_636 : memref<8x128xf32, #tpu.memory_space<vmem_shared>>)
      %while3A_637 = arith.constant 0 : i32
      scf.yield %while3A_637 : i32
    }
    %while3A_412 = arith.constant 1 : i32
    %while3A_413 = scf.for %while3A_627 = %while3A_409 to %while3A_405 step %while3A_412 iter_args(%while3A_628 = %while3A_411) -> (i32)  : i32 {
      %add3A_629 = arith.addi %add3A_7, %while3A_627 : i32
      %mul3A_630 = arith.constant 8 : i32
      %mul3A_631 = arith.muli %add3A_629, %mul3A_630 : i32
      %multiple_of3A_632 = tpu.assume_multiple %mul3A_631, 8 : i32
      %dma_wait3A_633 = arith.constant 0 : i32
      %dma_wait3A_634 = tpu.memref_slice %arg15[%multiple_of3A_632, %dma_wait3A_633] : memref<10000x128xf32, #tpu.memory_space<vmem_shared>> -> memref<8x128xf32, #tpu.memory_space<vmem_shared>>
      %dma_wait3A_635 = arith.constant 0 : i32
      %dma_wait3A_636 = tpu.memref_slice %arg15[%multiple_of3A_632, %dma_wait3A_635] : memref<10000x128xf32, #tpu.memory_space<vmem_shared>> -> memref<8x128xf32, #tpu.memory_space<vmem_shared>>
      tpu.wait_dma2 semaphore(%arg20 : memref<!tpu.dma_semaphore, #tpu.memory_space<semaphore_mem>>) src(%arg14 : memref<8x128xf32, #tpu.memory_space<vmem>>) dst(%dma_wait3A_636 : memref<8x128xf32, #tpu.memory_space<vmem_shared>>)
      %while3A_637 = arith.constant 0 : i32
      scf.yield %while3A_637 : i32
    }
    %barrier3A = arith.constant 0 : index
    tpu.barrier barrier_id(%barrier3A)
    %iota3A = tpu.iota {dimensions = array<i32: 0>} : vector<16xi32>
    %xor3A = arith.constant 8 : i32
    %xor3A_414 = vector.broadcast %xor3A : i32 to vector<16xi32>
    %xor3A_415 = arith.xori %iota3A, %xor3A_414 : vector<16xi32>
    %broadcast_in_dim3A_416 = vector.shape_cast %xor3A_415 : vector<16xi32> to vector<16x1xi32>
    %xor3A_417 = arith.constant 4 : i32
    %xor3A_418 = vector.broadcast %xor3A_417 : i32 to vector<16xi32>
    %xor3A_419 = arith.xori %iota3A, %xor3A_418 : vector<16xi32>
    %broadcast_in_dim3A_420 = vector.shape_cast %xor3A_419 : vector<16xi32> to vector<16x1xi32>
    %xor3A_421 = arith.constant 2 : i32
    %xor3A_422 = vector.broadcast %xor3A_421 : i32 to vector<16xi32>
    %xor3A_423 = arith.xori %iota3A, %xor3A_422 : vector<16xi32>
    %broadcast_in_dim3A_424 = vector.shape_cast %xor3A_423 : vector<16xi32> to vector<16x1xi32>
    %xor3A_425 = arith.constant 1 : i32
    %xor3A_426 = vector.broadcast %xor3A_425 : i32 to vector<16xi32>
    %xor3A_427 = arith.xori %iota3A, %xor3A_426 : vector<16xi32>
    %broadcast_in_dim3A_428 = vector.shape_cast %xor3A_427 : vector<16xi32> to vector<16x1xi32>
    %mul3A_429 = arith.constant 125 : i32
    %mul3A_430 = arith.muli %add3A, %mul3A_429 : i32
    %min3A_431 = arith.constant 0 : i32
    %min3A_432 = arith.constant 124 : i32
    %min3A_433 = arith.minsi %min3A_431, %min3A_432 : i32
    %add3A_434 = arith.addi %mul3A_430, %min3A_433 : i32
    %dma_start3A = arith.constant 0 : i32
    %dma_start3A_435 = arith.constant 0 : i32
    %dma_start3A_436 = tpu.memref_slice %arg4[%add3A_434, %dma_start3A, %dma_start3A_435] : memref<4000x2x80xi32, #tpu.memory_space<hbm>> -> memref<1x2x80xi32, #tpu.memory_space<hbm>>
    %dma_start3A_437 = tpu.memref_squeeze %dma_start3A_436 : memref<1x2x80xi32, #tpu.memory_space<hbm>> -> memref<2x80xi32, #tpu.memory_space<hbm>>
    %dma_start3A_438 = arith.constant 0 : i32
    %dma_start3A_439 = arith.constant 0 : i32
    %dma_start3A_440 = tpu.memref_slice %arg4[%add3A_434, %dma_start3A_438, %dma_start3A_439] : memref<4000x2x80xi32, #tpu.memory_space<hbm>> -> memref<1x2x80xi32, #tpu.memory_space<hbm>>
    %dma_start3A_441 = tpu.memref_squeeze %dma_start3A_440 : memref<1x2x80xi32, #tpu.memory_space<hbm>> -> memref<2x80xi32, #tpu.memory_space<hbm>>
    tpu.enqueue_dma source(%dma_start3A_441 : memref<2x80xi32, #tpu.memory_space<hbm>>) target(%arg6 : memref<2x80xi32, #tpu.memory_space<vmem>>) target_semaphore(%arg20 : memref<!tpu.dma_semaphore, #tpu.memory_space<semaphore_mem>>)
    %mul3A_442 = arith.constant 125 : i32
    %mul3A_443 = arith.muli %add3A, %mul3A_442 : i32
    %min3A_444 = arith.constant 1 : i32
    %min3A_445 = arith.constant 124 : i32
    %min3A_446 = arith.minsi %min3A_444, %min3A_445 : i32
    %add3A_447 = arith.addi %mul3A_443, %min3A_446 : i32
    %dma_start3A_448 = arith.constant 0 : i32
    %dma_start3A_449 = arith.constant 0 : i32
    %dma_start3A_450 = tpu.memref_slice %arg4[%add3A_447, %dma_start3A_448, %dma_start3A_449] : memref<4000x2x80xi32, #tpu.memory_space<hbm>> -> memref<1x2x80xi32, #tpu.memory_space<hbm>>
    %dma_start3A_451 = tpu.memref_squeeze %dma_start3A_450 : memref<1x2x80xi32, #tpu.memory_space<hbm>> -> memref<2x80xi32, #tpu.memory_space<hbm>>
    %dma_start3A_452 = arith.constant 0 : i32
    %dma_start3A_453 = arith.constant 0 : i32
    %dma_start3A_454 = tpu.memref_slice %arg4[%add3A_447, %dma_start3A_452, %dma_start3A_453] : memref<4000x2x80xi32, #tpu.memory_space<hbm>> -> memref<1x2x80xi32, #tpu.memory_space<hbm>>
    %dma_start3A_455 = tpu.memref_squeeze %dma_start3A_454 : memref<1x2x80xi32, #tpu.memory_space<hbm>> -> memref<2x80xi32, #tpu.memory_space<hbm>>
    tpu.enqueue_dma source(%dma_start3A_455 : memref<2x80xi32, #tpu.memory_space<hbm>>) target(%arg7 : memref<2x80xi32, #tpu.memory_space<vmem>>) target_semaphore(%arg21 : memref<!tpu.dma_semaphore, #tpu.memory_space<semaphore_mem>>)
    %mul3A_456 = arith.constant 125 : i32
    %mul3A_457 = arith.muli %add3A, %mul3A_456 : i32
    %min3A_458 = arith.constant 2 : i32
    %min3A_459 = arith.constant 124 : i32
    %min3A_460 = arith.minsi %min3A_458, %min3A_459 : i32
    %add3A_461 = arith.addi %mul3A_457, %min3A_460 : i32
    %dma_start3A_462 = arith.constant 0 : i32
    %dma_start3A_463 = arith.constant 0 : i32
    %dma_start3A_464 = tpu.memref_slice %arg4[%add3A_461, %dma_start3A_462, %dma_start3A_463] : memref<4000x2x80xi32, #tpu.memory_space<hbm>> -> memref<1x2x80xi32, #tpu.memory_space<hbm>>
    %dma_start3A_465 = tpu.memref_squeeze %dma_start3A_464 : memref<1x2x80xi32, #tpu.memory_space<hbm>> -> memref<2x80xi32, #tpu.memory_space<hbm>>
    %dma_start3A_466 = arith.constant 0 : i32
    %dma_start3A_467 = arith.constant 0 : i32
    %dma_start3A_468 = tpu.memref_slice %arg4[%add3A_461, %dma_start3A_466, %dma_start3A_467] : memref<4000x2x80xi32, #tpu.memory_space<hbm>> -> memref<1x2x80xi32, #tpu.memory_space<hbm>>
    %dma_start3A_469 = tpu.memref_squeeze %dma_start3A_468 : memref<1x2x80xi32, #tpu.memory_space<hbm>> -> memref<2x80xi32, #tpu.memory_space<hbm>>
    tpu.enqueue_dma source(%dma_start3A_469 : memref<2x80xi32, #tpu.memory_space<hbm>>) target(%arg8 : memref<2x80xi32, #tpu.memory_space<vmem>>) target_semaphore(%arg22 : memref<!tpu.dma_semaphore, #tpu.memory_space<semaphore_mem>>)
    %mul3A_470 = arith.constant 125 : i32
    %mul3A_471 = arith.muli %add3A, %mul3A_470 : i32
    %min3A_472 = arith.constant 3 : i32
    %min3A_473 = arith.constant 124 : i32
    %min3A_474 = arith.minsi %min3A_472, %min3A_473 : i32
    %add3A_475 = arith.addi %mul3A_471, %min3A_474 : i32
    %dma_start3A_476 = arith.constant 0 : i32
    %dma_start3A_477 = arith.constant 0 : i32
    %dma_start3A_478 = tpu.memref_slice %arg4[%add3A_475, %dma_start3A_476, %dma_start3A_477] : memref<4000x2x80xi32, #tpu.memory_space<hbm>> -> memref<1x2x80xi32, #tpu.memory_space<hbm>>
    %dma_start3A_479 = tpu.memref_squeeze %dma_start3A_478 : memref<1x2x80xi32, #tpu.memory_space<hbm>> -> memref<2x80xi32, #tpu.memory_space<hbm>>
    %dma_start3A_480 = arith.constant 0 : i32
    %dma_start3A_481 = arith.constant 0 : i32
    %dma_start3A_482 = tpu.memref_slice %arg4[%add3A_475, %dma_start3A_480, %dma_start3A_481] : memref<4000x2x80xi32, #tpu.memory_space<hbm>> -> memref<1x2x80xi32, #tpu.memory_space<hbm>>
    %dma_start3A_483 = tpu.memref_squeeze %dma_start3A_482 : memref<1x2x80xi32, #tpu.memory_space<hbm>> -> memref<2x80xi32, #tpu.memory_space<hbm>>
    tpu.enqueue_dma source(%dma_start3A_483 : memref<2x80xi32, #tpu.memory_space<hbm>>) target(%arg9 : memref<2x80xi32, #tpu.memory_space<vmem>>) target_semaphore(%arg23 : memref<!tpu.dma_semaphore, #tpu.memory_space<semaphore_mem>>)
    %mul3A_484 = arith.constant 125 : i32
    %mul3A_485 = arith.muli %add3A, %mul3A_484 : i32
    %min3A_486 = arith.constant 0 : i32
    %min3A_487 = arith.constant 124 : i32
    %min3A_488 = arith.minsi %min3A_486, %min3A_487 : i32
    %add3A_489 = arith.addi %mul3A_485, %min3A_488 : i32
    %dma_wait3A = arith.constant 0 : i32
    %dma_wait3A_490 = arith.constant 0 : i32
    %dma_wait3A_491 = tpu.memref_slice %arg4[%add3A_489, %dma_wait3A, %dma_wait3A_490] : memref<4000x2x80xi32, #tpu.memory_space<hbm>> -> memref<1x2x80xi32, #tpu.memory_space<hbm>>
    %dma_wait3A_492 = tpu.memref_squeeze %dma_wait3A_491 : memref<1x2x80xi32, #tpu.memory_space<hbm>> -> memref<2x80xi32, #tpu.memory_space<hbm>>
    %dma_wait3A_493 = arith.constant 0 : i32
    %dma_wait3A_494 = arith.constant 0 : i32
    %dma_wait3A_495 = tpu.memref_slice %arg4[%add3A_489, %dma_wait3A_493, %dma_wait3A_494] : memref<4000x2x80xi32, #tpu.memory_space<hbm>> -> memref<1x2x80xi32, #tpu.memory_space<hbm>>
    %dma_wait3A_496 = tpu.memref_squeeze %dma_wait3A_495 : memref<1x2x80xi32, #tpu.memory_space<hbm>> -> memref<2x80xi32, #tpu.memory_space<hbm>>
    tpu.wait_dma2 semaphore(%arg20 : memref<!tpu.dma_semaphore, #tpu.memory_space<semaphore_mem>>) src(%dma_wait3A_496 : memref<2x80xi32, #tpu.memory_space<hbm>>) dst(%arg6 : memref<2x80xi32, #tpu.memory_space<vmem>>)
    %dma_start3A_497 = arith.constant 1 : i32
    %dma_start3A_498 = arith.constant 0 : i32
    %dma_start3A_499 = tpu.memref_slice %arg6[%dma_start3A_497, %dma_start3A_498] : memref<2x80xi32, #tpu.memory_space<vmem>> -> memref<1x80xi32, #tpu.memory_space<vmem>>
    %dma_start3A_500 = tpu.memref_squeeze %dma_start3A_499 : memref<1x80xi32, #tpu.memory_space<vmem>> -> memref<80xi32, #tpu.memory_space<vmem>>
    %dma_start3A_501 = arith.constant 0 : i32
    %dma_start3A_502 = arith.constant 0 : i32
    %dma_start3A_503 = tpu.memref_slice %arg2[%dma_start3A_501, %dma_start3A_502] : memref<10000x128xf32, #tpu.memory_space<hbm>> -> memref<10000x128xf32, #tpu.memory_space<hbm>>
    tpu.enqueue_indirect_dma source(%dma_start3A_503 : memref<10000x128xf32, #tpu.memory_space<hbm>>) target(%arg10 : memref<80x128xf32, #tpu.memory_space<vmem>>) offsets(%dma_start3A_500 : memref<80xi32, #tpu.memory_space<vmem>>) semaphore(%arg16 : memref<!tpu.dma_semaphore, #tpu.memory_space<semaphore_mem>>)
    %dma_start3A_504 = arith.constant 0 : i32
    %dma_start3A_505 = arith.constant 0 : i32
    %dma_start3A_506 = tpu.memref_slice %arg6[%dma_start3A_504, %dma_start3A_505] : memref<2x80xi32, #tpu.memory_space<vmem>> -> memref<1x80xi32, #tpu.memory_space<vmem>>
    %dma_start3A_507 = tpu.memref_squeeze %dma_start3A_506 : memref<1x80xi32, #tpu.memory_space<vmem>> -> memref<80xi32, #tpu.memory_space<vmem>>
    %dma_start3A_508 = arith.constant 0 : i32
    %dma_start3A_509 = arith.constant 0 : i32
    %dma_start3A_510 = tpu.memref_slice %arg3[%dma_start3A_508, %dma_start3A_509] : memref<10000x128xf32, #tpu.memory_space<hbm>> -> memref<10000x128xf32, #tpu.memory_space<hbm>>
    tpu.enqueue_indirect_dma source(%dma_start3A_510 : memref<10000x128xf32, #tpu.memory_space<hbm>>) target(%arg11 : memref<80x128xf32, #tpu.memory_space<vmem>>) offsets(%dma_start3A_507 : memref<80xi32, #tpu.memory_space<vmem>>) semaphore(%arg16 : memref<!tpu.dma_semaphore, #tpu.memory_space<semaphore_mem>>)
    %mul3A_511 = arith.constant 125 : i32
    %mul3A_512 = arith.muli %add3A, %mul3A_511 : i32
    %min3A_513 = arith.constant 1 : i32
    %min3A_514 = arith.constant 124 : i32
    %min3A_515 = arith.minsi %min3A_513, %min3A_514 : i32
    %add3A_516 = arith.addi %mul3A_512, %min3A_515 : i32
    %dma_wait3A_517 = arith.constant 0 : i32
    %dma_wait3A_518 = arith.constant 0 : i32
    %dma_wait3A_519 = tpu.memref_slice %arg4[%add3A_516, %dma_wait3A_517, %dma_wait3A_518] : memref<4000x2x80xi32, #tpu.memory_space<hbm>> -> memref<1x2x80xi32, #tpu.memory_space<hbm>>
    %dma_wait3A_520 = tpu.memref_squeeze %dma_wait3A_519 : memref<1x2x80xi32, #tpu.memory_space<hbm>> -> memref<2x80xi32, #tpu.memory_space<hbm>>
    %dma_wait3A_521 = arith.constant 0 : i32
    %dma_wait3A_522 = arith.constant 0 : i32
    %dma_wait3A_523 = tpu.memref_slice %arg4[%add3A_516, %dma_wait3A_521, %dma_wait3A_522] : memref<4000x2x80xi32, #tpu.memory_space<hbm>> -> memref<1x2x80xi32, #tpu.memory_space<hbm>>
    %dma_wait3A_524 = tpu.memref_squeeze %dma_wait3A_523 : memref<1x2x80xi32, #tpu.memory_space<hbm>> -> memref<2x80xi32, #tpu.memory_space<hbm>>
    tpu.wait_dma2 semaphore(%arg21 : memref<!tpu.dma_semaphore, #tpu.memory_space<semaphore_mem>>) src(%dma_wait3A_524 : memref<2x80xi32, #tpu.memory_space<hbm>>) dst(%arg7 : memref<2x80xi32, #tpu.memory_space<vmem>>)
    %dma_start3A_525 = arith.constant 1 : i32
    %dma_start3A_526 = arith.constant 0 : i32
    %dma_start3A_527 = tpu.memref_slice %arg7[%dma_start3A_525, %dma_start3A_526] : memref<2x80xi32, #tpu.memory_space<vmem>> -> memref<1x80xi32, #tpu.memory_space<vmem>>
    %dma_start3A_528 = tpu.memref_squeeze %dma_start3A_527 : memref<1x80xi32, #tpu.memory_space<vmem>> -> memref<80xi32, #tpu.memory_space<vmem>>
    %dma_start3A_529 = arith.constant 0 : i32
    %dma_start3A_530 = arith.constant 0 : i32
    %dma_start3A_531 = tpu.memref_slice %arg2[%dma_start3A_529, %dma_start3A_530] : memref<10000x128xf32, #tpu.memory_space<hbm>> -> memref<10000x128xf32, #tpu.memory_space<hbm>>
    tpu.enqueue_indirect_dma source(%dma_start3A_531 : memref<10000x128xf32, #tpu.memory_space<hbm>>) target(%arg12 : memref<80x128xf32, #tpu.memory_space<vmem>>) offsets(%dma_start3A_528 : memref<80xi32, #tpu.memory_space<vmem>>) semaphore(%arg17 : memref<!tpu.dma_semaphore, #tpu.memory_space<semaphore_mem>>)
    %dma_start3A_532 = arith.constant 0 : i32
    %dma_start3A_533 = arith.constant 0 : i32
    %dma_start3A_534 = tpu.memref_slice %arg7[%dma_start3A_532, %dma_start3A_533] : memref<2x80xi32, #tpu.memory_space<vmem>> -> memref<1x80xi32, #tpu.memory_space<vmem>>
    %dma_start3A_535 = tpu.memref_squeeze %dma_start3A_534 : memref<1x80xi32, #tpu.memory_space<vmem>> -> memref<80xi32, #tpu.memory_space<vmem>>
    %dma_start3A_536 = arith.constant 0 : i32
    %dma_start3A_537 = arith.constant 0 : i32
    %dma_start3A_538 = tpu.memref_slice %arg3[%dma_start3A_536, %dma_start3A_537] : memref<10000x128xf32, #tpu.memory_space<hbm>> -> memref<10000x128xf32, #tpu.memory_space<hbm>>
    tpu.enqueue_indirect_dma source(%dma_start3A_538 : memref<10000x128xf32, #tpu.memory_space<hbm>>) target(%arg13 : memref<80x128xf32, #tpu.memory_space<vmem>>) offsets(%dma_start3A_535 : memref<80xi32, #tpu.memory_space<vmem>>) semaphore(%arg17 : memref<!tpu.dma_semaphore, #tpu.memory_space<semaphore_mem>>)
    %scan3A = arith.constant 0 : i32
    %scan3A_539 = arith.constant 0 : i32
    %scan3A_540 = arith.constant 31 : i32
    %scan3A_541 = arith.addi %scan3A_539, %scan3A_540 : i32
    %scan3A_542 = arith.constant 1 : i32
    %scan3A_543 = scf.for %scan3A_627 = %scan3A_539 to %scan3A_541 step %scan3A_542 iter_args(%scan3A_628 = %scan3A) -> (i32)  : i32 {
      %mul3A_629 = arith.constant 4 : i32
      %mul3A_630 = arith.muli %mul3A_629, %scan3A_627 : i32
      %add3A_631 = arith.constant 0 : i32
      %add3A_632 = arith.addi %mul3A_630, %add3A_631 : i32
      %dma_wait3A_633 = arith.constant 1 : i32
      %dma_wait3A_634 = arith.constant 0 : i32
      %dma_wait3A_635 = tpu.memref_slice %arg6[%dma_wait3A_633, %dma_wait3A_634] : memref<2x80xi32, #tpu.memory_space<vmem>> -> memref<1x80xi32, #tpu.memory_space<vmem>>
      %dma_wait3A_636 = tpu.memref_squeeze %dma_wait3A_635 : memref<1x80xi32, #tpu.memory_space<vmem>> -> memref<80xi32, #tpu.memory_space<vmem>>
      %dma_wait3A_637 = arith.constant 0 : i32
      %dma_wait3A_638 = arith.constant 0 : i32
      %dma_wait3A_639 = tpu.memref_slice %arg2[%dma_wait3A_637, %dma_wait3A_638] : memref<10000x128xf32, #tpu.memory_space<hbm>> -> memref<10000x128xf32, #tpu.memory_space<hbm>>
      tpu.wait_indirect_dma semaphore(%arg16 : memref<!tpu.dma_semaphore, #tpu.memory_space<semaphore_mem>>) src(%dma_wait3A_639 : memref<10000x128xf32, #tpu.memory_space<hbm>>) dst(%arg10 : memref<80x128xf32, #tpu.memory_space<vmem>>)
      %dma_wait3A_640 = arith.constant 0 : i32
      %dma_wait3A_641 = arith.constant 0 : i32
      %dma_wait3A_642 = tpu.memref_slice %arg6[%dma_wait3A_640, %dma_wait3A_641] : memref<2x80xi32, #tpu.memory_space<vmem>> -> memref<1x80xi32, #tpu.memory_space<vmem>>
      %dma_wait3A_643 = tpu.memref_squeeze %dma_wait3A_642 : memref<1x80xi32, #tpu.memory_space<vmem>> -> memref<80xi32, #tpu.memory_space<vmem>>
      %dma_wait3A_644 = arith.constant 0 : i32
      %dma_wait3A_645 = arith.constant 0 : i32
      %dma_wait3A_646 = tpu.memref_slice %arg3[%dma_wait3A_644, %dma_wait3A_645] : memref<10000x128xf32, #tpu.memory_space<hbm>> -> memref<10000x128xf32, #tpu.memory_space<hbm>>
      tpu.wait_indirect_dma semaphore(%arg16 : memref<!tpu.dma_semaphore, #tpu.memory_space<semaphore_mem>>) src(%dma_wait3A_646 : memref<10000x128xf32, #tpu.memory_space<hbm>>) dst(%arg11 : memref<80x128xf32, #tpu.memory_space<vmem>>)
      %parallel_loop3A_647 = arith.constant 0 : i32
      %parallel_loop3A_648 = arith.constant 80 : i32
      %parallel_loop3A_649 = arith.constant 1 : i32
      scf.for %parallel_loop3A_940 = %parallel_loop3A_647 to %parallel_loop3A_648 step %parallel_loop3A_649  : i32 {
        %parallel_loop3A_941 = arith.constant 0.000000e+00 : f32
        %parallel_loop3A_942 = vector.broadcast %parallel_loop3A_941 : f32 to vector<16xf32>
        %parallel_loop3A_943 = arith.constant 0.000000e+00 : f32
        %parallel_loop3A_944 = vector.broadcast %parallel_loop3A_943 : f32 to vector<16xf32>
        %parallel_loop3A_945 = arith.constant -65536 : i32
        %parallel_loop3A_946 = vector.broadcast %parallel_loop3A_945 : i32 to vector<16xi32>
        %parallel_loop3A_947 = arith.index_cast %parallel_loop3A_940 : i32 to index
        %parallel_loop3A_948 = arith.constant 0 : index
        %parallel_loop3A_949 = tpu.vector_load %arg11[%parallel_loop3A_947, %parallel_loop3A_948] {strides = array<i32>} : memref<80x128xf32, #tpu.memory_space<vmem>>, vector<1x16xf32>,
        %parallel_loop3A_950 = vector.shape_cast %parallel_loop3A_949 : vector<1x16xf32> to vector<16xf32>
        %parallel_loop3A_951 = tpu.bitcast %parallel_loop3A_950 : vector<16xf32> -> vector<16xi32>
        %parallel_loop3A_952 = arith.index_cast %parallel_loop3A_940 : i32 to index
        %parallel_loop3A_953 = arith.constant 0 : index
        %parallel_loop3A_954 = tpu.vector_load %arg10[%parallel_loop3A_952, %parallel_loop3A_953] {strides = array<i32>} : memref<80x128xf32, #tpu.memory_space<vmem>>, vector<1x16xf32>,
        %parallel_loop3A_955 = vector.shape_cast %parallel_loop3A_954 : vector<1x16xf32> to vector<16xf32>
        %parallel_loop3A_956 = arith.index_cast %parallel_loop3A_940 : i32 to index
        %parallel_loop3A_957 = arith.constant 64 : index
        %parallel_loop3A_958 = tpu.vector_load %arg10[%parallel_loop3A_956, %parallel_loop3A_957] {strides = array<i32>} : memref<80x128xf32, #tpu.memory_space<vmem>>, vector<1x16xf32>,
        %parallel_loop3A_959 = vector.shape_cast %parallel_loop3A_958 : vector<1x16xf32> to vector<16xf32>
        %parallel_loop3A_960 = arith.constant 16 : i32
        %parallel_loop3A_961 = vector.broadcast %parallel_loop3A_960 : i32 to vector<16xi32>
        %parallel_loop3A_962 = arith.shli %parallel_loop3A_951, %parallel_loop3A_961 : vector<16xi32>
        %parallel_loop3A_963 = tpu.bitcast %parallel_loop3A_962 : vector<16xi32> -> vector<16xf32>
        %parallel_loop3A_964 = arith.andi %parallel_loop3A_951, %parallel_loop3A_946 : vector<16xi32>
        %parallel_loop3A_965 = tpu.bitcast %parallel_loop3A_964 : vector<16xi32> -> vector<16xf32>
        %parallel_loop3A_966 = arith.mulf %parallel_loop3A_955, %parallel_loop3A_963 : vector<16xf32>
        %parallel_loop3A_967 = arith.addf %parallel_loop3A_942, %parallel_loop3A_966 : vector<16xf32>
        %parallel_loop3A_968 = arith.mulf %parallel_loop3A_959, %parallel_loop3A_965 : vector<16xf32>
        %parallel_loop3A_969 = arith.addf %parallel_loop3A_944, %parallel_loop3A_968 : vector<16xf32>
        %parallel_loop3A_970 = arith.index_cast %parallel_loop3A_940 : i32 to index
        %parallel_loop3A_971 = arith.constant 16 : index
        %parallel_loop3A_972 = tpu.vector_load %arg11[%parallel_loop3A_970, %parallel_loop3A_971] {strides = array<i32>} : memref<80x128xf32, #tpu.memory_space<vmem>>, vector<1x16xf32>,
        %parallel_loop3A_973 = vector.shape_cast %parallel_loop3A_972 : vector<1x16xf32> to vector<16xf32>
        %parallel_loop3A_974 = tpu.bitcast %parallel_loop3A_973 : vector<16xf32> -> vector<16xi32>
        %parallel_loop3A_975 = arith.index_cast %parallel_loop3A_940 : i32 to index
        %parallel_loop3A_976 = arith.constant 16 : index
        %parallel_loop3A_977 = tpu.vector_load %arg10[%parallel_loop3A_975, %parallel_loop3A_976] {strides = array<i32>} : memref<80x128xf32, #tpu.memory_space<vmem>>, vector<1x16xf32>,
        %parallel_loop3A_978 = vector.shape_cast %parallel_loop3A_977 : vector<1x16xf32> to vector<16xf32>
        %parallel_loop3A_979 = arith.index_cast %parallel_loop3A_940 : i32 to index
        %parallel_loop3A_980 = arith.constant 80 : index
        %parallel_loop3A_981 = tpu.vector_load %arg10[%parallel_loop3A_979, %parallel_loop3A_980] {strides = array<i32>} : memref<80x128xf32, #tpu.memory_space<vmem>>, vector<1x16xf32>,
        %parallel_loop3A_982 = vector.shape_cast %parallel_loop3A_981 : vector<1x16xf32> to vector<16xf32>
        %parallel_loop3A_983 = arith.constant 16 : i32
        %parallel_loop3A_984 = vector.broadcast %parallel_loop3A_983 : i32 to vector<16xi32>
        %parallel_loop3A_985 = arith.shli %parallel_loop3A_974, %parallel_loop3A_984 : vector<16xi32>
        %parallel_loop3A_986 = tpu.bitcast %parallel_loop3A_985 : vector<16xi32> -> vector<16xf32>
        %parallel_loop3A_987 = arith.andi %parallel_loop3A_974, %parallel_loop3A_946 : vector<16xi32>
        %parallel_loop3A_988 = tpu.bitcast %parallel_loop3A_987 : vector<16xi32> -> vector<16xf32>
        %parallel_loop3A_989 = arith.mulf %parallel_loop3A_978, %parallel_loop3A_986 : vector<16xf32>
        %parallel_loop3A_990 = arith.addf %parallel_loop3A_967, %parallel_loop3A_989 : vector<16xf32>
        %parallel_loop3A_991 = arith.mulf %parallel_loop3A_982, %parallel_loop3A_988 : vector<16xf32>
        %parallel_loop3A_992 = arith.addf %parallel_loop3A_969, %parallel_loop3A_991 : vector<16xf32>
        %parallel_loop3A_993 = arith.index_cast %parallel_loop3A_940 : i32 to index
        %parallel_loop3A_994 = arith.constant 32 : index
        %parallel_loop3A_995 = tpu.vector_load %arg11[%parallel_loop3A_993, %parallel_loop3A_994] {strides = array<i32>} : memref<80x128xf32, #tpu.memory_space<vmem>>, vector<1x16xf32>,
        %parallel_loop3A_996 = vector.shape_cast %parallel_loop3A_995 : vector<1x16xf32> to vector<16xf32>
        %parallel_loop3A_997 = tpu.bitcast %parallel_loop3A_996 : vector<16xf32> -> vector<16xi32>
        %parallel_loop3A_998 = arith.index_cast %parallel_loop3A_940 : i32 to index
        %parallel_loop3A_999 = arith.constant 32 : index
        %parallel_loop3A_1000 = tpu.vector_load %arg10[%parallel_loop3A_998, %parallel_loop3A_999] {strides = array<i32>} : memref<80x128xf32, #tpu.memory_space<vmem>>, vector<1x16xf32>,
        %parallel_loop3A_1001 = vector.shape_cast %parallel_loop3A_1000 : vector<1x16xf32> to vector<16xf32>
        %parallel_loop3A_1002 = arith.index_cast %parallel_loop3A_940 : i32 to index
        %parallel_loop3A_1003 = arith.constant 96 : index
        %parallel_loop3A_1004 = tpu.vector_load %arg10[%parallel_loop3A_1002, %parallel_loop3A_1003] {strides = array<i32>} : memref<80x128xf32, #tpu.memory_space<vmem>>, vector<1x16xf32>,
        %parallel_loop3A_1005 = vector.shape_cast %parallel_loop3A_1004 : vector<1x16xf32> to vector<16xf32>
        %parallel_loop3A_1006 = arith.constant 16 : i32
        %parallel_loop3A_1007 = vector.broadcast %parallel_loop3A_1006 : i32 to vector<16xi32>
        %parallel_loop3A_1008 = arith.shli %parallel_loop3A_997, %parallel_loop3A_1007 : vector<16xi32>
        %parallel_loop3A_1009 = tpu.bitcast %parallel_loop3A_1008 : vector<16xi32> -> vector<16xf32>
        %parallel_loop3A_1010 = arith.andi %parallel_loop3A_997, %parallel_loop3A_946 : vector<16xi32>
        %parallel_loop3A_1011 = tpu.bitcast %parallel_loop3A_1010 : vector<16xi32> -> vector<16xf32>
        %parallel_loop3A_1012 = arith.mulf %parallel_loop3A_1001, %parallel_loop3A_1009 : vector<16xf32>
        %parallel_loop3A_1013 = arith.addf %parallel_loop3A_990, %parallel_loop3A_1012 : vector<16xf32>
        %parallel_loop3A_1014 = arith.mulf %parallel_loop3A_1005, %parallel_loop3A_1011 : vector<16xf32>
        %parallel_loop3A_1015 = arith.addf %parallel_loop3A_992, %parallel_loop3A_1014 : vector<16xf32>
        %parallel_loop3A_1016 = arith.index_cast %parallel_loop3A_940 : i32 to index
        %parallel_loop3A_1017 = arith.constant 48 : index
        %parallel_loop3A_1018 = tpu.vector_load %arg11[%parallel_loop3A_1016, %parallel_loop3A_1017] {strides = array<i32>} : memref<80x128xf32, #tpu.memory_space<vmem>>, vector<1x16xf32>,
        %parallel_loop3A_1019 = vector.shape_cast %parallel_loop3A_1018 : vector<1x16xf32> to vector<16xf32>
        %parallel_loop3A_1020 = tpu.bitcast %parallel_loop3A_1019 : vector<16xf32> -> vector<16xi32>
        %parallel_loop3A_1021 = arith.index_cast %parallel_loop3A_940 : i32 to index
        %parallel_loop3A_1022 = arith.constant 48 : index
        %parallel_loop3A_1023 = tpu.vector_load %arg10[%parallel_loop3A_1021, %parallel_loop3A_1022] {strides = array<i32>} : memref<80x128xf32, #tpu.memory_space<vmem>>, vector<1x16xf32>,
        %parallel_loop3A_1024 = vector.shape_cast %parallel_loop3A_1023 : vector<1x16xf32> to vector<16xf32>
        %parallel_loop3A_1025 = arith.index_cast %parallel_loop3A_940 : i32 to index
        %parallel_loop3A_1026 = arith.constant 112 : index
        %parallel_loop3A_1027 = tpu.vector_load %arg10[%parallel_loop3A_1025, %parallel_loop3A_1026] {strides = array<i32>} : memref<80x128xf32, #tpu.memory_space<vmem>>, vector<1x16xf32>,
        %parallel_loop3A_1028 = vector.shape_cast %parallel_loop3A_1027 : vector<1x16xf32> to vector<16xf32>
        %parallel_loop3A_1029 = arith.constant 16 : i32
        %parallel_loop3A_1030 = vector.broadcast %parallel_loop3A_1029 : i32 to vector<16xi32>
        %parallel_loop3A_1031 = arith.shli %parallel_loop3A_1020, %parallel_loop3A_1030 : vector<16xi32>
        %parallel_loop3A_1032 = tpu.bitcast %parallel_loop3A_1031 : vector<16xi32> -> vector<16xf32>
        %parallel_loop3A_1033 = arith.andi %parallel_loop3A_1020, %parallel_loop3A_946 : vector<16xi32>
        %parallel_loop3A_1034 = tpu.bitcast %parallel_loop3A_1033 : vector<16xi32> -> vector<16xf32>
        %parallel_loop3A_1035 = arith.mulf %parallel_loop3A_1024, %parallel_loop3A_1032 : vector<16xf32>
        %parallel_loop3A_1036 = arith.addf %parallel_loop3A_1013, %parallel_loop3A_1035 : vector<16xf32>
        %parallel_loop3A_1037 = arith.mulf %parallel_loop3A_1028, %parallel_loop3A_1034 : vector<16xf32>
        %parallel_loop3A_1038 = arith.addf %parallel_loop3A_1015, %parallel_loop3A_1037 : vector<16xf32>
        %parallel_loop3A_1039 = arith.addf %parallel_loop3A_1036, %parallel_loop3A_1038 : vector<16xf32>
        %parallel_loop3A_1040 = vector.shape_cast %broadcast_in_dim3A_416 : vector<16x1xi32> to vector<16xi32>
        %parallel_loop3A_1041 = tpu.dynamic_gather %parallel_loop3A_1039[%parallel_loop3A_1040] in [0] : vector<16xf32>, vector<16xi32> -> vector<16xf32>
        %parallel_loop3A_1042 = arith.addf %parallel_loop3A_1039, %parallel_loop3A_1041 : vector<16xf32>
        %parallel_loop3A_1043 = vector.shape_cast %broadcast_in_dim3A_420 : vector<16x1xi32> to vector<16xi32>
        %parallel_loop3A_1044 = tpu.dynamic_gather %parallel_loop3A_1042[%parallel_loop3A_1043] in [0] : vector<16xf32>, vector<16xi32> -> vector<16xf32>
        %parallel_loop3A_1045 = arith.addf %parallel_loop3A_1042, %parallel_loop3A_1044 : vector<16xf32>
        %parallel_loop3A_1046 = vector.shape_cast %broadcast_in_dim3A_424 : vector<16x1xi32> to vector<16xi32>
        %parallel_loop3A_1047 = tpu.dynamic_gather %parallel_loop3A_1045[%parallel_loop3A_1046] in [0] : vector<16xf32>, vector<16xi32> -> vector<16xf32>
        %parallel_loop3A_1048 = arith.addf %parallel_loop3A_1045, %parallel_loop3A_1047 : vector<16xf32>
        %parallel_loop3A_1049 = vector.shape_cast %broadcast_in_dim3A_428 : vector<16x1xi32> to vector<16xi32>
        %parallel_loop3A_1050 = tpu.dynamic_gather %parallel_loop3A_1048[%parallel_loop3A_1049] in [0] : vector<16xf32>, vector<16xi32> -> vector<16xf32>
        %parallel_loop3A_1051 = arith.addf %parallel_loop3A_1048, %parallel_loop3A_1050 : vector<16xf32>
        %parallel_loop3A_1052 = arith.constant -0.176776692 : f32
        %parallel_loop3A_1053 = vector.broadcast %parallel_loop3A_1052 : f32 to vector<16xf32>
        %parallel_loop3A_1054 = arith.mulf %parallel_loop3A_1051, %parallel_loop3A_1053 : vector<16xf32>
        %parallel_loop3A_1055 = math.exp %parallel_loop3A_1054 : vector<16xf32>
        %parallel_loop3A_1056 = arith.constant 1.000000e+00 : f32
        %parallel_loop3A_1057 = vector.broadcast %parallel_loop3A_1056 : f32 to vector<16xf32>
        %parallel_loop3A_1058 = arith.addf %parallel_loop3A_1057, %parallel_loop3A_1055 : vector<16xf32>
        %parallel_loop3A_1059 = arith.constant 1.000000e+00 : f32
        %parallel_loop3A_1060 = vector.broadcast %parallel_loop3A_1059 : f32 to vector<16xf32>
        %parallel_loop3A_1061 = arith.divf %parallel_loop3A_1060, %parallel_loop3A_1058 : vector<16xf32>
        %parallel_loop3A_1062 = arith.index_cast %parallel_loop3A_940 : i32 to index
        %parallel_loop3A_1063 = arith.constant 64 : index
        %parallel_loop3A_1064 = tpu.vector_load %arg11[%parallel_loop3A_1062, %parallel_loop3A_1063] {strides = array<i32>} : memref<80x128xf32, #tpu.memory_space<vmem>>, vector<1x16xf32>,
        %parallel_loop3A_1065 = vector.shape_cast %parallel_loop3A_1064 : vector<1x16xf32> to vector<16xf32>
        %parallel_loop3A_1066 = tpu.bitcast %parallel_loop3A_1065 : vector<16xf32> -> vector<16xi32>
        %parallel_loop3A_1067 = arith.constant 16 : i32
        %parallel_loop3A_1068 = vector.broadcast %parallel_loop3A_1067 : i32 to vector<16xi32>
        %parallel_loop3A_1069 = arith.shli %parallel_loop3A_1066, %parallel_loop3A_1068 : vector<16xi32>
        %parallel_loop3A_1070 = tpu.bitcast %parallel_loop3A_1069 : vector<16xi32> -> vector<16xf32>
        %parallel_loop3A_1071 = arith.andi %parallel_loop3A_1066, %parallel_loop3A_946 : vector<16xi32>
        %parallel_loop3A_1072 = tpu.bitcast %parallel_loop3A_1071 : vector<16xi32> -> vector<16xf32>
        %parallel_loop3A_1073 = arith.mulf %parallel_loop3A_1070, %parallel_loop3A_1061 : vector<16xf32>
        %parallel_loop3A_1074 = arith.index_cast %parallel_loop3A_940 : i32 to index
        %parallel_loop3A_1075 = arith.constant 0 : index
        %parallel_loop3A_1076 = tpu.vector_load %arg11[%parallel_loop3A_1074, %parallel_loop3A_1075] {strides = array<i32>} : memref<80x128xf32, #tpu.memory_space<vmem>>, vector<1x16xf32>,
        %parallel_loop3A_1077 = vector.shape_cast %parallel_loop3A_1076 : vector<1x16xf32> to vector<16xf32>
        %parallel_loop3A_1078 = vector.shape_cast %parallel_loop3A_1073 : vector<16xf32> to vector<1x16xf32>
        tpu.vector_store %arg11[%parallel_loop3A_1074, %parallel_loop3A_1075], %parallel_loop3A_1078 {strides = array<i32>} : memref<80x128xf32, #tpu.memory_space<vmem>>, vector<1x16xf32>,
        %parallel_loop3A_1079 = arith.mulf %parallel_loop3A_1072, %parallel_loop3A_1061 : vector<16xf32>
        %parallel_loop3A_1080 = arith.index_cast %parallel_loop3A_940 : i32 to index
        %parallel_loop3A_1081 = arith.constant 64 : index
        %parallel_loop3A_1082 = tpu.vector_load %arg11[%parallel_loop3A_1080, %parallel_loop3A_1081] {strides = array<i32>} : memref<80x128xf32, #tpu.memory_space<vmem>>, vector<1x16xf32>,
        %parallel_loop3A_1083 = vector.shape_cast %parallel_loop3A_1082 : vector<1x16xf32> to vector<16xf32>
        %parallel_loop3A_1084 = vector.shape_cast %parallel_loop3A_1079 : vector<16xf32> to vector<1x16xf32>
        tpu.vector_store %arg11[%parallel_loop3A_1080, %parallel_loop3A_1081], %parallel_loop3A_1084 {strides = array<i32>} : memref<80x128xf32, #tpu.memory_space<vmem>>, vector<1x16xf32>,
        %parallel_loop3A_1085 = arith.index_cast %parallel_loop3A_940 : i32 to index
        %parallel_loop3A_1086 = arith.constant 80 : index
        %parallel_loop3A_1087 = tpu.vector_load %arg11[%parallel_loop3A_1085, %parallel_loop3A_1086] {strides = array<i32>} : memref<80x128xf32, #tpu.memory_space<vmem>>, vector<1x16xf32>,
        %parallel_loop3A_1088 = vector.shape_cast %parallel_loop3A_1087 : vector<1x16xf32> to vector<16xf32>
        %parallel_loop3A_1089 = tpu.bitcast %parallel_loop3A_1088 : vector<16xf32> -> vector<16xi32>
        %parallel_loop3A_1090 = arith.constant 16 : i32
        %parallel_loop3A_1091 = vector.broadcast %parallel_loop3A_1090 : i32 to vector<16xi32>
        %parallel_loop3A_1092 = arith.shli %parallel_loop3A_1089, %parallel_loop3A_1091 : vector<16xi32>
        %parallel_loop3A_1093 = tpu.bitcast %parallel_loop3A_1092 : vector<16xi32> -> vector<16xf32>
        %parallel_loop3A_1094 = arith.andi %parallel_loop3A_1089, %parallel_loop3A_946 : vector<16xi32>
        %parallel_loop3A_1095 = tpu.bitcast %parallel_loop3A_1094 : vector<16xi32> -> vector<16xf32>
        %parallel_loop3A_1096 = arith.mulf %parallel_loop3A_1093, %parallel_loop3A_1061 : vector<16xf32>
        %parallel_loop3A_1097 = arith.index_cast %parallel_loop3A_940 : i32 to index
        %parallel_loop3A_1098 = arith.constant 16 : index
        %parallel_loop3A_1099 = tpu.vector_load %arg11[%parallel_loop3A_1097, %parallel_loop3A_1098] {strides = array<i32>} : memref<80x128xf32, #tpu.memory_space<vmem>>, vector<1x16xf32>,
        %parallel_loop3A_1100 = vector.shape_cast %parallel_loop3A_1099 : vector<1x16xf32> to vector<16xf32>
        %parallel_loop3A_1101 = vector.shape_cast %parallel_loop3A_1096 : vector<16xf32> to vector<1x16xf32>
        tpu.vector_store %arg11[%parallel_loop3A_1097, %parallel_loop3A_1098], %parallel_loop3A_1101 {strides = array<i32>} : memref<80x128xf32, #tpu.memory_space<vmem>>, vector<1x16xf32>,
        %parallel_loop3A_1102 = arith.mulf %parallel_loop3A_1095, %parallel_loop3A_1061 : vector<16xf32>
        %parallel_loop3A_1103 = arith.index_cast %parallel_loop3A_940 : i32 to index
        %parallel_loop3A_1104 = arith.constant 80 : index
        %parallel_loop3A_1105 = tpu.vector_load %arg11[%parallel_loop3A_1103, %parallel_loop3A_1104] {strides = array<i32>} : memref<80x128xf32, #tpu.memory_space<vmem>>, vector<1x16xf32>,
        %parallel_loop3A_1106 = vector.shape_cast %parallel_loop3A_1105 : vector<1x16xf32> to vector<16xf32>
        %parallel_loop3A_1107 = vector.shape_cast %parallel_loop3A_1102 : vector<16xf32> to vector<1x16xf32>
        tpu.vector_store %arg11[%parallel_loop3A_1103, %parallel_loop3A_1104], %parallel_loop3A_1107 {strides = array<i32>} : memref<80x128xf32, #tpu.memory_space<vmem>>, vector<1x16xf32>,
        %parallel_loop3A_1108 = arith.index_cast %parallel_loop3A_940 : i32 to index
        %parallel_loop3A_1109 = arith.constant 96 : index
        %parallel_loop3A_1110 = tpu.vector_load %arg11[%parallel_loop3A_1108, %parallel_loop3A_1109] {strides = array<i32>} : memref<80x128xf32, #tpu.memory_space<vmem>>, vector<1x16xf32>,
        %parallel_loop3A_1111 = vector.shape_cast %parallel_loop3A_1110 : vector<1x16xf32> to vector<16xf32>
        %parallel_loop3A_1112 = tpu.bitcast %parallel_loop3A_1111 : vector<16xf32> -> vector<16xi32>
        %parallel_loop3A_1113 = arith.constant 16 : i32
        %parallel_loop3A_1114 = vector.broadcast %parallel_loop3A_1113 : i32 to vector<16xi32>
        %parallel_loop3A_1115 = arith.shli %parallel_loop3A_1112, %parallel_loop3A_1114 : vector<16xi32>
        %parallel_loop3A_1116 = tpu.bitcast %parallel_loop3A_1115 : vector<16xi32> -> vector<16xf32>
        %parallel_loop3A_1117 = arith.andi %parallel_loop3A_1112, %parallel_loop3A_946 : vector<16xi32>
        %parallel_loop3A_1118 = tpu.bitcast %parallel_loop3A_1117 : vector<16xi32> -> vector<16xf32>
        %parallel_loop3A_1119 = arith.mulf %parallel_loop3A_1116, %parallel_loop3A_1061 : vector<16xf32>
        %parallel_loop3A_1120 = arith.index_cast %parallel_loop3A_940 : i32 to index
        %parallel_loop3A_1121 = arith.constant 32 : index
        %parallel_loop3A_1122 = tpu.vector_load %arg11[%parallel_loop3A_1120, %parallel_loop3A_1121] {strides = array<i32>} : memref<80x128xf32, #tpu.memory_space<vmem>>, vector<1x16xf32>,
        %parallel_loop3A_1123 = vector.shape_cast %parallel_loop3A_1122 : vector<1x16xf32> to vector<16xf32>
        %parallel_loop3A_1124 = vector.shape_cast %parallel_loop3A_1119 : vector<16xf32> to vector<1x16xf32>
        tpu.vector_store %arg11[%parallel_loop3A_1120, %parallel_loop3A_1121], %parallel_loop3A_1124 {strides = array<i32>} : memref<80x128xf32, #tpu.memory_space<vmem>>, vector<1x16xf32>,
        %parallel_loop3A_1125 = arith.mulf %parallel_loop3A_1118, %parallel_loop3A_1061 : vector<16xf32>
        %parallel_loop3A_1126 = arith.index_cast %parallel_loop3A_940 : i32 to index
        %parallel_loop3A_1127 = arith.constant 96 : index
        %parallel_loop3A_1128 = tpu.vector_load %arg11[%parallel_loop3A_1126, %parallel_loop3A_1127] {strides = array<i32>} : memref<80x128xf32, #tpu.memory_space<vmem>>, vector<1x16xf32>,
        %parallel_loop3A_1129 = vector.shape_cast %parallel_loop3A_1128 : vector<1x16xf32> to vector<16xf32>
        %parallel_loop3A_1130 = vector.shape_cast %parallel_loop3A_1125 : vector<16xf32> to vector<1x16xf32>
        tpu.vector_store %arg11[%parallel_loop3A_1126, %parallel_loop3A_1127], %parallel_loop3A_1130 {strides = array<i32>} : memref<80x128xf32, #tpu.memory_space<vmem>>, vector<1x16xf32>,
        %parallel_loop3A_1131 = arith.index_cast %parallel_loop3A_940 : i32 to index
        %parallel_loop3A_1132 = arith.constant 112 : index
        %parallel_loop3A_1133 = tpu.vector_load %arg11[%parallel_loop3A_1131, %parallel_loop3A_1132] {strides = array<i32>} : memref<80x128xf32, #tpu.memory_space<vmem>>, vector<1x16xf32>,
        %parallel_loop3A_1134 = vector.shape_cast %parallel_loop3A_1133 : vector<1x16xf32> to vector<16xf32>
        %parallel_loop3A_1135 = tpu.bitcast %parallel_loop3A_1134 : vector<16xf32> -> vector<16xi32>
        %parallel_loop3A_1136 = arith.constant 16 : i32
        %parallel_loop3A_1137 = vector.broadcast %parallel_loop3A_1136 : i32 to vector<16xi32>
        %parallel_loop3A_1138 = arith.shli %parallel_loop3A_1135, %parallel_loop3A_1137 : vector<16xi32>
        %parallel_loop3A_1139 = tpu.bitcast %parallel_loop3A_1138 : vector<16xi32> -> vector<16xf32>
        %parallel_loop3A_1140 = arith.andi %parallel_loop3A_1135, %parallel_loop3A_946 : vector<16xi32>
        %parallel_loop3A_1141 = tpu.bitcast %parallel_loop3A_1140 : vector<16xi32> -> vector<16xf32>
        %parallel_loop3A_1142 = arith.mulf %parallel_loop3A_1139, %parallel_loop3A_1061 : vector<16xf32>
        %parallel_loop3A_1143 = arith.index_cast %parallel_loop3A_940 : i32 to index
        %parallel_loop3A_1144 = arith.constant 48 : index
        %parallel_loop3A_1145 = tpu.vector_load %arg11[%parallel_loop3A_1143, %parallel_loop3A_1144] {strides = array<i32>} : memref<80x128xf32, #tpu.memory_space<vmem>>, vector<1x16xf32>,
        %parallel_loop3A_1146 = vector.shape_cast %parallel_loop3A_1145 : vector<1x16xf32> to vector<16xf32>
        %parallel_loop3A_1147 = vector.shape_cast %parallel_loop3A_1142 : vector<16xf32> to vector<1x16xf32>
        tpu.vector_store %arg11[%parallel_loop3A_1143, %parallel_loop3A_1144], %parallel_loop3A_1147 {strides = array<i32>} : memref<80x128xf32, #tpu.memory_space<vmem>>, vector<1x16xf32>,
        %parallel_loop3A_1148 = arith.mulf %parallel_loop3A_1141, %parallel_loop3A_1061 : vector<16xf32>
        %parallel_loop3A_1149 = arith.index_cast %parallel_loop3A_940 : i32 to index
        %parallel_loop3A_1150 = arith.constant 112 : index
        %parallel_loop3A_1151 = tpu.vector_load %arg11[%parallel_loop3A_1149, %parallel_loop3A_1150] {strides = array<i32>} : memref<80x128xf32, #tpu.memory_space<vmem>>, vector<1x16xf32>,
        %parallel_loop3A_1152 = vector.shape_cast %parallel_loop3A_1151 : vector<1x16xf32> to vector<16xf32>
        %parallel_loop3A_1153 = vector.shape_cast %parallel_loop3A_1148 : vector<16xf32> to vector<1x16xf32>
        tpu.vector_store %arg11[%parallel_loop3A_1149, %parallel_loop3A_1150], %parallel_loop3A_1153 {strides = array<i32>} : memref<80x128xf32, #tpu.memory_space<vmem>>, vector<1x16xf32>,
      } {sc.loop_unroll_factor = 2 : i64, sc.parallel_access}
      %dma_start3A_650 = arith.constant 1 : i32
      %dma_start3A_651 = arith.constant 0 : i32
      %dma_start3A_652 = tpu.memref_slice %arg6[%dma_start3A_650, %dma_start3A_651] : memref<2x80xi32, #tpu.memory_space<vmem>> -> memref<1x80xi32, #tpu.memory_space<vmem>>
      %dma_start3A_653 = tpu.memref_squeeze %dma_start3A_652 : memref<1x80xi32, #tpu.memory_space<vmem>> -> memref<80xi32, #tpu.memory_space<vmem>>
      %dma_start3A_654 = arith.constant 0 : i32
      %dma_start3A_655 = arith.constant 0 : i32
      %dma_start3A_656 = tpu.memref_slice %arg15[%dma_start3A_654, %dma_start3A_655] : memref<10000x128xf32, #tpu.memory_space<vmem_shared>> -> memref<10000x128xf32, #tpu.memory_space<vmem_shared>>
      tpu.enqueue_indirect_dma source(%arg11 : memref<80x128xf32, #tpu.memory_space<vmem>>) target(%dma_start3A_656 : memref<10000x128xf32, #tpu.memory_space<vmem_shared>>) offsets(%dma_start3A_653 : memref<80xi32, #tpu.memory_space<vmem>>) semaphore(%arg18 : memref<!tpu.dma_semaphore, #tpu.memory_space<semaphore_mem>>) {add = true}
      %dma_wait3A_657 = arith.constant 1 : i32
      %dma_wait3A_658 = arith.constant 0 : i32
      %dma_wait3A_659 = tpu.memref_slice %arg6[%dma_wait3A_657, %dma_wait3A_658] : memref<2x80xi32, #tpu.memory_space<vmem>> -> memref<1x80xi32, #tpu.memory_space<vmem>>
      %dma_wait3A_660 = tpu.memref_squeeze %dma_wait3A_659 : memref<1x80xi32, #tpu.memory_space<vmem>> -> memref<80xi32, #tpu.memory_space<vmem>>
      %dma_wait3A_661 = arith.constant 0 : i32
      %dma_wait3A_662 = arith.constant 0 : i32
      %dma_wait3A_663 = tpu.memref_slice %arg15[%dma_wait3A_661, %dma_wait3A_662] : memref<10000x128xf32, #tpu.memory_space<vmem_shared>> -> memref<10000x128xf32, #tpu.memory_space<vmem_shared>>
      tpu.wait_indirect_dma semaphore(%arg18 : memref<!tpu.dma_semaphore, #tpu.memory_space<semaphore_mem>>) src(%arg11 : memref<80x128xf32, #tpu.memory_space<vmem>>) dst(%dma_wait3A_663 : memref<10000x128xf32, #tpu.memory_space<vmem_shared>>)
      %add3A_664 = arith.constant 2 : i32
      %add3A_665 = arith.addi %add3A_632, %add3A_664 : i32
      %mul3A_666 = arith.constant 125 : i32
      %mul3A_667 = arith.muli %add3A, %mul3A_666 : i32
      %min3A_668 = arith.constant 124 : i32
      %min3A_669 = arith.minsi %add3A_665, %min3A_668 : i32
      %add3A_670 = arith.addi %mul3A_667, %min3A_669 : i32
      %dma_wait3A_671 = arith.constant 0 : i32
      %dma_wait3A_672 = arith.constant 0 : i32
      %dma_wait3A_673 = tpu.memref_slice %arg4[%add3A_670, %dma_wait3A_671, %dma_wait3A_672] : memref<4000x2x80xi32, #tpu.memory_space<hbm>> -> memref<1x2x80xi32, #tpu.memory_space<hbm>>
      %dma_wait3A_674 = tpu.memref_squeeze %dma_wait3A_673 : memref<1x2x80xi32, #tpu.memory_space<hbm>> -> memref<2x80xi32, #tpu.memory_space<hbm>>
      %dma_wait3A_675 = arith.constant 0 : i32
      %dma_wait3A_676 = arith.constant 0 : i32
      %dma_wait3A_677 = tpu.memref_slice %arg4[%add3A_670, %dma_wait3A_675, %dma_wait3A_676] : memref<4000x2x80xi32, #tpu.memory_space<hbm>> -> memref<1x2x80xi32, #tpu.memory_space<hbm>>
      %dma_wait3A_678 = tpu.memref_squeeze %dma_wait3A_677 : memref<1x2x80xi32, #tpu.memory_space<hbm>> -> memref<2x80xi32, #tpu.memory_space<hbm>>
      tpu.wait_dma2 semaphore(%arg22 : memref<!tpu.dma_semaphore, #tpu.memory_space<semaphore_mem>>) src(%dma_wait3A_678 : memref<2x80xi32, #tpu.memory_space<hbm>>) dst(%arg8 : memref<2x80xi32, #tpu.memory_space<vmem>>)
      %dma_start3A_679 = arith.constant 1 : i32
      %dma_start3A_680 = arith.constant 0 : i32
      %dma_start3A_681 = tpu.memref_slice %arg8[%dma_start3A_679, %dma_start3A_680] : memref<2x80xi32, #tpu.memory_space<vmem>> -> memref<1x80xi32, #tpu.memory_space<vmem>>
      %dma_start3A_682 = tpu.memref_squeeze %dma_start3A_681 : memref<1x80xi32, #tpu.memory_space<vmem>> -> memref<80xi32, #tpu.memory_space<vmem>>
      %dma_start3A_683 = arith.constant 0 : i32
      %dma_start3A_684 = arith.constant 0 : i32
      %dma_start3A_685 = tpu.memref_slice %arg2[%dma_start3A_683, %dma_start3A_684] : memref<10000x128xf32, #tpu.memory_space<hbm>> -> memref<10000x128xf32, #tpu.memory_space<hbm>>
      tpu.enqueue_indirect_dma source(%dma_start3A_685 : memref<10000x128xf32, #tpu.memory_space<hbm>>) target(%arg10 : memref<80x128xf32, #tpu.memory_space<vmem>>) offsets(%dma_start3A_682 : memref<80xi32, #tpu.memory_space<vmem>>) semaphore(%arg16 : memref<!tpu.dma_semaphore, #tpu.memory_space<semaphore_mem>>)
      %dma_start3A_686 = arith.constant 0 : i32
      %dma_start3A_687 = arith.constant 0 : i32
      %dma_start3A_688 = tpu.memref_slice %arg8[%dma_start3A_686, %dma_start3A_687] : memref<2x80xi32, #tpu.memory_space<vmem>> -> memref<1x80xi32, #tpu.memory_space<vmem>>
      %dma_start3A_689 = tpu.memref_squeeze %dma_start3A_688 : memref<1x80xi32, #tpu.memory_space<vmem>> -> memref<80xi32, #tpu.memory_space<vmem>>
      %dma_start3A_690 = arith.constant 0 : i32
      %dma_start3A_691 = arith.constant 0 : i32
      %dma_start3A_692 = tpu.memref_slice %arg3[%dma_start3A_690, %dma_start3A_691] : memref<10000x128xf32, #tpu.memory_space<hbm>> -> memref<10000x128xf32, #tpu.memory_space<hbm>>
      tpu.enqueue_indirect_dma source(%dma_start3A_692 : memref<10000x128xf32, #tpu.memory_space<hbm>>) target(%arg11 : memref<80x128xf32, #tpu.memory_space<vmem>>) offsets(%dma_start3A_689 : memref<80xi32, #tpu.memory_space<vmem>>) semaphore(%arg16 : memref<!tpu.dma_semaphore, #tpu.memory_space<semaphore_mem>>)
      %add3A_693 = arith.constant 4 : i32
      %add3A_694 = arith.addi %add3A_632, %add3A_693 : i32
      %mul3A_695 = arith.constant 125 : i32
      %mul3A_696 = arith.muli %add3A, %mul3A_695 : i32
      %min3A_697 = arith.constant 124 : i32
      %min3A_698 = arith.minsi %add3A_694, %min3A_697 : i32
      %add3A_699 = arith.addi %mul3A_696, %min3A_698 : i32
      %dma_start3A_700 = arith.constant 0 : i32
      %dma_start3A_701 = arith.constant 0 : i32
      %dma_start3A_702 = tpu.memref_slice %arg4[%add3A_699, %dma_start3A_700, %dma_start3A_701] : memref<4000x2x80xi32, #tpu.memory_space<hbm>> -> memref<1x2x80xi32, #tpu.memory_space<hbm>>
      %dma_start3A_703 = tpu.memref_squeeze %dma_start3A_702 : memref<1x2x80xi32, #tpu.memory_space<hbm>> -> memref<2x80xi32, #tpu.memory_space<hbm>>
      %dma_start3A_704 = arith.constant 0 : i32
      %dma_start3A_705 = arith.constant 0 : i32
      %dma_start3A_706 = tpu.memref_slice %arg4[%add3A_699, %dma_start3A_704, %dma_start3A_705] : memref<4000x2x80xi32, #tpu.memory_space<hbm>> -> memref<1x2x80xi32, #tpu.memory_space<hbm>>
      %dma_start3A_707 = tpu.memref_squeeze %dma_start3A_706 : memref<1x2x80xi32, #tpu.memory_space<hbm>> -> memref<2x80xi32, #tpu.memory_space<hbm>>
      tpu.enqueue_dma source(%dma_start3A_707 : memref<2x80xi32, #tpu.memory_space<hbm>>) target(%arg6 : memref<2x80xi32, #tpu.memory_space<vmem>>) target_semaphore(%arg20 : memref<!tpu.dma_semaphore, #tpu.memory_space<semaphore_mem>>)
      %add3A_708 = arith.constant 1 : i32
      %add3A_709 = arith.addi %mul3A_630, %add3A_708 : i32
      %dma_wait3A_710 = arith.constant 1 : i32
      %dma_wait3A_711 = arith.constant 0 : i32
      %dma_wait3A_712 = tpu.memref_slice %arg7[%dma_wait3A_710, %dma_wait3A_711] : memref<2x80xi32, #tpu.memory_space<vmem>> -> memref<1x80xi32, #tpu.memory_space<vmem>>
      %dma_wait3A_713 = tpu.memref_squeeze %dma_wait3A_712 : memref<1x80xi32, #tpu.memory_space<vmem>> -> memref<80xi32, #tpu.memory_space<vmem>>
      %dma_wait3A_714 = arith.constant 0 : i32
      %dma_wait3A_715 = arith.constant 0 : i32
      %dma_wait3A_716 = tpu.memref_slice %arg2[%dma_wait3A_714, %dma_wait3A_715] : memref<10000x128xf32, #tpu.memory_space<hbm>> -> memref<10000x128xf32, #tpu.memory_space<hbm>>
      tpu.wait_indirect_dma semaphore(%arg17 : memref<!tpu.dma_semaphore, #tpu.memory_space<semaphore_mem>>) src(%dma_wait3A_716 : memref<10000x128xf32, #tpu.memory_space<hbm>>) dst(%arg12 : memref<80x128xf32, #tpu.memory_space<vmem>>)
      %dma_wait3A_717 = arith.constant 0 : i32
      %dma_wait3A_718 = arith.constant 0 : i32
      %dma_wait3A_719 = tpu.memref_slice %arg7[%dma_wait3A_717, %dma_wait3A_718] : memref<2x80xi32, #tpu.memory_space<vmem>> -> memref<1x80xi32, #tpu.memory_space<vmem>>
      %dma_wait3A_720 = tpu.memref_squeeze %dma_wait3A_719 : memref<1x80xi32, #tpu.memory_space<vmem>> -> memref<80xi32, #tpu.memory_space<vmem>>
      %dma_wait3A_721 = arith.constant 0 : i32
      %dma_wait3A_722 = arith.constant 0 : i32
      %dma_wait3A_723 = tpu.memref_slice %arg3[%dma_wait3A_721, %dma_wait3A_722] : memref<10000x128xf32, #tpu.memory_space<hbm>> -> memref<10000x128xf32, #tpu.memory_space<hbm>>
      tpu.wait_indirect_dma semaphore(%arg17 : memref<!tpu.dma_semaphore, #tpu.memory_space<semaphore_mem>>) src(%dma_wait3A_723 : memref<10000x128xf32, #tpu.memory_space<hbm>>) dst(%arg13 : memref<80x128xf32, #tpu.memory_space<vmem>>)
      %parallel_loop3A_724 = arith.constant 0 : i32
      %parallel_loop3A_725 = arith.constant 80 : i32
      %parallel_loop3A_726 = arith.constant 1 : i32
      scf.for %parallel_loop3A_940 = %parallel_loop3A_724 to %parallel_loop3A_725 step %parallel_loop3A_726  : i32 {
        %parallel_loop3A_941 = arith.constant 0.000000e+00 : f32
        %parallel_loop3A_942 = vector.broadcast %parallel_loop3A_941 : f32 to vector<16xf32>
        %parallel_loop3A_943 = arith.constant 0.000000e+00 : f32
        %parallel_loop3A_944 = vector.broadcast %parallel_loop3A_943 : f32 to vector<16xf32>
        %parallel_loop3A_945 = arith.constant -65536 : i32
        %parallel_loop3A_946 = vector.broadcast %parallel_loop3A_945 : i32 to vector<16xi32>
        %parallel_loop3A_947 = arith.index_cast %parallel_loop3A_940 : i32 to index
        %parallel_loop3A_948 = arith.constant 0 : index
        %parallel_loop3A_949 = tpu.vector_load %arg13[%parallel_loop3A_947, %parallel_loop3A_948] {strides = array<i32>} : memref<80x128xf32, #tpu.memory_space<vmem>>, vector<1x16xf32>,
        %parallel_loop3A_950 = vector.shape_cast %parallel_loop3A_949 : vector<1x16xf32> to vector<16xf32>
        %parallel_loop3A_951 = tpu.bitcast %parallel_loop3A_950 : vector<16xf32> -> vector<16xi32>
        %parallel_loop3A_952 = arith.index_cast %parallel_loop3A_940 : i32 to index
        %parallel_loop3A_953 = arith.constant 0 : index
        %parallel_loop3A_954 = tpu.vector_load %arg12[%parallel_loop3A_952, %parallel_loop3A_953] {strides = array<i32>} : memref<80x128xf32, #tpu.memory_space<vmem>>, vector<1x16xf32>,
        %parallel_loop3A_955 = vector.shape_cast %parallel_loop3A_954 : vector<1x16xf32> to vector<16xf32>
        %parallel_loop3A_956 = arith.index_cast %parallel_loop3A_940 : i32 to index
        %parallel_loop3A_957 = arith.constant 64 : index
        %parallel_loop3A_958 = tpu.vector_load %arg12[%parallel_loop3A_956, %parallel_loop3A_957] {strides = array<i32>} : memref<80x128xf32, #tpu.memory_space<vmem>>, vector<1x16xf32>,
        %parallel_loop3A_959 = vector.shape_cast %parallel_loop3A_958 : vector<1x16xf32> to vector<16xf32>
        %parallel_loop3A_960 = arith.constant 16 : i32
        %parallel_loop3A_961 = vector.broadcast %parallel_loop3A_960 : i32 to vector<16xi32>
        %parallel_loop3A_962 = arith.shli %parallel_loop3A_951, %parallel_loop3A_961 : vector<16xi32>
        %parallel_loop3A_963 = tpu.bitcast %parallel_loop3A_962 : vector<16xi32> -> vector<16xf32>
        %parallel_loop3A_964 = arith.andi %parallel_loop3A_951, %parallel_loop3A_946 : vector<16xi32>
        %parallel_loop3A_965 = tpu.bitcast %parallel_loop3A_964 : vector<16xi32> -> vector<16xf32>
        %parallel_loop3A_966 = arith.mulf %parallel_loop3A_955, %parallel_loop3A_963 : vector<16xf32>
        %parallel_loop3A_967 = arith.addf %parallel_loop3A_942, %parallel_loop3A_966 : vector<16xf32>
        %parallel_loop3A_968 = arith.mulf %parallel_loop3A_959, %parallel_loop3A_965 : vector<16xf32>
        %parallel_loop3A_969 = arith.addf %parallel_loop3A_944, %parallel_loop3A_968 : vector<16xf32>
        %parallel_loop3A_970 = arith.index_cast %parallel_loop3A_940 : i32 to index
        %parallel_loop3A_971 = arith.constant 16 : index
        %parallel_loop3A_972 = tpu.vector_load %arg13[%parallel_loop3A_970, %parallel_loop3A_971] {strides = array<i32>} : memref<80x128xf32, #tpu.memory_space<vmem>>, vector<1x16xf32>,
        %parallel_loop3A_973 = vector.shape_cast %parallel_loop3A_972 : vector<1x16xf32> to vector<16xf32>
        %parallel_loop3A_974 = tpu.bitcast %parallel_loop3A_973 : vector<16xf32> -> vector<16xi32>
        %parallel_loop3A_975 = arith.index_cast %parallel_loop3A_940 : i32 to index
        %parallel_loop3A_976 = arith.constant 16 : index
        %parallel_loop3A_977 = tpu.vector_load %arg12[%parallel_loop3A_975, %parallel_loop3A_976] {strides = array<i32>} : memref<80x128xf32, #tpu.memory_space<vmem>>, vector<1x16xf32>,
        %parallel_loop3A_978 = vector.shape_cast %parallel_loop3A_977 : vector<1x16xf32> to vector<16xf32>
        %parallel_loop3A_979 = arith.index_cast %parallel_loop3A_940 : i32 to index
        %parallel_loop3A_980 = arith.constant 80 : index
        %parallel_loop3A_981 = tpu.vector_load %arg12[%parallel_loop3A_979, %parallel_loop3A_980] {strides = array<i32>} : memref<80x128xf32, #tpu.memory_space<vmem>>, vector<1x16xf32>,
        %parallel_loop3A_982 = vector.shape_cast %parallel_loop3A_981 : vector<1x16xf32> to vector<16xf32>
        %parallel_loop3A_983 = arith.constant 16 : i32
        %parallel_loop3A_984 = vector.broadcast %parallel_loop3A_983 : i32 to vector<16xi32>
        %parallel_loop3A_985 = arith.shli %parallel_loop3A_974, %parallel_loop3A_984 : vector<16xi32>
        %parallel_loop3A_986 = tpu.bitcast %parallel_loop3A_985 : vector<16xi32> -> vector<16xf32>
        %parallel_loop3A_987 = arith.andi %parallel_loop3A_974, %parallel_loop3A_946 : vector<16xi32>
        %parallel_loop3A_988 = tpu.bitcast %parallel_loop3A_987 : vector<16xi32> -> vector<16xf32>
        %parallel_loop3A_989 = arith.mulf %parallel_loop3A_978, %parallel_loop3A_986 : vector<16xf32>
        %parallel_loop3A_990 = arith.addf %parallel_loop3A_967, %parallel_loop3A_989 : vector<16xf32>
        %parallel_loop3A_991 = arith.mulf %parallel_loop3A_982, %parallel_loop3A_988 : vector<16xf32>
        %parallel_loop3A_992 = arith.addf %parallel_loop3A_969, %parallel_loop3A_991 : vector<16xf32>
        %parallel_loop3A_993 = arith.index_cast %parallel_loop3A_940 : i32 to index
        %parallel_loop3A_994 = arith.constant 32 : index
        %parallel_loop3A_995 = tpu.vector_load %arg13[%parallel_loop3A_993, %parallel_loop3A_994] {strides = array<i32>} : memref<80x128xf32, #tpu.memory_space<vmem>>, vector<1x16xf32>,
        %parallel_loop3A_996 = vector.shape_cast %parallel_loop3A_995 : vector<1x16xf32> to vector<16xf32>
        %parallel_loop3A_997 = tpu.bitcast %parallel_loop3A_996 : vector<16xf32> -> vector<16xi32>
        %parallel_loop3A_998 = arith.index_cast %parallel_loop3A_940 : i32 to index
        %parallel_loop3A_999 = arith.constant 32 : index
        %parallel_loop3A_1000 = tpu.vector_load %arg12[%parallel_loop3A_998, %parallel_loop3A_999] {strides = array<i32>} : memref<80x128xf32, #tpu.memory_space<vmem>>, vector<1x16xf32>,
        %parallel_loop3A_1001 = vector.shape_cast %parallel_loop3A_1000 : vector<1x16xf32> to vector<16xf32>
        %parallel_loop3A_1002 = arith.index_cast %parallel_loop3A_940 : i32 to index
        %parallel_loop3A_1003 = arith.constant 96 : index
        %parallel_loop3A_1004 = tpu.vector_load %arg12[%parallel_loop3A_1002, %parallel_loop3A_1003] {strides = array<i32>} : memref<80x128xf32, #tpu.memory_space<vmem>>, vector<1x16xf32>,
        %parallel_loop3A_1005 = vector.shape_cast %parallel_loop3A_1004 : vector<1x16xf32> to vector<16xf32>
        %parallel_loop3A_1006 = arith.constant 16 : i32
        %parallel_loop3A_1007 = vector.broadcast %parallel_loop3A_1006 : i32 to vector<16xi32>
        %parallel_loop3A_1008 = arith.shli %parallel_loop3A_997, %parallel_loop3A_1007 : vector<16xi32>
        %parallel_loop3A_1009 = tpu.bitcast %parallel_loop3A_1008 : vector<16xi32> -> vector<16xf32>
        %parallel_loop3A_1010 = arith.andi %parallel_loop3A_997, %parallel_loop3A_946 : vector<16xi32>
        %parallel_loop3A_1011 = tpu.bitcast %parallel_loop3A_1010 : vector<16xi32> -> vector<16xf32>
        %parallel_loop3A_1012 = arith.mulf %parallel_loop3A_1001, %parallel_loop3A_1009 : vector<16xf32>
        %parallel_loop3A_1013 = arith.addf %parallel_loop3A_990, %parallel_loop3A_1012 : vector<16xf32>
        %parallel_loop3A_1014 = arith.mulf %parallel_loop3A_1005, %parallel_loop3A_1011 : vector<16xf32>
        %parallel_loop3A_1015 = arith.addf %parallel_loop3A_992, %parallel_loop3A_1014 : vector<16xf32>
        %parallel_loop3A_1016 = arith.index_cast %parallel_loop3A_940 : i32 to index
        %parallel_loop3A_1017 = arith.constant 48 : index
        %parallel_loop3A_1018 = tpu.vector_load %arg13[%parallel_loop3A_1016, %parallel_loop3A_1017] {strides = array<i32>} : memref<80x128xf32, #tpu.memory_space<vmem>>, vector<1x16xf32>,
        %parallel_loop3A_1019 = vector.shape_cast %parallel_loop3A_1018 : vector<1x16xf32> to vector<16xf32>
        %parallel_loop3A_1020 = tpu.bitcast %parallel_loop3A_1019 : vector<16xf32> -> vector<16xi32>
        %parallel_loop3A_1021 = arith.index_cast %parallel_loop3A_940 : i32 to index
        %parallel_loop3A_1022 = arith.constant 48 : index
        %parallel_loop3A_1023 = tpu.vector_load %arg12[%parallel_loop3A_1021, %parallel_loop3A_1022] {strides = array<i32>} : memref<80x128xf32, #tpu.memory_space<vmem>>, vector<1x16xf32>,
        %parallel_loop3A_1024 = vector.shape_cast %parallel_loop3A_1023 : vector<1x16xf32> to vector<16xf32>
        %parallel_loop3A_1025 = arith.index_cast %parallel_loop3A_940 : i32 to index
        %parallel_loop3A_1026 = arith.constant 112 : index
        %parallel_loop3A_1027 = tpu.vector_load %arg12[%parallel_loop3A_1025, %parallel_loop3A_1026] {strides = array<i32>} : memref<80x128xf32, #tpu.memory_space<vmem>>, vector<1x16xf32>,
        %parallel_loop3A_1028 = vector.shape_cast %parallel_loop3A_1027 : vector<1x16xf32> to vector<16xf32>
        %parallel_loop3A_1029 = arith.constant 16 : i32
        %parallel_loop3A_1030 = vector.broadcast %parallel_loop3A_1029 : i32 to vector<16xi32>
        %parallel_loop3A_1031 = arith.shli %parallel_loop3A_1020, %parallel_loop3A_1030 : vector<16xi32>
        %parallel_loop3A_1032 = tpu.bitcast %parallel_loop3A_1031 : vector<16xi32> -> vector<16xf32>
        %parallel_loop3A_1033 = arith.andi %parallel_loop3A_1020, %parallel_loop3A_946 : vector<16xi32>
        %parallel_loop3A_1034 = tpu.bitcast %parallel_loop3A_1033 : vector<16xi32> -> vector<16xf32>
        %parallel_loop3A_1035 = arith.mulf %parallel_loop3A_1024, %parallel_loop3A_1032 : vector<16xf32>
        %parallel_loop3A_1036 = arith.addf %parallel_loop3A_1013, %parallel_loop3A_1035 : vector<16xf32>
        %parallel_loop3A_1037 = arith.mulf %parallel_loop3A_1028, %parallel_loop3A_1034 : vector<16xf32>
        %parallel_loop3A_1038 = arith.addf %parallel_loop3A_1015, %parallel_loop3A_1037 : vector<16xf32>
        %parallel_loop3A_1039 = arith.addf %parallel_loop3A_1036, %parallel_loop3A_1038 : vector<16xf32>
        %parallel_loop3A_1040 = vector.shape_cast %broadcast_in_dim3A_416 : vector<16x1xi32> to vector<16xi32>
        %parallel_loop3A_1041 = tpu.dynamic_gather %parallel_loop3A_1039[%parallel_loop3A_1040] in [0] : vector<16xf32>, vector<16xi32> -> vector<16xf32>
        %parallel_loop3A_1042 = arith.addf %parallel_loop3A_1039, %parallel_loop3A_1041 : vector<16xf32>
        %parallel_loop3A_1043 = vector.shape_cast %broadcast_in_dim3A_420 : vector<16x1xi32> to vector<16xi32>
        %parallel_loop3A_1044 = tpu.dynamic_gather %parallel_loop3A_1042[%parallel_loop3A_1043] in [0] : vector<16xf32>, vector<16xi32> -> vector<16xf32>
        %parallel_loop3A_1045 = arith.addf %parallel_loop3A_1042, %parallel_loop3A_1044 : vector<16xf32>
        %parallel_loop3A_1046 = vector.shape_cast %broadcast_in_dim3A_424 : vector<16x1xi32> to vector<16xi32>
        %parallel_loop3A_1047 = tpu.dynamic_gather %parallel_loop3A_1045[%parallel_loop3A_1046] in [0] : vector<16xf32>, vector<16xi32> -> vector<16xf32>
        %parallel_loop3A_1048 = arith.addf %parallel_loop3A_1045, %parallel_loop3A_1047 : vector<16xf32>
        %parallel_loop3A_1049 = vector.shape_cast %broadcast_in_dim3A_428 : vector<16x1xi32> to vector<16xi32>
        %parallel_loop3A_1050 = tpu.dynamic_gather %parallel_loop3A_1048[%parallel_loop3A_1049] in [0] : vector<16xf32>, vector<16xi32> -> vector<16xf32>
        %parallel_loop3A_1051 = arith.addf %parallel_loop3A_1048, %parallel_loop3A_1050 : vector<16xf32>
        %parallel_loop3A_1052 = arith.constant -0.176776692 : f32
        %parallel_loop3A_1053 = vector.broadcast %parallel_loop3A_1052 : f32 to vector<16xf32>
        %parallel_loop3A_1054 = arith.mulf %parallel_loop3A_1051, %parallel_loop3A_1053 : vector<16xf32>
        %parallel_loop3A_1055 = math.exp %parallel_loop3A_1054 : vector<16xf32>
        %parallel_loop3A_1056 = arith.constant 1.000000e+00 : f32
        %parallel_loop3A_1057 = vector.broadcast %parallel_loop3A_1056 : f32 to vector<16xf32>
        %parallel_loop3A_1058 = arith.addf %parallel_loop3A_1057, %parallel_loop3A_1055 : vector<16xf32>
        %parallel_loop3A_1059 = arith.constant 1.000000e+00 : f32
        %parallel_loop3A_1060 = vector.broadcast %parallel_loop3A_1059 : f32 to vector<16xf32>
        %parallel_loop3A_1061 = arith.divf %parallel_loop3A_1060, %parallel_loop3A_1058 : vector<16xf32>
        %parallel_loop3A_1062 = arith.index_cast %parallel_loop3A_940 : i32 to index
        %parallel_loop3A_1063 = arith.constant 64 : index
        %parallel_loop3A_1064 = tpu.vector_load %arg13[%parallel_loop3A_1062, %parallel_loop3A_1063] {strides = array<i32>} : memref<80x128xf32, #tpu.memory_space<vmem>>, vector<1x16xf32>,
        %parallel_loop3A_1065 = vector.shape_cast %parallel_loop3A_1064 : vector<1x16xf32> to vector<16xf32>
        %parallel_loop3A_1066 = tpu.bitcast %parallel_loop3A_1065 : vector<16xf32> -> vector<16xi32>
        %parallel_loop3A_1067 = arith.constant 16 : i32
        %parallel_loop3A_1068 = vector.broadcast %parallel_loop3A_1067 : i32 to vector<16xi32>
        %parallel_loop3A_1069 = arith.shli %parallel_loop3A_1066, %parallel_loop3A_1068 : vector<16xi32>
        %parallel_loop3A_1070 = tpu.bitcast %parallel_loop3A_1069 : vector<16xi32> -> vector<16xf32>
        %parallel_loop3A_1071 = arith.andi %parallel_loop3A_1066, %parallel_loop3A_946 : vector<16xi32>
        %parallel_loop3A_1072 = tpu.bitcast %parallel_loop3A_1071 : vector<16xi32> -> vector<16xf32>
        %parallel_loop3A_1073 = arith.mulf %parallel_loop3A_1070, %parallel_loop3A_1061 : vector<16xf32>
        %parallel_loop3A_1074 = arith.index_cast %parallel_loop3A_940 : i32 to index
        %parallel_loop3A_1075 = arith.constant 0 : index
        %parallel_loop3A_1076 = tpu.vector_load %arg13[%parallel_loop3A_1074, %parallel_loop3A_1075] {strides = array<i32>} : memref<80x128xf32, #tpu.memory_space<vmem>>, vector<1x16xf32>,
        %parallel_loop3A_1077 = vector.shape_cast %parallel_loop3A_1076 : vector<1x16xf32> to vector<16xf32>
        %parallel_loop3A_1078 = vector.shape_cast %parallel_loop3A_1073 : vector<16xf32> to vector<1x16xf32>
        tpu.vector_store %arg13[%parallel_loop3A_1074, %parallel_loop3A_1075], %parallel_loop3A_1078 {strides = array<i32>} : memref<80x128xf32, #tpu.memory_space<vmem>>, vector<1x16xf32>,
        %parallel_loop3A_1079 = arith.mulf %parallel_loop3A_1072, %parallel_loop3A_1061 : vector<16xf32>
        %parallel_loop3A_1080 = arith.index_cast %parallel_loop3A_940 : i32 to index
        %parallel_loop3A_1081 = arith.constant 64 : index
        %parallel_loop3A_1082 = tpu.vector_load %arg13[%parallel_loop3A_1080, %parallel_loop3A_1081] {strides = array<i32>} : memref<80x128xf32, #tpu.memory_space<vmem>>, vector<1x16xf32>,
        %parallel_loop3A_1083 = vector.shape_cast %parallel_loop3A_1082 : vector<1x16xf32> to vector<16xf32>
        %parallel_loop3A_1084 = vector.shape_cast %parallel_loop3A_1079 : vector<16xf32> to vector<1x16xf32>
        tpu.vector_store %arg13[%parallel_loop3A_1080, %parallel_loop3A_1081], %parallel_loop3A_1084 {strides = array<i32>} : memref<80x128xf32, #tpu.memory_space<vmem>>, vector<1x16xf32>,
        %parallel_loop3A_1085 = arith.index_cast %parallel_loop3A_940 : i32 to index
        %parallel_loop3A_1086 = arith.constant 80 : index
        %parallel_loop3A_1087 = tpu.vector_load %arg13[%parallel_loop3A_1085, %parallel_loop3A_1086] {strides = array<i32>} : memref<80x128xf32, #tpu.memory_space<vmem>>, vector<1x16xf32>,
        %parallel_loop3A_1088 = vector.shape_cast %parallel_loop3A_1087 : vector<1x16xf32> to vector<16xf32>
        %parallel_loop3A_1089 = tpu.bitcast %parallel_loop3A_1088 : vector<16xf32> -> vector<16xi32>
        %parallel_loop3A_1090 = arith.constant 16 : i32
        %parallel_loop3A_1091 = vector.broadcast %parallel_loop3A_1090 : i32 to vector<16xi32>
        %parallel_loop3A_1092 = arith.shli %parallel_loop3A_1089, %parallel_loop3A_1091 : vector<16xi32>
        %parallel_loop3A_1093 = tpu.bitcast %parallel_loop3A_1092 : vector<16xi32> -> vector<16xf32>
        %parallel_loop3A_1094 = arith.andi %parallel_loop3A_1089, %parallel_loop3A_946 : vector<16xi32>
        %parallel_loop3A_1095 = tpu.bitcast %parallel_loop3A_1094 : vector<16xi32> -> vector<16xf32>
        %parallel_loop3A_1096 = arith.mulf %parallel_loop3A_1093, %parallel_loop3A_1061 : vector<16xf32>
        %parallel_loop3A_1097 = arith.index_cast %parallel_loop3A_940 : i32 to index
        %parallel_loop3A_1098 = arith.constant 16 : index
        %parallel_loop3A_1099 = tpu.vector_load %arg13[%parallel_loop3A_1097, %parallel_loop3A_1098] {strides = array<i32>} : memref<80x128xf32, #tpu.memory_space<vmem>>, vector<1x16xf32>,
        %parallel_loop3A_1100 = vector.shape_cast %parallel_loop3A_1099 : vector<1x16xf32> to vector<16xf32>
        %parallel_loop3A_1101 = vector.shape_cast %parallel_loop3A_1096 : vector<16xf32> to vector<1x16xf32>
        tpu.vector_store %arg13[%parallel_loop3A_1097, %parallel_loop3A_1098], %parallel_loop3A_1101 {strides = array<i32>} : memref<80x128xf32, #tpu.memory_space<vmem>>, vector<1x16xf32>,
        %parallel_loop3A_1102 = arith.mulf %parallel_loop3A_1095, %parallel_loop3A_1061 : vector<16xf32>
        %parallel_loop3A_1103 = arith.index_cast %parallel_loop3A_940 : i32 to index
        %parallel_loop3A_1104 = arith.constant 80 : index
        %parallel_loop3A_1105 = tpu.vector_load %arg13[%parallel_loop3A_1103, %parallel_loop3A_1104] {strides = array<i32>} : memref<80x128xf32, #tpu.memory_space<vmem>>, vector<1x16xf32>,
        %parallel_loop3A_1106 = vector.shape_cast %parallel_loop3A_1105 : vector<1x16xf32> to vector<16xf32>
        %parallel_loop3A_1107 = vector.shape_cast %parallel_loop3A_1102 : vector<16xf32> to vector<1x16xf32>
        tpu.vector_store %arg13[%parallel_loop3A_1103, %parallel_loop3A_1104], %parallel_loop3A_1107 {strides = array<i32>} : memref<80x128xf32, #tpu.memory_space<vmem>>, vector<1x16xf32>,
        %parallel_loop3A_1108 = arith.index_cast %parallel_loop3A_940 : i32 to index
        %parallel_loop3A_1109 = arith.constant 96 : index
        %parallel_loop3A_1110 = tpu.vector_load %arg13[%parallel_loop3A_1108, %parallel_loop3A_1109] {strides = array<i32>} : memref<80x128xf32, #tpu.memory_space<vmem>>, vector<1x16xf32>,
        %parallel_loop3A_1111 = vector.shape_cast %parallel_loop3A_1110 : vector<1x16xf32> to vector<16xf32>
        %parallel_loop3A_1112 = tpu.bitcast %parallel_loop3A_1111 : vector<16xf32> -> vector<16xi32>
        %parallel_loop3A_1113 = arith.constant 16 : i32
        %parallel_loop3A_1114 = vector.broadcast %parallel_loop3A_1113 : i32 to vector<16xi32>
        %parallel_loop3A_1115 = arith.shli %parallel_loop3A_1112, %parallel_loop3A_1114 : vector<16xi32>
        %parallel_loop3A_1116 = tpu.bitcast %parallel_loop3A_1115 : vector<16xi32> -> vector<16xf32>
        %parallel_loop3A_1117 = arith.andi %parallel_loop3A_1112, %parallel_loop3A_946 : vector<16xi32>
        %parallel_loop3A_1118 = tpu.bitcast %parallel_loop3A_1117 : vector<16xi32> -> vector<16xf32>
        %parallel_loop3A_1119 = arith.mulf %parallel_loop3A_1116, %parallel_loop3A_1061 : vector<16xf32>
        %parallel_loop3A_1120 = arith.index_cast %parallel_loop3A_940 : i32 to index
        %parallel_loop3A_1121 = arith.constant 32 : index
        %parallel_loop3A_1122 = tpu.vector_load %arg13[%parallel_loop3A_1120, %parallel_loop3A_1121] {strides = array<i32>} : memref<80x128xf32, #tpu.memory_space<vmem>>, vector<1x16xf32>,
        %parallel_loop3A_1123 = vector.shape_cast %parallel_loop3A_1122 : vector<1x16xf32> to vector<16xf32>
        %parallel_loop3A_1124 = vector.shape_cast %parallel_loop3A_1119 : vector<16xf32> to vector<1x16xf32>
        tpu.vector_store %arg13[%parallel_loop3A_1120, %parallel_loop3A_1121], %parallel_loop3A_1124 {strides = array<i32>} : memref<80x128xf32, #tpu.memory_space<vmem>>, vector<1x16xf32>,
        %parallel_loop3A_1125 = arith.mulf %parallel_loop3A_1118, %parallel_loop3A_1061 : vector<16xf32>
        %parallel_loop3A_1126 = arith.index_cast %parallel_loop3A_940 : i32 to index
        %parallel_loop3A_1127 = arith.constant 96 : index
        %parallel_loop3A_1128 = tpu.vector_load %arg13[%parallel_loop3A_1126, %parallel_loop3A_1127] {strides = array<i32>} : memref<80x128xf32, #tpu.memory_space<vmem>>, vector<1x16xf32>,
        %parallel_loop3A_1129 = vector.shape_cast %parallel_loop3A_1128 : vector<1x16xf32> to vector<16xf32>
        %parallel_loop3A_1130 = vector.shape_cast %parallel_loop3A_1125 : vector<16xf32> to vector<1x16xf32>
        tpu.vector_store %arg13[%parallel_loop3A_1126, %parallel_loop3A_1127], %parallel_loop3A_1130 {strides = array<i32>} : memref<80x128xf32, #tpu.memory_space<vmem>>, vector<1x16xf32>,
        %parallel_loop3A_1131 = arith.index_cast %parallel_loop3A_940 : i32 to index
        %parallel_loop3A_1132 = arith.constant 112 : index
        %parallel_loop3A_1133 = tpu.vector_load %arg13[%parallel_loop3A_1131, %parallel_loop3A_1132] {strides = array<i32>} : memref<80x128xf32, #tpu.memory_space<vmem>>, vector<1x16xf32>,
        %parallel_loop3A_1134 = vector.shape_cast %parallel_loop3A_1133 : vector<1x16xf32> to vector<16xf32>
        %parallel_loop3A_1135 = tpu.bitcast %parallel_loop3A_1134 : vector<16xf32> -> vector<16xi32>
        %parallel_loop3A_1136 = arith.constant 16 : i32
        %parallel_loop3A_1137 = vector.broadcast %parallel_loop3A_1136 : i32 to vector<16xi32>
        %parallel_loop3A_1138 = arith.shli %parallel_loop3A_1135, %parallel_loop3A_1137 : vector<16xi32>
        %parallel_loop3A_1139 = tpu.bitcast %parallel_loop3A_1138 : vector<16xi32> -> vector<16xf32>
        %parallel_loop3A_1140 = arith.andi %parallel_loop3A_1135, %parallel_loop3A_946 : vector<16xi32>
        %parallel_loop3A_1141 = tpu.bitcast %parallel_loop3A_1140 : vector<16xi32> -> vector<16xf32>
        %parallel_loop3A_1142 = arith.mulf %parallel_loop3A_1139, %parallel_loop3A_1061 : vector<16xf32>
        %parallel_loop3A_1143 = arith.index_cast %parallel_loop3A_940 : i32 to index
        %parallel_loop3A_1144 = arith.constant 48 : index
        %parallel_loop3A_1145 = tpu.vector_load %arg13[%parallel_loop3A_1143, %parallel_loop3A_1144] {strides = array<i32>} : memref<80x128xf32, #tpu.memory_space<vmem>>, vector<1x16xf32>,
        %parallel_loop3A_1146 = vector.shape_cast %parallel_loop3A_1145 : vector<1x16xf32> to vector<16xf32>
        %parallel_loop3A_1147 = vector.shape_cast %parallel_loop3A_1142 : vector<16xf32> to vector<1x16xf32>
        tpu.vector_store %arg13[%parallel_loop3A_1143, %parallel_loop3A_1144], %parallel_loop3A_1147 {strides = array<i32>} : memref<80x128xf32, #tpu.memory_space<vmem>>, vector<1x16xf32>,
        %parallel_loop3A_1148 = arith.mulf %parallel_loop3A_1141, %parallel_loop3A_1061 : vector<16xf32>
        %parallel_loop3A_1149 = arith.index_cast %parallel_loop3A_940 : i32 to index
        %parallel_loop3A_1150 = arith.constant 112 : index
        %parallel_loop3A_1151 = tpu.vector_load %arg13[%parallel_loop3A_1149, %parallel_loop3A_1150] {strides = array<i32>} : memref<80x128xf32, #tpu.memory_space<vmem>>, vector<1x16xf32>,
        %parallel_loop3A_1152 = vector.shape_cast %parallel_loop3A_1151 : vector<1x16xf32> to vector<16xf32>
        %parallel_loop3A_1153 = vector.shape_cast %parallel_loop3A_1148 : vector<16xf32> to vector<1x16xf32>
        tpu.vector_store %arg13[%parallel_loop3A_1149, %parallel_loop3A_1150], %parallel_loop3A_1153 {strides = array<i32>} : memref<80x128xf32, #tpu.memory_space<vmem>>, vector<1x16xf32>,
      } {sc.loop_unroll_factor = 2 : i64, sc.parallel_access}
      %dma_start3A_727 = arith.constant 1 : i32
      %dma_start3A_728 = arith.constant 0 : i32
      %dma_start3A_729 = tpu.memref_slice %arg7[%dma_start3A_727, %dma_start3A_728] : memref<2x80xi32, #tpu.memory_space<vmem>> -> memref<1x80xi32, #tpu.memory_space<vmem>>
      %dma_start3A_730 = tpu.memref_squeeze %dma_start3A_729 : memref<1x80xi32, #tpu.memory_space<vmem>> -> memref<80xi32, #tpu.memory_space<vmem>>
      %dma_start3A_731 = arith.constant 0 : i32
      %dma_start3A_732 = arith.constant 0 : i32
      %dma_start3A_733 = tpu.memref_slice %arg15[%dma_start3A_731, %dma_start3A_732] : memref<10000x128xf32, #tpu.memory_space<vmem_shared>> -> memref<10000x128xf32, #tpu.memory_space<vmem_shared>>
      tpu.enqueue_indirect_dma source(%arg13 : memref<80x128xf32, #tpu.memory_space<vmem>>) target(%dma_start3A_733 : memref<10000x128xf32, #tpu.memory_space<vmem_shared>>) offsets(%dma_start3A_730 : memref<80xi32, #tpu.memory_space<vmem>>) semaphore(%arg19 : memref<!tpu.dma_semaphore, #tpu.memory_space<semaphore_mem>>) {add = true}
      %dma_wait3A_734 = arith.constant 1 : i32
      %dma_wait3A_735 = arith.constant 0 : i32
      %dma_wait3A_736 = tpu.memref_slice %arg7[%dma_wait3A_734, %dma_wait3A_735] : memref<2x80xi32, #tpu.memory_space<vmem>> -> memref<1x80xi32, #tpu.memory_space<vmem>>
      %dma_wait3A_737 = tpu.memref_squeeze %dma_wait3A_736 : memref<1x80xi32, #tpu.memory_space<vmem>> -> memref<80xi32, #tpu.memory_space<vmem>>
      %dma_wait3A_738 = arith.constant 0 : i32
      %dma_wait3A_739 = arith.constant 0 : i32
      %dma_wait3A_740 = tpu.memref_slice %arg15[%dma_wait3A_738, %dma_wait3A_739] : memref<10000x128xf32, #tpu.memory_space<vmem_shared>> -> memref<10000x128xf32, #tpu.memory_space<vmem_shared>>
      tpu.wait_indirect_dma semaphore(%arg19 : memref<!tpu.dma_semaphore, #tpu.memory_space<semaphore_mem>>) src(%arg13 : memref<80x128xf32, #tpu.memory_space<vmem>>) dst(%dma_wait3A_740 : memref<10000x128xf32, #tpu.memory_space<vmem_shared>>)
      %add3A_741 = arith.constant 2 : i32
      %add3A_742 = arith.addi %add3A_709, %add3A_741 : i32
      %mul3A_743 = arith.constant 125 : i32
      %mul3A_744 = arith.muli %add3A, %mul3A_743 : i32
      %min3A_745 = arith.constant 124 : i32
      %min3A_746 = arith.minsi %add3A_742, %min3A_745 : i32
      %add3A_747 = arith.addi %mul3A_744, %min3A_746 : i32
      %dma_wait3A_748 = arith.constant 0 : i32
      %dma_wait3A_749 = arith.constant 0 : i32
      %dma_wait3A_750 = tpu.memref_slice %arg4[%add3A_747, %dma_wait3A_748, %dma_wait3A_749] : memref<4000x2x80xi32, #tpu.memory_space<hbm>> -> memref<1x2x80xi32, #tpu.memory_space<hbm>>
      %dma_wait3A_751 = tpu.memref_squeeze %dma_wait3A_750 : memref<1x2x80xi32, #tpu.memory_space<hbm>> -> memref<2x80xi32, #tpu.memory_space<hbm>>
      %dma_wait3A_752 = arith.constant 0 : i32
      %dma_wait3A_753 = arith.constant 0 : i32
      %dma_wait3A_754 = tpu.memref_slice %arg4[%add3A_747, %dma_wait3A_752, %dma_wait3A_753] : memref<4000x2x80xi32, #tpu.memory_space<hbm>> -> memref<1x2x80xi32, #tpu.memory_space<hbm>>
      %dma_wait3A_755 = tpu.memref_squeeze %dma_wait3A_754 : memref<1x2x80xi32, #tpu.memory_space<hbm>> -> memref<2x80xi32, #tpu.memory_space<hbm>>
      tpu.wait_dma2 semaphore(%arg23 : memref<!tpu.dma_semaphore, #tpu.memory_space<semaphore_mem>>) src(%dma_wait3A_755 : memref<2x80xi32, #tpu.memory_space<hbm>>) dst(%arg9 : memref<2x80xi32, #tpu.memory_space<vmem>>)
      %dma_start3A_756 = arith.constant 1 : i32
      %dma_start3A_757 = arith.constant 0 : i32
      %dma_start3A_758 = tpu.memref_slice %arg9[%dma_start3A_756, %dma_start3A_757] : memref<2x80xi32, #tpu.memory_space<vmem>> -> memref<1x80xi32, #tpu.memory_space<vmem>>
      %dma_start3A_759 = tpu.memref_squeeze %dma_start3A_758 : memref<1x80xi32, #tpu.memory_space<vmem>> -> memref<80xi32, #tpu.memory_space<vmem>>
      %dma_start3A_760 = arith.constant 0 : i32
      %dma_start3A_761 = arith.constant 0 : i32
      %dma_start3A_762 = tpu.memref_slice %arg2[%dma_start3A_760, %dma_start3A_761] : memref<10000x128xf32, #tpu.memory_space<hbm>> -> memref<10000x128xf32, #tpu.memory_space<hbm>>
      tpu.enqueue_indirect_dma source(%dma_start3A_762 : memref<10000x128xf32, #tpu.memory_space<hbm>>) target(%arg12 : memref<80x128xf32, #tpu.memory_space<vmem>>) offsets(%dma_start3A_759 : memref<80xi32, #tpu.memory_space<vmem>>) semaphore(%arg17 : memref<!tpu.dma_semaphore, #tpu.memory_space<semaphore_mem>>)
      %dma_start3A_763 = arith.constant 0 : i32
      %dma_start3A_764 = arith.constant 0 : i32
      %dma_start3A_765 = tpu.memref_slice %arg9[%dma_start3A_763, %dma_start3A_764] : memref<2x80xi32, #tpu.memory_space<vmem>> -> memref<1x80xi32, #tpu.memory_space<vmem>>
      %dma_start3A_766 = tpu.memref_squeeze %dma_start3A_765 : memref<1x80xi32, #tpu.memory_space<vmem>> -> memref<80xi32, #tpu.memory_space<vmem>>
      %dma_start3A_767 = arith.constant 0 : i32
      %dma_start3A_768 = arith.constant 0 : i32
      %dma_start3A_769 = tpu.memref_slice %arg3[%dma_start3A_767, %dma_start3A_768] : memref<10000x128xf32, #tpu.memory_space<hbm>> -> memref<10000x128xf32, #tpu.memory_space<hbm>>
      tpu.enqueue_indirect_dma source(%dma_start3A_769 : memref<10000x128xf32, #tpu.memory_space<hbm>>) target(%arg13 : memref<80x128xf32, #tpu.memory_space<vmem>>) offsets(%dma_start3A_766 : memref<80xi32, #tpu.memory_space<vmem>>) semaphore(%arg17 : memref<!tpu.dma_semaphore, #tpu.memory_space<semaphore_mem>>)
      %add3A_770 = arith.constant 4 : i32
      %add3A_771 = arith.addi %add3A_709, %add3A_770 : i32
      %mul3A_772 = arith.constant 125 : i32
      %mul3A_773 = arith.muli %add3A, %mul3A_772 : i32
      %min3A_774 = arith.constant 124 : i32
      %min3A_775 = arith.minsi %add3A_771, %min3A_774 : i32
      %add3A_776 = arith.addi %mul3A_773, %min3A_775 : i32
      %dma_start3A_777 = arith.constant 0 : i32
      %dma_start3A_778 = arith.constant 0 : i32
      %dma_start3A_779 = tpu.memref_slice %arg4[%add3A_776, %dma_start3A_777, %dma_start3A_778] : memref<4000x2x80xi32, #tpu.memory_space<hbm>> -> memref<1x2x80xi32, #tpu.memory_space<hbm>>
      %dma_start3A_780 = tpu.memref_squeeze %dma_start3A_779 : memref<1x2x80xi32, #tpu.memory_space<hbm>> -> memref<2x80xi32, #tpu.memory_space<hbm>>
      %dma_start3A_781 = arith.constant 0 : i32
      %dma_start3A_782 = arith.constant 0 : i32
      %dma_start3A_783 = tpu.memref_slice %arg4[%add3A_776, %dma_start3A_781, %dma_start3A_782] : memref<4000x2x80xi32, #tpu.memory_space<hbm>> -> memref<1x2x80xi32, #tpu.memory_space<hbm>>
      %dma_start3A_784 = tpu.memref_squeeze %dma_start3A_783 : memref<1x2x80xi32, #tpu.memory_space<hbm>> -> memref<2x80xi32, #tpu.memory_space<hbm>>
      tpu.enqueue_dma source(%dma_start3A_784 : memref<2x80xi32, #tpu.memory_space<hbm>>) target(%arg7 : memref<2x80xi32, #tpu.memory_space<vmem>>) target_semaphore(%arg21 : memref<!tpu.dma_semaphore, #tpu.memory_space<semaphore_mem>>)
      %add3A_785 = arith.constant 2 : i32
      %add3A_786 = arith.addi %mul3A_630, %add3A_785 : i32
      %dma_wait3A_787 = arith.constant 1 : i32
      %dma_wait3A_788 = arith.constant 0 : i32
      %dma_wait3A_789 = tpu.memref_slice %arg8[%dma_wait3A_787, %dma_wait3A_788] : memref<2x80xi32, #tpu.memory_space<vmem>> -> memref<1x80xi32, #tpu.memory_space<vmem>>
      %dma_wait3A_790 = tpu.memref_squeeze %dma_wait3A_789 : memref<1x80xi32, #tpu.memory_space<vmem>> -> memref<80xi32, #tpu.memory_space<vmem>>
      %dma_wait3A_791 = arith.constant 0 : i32
      %dma_wait3A_792 = arith.constant 0 : i32
      %dma_wait3A_793 = tpu.memref_slice %arg2[%dma_wait3A_791, %dma_wait3A_792] : memref<10000x128xf32, #tpu.memory_space<hbm>> -> memref<10000x128xf32, #tpu.memory_space<hbm>>
      tpu.wait_indirect_dma semaphore(%arg16 : memref<!tpu.dma_semaphore, #tpu.memory_space<semaphore_mem>>) src(%dma_wait3A_793 : memref<10000x128xf32, #tpu.memory_space<hbm>>) dst(%arg10 : memref<80x128xf32, #tpu.memory_space<vmem>>)
      %dma_wait3A_794 = arith.constant 0 : i32
      %dma_wait3A_795 = arith.constant 0 : i32
      %dma_wait3A_796 = tpu.memref_slice %arg8[%dma_wait3A_794, %dma_wait3A_795] : memref<2x80xi32, #tpu.memory_space<vmem>> -> memref<1x80xi32, #tpu.memory_space<vmem>>
      %dma_wait3A_797 = tpu.memref_squeeze %dma_wait3A_796 : memref<1x80xi32, #tpu.memory_space<vmem>> -> memref<80xi32, #tpu.memory_space<vmem>>
      %dma_wait3A_798 = arith.constant 0 : i32
      %dma_wait3A_799 = arith.constant 0 : i32
      %dma_wait3A_800 = tpu.memref_slice %arg3[%dma_wait3A_798, %dma_wait3A_799] : memref<10000x128xf32, #tpu.memory_space<hbm>> -> memref<10000x128xf32, #tpu.memory_space<hbm>>
      tpu.wait_indirect_dma semaphore(%arg16 : memref<!tpu.dma_semaphore, #tpu.memory_space<semaphore_mem>>) src(%dma_wait3A_800 : memref<10000x128xf32, #tpu.memory_space<hbm>>) dst(%arg11 : memref<80x128xf32, #tpu.memory_space<vmem>>)
      %parallel_loop3A_801 = arith.constant 0 : i32
      %parallel_loop3A_802 = arith.constant 80 : i32
      %parallel_loop3A_803 = arith.constant 1 : i32
      scf.for %parallel_loop3A_940 = %parallel_loop3A_801 to %parallel_loop3A_802 step %parallel_loop3A_803  : i32 {
        %parallel_loop3A_941 = arith.constant 0.000000e+00 : f32
        %parallel_loop3A_942 = vector.broadcast %parallel_loop3A_941 : f32 to vector<16xf32>
        %parallel_loop3A_943 = arith.constant 0.000000e+00 : f32
        %parallel_loop3A_944 = vector.broadcast %parallel_loop3A_943 : f32 to vector<16xf32>
        %parallel_loop3A_945 = arith.constant -65536 : i32
        %parallel_loop3A_946 = vector.broadcast %parallel_loop3A_945 : i32 to vector<16xi32>
        %parallel_loop3A_947 = arith.index_cast %parallel_loop3A_940 : i32 to index
        %parallel_loop3A_948 = arith.constant 0 : index
        %parallel_loop3A_949 = tpu.vector_load %arg11[%parallel_loop3A_947, %parallel_loop3A_948] {strides = array<i32>} : memref<80x128xf32, #tpu.memory_space<vmem>>, vector<1x16xf32>,
        %parallel_loop3A_950 = vector.shape_cast %parallel_loop3A_949 : vector<1x16xf32> to vector<16xf32>
        %parallel_loop3A_951 = tpu.bitcast %parallel_loop3A_950 : vector<16xf32> -> vector<16xi32>
        %parallel_loop3A_952 = arith.index_cast %parallel_loop3A_940 : i32 to index
        %parallel_loop3A_953 = arith.constant 0 : index
        %parallel_loop3A_954 = tpu.vector_load %arg10[%parallel_loop3A_952, %parallel_loop3A_953] {strides = array<i32>} : memref<80x128xf32, #tpu.memory_space<vmem>>, vector<1x16xf32>,
        %parallel_loop3A_955 = vector.shape_cast %parallel_loop3A_954 : vector<1x16xf32> to vector<16xf32>
        %parallel_loop3A_956 = arith.index_cast %parallel_loop3A_940 : i32 to index
        %parallel_loop3A_957 = arith.constant 64 : index
        %parallel_loop3A_958 = tpu.vector_load %arg10[%parallel_loop3A_956, %parallel_loop3A_957] {strides = array<i32>} : memref<80x128xf32, #tpu.memory_space<vmem>>, vector<1x16xf32>,
        %parallel_loop3A_959 = vector.shape_cast %parallel_loop3A_958 : vector<1x16xf32> to vector<16xf32>
        %parallel_loop3A_960 = arith.constant 16 : i32
        %parallel_loop3A_961 = vector.broadcast %parallel_loop3A_960 : i32 to vector<16xi32>
        %parallel_loop3A_962 = arith.shli %parallel_loop3A_951, %parallel_loop3A_961 : vector<16xi32>
        %parallel_loop3A_963 = tpu.bitcast %parallel_loop3A_962 : vector<16xi32> -> vector<16xf32>
        %parallel_loop3A_964 = arith.andi %parallel_loop3A_951, %parallel_loop3A_946 : vector<16xi32>
        %parallel_loop3A_965 = tpu.bitcast %parallel_loop3A_964 : vector<16xi32> -> vector<16xf32>
        %parallel_loop3A_966 = arith.mulf %parallel_loop3A_955, %parallel_loop3A_963 : vector<16xf32>
        %parallel_loop3A_967 = arith.addf %parallel_loop3A_942, %parallel_loop3A_966 : vector<16xf32>
        %parallel_loop3A_968 = arith.mulf %parallel_loop3A_959, %parallel_loop3A_965 : vector<16xf32>
        %parallel_loop3A_969 = arith.addf %parallel_loop3A_944, %parallel_loop3A_968 : vector<16xf32>
        %parallel_loop3A_970 = arith.index_cast %parallel_loop3A_940 : i32 to index
        %parallel_loop3A_971 = arith.constant 16 : index
        %parallel_loop3A_972 = tpu.vector_load %arg11[%parallel_loop3A_970, %parallel_loop3A_971] {strides = array<i32>} : memref<80x128xf32, #tpu.memory_space<vmem>>, vector<1x16xf32>,
        %parallel_loop3A_973 = vector.shape_cast %parallel_loop3A_972 : vector<1x16xf32> to vector<16xf32>
        %parallel_loop3A_974 = tpu.bitcast %parallel_loop3A_973 : vector<16xf32> -> vector<16xi32>
        %parallel_loop3A_975 = arith.index_cast %parallel_loop3A_940 : i32 to index
        %parallel_loop3A_976 = arith.constant 16 : index
        %parallel_loop3A_977 = tpu.vector_load %arg10[%parallel_loop3A_975, %parallel_loop3A_976] {strides = array<i32>} : memref<80x128xf32, #tpu.memory_space<vmem>>, vector<1x16xf32>,
        %parallel_loop3A_978 = vector.shape_cast %parallel_loop3A_977 : vector<1x16xf32> to vector<16xf32>
        %parallel_loop3A_979 = arith.index_cast %parallel_loop3A_940 : i32 to index
        %parallel_loop3A_980 = arith.constant 80 : index
        %parallel_loop3A_981 = tpu.vector_load %arg10[%parallel_loop3A_979, %parallel_loop3A_980] {strides = array<i32>} : memref<80x128xf32, #tpu.memory_space<vmem>>, vector<1x16xf32>,
        %parallel_loop3A_982 = vector.shape_cast %parallel_loop3A_981 : vector<1x16xf32> to vector<16xf32>
        %parallel_loop3A_983 = arith.constant 16 : i32
        %parallel_loop3A_984 = vector.broadcast %parallel_loop3A_983 : i32 to vector<16xi32>
        %parallel_loop3A_985 = arith.shli %parallel_loop3A_974, %parallel_loop3A_984 : vector<16xi32>
        %parallel_loop3A_986 = tpu.bitcast %parallel_loop3A_985 : vector<16xi32> -> vector<16xf32>
        %parallel_loop3A_987 = arith.andi %parallel_loop3A_974, %parallel_loop3A_946 : vector<16xi32>
        %parallel_loop3A_988 = tpu.bitcast %parallel_loop3A_987 : vector<16xi32> -> vector<16xf32>
        %parallel_loop3A_989 = arith.mulf %parallel_loop3A_978, %parallel_loop3A_986 : vector<16xf32>
        %parallel_loop3A_990 = arith.addf %parallel_loop3A_967, %parallel_loop3A_989 : vector<16xf32>
        %parallel_loop3A_991 = arith.mulf %parallel_loop3A_982, %parallel_loop3A_988 : vector<16xf32>
        %parallel_loop3A_992 = arith.addf %parallel_loop3A_969, %parallel_loop3A_991 : vector<16xf32>
        %parallel_loop3A_993 = arith.index_cast %parallel_loop3A_940 : i32 to index
        %parallel_loop3A_994 = arith.constant 32 : index
        %parallel_loop3A_995 = tpu.vector_load %arg11[%parallel_loop3A_993, %parallel_loop3A_994] {strides = array<i32>} : memref<80x128xf32, #tpu.memory_space<vmem>>, vector<1x16xf32>,
        %parallel_loop3A_996 = vector.shape_cast %parallel_loop3A_995 : vector<1x16xf32> to vector<16xf32>
        %parallel_loop3A_997 = tpu.bitcast %parallel_loop3A_996 : vector<16xf32> -> vector<16xi32>
        %parallel_loop3A_998 = arith.index_cast %parallel_loop3A_940 : i32 to index
        %parallel_loop3A_999 = arith.constant 32 : index
        %parallel_loop3A_1000 = tpu.vector_load %arg10[%parallel_loop3A_998, %parallel_loop3A_999] {strides = array<i32>} : memref<80x128xf32, #tpu.memory_space<vmem>>, vector<1x16xf32>,
        %parallel_loop3A_1001 = vector.shape_cast %parallel_loop3A_1000 : vector<1x16xf32> to vector<16xf32>
        %parallel_loop3A_1002 = arith.index_cast %parallel_loop3A_940 : i32 to index
        %parallel_loop3A_1003 = arith.constant 96 : index
        %parallel_loop3A_1004 = tpu.vector_load %arg10[%parallel_loop3A_1002, %parallel_loop3A_1003] {strides = array<i32>} : memref<80x128xf32, #tpu.memory_space<vmem>>, vector<1x16xf32>,
        %parallel_loop3A_1005 = vector.shape_cast %parallel_loop3A_1004 : vector<1x16xf32> to vector<16xf32>
        %parallel_loop3A_1006 = arith.constant 16 : i32
        %parallel_loop3A_1007 = vector.broadcast %parallel_loop3A_1006 : i32 to vector<16xi32>
        %parallel_loop3A_1008 = arith.shli %parallel_loop3A_997, %parallel_loop3A_1007 : vector<16xi32>
        %parallel_loop3A_1009 = tpu.bitcast %parallel_loop3A_1008 : vector<16xi32> -> vector<16xf32>
        %parallel_loop3A_1010 = arith.andi %parallel_loop3A_997, %parallel_loop3A_946 : vector<16xi32>
        %parallel_loop3A_1011 = tpu.bitcast %parallel_loop3A_1010 : vector<16xi32> -> vector<16xf32>
        %parallel_loop3A_1012 = arith.mulf %parallel_loop3A_1001, %parallel_loop3A_1009 : vector<16xf32>
        %parallel_loop3A_1013 = arith.addf %parallel_loop3A_990, %parallel_loop3A_1012 : vector<16xf32>
        %parallel_loop3A_1014 = arith.mulf %parallel_loop3A_1005, %parallel_loop3A_1011 : vector<16xf32>
        %parallel_loop3A_1015 = arith.addf %parallel_loop3A_992, %parallel_loop3A_1014 : vector<16xf32>
        %parallel_loop3A_1016 = arith.index_cast %parallel_loop3A_940 : i32 to index
        %parallel_loop3A_1017 = arith.constant 48 : index
        %parallel_loop3A_1018 = tpu.vector_load %arg11[%parallel_loop3A_1016, %parallel_loop3A_1017] {strides = array<i32>} : memref<80x128xf32, #tpu.memory_space<vmem>>, vector<1x16xf32>,
        %parallel_loop3A_1019 = vector.shape_cast %parallel_loop3A_1018 : vector<1x16xf32> to vector<16xf32>
        %parallel_loop3A_1020 = tpu.bitcast %parallel_loop3A_1019 : vector<16xf32> -> vector<16xi32>
        %parallel_loop3A_1021 = arith.index_cast %parallel_loop3A_940 : i32 to index
        %parallel_loop3A_1022 = arith.constant 48 : index
        %parallel_loop3A_1023 = tpu.vector_load %arg10[%parallel_loop3A_1021, %parallel_loop3A_1022] {strides = array<i32>} : memref<80x128xf32, #tpu.memory_space<vmem>>, vector<1x16xf32>,
        %parallel_loop3A_1024 = vector.shape_cast %parallel_loop3A_1023 : vector<1x16xf32> to vector<16xf32>
        %parallel_loop3A_1025 = arith.index_cast %parallel_loop3A_940 : i32 to index
        %parallel_loop3A_1026 = arith.constant 112 : index
        %parallel_loop3A_1027 = tpu.vector_load %arg10[%parallel_loop3A_1025, %parallel_loop3A_1026] {strides = array<i32>} : memref<80x128xf32, #tpu.memory_space<vmem>>, vector<1x16xf32>,
        %parallel_loop3A_1028 = vector.shape_cast %parallel_loop3A_1027 : vector<1x16xf32> to vector<16xf32>
        %parallel_loop3A_1029 = arith.constant 16 : i32
        %parallel_loop3A_1030 = vector.broadcast %parallel_loop3A_1029 : i32 to vector<16xi32>
        %parallel_loop3A_1031 = arith.shli %parallel_loop3A_1020, %parallel_loop3A_1030 : vector<16xi32>
        %parallel_loop3A_1032 = tpu.bitcast %parallel_loop3A_1031 : vector<16xi32> -> vector<16xf32>
        %parallel_loop3A_1033 = arith.andi %parallel_loop3A_1020, %parallel_loop3A_946 : vector<16xi32>
        %parallel_loop3A_1034 = tpu.bitcast %parallel_loop3A_1033 : vector<16xi32> -> vector<16xf32>
        %parallel_loop3A_1035 = arith.mulf %parallel_loop3A_1024, %parallel_loop3A_1032 : vector<16xf32>
        %parallel_loop3A_1036 = arith.addf %parallel_loop3A_1013, %parallel_loop3A_1035 : vector<16xf32>
        %parallel_loop3A_1037 = arith.mulf %parallel_loop3A_1028, %parallel_loop3A_1034 : vector<16xf32>
        %parallel_loop3A_1038 = arith.addf %parallel_loop3A_1015, %parallel_loop3A_1037 : vector<16xf32>
        %parallel_loop3A_1039 = arith.addf %parallel_loop3A_1036, %parallel_loop3A_1038 : vector<16xf32>
        %parallel_loop3A_1040 = vector.shape_cast %broadcast_in_dim3A_416 : vector<16x1xi32> to vector<16xi32>
        %parallel_loop3A_1041 = tpu.dynamic_gather %parallel_loop3A_1039[%parallel_loop3A_1040] in [0] : vector<16xf32>, vector<16xi32> -> vector<16xf32>
        %parallel_loop3A_1042 = arith.addf %parallel_loop3A_1039, %parallel_loop3A_1041 : vector<16xf32>
        %parallel_loop3A_1043 = vector.shape_cast %broadcast_in_dim3A_420 : vector<16x1xi32> to vector<16xi32>
        %parallel_loop3A_1044 = tpu.dynamic_gather %parallel_loop3A_1042[%parallel_loop3A_1043] in [0] : vector<16xf32>, vector<16xi32> -> vector<16xf32>
        %parallel_loop3A_1045 = arith.addf %parallel_loop3A_1042, %parallel_loop3A_1044 : vector<16xf32>
        %parallel_loop3A_1046 = vector.shape_cast %broadcast_in_dim3A_424 : vector<16x1xi32> to vector<16xi32>
        %parallel_loop3A_1047 = tpu.dynamic_gather %parallel_loop3A_1045[%parallel_loop3A_1046] in [0] : vector<16xf32>, vector<16xi32> -> vector<16xf32>
        %parallel_loop3A_1048 = arith.addf %parallel_loop3A_1045, %parallel_loop3A_1047 : vector<16xf32>
        %parallel_loop3A_1049 = vector.shape_cast %broadcast_in_dim3A_428 : vector<16x1xi32> to vector<16xi32>
        %parallel_loop3A_1050 = tpu.dynamic_gather %parallel_loop3A_1048[%parallel_loop3A_1049] in [0] : vector<16xf32>, vector<16xi32> -> vector<16xf32>
        %parallel_loop3A_1051 = arith.addf %parallel_loop3A_1048, %parallel_loop3A_1050 : vector<16xf32>
        %parallel_loop3A_1052 = arith.constant -0.176776692 : f32
        %parallel_loop3A_1053 = vector.broadcast %parallel_loop3A_1052 : f32 to vector<16xf32>
        %parallel_loop3A_1054 = arith.mulf %parallel_loop3A_1051, %parallel_loop3A_1053 : vector<16xf32>
        %parallel_loop3A_1055 = math.exp %parallel_loop3A_1054 : vector<16xf32>
        %parallel_loop3A_1056 = arith.constant 1.000000e+00 : f32
        %parallel_loop3A_1057 = vector.broadcast %parallel_loop3A_1056 : f32 to vector<16xf32>
        %parallel_loop3A_1058 = arith.addf %parallel_loop3A_1057, %parallel_loop3A_1055 : vector<16xf32>
        %parallel_loop3A_1059 = arith.constant 1.000000e+00 : f32
        %parallel_loop3A_1060 = vector.broadcast %parallel_loop3A_1059 : f32 to vector<16xf32>
        %parallel_loop3A_1061 = arith.divf %parallel_loop3A_1060, %parallel_loop3A_1058 : vector<16xf32>
        %parallel_loop3A_1062 = arith.index_cast %parallel_loop3A_940 : i32 to index
        %parallel_loop3A_1063 = arith.constant 64 : index
        %parallel_loop3A_1064 = tpu.vector_load %arg11[%parallel_loop3A_1062, %parallel_loop3A_1063] {strides = array<i32>} : memref<80x128xf32, #tpu.memory_space<vmem>>, vector<1x16xf32>,
        %parallel_loop3A_1065 = vector.shape_cast %parallel_loop3A_1064 : vector<1x16xf32> to vector<16xf32>
        %parallel_loop3A_1066 = tpu.bitcast %parallel_loop3A_1065 : vector<16xf32> -> vector<16xi32>
        %parallel_loop3A_1067 = arith.constant 16 : i32
        %parallel_loop3A_1068 = vector.broadcast %parallel_loop3A_1067 : i32 to vector<16xi32>
        %parallel_loop3A_1069 = arith.shli %parallel_loop3A_1066, %parallel_loop3A_1068 : vector<16xi32>
        %parallel_loop3A_1070 = tpu.bitcast %parallel_loop3A_1069 : vector<16xi32> -> vector<16xf32>
        %parallel_loop3A_1071 = arith.andi %parallel_loop3A_1066, %parallel_loop3A_946 : vector<16xi32>
        %parallel_loop3A_1072 = tpu.bitcast %parallel_loop3A_1071 : vector<16xi32> -> vector<16xf32>
        %parallel_loop3A_1073 = arith.mulf %parallel_loop3A_1070, %parallel_loop3A_1061 : vector<16xf32>
        %parallel_loop3A_1074 = arith.index_cast %parallel_loop3A_940 : i32 to index
        %parallel_loop3A_1075 = arith.constant 0 : index
        %parallel_loop3A_1076 = tpu.vector_load %arg11[%parallel_loop3A_1074, %parallel_loop3A_1075] {strides = array<i32>} : memref<80x128xf32, #tpu.memory_space<vmem>>, vector<1x16xf32>,
        %parallel_loop3A_1077 = vector.shape_cast %parallel_loop3A_1076 : vector<1x16xf32> to vector<16xf32>
        %parallel_loop3A_1078 = vector.shape_cast %parallel_loop3A_1073 : vector<16xf32> to vector<1x16xf32>
        tpu.vector_store %arg11[%parallel_loop3A_1074, %parallel_loop3A_1075], %parallel_loop3A_1078 {strides = array<i32>} : memref<80x128xf32, #tpu.memory_space<vmem>>, vector<1x16xf32>,
        %parallel_loop3A_1079 = arith.mulf %parallel_loop3A_1072, %parallel_loop3A_1061 : vector<16xf32>
        %parallel_loop3A_1080 = arith.index_cast %parallel_loop3A_940 : i32 to index
        %parallel_loop3A_1081 = arith.constant 64 : index
        %parallel_loop3A_1082 = tpu.vector_load %arg11[%parallel_loop3A_1080, %parallel_loop3A_1081] {strides = array<i32>} : memref<80x128xf32, #tpu.memory_space<vmem>>, vector<1x16xf32>,
        %parallel_loop3A_1083 = vector.shape_cast %parallel_loop3A_1082 : vector<1x16xf32> to vector<16xf32>
        %parallel_loop3A_1084 = vector.shape_cast %parallel_loop3A_1079 : vector<16xf32> to vector<1x16xf32>
        tpu.vector_store %arg11[%parallel_loop3A_1080, %parallel_loop3A_1081], %parallel_loop3A_1084 {strides = array<i32>} : memref<80x128xf32, #tpu.memory_space<vmem>>, vector<1x16xf32>,
        %parallel_loop3A_1085 = arith.index_cast %parallel_loop3A_940 : i32 to index
        %parallel_loop3A_1086 = arith.constant 80 : index
        %parallel_loop3A_1087 = tpu.vector_load %arg11[%parallel_loop3A_1085, %parallel_loop3A_1086] {strides = array<i32>} : memref<80x128xf32, #tpu.memory_space<vmem>>, vector<1x16xf32>,
        %parallel_loop3A_1088 = vector.shape_cast %parallel_loop3A_1087 : vector<1x16xf32> to vector<16xf32>
        %parallel_loop3A_1089 = tpu.bitcast %parallel_loop3A_1088 : vector<16xf32> -> vector<16xi32>
        %parallel_loop3A_1090 = arith.constant 16 : i32
        %parallel_loop3A_1091 = vector.broadcast %parallel_loop3A_1090 : i32 to vector<16xi32>
        %parallel_loop3A_1092 = arith.shli %parallel_loop3A_1089, %parallel_loop3A_1091 : vector<16xi32>
        %parallel_loop3A_1093 = tpu.bitcast %parallel_loop3A_1092 : vector<16xi32> -> vector<16xf32>
        %parallel_loop3A_1094 = arith.andi %parallel_loop3A_1089, %parallel_loop3A_946 : vector<16xi32>
        %parallel_loop3A_1095 = tpu.bitcast %parallel_loop3A_1094 : vector<16xi32> -> vector<16xf32>
        %parallel_loop3A_1096 = arith.mulf %parallel_loop3A_1093, %parallel_loop3A_1061 : vector<16xf32>
        %parallel_loop3A_1097 = arith.index_cast %parallel_loop3A_940 : i32 to index
        %parallel_loop3A_1098 = arith.constant 16 : index
        %parallel_loop3A_1099 = tpu.vector_load %arg11[%parallel_loop3A_1097, %parallel_loop3A_1098] {strides = array<i32>} : memref<80x128xf32, #tpu.memory_space<vmem>>, vector<1x16xf32>,
        %parallel_loop3A_1100 = vector.shape_cast %parallel_loop3A_1099 : vector<1x16xf32> to vector<16xf32>
        %parallel_loop3A_1101 = vector.shape_cast %parallel_loop3A_1096 : vector<16xf32> to vector<1x16xf32>
        tpu.vector_store %arg11[%parallel_loop3A_1097, %parallel_loop3A_1098], %parallel_loop3A_1101 {strides = array<i32>} : memref<80x128xf32, #tpu.memory_space<vmem>>, vector<1x16xf32>,
        %parallel_loop3A_1102 = arith.mulf %parallel_loop3A_1095, %parallel_loop3A_1061 : vector<16xf32>
        %parallel_loop3A_1103 = arith.index_cast %parallel_loop3A_940 : i32 to index
        %parallel_loop3A_1104 = arith.constant 80 : index
        %parallel_loop3A_1105 = tpu.vector_load %arg11[%parallel_loop3A_1103, %parallel_loop3A_1104] {strides = array<i32>} : memref<80x128xf32, #tpu.memory_space<vmem>>, vector<1x16xf32>,
        %parallel_loop3A_1106 = vector.shape_cast %parallel_loop3A_1105 : vector<1x16xf32> to vector<16xf32>
        %parallel_loop3A_1107 = vector.shape_cast %parallel_loop3A_1102 : vector<16xf32> to vector<1x16xf32>
        tpu.vector_store %arg11[%parallel_loop3A_1103, %parallel_loop3A_1104], %parallel_loop3A_1107 {strides = array<i32>} : memref<80x128xf32, #tpu.memory_space<vmem>>, vector<1x16xf32>,
        %parallel_loop3A_1108 = arith.index_cast %parallel_loop3A_940 : i32 to index
        %parallel_loop3A_1109 = arith.constant 96 : index
        %parallel_loop3A_1110 = tpu.vector_load %arg11[%parallel_loop3A_1108, %parallel_loop3A_1109] {strides = array<i32>} : memref<80x128xf32, #tpu.memory_space<vmem>>, vector<1x16xf32>,
        %parallel_loop3A_1111 = vector.shape_cast %parallel_loop3A_1110 : vector<1x16xf32> to vector<16xf32>
        %parallel_loop3A_1112 = tpu.bitcast %parallel_loop3A_1111 : vector<16xf32> -> vector<16xi32>
        %parallel_loop3A_1113 = arith.constant 16 : i32
        %parallel_loop3A_1114 = vector.broadcast %parallel_loop3A_1113 : i32 to vector<16xi32>
        %parallel_loop3A_1115 = arith.shli %parallel_loop3A_1112, %parallel_loop3A_1114 : vector<16xi32>
        %parallel_loop3A_1116 = tpu.bitcast %parallel_loop3A_1115 : vector<16xi32> -> vector<16xf32>
        %parallel_loop3A_1117 = arith.andi %parallel_loop3A_1112, %parallel_loop3A_946 : vector<16xi32>
        %parallel_loop3A_1118 = tpu.bitcast %parallel_loop3A_1117 : vector<16xi32> -> vector<16xf32>
        %parallel_loop3A_1119 = arith.mulf %parallel_loop3A_1116, %parallel_loop3A_1061 : vector<16xf32>
        %parallel_loop3A_1120 = arith.index_cast %parallel_loop3A_940 : i32 to index
        %parallel_loop3A_1121 = arith.constant 32 : index
        %parallel_loop3A_1122 = tpu.vector_load %arg11[%parallel_loop3A_1120, %parallel_loop3A_1121] {strides = array<i32>} : memref<80x128xf32, #tpu.memory_space<vmem>>, vector<1x16xf32>,
        %parallel_loop3A_1123 = vector.shape_cast %parallel_loop3A_1122 : vector<1x16xf32> to vector<16xf32>
        %parallel_loop3A_1124 = vector.shape_cast %parallel_loop3A_1119 : vector<16xf32> to vector<1x16xf32>
        tpu.vector_store %arg11[%parallel_loop3A_1120, %parallel_loop3A_1121], %parallel_loop3A_1124 {strides = array<i32>} : memref<80x128xf32, #tpu.memory_space<vmem>>, vector<1x16xf32>,
        %parallel_loop3A_1125 = arith.mulf %parallel_loop3A_1118, %parallel_loop3A_1061 : vector<16xf32>
        %parallel_loop3A_1126 = arith.index_cast %parallel_loop3A_940 : i32 to index
        %parallel_loop3A_1127 = arith.constant 96 : index
        %parallel_loop3A_1128 = tpu.vector_load %arg11[%parallel_loop3A_1126, %parallel_loop3A_1127] {strides = array<i32>} : memref<80x128xf32, #tpu.memory_space<vmem>>, vector<1x16xf32>,
        %parallel_loop3A_1129 = vector.shape_cast %parallel_loop3A_1128 : vector<1x16xf32> to vector<16xf32>
        %parallel_loop3A_1130 = vector.shape_cast %parallel_loop3A_1125 : vector<16xf32> to vector<1x16xf32>
        tpu.vector_store %arg11[%parallel_loop3A_1126, %parallel_loop3A_1127], %parallel_loop3A_1130 {strides = array<i32>} : memref<80x128xf32, #tpu.memory_space<vmem>>, vector<1x16xf32>,
        %parallel_loop3A_1131 = arith.index_cast %parallel_loop3A_940 : i32 to index
        %parallel_loop3A_1132 = arith.constant 112 : index
        %parallel_loop3A_1133 = tpu.vector_load %arg11[%parallel_loop3A_1131, %parallel_loop3A_1132] {strides = array<i32>} : memref<80x128xf32, #tpu.memory_space<vmem>>, vector<1x16xf32>,
        %parallel_loop3A_1134 = vector.shape_cast %parallel_loop3A_1133 : vector<1x16xf32> to vector<16xf32>
        %parallel_loop3A_1135 = tpu.bitcast %parallel_loop3A_1134 : vector<16xf32> -> vector<16xi32>
        %parallel_loop3A_1136 = arith.constant 16 : i32
        %parallel_loop3A_1137 = vector.broadcast %parallel_loop3A_1136 : i32 to vector<16xi32>
        %parallel_loop3A_1138 = arith.shli %parallel_loop3A_1135, %parallel_loop3A_1137 : vector<16xi32>
        %parallel_loop3A_1139 = tpu.bitcast %parallel_loop3A_1138 : vector<16xi32> -> vector<16xf32>
        %parallel_loop3A_1140 = arith.andi %parallel_loop3A_1135, %parallel_loop3A_946 : vector<16xi32>
        %parallel_loop3A_1141 = tpu.bitcast %parallel_loop3A_1140 : vector<16xi32> -> vector<16xf32>
        %parallel_loop3A_1142 = arith.mulf %parallel_loop3A_1139, %parallel_loop3A_1061 : vector<16xf32>
        %parallel_loop3A_1143 = arith.index_cast %parallel_loop3A_940 : i32 to index
        %parallel_loop3A_1144 = arith.constant 48 : index
        %parallel_loop3A_1145 = tpu.vector_load %arg11[%parallel_loop3A_1143, %parallel_loop3A_1144] {strides = array<i32>} : memref<80x128xf32, #tpu.memory_space<vmem>>, vector<1x16xf32>,
        %parallel_loop3A_1146 = vector.shape_cast %parallel_loop3A_1145 : vector<1x16xf32> to vector<16xf32>
        %parallel_loop3A_1147 = vector.shape_cast %parallel_loop3A_1142 : vector<16xf32> to vector<1x16xf32>
        tpu.vector_store %arg11[%parallel_loop3A_1143, %parallel_loop3A_1144], %parallel_loop3A_1147 {strides = array<i32>} : memref<80x128xf32, #tpu.memory_space<vmem>>, vector<1x16xf32>,
        %parallel_loop3A_1148 = arith.mulf %parallel_loop3A_1141, %parallel_loop3A_1061 : vector<16xf32>
        %parallel_loop3A_1149 = arith.index_cast %parallel_loop3A_940 : i32 to index
        %parallel_loop3A_1150 = arith.constant 112 : index
        %parallel_loop3A_1151 = tpu.vector_load %arg11[%parallel_loop3A_1149, %parallel_loop3A_1150] {strides = array<i32>} : memref<80x128xf32, #tpu.memory_space<vmem>>, vector<1x16xf32>,
        %parallel_loop3A_1152 = vector.shape_cast %parallel_loop3A_1151 : vector<1x16xf32> to vector<16xf32>
        %parallel_loop3A_1153 = vector.shape_cast %parallel_loop3A_1148 : vector<16xf32> to vector<1x16xf32>
        tpu.vector_store %arg11[%parallel_loop3A_1149, %parallel_loop3A_1150], %parallel_loop3A_1153 {strides = array<i32>} : memref<80x128xf32, #tpu.memory_space<vmem>>, vector<1x16xf32>,
      } {sc.loop_unroll_factor = 2 : i64, sc.parallel_access}
      %dma_start3A_804 = arith.constant 1 : i32
      %dma_start3A_805 = arith.constant 0 : i32
      %dma_start3A_806 = tpu.memref_slice %arg8[%dma_start3A_804, %dma_start3A_805] : memref<2x80xi32, #tpu.memory_space<vmem>> -> memref<1x80xi32, #tpu.memory_space<vmem>>
      %dma_start3A_807 = tpu.memref_squeeze %dma_start3A_806 : memref<1x80xi32, #tpu.memory_space<vmem>> -> memref<80xi32, #tpu.memory_space<vmem>>
      %dma_start3A_808 = arith.constant 0 : i32
      %dma_start3A_809 = arith.constant 0 : i32
      %dma_start3A_810 = tpu.memref_slice %arg15[%dma_start3A_808, %dma_start3A_809] : memref<10000x128xf32, #tpu.memory_space<vmem_shared>> -> memref<10000x128xf32, #tpu.memory_space<vmem_shared>>
      tpu.enqueue_indirect_dma source(%arg11 : memref<80x128xf32, #tpu.memory_space<vmem>>) target(%dma_start3A_810 : memref<10000x128xf32, #tpu.memory_space<vmem_shared>>) offsets(%dma_start3A_807 : memref<80xi32, #tpu.memory_space<vmem>>) semaphore(%arg18 : memref<!tpu.dma_semaphore, #tpu.memory_space<semaphore_mem>>) {add = true}
      %dma_wait3A_811 = arith.constant 1 : i32
      %dma_wait3A_812 = arith.constant 0 : i32
      %dma_wait3A_813 = tpu.memref_slice %arg8[%dma_wait3A_811, %dma_wait3A_812] : memref<2x80xi32, #tpu.memory_space<vmem>> -> memref<1x80xi32, #tpu.memory_space<vmem>>
      %dma_wait3A_814 = tpu.memref_squeeze %dma_wait3A_813 : memref<1x80xi32, #tpu.memory_space<vmem>> -> memref<80xi32, #tpu.memory_space<vmem>>
      %dma_wait3A_815 = arith.constant 0 : i32
      %dma_wait3A_816 = arith.constant 0 : i32
      %dma_wait3A_817 = tpu.memref_slice %arg15[%dma_wait3A_815, %dma_wait3A_816] : memref<10000x128xf32, #tpu.memory_space<vmem_shared>> -> memref<10000x128xf32, #tpu.memory_space<vmem_shared>>
      tpu.wait_indirect_dma semaphore(%arg18 : memref<!tpu.dma_semaphore, #tpu.memory_space<semaphore_mem>>) src(%arg11 : memref<80x128xf32, #tpu.memory_space<vmem>>) dst(%dma_wait3A_817 : memref<10000x128xf32, #tpu.memory_space<vmem_shared>>)
      %add3A_818 = arith.constant 2 : i32
      %add3A_819 = arith.addi %add3A_786, %add3A_818 : i32
      %mul3A_820 = arith.constant 125 : i32
      %mul3A_821 = arith.muli %add3A, %mul3A_820 : i32
      %min3A_822 = arith.constant 124 : i32
      %min3A_823 = arith.minsi %add3A_819, %min3A_822 : i32
      %add3A_824 = arith.addi %mul3A_821, %min3A_823 : i32
      %dma_wait3A_825 = arith.constant 0 : i32
      %dma_wait3A_826 = arith.constant 0 : i32
      %dma_wait3A_827 = tpu.memref_slice %arg4[%add3A_824, %dma_wait3A_825, %dma_wait3A_826] : memref<4000x2x80xi32, #tpu.memory_space<hbm>> -> memref<1x2x80xi32, #tpu.memory_space<hbm>>
      %dma_wait3A_828 = tpu.memref_squeeze %dma_wait3A_827 : memref<1x2x80xi32, #tpu.memory_space<hbm>> -> memref<2x80xi32, #tpu.memory_space<hbm>>
      %dma_wait3A_829 = arith.constant 0 : i32
      %dma_wait3A_830 = arith.constant 0 : i32
      %dma_wait3A_831 = tpu.memref_slice %arg4[%add3A_824, %dma_wait3A_829, %dma_wait3A_830] : memref<4000x2x80xi32, #tpu.memory_space<hbm>> -> memref<1x2x80xi32, #tpu.memory_space<hbm>>
      %dma_wait3A_832 = tpu.memref_squeeze %dma_wait3A_831 : memref<1x2x80xi32, #tpu.memory_space<hbm>> -> memref<2x80xi32, #tpu.memory_space<hbm>>
      tpu.wait_dma2 semaphore(%arg20 : memref<!tpu.dma_semaphore, #tpu.memory_space<semaphore_mem>>) src(%dma_wait3A_832 : memref<2x80xi32, #tpu.memory_space<hbm>>) dst(%arg6 : memref<2x80xi32, #tpu.memory_space<vmem>>)
      %dma_start3A_833 = arith.constant 1 : i32
      %dma_start3A_834 = arith.constant 0 : i32
      %dma_start3A_835 = tpu.memref_slice %arg6[%dma_start3A_833, %dma_start3A_834] : memref<2x80xi32, #tpu.memory_space<vmem>> -> memref<1x80xi32, #tpu.memory_space<vmem>>
      %dma_start3A_836 = tpu.memref_squeeze %dma_start3A_835 : memref<1x80xi32, #tpu.memory_space<vmem>> -> memref<80xi32, #tpu.memory_space<vmem>>
      %dma_start3A_837 = arith.constant 0 : i32
      %dma_start3A_838 = arith.constant 0 : i32
      %dma_start3A_839 = tpu.memref_slice %arg2[%dma_start3A_837, %dma_start3A_838] : memref<10000x128xf32, #tpu.memory_space<hbm>> -> memref<10000x128xf32, #tpu.memory_space<hbm>>
      tpu.enqueue_indirect_dma source(%dma_start3A_839 : memref<10000x128xf32, #tpu.memory_space<hbm>>) target(%arg10 : memref<80x128xf32, #tpu.memory_space<vmem>>) offsets(%dma_start3A_836 : memref<80xi32, #tpu.memory_space<vmem>>) semaphore(%arg16 : memref<!tpu.dma_semaphore, #tpu.memory_space<semaphore_mem>>)
      %dma_start3A_840 = arith.constant 0 : i32
      %dma_start3A_841 = arith.constant 0 : i32
      %dma_start3A_842 = tpu.memref_slice %arg6[%dma_start3A_840, %dma_start3A_841] : memref<2x80xi32, #tpu.memory_space<vmem>> -> memref<1x80xi32, #tpu.memory_space<vmem>>
      %dma_start3A_843 = tpu.memref_squeeze %dma_start3A_842 : memref<1x80xi32, #tpu.memory_space<vmem>> -> memref<80xi32, #tpu.memory_space<vmem>>
      %dma_start3A_844 = arith.constant 0 : i32
      %dma_start3A_845 = arith.constant 0 : i32
      %dma_start3A_846 = tpu.memref_slice %arg3[%dma_start3A_844, %dma_start3A_845] : memref<10000x128xf32, #tpu.memory_space<hbm>> -> memref<10000x128xf32, #tpu.memory_space<hbm>>
      tpu.enqueue_indirect_dma source(%dma_start3A_846 : memref<10000x128xf32, #tpu.memory_space<hbm>>) target(%arg11 : memref<80x128xf32, #tpu.memory_space<vmem>>) offsets(%dma_start3A_843 : memref<80xi32, #tpu.memory_space<vmem>>) semaphore(%arg16 : memref<!tpu.dma_semaphore, #tpu.memory_space<semaphore_mem>>)
      %add3A_847 = arith.constant 4 : i32
      %add3A_848 = arith.addi %add3A_786, %add3A_847 : i32
      %mul3A_849 = arith.constant 125 : i32
      %mul3A_850 = arith.muli %add3A, %mul3A_849 : i32
      %min3A_851 = arith.constant 124 : i32
      %min3A_852 = arith.minsi %add3A_848, %min3A_851 : i32
      %add3A_853 = arith.addi %mul3A_850, %min3A_852 : i32
      %dma_start3A_854 = arith.constant 0 : i32
      %dma_start3A_855 = arith.constant 0 : i32
      %dma_start3A_856 = tpu.memref_slice %arg4[%add3A_853, %dma_start3A_854, %dma_start3A_855] : memref<4000x2x80xi32, #tpu.memory_space<hbm>> -> memref<1x2x80xi32, #tpu.memory_space<hbm>>
      %dma_start3A_857 = tpu.memref_squeeze %dma_start3A_856 : memref<1x2x80xi32, #tpu.memory_space<hbm>> -> memref<2x80xi32, #tpu.memory_space<hbm>>
      %dma_start3A_858 = arith.constant 0 : i32
      %dma_start3A_859 = arith.constant 0 : i32
      %dma_start3A_860 = tpu.memref_slice %arg4[%add3A_853, %dma_start3A_858, %dma_start3A_859] : memref<4000x2x80xi32, #tpu.memory_space<hbm>> -> memref<1x2x80xi32, #tpu.memory_space<hbm>>
      %dma_start3A_861 = tpu.memref_squeeze %dma_start3A_860 : memref<1x2x80xi32, #tpu.memory_space<hbm>> -> memref<2x80xi32, #tpu.memory_space<hbm>>
      tpu.enqueue_dma source(%dma_start3A_861 : memref<2x80xi32, #tpu.memory_space<hbm>>) target(%arg8 : memref<2x80xi32, #tpu.memory_space<vmem>>) target_semaphore(%arg22 : memref<!tpu.dma_semaphore, #tpu.memory_space<semaphore_mem>>)
      %add3A_862 = arith.constant 3 : i32
      %add3A_863 = arith.addi %mul3A_630, %add3A_862 : i32
      %dma_wait3A_864 = arith.constant 1 : i32
      %dma_wait3A_865 = arith.constant 0 : i32
      %dma_wait3A_866 = tpu.memref_slice %arg9[%dma_wait3A_864, %dma_wait3A_865] : memref<2x80xi32, #tpu.memory_space<vmem>> -> memref<1x80xi32, #tpu.memory_space<vmem>>
      %dma_wait3A_867 = tpu.memref_squeeze %dma_wait3A_866 : memref<1x80xi32, #tpu.memory_space<vmem>> -> memref<80xi32, #tpu.memory_space<vmem>>
      %dma_wait3A_868 = arith.constant 0 : i32
      %dma_wait3A_869 = arith.constant 0 : i32
      %dma_wait3A_870 = tpu.memref_slice %arg2[%dma_wait3A_868, %dma_wait3A_869] : memref<10000x128xf32, #tpu.memory_space<hbm>> -> memref<10000x128xf32, #tpu.memory_space<hbm>>
      tpu.wait_indirect_dma semaphore(%arg17 : memref<!tpu.dma_semaphore, #tpu.memory_space<semaphore_mem>>) src(%dma_wait3A_870 : memref<10000x128xf32, #tpu.memory_space<hbm>>) dst(%arg12 : memref<80x128xf32, #tpu.memory_space<vmem>>)
      %dma_wait3A_871 = arith.constant 0 : i32
      %dma_wait3A_872 = arith.constant 0 : i32
      %dma_wait3A_873 = tpu.memref_slice %arg9[%dma_wait3A_871, %dma_wait3A_872] : memref<2x80xi32, #tpu.memory_space<vmem>> -> memref<1x80xi32, #tpu.memory_space<vmem>>
      %dma_wait3A_874 = tpu.memref_squeeze %dma_wait3A_873 : memref<1x80xi32, #tpu.memory_space<vmem>> -> memref<80xi32, #tpu.memory_space<vmem>>
      %dma_wait3A_875 = arith.constant 0 : i32
      %dma_wait3A_876 = arith.constant 0 : i32
      %dma_wait3A_877 = tpu.memref_slice %arg3[%dma_wait3A_875, %dma_wait3A_876] : memref<10000x128xf32, #tpu.memory_space<hbm>> -> memref<10000x128xf32, #tpu.memory_space<hbm>>
      tpu.wait_indirect_dma semaphore(%arg17 : memref<!tpu.dma_semaphore, #tpu.memory_space<semaphore_mem>>) src(%dma_wait3A_877 : memref<10000x128xf32, #tpu.memory_space<hbm>>) dst(%arg13 : memref<80x128xf32, #tpu.memory_space<vmem>>)
      %parallel_loop3A_878 = arith.constant 0 : i32
      %parallel_loop3A_879 = arith.constant 80 : i32
      %parallel_loop3A_880 = arith.constant 1 : i32
      scf.for %parallel_loop3A_940 = %parallel_loop3A_878 to %parallel_loop3A_879 step %parallel_loop3A_880  : i32 {
        %parallel_loop3A_941 = arith.constant 0.000000e+00 : f32
        %parallel_loop3A_942 = vector.broadcast %parallel_loop3A_941 : f32 to vector<16xf32>
        %parallel_loop3A_943 = arith.constant 0.000000e+00 : f32
        %parallel_loop3A_944 = vector.broadcast %parallel_loop3A_943 : f32 to vector<16xf32>
        %parallel_loop3A_945 = arith.constant -65536 : i32
        %parallel_loop3A_946 = vector.broadcast %parallel_loop3A_945 : i32 to vector<16xi32>
        %parallel_loop3A_947 = arith.index_cast %parallel_loop3A_940 : i32 to index
        %parallel_loop3A_948 = arith.constant 0 : index
        %parallel_loop3A_949 = tpu.vector_load %arg13[%parallel_loop3A_947, %parallel_loop3A_948] {strides = array<i32>} : memref<80x128xf32, #tpu.memory_space<vmem>>, vector<1x16xf32>,
        %parallel_loop3A_950 = vector.shape_cast %parallel_loop3A_949 : vector<1x16xf32> to vector<16xf32>
        %parallel_loop3A_951 = tpu.bitcast %parallel_loop3A_950 : vector<16xf32> -> vector<16xi32>
        %parallel_loop3A_952 = arith.index_cast %parallel_loop3A_940 : i32 to index
        %parallel_loop3A_953 = arith.constant 0 : index
        %parallel_loop3A_954 = tpu.vector_load %arg12[%parallel_loop3A_952, %parallel_loop3A_953] {strides = array<i32>} : memref<80x128xf32, #tpu.memory_space<vmem>>, vector<1x16xf32>,
        %parallel_loop3A_955 = vector.shape_cast %parallel_loop3A_954 : vector<1x16xf32> to vector<16xf32>
        %parallel_loop3A_956 = arith.index_cast %parallel_loop3A_940 : i32 to index
        %parallel_loop3A_957 = arith.constant 64 : index
        %parallel_loop3A_958 = tpu.vector_load %arg12[%parallel_loop3A_956, %parallel_loop3A_957] {strides = array<i32>} : memref<80x128xf32, #tpu.memory_space<vmem>>, vector<1x16xf32>,
        %parallel_loop3A_959 = vector.shape_cast %parallel_loop3A_958 : vector<1x16xf32> to vector<16xf32>
        %parallel_loop3A_960 = arith.constant 16 : i32
        %parallel_loop3A_961 = vector.broadcast %parallel_loop3A_960 : i32 to vector<16xi32>
        %parallel_loop3A_962 = arith.shli %parallel_loop3A_951, %parallel_loop3A_961 : vector<16xi32>
        %parallel_loop3A_963 = tpu.bitcast %parallel_loop3A_962 : vector<16xi32> -> vector<16xf32>
        %parallel_loop3A_964 = arith.andi %parallel_loop3A_951, %parallel_loop3A_946 : vector<16xi32>
        %parallel_loop3A_965 = tpu.bitcast %parallel_loop3A_964 : vector<16xi32> -> vector<16xf32>
        %parallel_loop3A_966 = arith.mulf %parallel_loop3A_955, %parallel_loop3A_963 : vector<16xf32>
        %parallel_loop3A_967 = arith.addf %parallel_loop3A_942, %parallel_loop3A_966 : vector<16xf32>
        %parallel_loop3A_968 = arith.mulf %parallel_loop3A_959, %parallel_loop3A_965 : vector<16xf32>
        %parallel_loop3A_969 = arith.addf %parallel_loop3A_944, %parallel_loop3A_968 : vector<16xf32>
        %parallel_loop3A_970 = arith.index_cast %parallel_loop3A_940 : i32 to index
        %parallel_loop3A_971 = arith.constant 16 : index
        %parallel_loop3A_972 = tpu.vector_load %arg13[%parallel_loop3A_970, %parallel_loop3A_971] {strides = array<i32>} : memref<80x128xf32, #tpu.memory_space<vmem>>, vector<1x16xf32>,
        %parallel_loop3A_973 = vector.shape_cast %parallel_loop3A_972 : vector<1x16xf32> to vector<16xf32>
        %parallel_loop3A_974 = tpu.bitcast %parallel_loop3A_973 : vector<16xf32> -> vector<16xi32>
        %parallel_loop3A_975 = arith.index_cast %parallel_loop3A_940 : i32 to index
        %parallel_loop3A_976 = arith.constant 16 : index
        %parallel_loop3A_977 = tpu.vector_load %arg12[%parallel_loop3A_975, %parallel_loop3A_976] {strides = array<i32>} : memref<80x128xf32, #tpu.memory_space<vmem>>, vector<1x16xf32>,
        %parallel_loop3A_978 = vector.shape_cast %parallel_loop3A_977 : vector<1x16xf32> to vector<16xf32>
        %parallel_loop3A_979 = arith.index_cast %parallel_loop3A_940 : i32 to index
        %parallel_loop3A_980 = arith.constant 80 : index
        %parallel_loop3A_981 = tpu.vector_load %arg12[%parallel_loop3A_979, %parallel_loop3A_980] {strides = array<i32>} : memref<80x128xf32, #tpu.memory_space<vmem>>, vector<1x16xf32>,
        %parallel_loop3A_982 = vector.shape_cast %parallel_loop3A_981 : vector<1x16xf32> to vector<16xf32>
        %parallel_loop3A_983 = arith.constant 16 : i32
        %parallel_loop3A_984 = vector.broadcast %parallel_loop3A_983 : i32 to vector<16xi32>
        %parallel_loop3A_985 = arith.shli %parallel_loop3A_974, %parallel_loop3A_984 : vector<16xi32>
        %parallel_loop3A_986 = tpu.bitcast %parallel_loop3A_985 : vector<16xi32> -> vector<16xf32>
        %parallel_loop3A_987 = arith.andi %parallel_loop3A_974, %parallel_loop3A_946 : vector<16xi32>
        %parallel_loop3A_988 = tpu.bitcast %parallel_loop3A_987 : vector<16xi32> -> vector<16xf32>
        %parallel_loop3A_989 = arith.mulf %parallel_loop3A_978, %parallel_loop3A_986 : vector<16xf32>
        %parallel_loop3A_990 = arith.addf %parallel_loop3A_967, %parallel_loop3A_989 : vector<16xf32>
        %parallel_loop3A_991 = arith.mulf %parallel_loop3A_982, %parallel_loop3A_988 : vector<16xf32>
        %parallel_loop3A_992 = arith.addf %parallel_loop3A_969, %parallel_loop3A_991 : vector<16xf32>
        %parallel_loop3A_993 = arith.index_cast %parallel_loop3A_940 : i32 to index
        %parallel_loop3A_994 = arith.constant 32 : index
        %parallel_loop3A_995 = tpu.vector_load %arg13[%parallel_loop3A_993, %parallel_loop3A_994] {strides = array<i32>} : memref<80x128xf32, #tpu.memory_space<vmem>>, vector<1x16xf32>,
        %parallel_loop3A_996 = vector.shape_cast %parallel_loop3A_995 : vector<1x16xf32> to vector<16xf32>
        %parallel_loop3A_997 = tpu.bitcast %parallel_loop3A_996 : vector<16xf32> -> vector<16xi32>
        %parallel_loop3A_998 = arith.index_cast %parallel_loop3A_940 : i32 to index
        %parallel_loop3A_999 = arith.constant 32 : index
        %parallel_loop3A_1000 = tpu.vector_load %arg12[%parallel_loop3A_998, %parallel_loop3A_999] {strides = array<i32>} : memref<80x128xf32, #tpu.memory_space<vmem>>, vector<1x16xf32>,
        %parallel_loop3A_1001 = vector.shape_cast %parallel_loop3A_1000 : vector<1x16xf32> to vector<16xf32>
        %parallel_loop3A_1002 = arith.index_cast %parallel_loop3A_940 : i32 to index
        %parallel_loop3A_1003 = arith.constant 96 : index
        %parallel_loop3A_1004 = tpu.vector_load %arg12[%parallel_loop3A_1002, %parallel_loop3A_1003] {strides = array<i32>} : memref<80x128xf32, #tpu.memory_space<vmem>>, vector<1x16xf32>,
        %parallel_loop3A_1005 = vector.shape_cast %parallel_loop3A_1004 : vector<1x16xf32> to vector<16xf32>
        %parallel_loop3A_1006 = arith.constant 16 : i32
        %parallel_loop3A_1007 = vector.broadcast %parallel_loop3A_1006 : i32 to vector<16xi32>
        %parallel_loop3A_1008 = arith.shli %parallel_loop3A_997, %parallel_loop3A_1007 : vector<16xi32>
        %parallel_loop3A_1009 = tpu.bitcast %parallel_loop3A_1008 : vector<16xi32> -> vector<16xf32>
        %parallel_loop3A_1010 = arith.andi %parallel_loop3A_997, %parallel_loop3A_946 : vector<16xi32>
        %parallel_loop3A_1011 = tpu.bitcast %parallel_loop3A_1010 : vector<16xi32> -> vector<16xf32>
        %parallel_loop3A_1012 = arith.mulf %parallel_loop3A_1001, %parallel_loop3A_1009 : vector<16xf32>
        %parallel_loop3A_1013 = arith.addf %parallel_loop3A_990, %parallel_loop3A_1012 : vector<16xf32>
        %parallel_loop3A_1014 = arith.mulf %parallel_loop3A_1005, %parallel_loop3A_1011 : vector<16xf32>
        %parallel_loop3A_1015 = arith.addf %parallel_loop3A_992, %parallel_loop3A_1014 : vector<16xf32>
        %parallel_loop3A_1016 = arith.index_cast %parallel_loop3A_940 : i32 to index
        %parallel_loop3A_1017 = arith.constant 48 : index
        %parallel_loop3A_1018 = tpu.vector_load %arg13[%parallel_loop3A_1016, %parallel_loop3A_1017] {strides = array<i32>} : memref<80x128xf32, #tpu.memory_space<vmem>>, vector<1x16xf32>,
        %parallel_loop3A_1019 = vector.shape_cast %parallel_loop3A_1018 : vector<1x16xf32> to vector<16xf32>
        %parallel_loop3A_1020 = tpu.bitcast %parallel_loop3A_1019 : vector<16xf32> -> vector<16xi32>
        %parallel_loop3A_1021 = arith.index_cast %parallel_loop3A_940 : i32 to index
        %parallel_loop3A_1022 = arith.constant 48 : index
        %parallel_loop3A_1023 = tpu.vector_load %arg12[%parallel_loop3A_1021, %parallel_loop3A_1022] {strides = array<i32>} : memref<80x128xf32, #tpu.memory_space<vmem>>, vector<1x16xf32>,
        %parallel_loop3A_1024 = vector.shape_cast %parallel_loop3A_1023 : vector<1x16xf32> to vector<16xf32>
        %parallel_loop3A_1025 = arith.index_cast %parallel_loop3A_940 : i32 to index
        %parallel_loop3A_1026 = arith.constant 112 : index
        %parallel_loop3A_1027 = tpu.vector_load %arg12[%parallel_loop3A_1025, %parallel_loop3A_1026] {strides = array<i32>} : memref<80x128xf32, #tpu.memory_space<vmem>>, vector<1x16xf32>,
        %parallel_loop3A_1028 = vector.shape_cast %parallel_loop3A_1027 : vector<1x16xf32> to vector<16xf32>
        %parallel_loop3A_1029 = arith.constant 16 : i32
        %parallel_loop3A_1030 = vector.broadcast %parallel_loop3A_1029 : i32 to vector<16xi32>
        %parallel_loop3A_1031 = arith.shli %parallel_loop3A_1020, %parallel_loop3A_1030 : vector<16xi32>
        %parallel_loop3A_1032 = tpu.bitcast %parallel_loop3A_1031 : vector<16xi32> -> vector<16xf32>
        %parallel_loop3A_1033 = arith.andi %parallel_loop3A_1020, %parallel_loop3A_946 : vector<16xi32>
        %parallel_loop3A_1034 = tpu.bitcast %parallel_loop3A_1033 : vector<16xi32> -> vector<16xf32>
        %parallel_loop3A_1035 = arith.mulf %parallel_loop3A_1024, %parallel_loop3A_1032 : vector<16xf32>
        %parallel_loop3A_1036 = arith.addf %parallel_loop3A_1013, %parallel_loop3A_1035 : vector<16xf32>
        %parallel_loop3A_1037 = arith.mulf %parallel_loop3A_1028, %parallel_loop3A_1034 : vector<16xf32>
        %parallel_loop3A_1038 = arith.addf %parallel_loop3A_1015, %parallel_loop3A_1037 : vector<16xf32>
        %parallel_loop3A_1039 = arith.addf %parallel_loop3A_1036, %parallel_loop3A_1038 : vector<16xf32>
        %parallel_loop3A_1040 = vector.shape_cast %broadcast_in_dim3A_416 : vector<16x1xi32> to vector<16xi32>
        %parallel_loop3A_1041 = tpu.dynamic_gather %parallel_loop3A_1039[%parallel_loop3A_1040] in [0] : vector<16xf32>, vector<16xi32> -> vector<16xf32>
        %parallel_loop3A_1042 = arith.addf %parallel_loop3A_1039, %parallel_loop3A_1041 : vector<16xf32>
        %parallel_loop3A_1043 = vector.shape_cast %broadcast_in_dim3A_420 : vector<16x1xi32> to vector<16xi32>
        %parallel_loop3A_1044 = tpu.dynamic_gather %parallel_loop3A_1042[%parallel_loop3A_1043] in [0] : vector<16xf32>, vector<16xi32> -> vector<16xf32>
        %parallel_loop3A_1045 = arith.addf %parallel_loop3A_1042, %parallel_loop3A_1044 : vector<16xf32>
        %parallel_loop3A_1046 = vector.shape_cast %broadcast_in_dim3A_424 : vector<16x1xi32> to vector<16xi32>
        %parallel_loop3A_1047 = tpu.dynamic_gather %parallel_loop3A_1045[%parallel_loop3A_1046] in [0] : vector<16xf32>, vector<16xi32> -> vector<16xf32>
        %parallel_loop3A_1048 = arith.addf %parallel_loop3A_1045, %parallel_loop3A_1047 : vector<16xf32>
        %parallel_loop3A_1049 = vector.shape_cast %broadcast_in_dim3A_428 : vector<16x1xi32> to vector<16xi32>
        %parallel_loop3A_1050 = tpu.dynamic_gather %parallel_loop3A_1048[%parallel_loop3A_1049] in [0] : vector<16xf32>, vector<16xi32> -> vector<16xf32>
        %parallel_loop3A_1051 = arith.addf %parallel_loop3A_1048, %parallel_loop3A_1050 : vector<16xf32>
        %parallel_loop3A_1052 = arith.constant -0.176776692 : f32
        %parallel_loop3A_1053 = vector.broadcast %parallel_loop3A_1052 : f32 to vector<16xf32>
        %parallel_loop3A_1054 = arith.mulf %parallel_loop3A_1051, %parallel_loop3A_1053 : vector<16xf32>
        %parallel_loop3A_1055 = math.exp %parallel_loop3A_1054 : vector<16xf32>
        %parallel_loop3A_1056 = arith.constant 1.000000e+00 : f32
        %parallel_loop3A_1057 = vector.broadcast %parallel_loop3A_1056 : f32 to vector<16xf32>
        %parallel_loop3A_1058 = arith.addf %parallel_loop3A_1057, %parallel_loop3A_1055 : vector<16xf32>
        %parallel_loop3A_1059 = arith.constant 1.000000e+00 : f32
        %parallel_loop3A_1060 = vector.broadcast %parallel_loop3A_1059 : f32 to vector<16xf32>
        %parallel_loop3A_1061 = arith.divf %parallel_loop3A_1060, %parallel_loop3A_1058 : vector<16xf32>
        %parallel_loop3A_1062 = arith.index_cast %parallel_loop3A_940 : i32 to index
        %parallel_loop3A_1063 = arith.constant 64 : index
        %parallel_loop3A_1064 = tpu.vector_load %arg13[%parallel_loop3A_1062, %parallel_loop3A_1063] {strides = array<i32>} : memref<80x128xf32, #tpu.memory_space<vmem>>, vector<1x16xf32>,
        %parallel_loop3A_1065 = vector.shape_cast %parallel_loop3A_1064 : vector<1x16xf32> to vector<16xf32>
        %parallel_loop3A_1066 = tpu.bitcast %parallel_loop3A_1065 : vector<16xf32> -> vector<16xi32>
        %parallel_loop3A_1067 = arith.constant 16 : i32
        %parallel_loop3A_1068 = vector.broadcast %parallel_loop3A_1067 : i32 to vector<16xi32>
        %parallel_loop3A_1069 = arith.shli %parallel_loop3A_1066, %parallel_loop3A_1068 : vector<16xi32>
        %parallel_loop3A_1070 = tpu.bitcast %parallel_loop3A_1069 : vector<16xi32> -> vector<16xf32>
        %parallel_loop3A_1071 = arith.andi %parallel_loop3A_1066, %parallel_loop3A_946 : vector<16xi32>
        %parallel_loop3A_1072 = tpu.bitcast %parallel_loop3A_1071 : vector<16xi32> -> vector<16xf32>
        %parallel_loop3A_1073 = arith.mulf %parallel_loop3A_1070, %parallel_loop3A_1061 : vector<16xf32>
        %parallel_loop3A_1074 = arith.index_cast %parallel_loop3A_940 : i32 to index
        %parallel_loop3A_1075 = arith.constant 0 : index
        %parallel_loop3A_1076 = tpu.vector_load %arg13[%parallel_loop3A_1074, %parallel_loop3A_1075] {strides = array<i32>} : memref<80x128xf32, #tpu.memory_space<vmem>>, vector<1x16xf32>,
        %parallel_loop3A_1077 = vector.shape_cast %parallel_loop3A_1076 : vector<1x16xf32> to vector<16xf32>
        %parallel_loop3A_1078 = vector.shape_cast %parallel_loop3A_1073 : vector<16xf32> to vector<1x16xf32>
        tpu.vector_store %arg13[%parallel_loop3A_1074, %parallel_loop3A_1075], %parallel_loop3A_1078 {strides = array<i32>} : memref<80x128xf32, #tpu.memory_space<vmem>>, vector<1x16xf32>,
        %parallel_loop3A_1079 = arith.mulf %parallel_loop3A_1072, %parallel_loop3A_1061 : vector<16xf32>
        %parallel_loop3A_1080 = arith.index_cast %parallel_loop3A_940 : i32 to index
        %parallel_loop3A_1081 = arith.constant 64 : index
        %parallel_loop3A_1082 = tpu.vector_load %arg13[%parallel_loop3A_1080, %parallel_loop3A_1081] {strides = array<i32>} : memref<80x128xf32, #tpu.memory_space<vmem>>, vector<1x16xf32>,
        %parallel_loop3A_1083 = vector.shape_cast %parallel_loop3A_1082 : vector<1x16xf32> to vector<16xf32>
        %parallel_loop3A_1084 = vector.shape_cast %parallel_loop3A_1079 : vector<16xf32> to vector<1x16xf32>
        tpu.vector_store %arg13[%parallel_loop3A_1080, %parallel_loop3A_1081], %parallel_loop3A_1084 {strides = array<i32>} : memref<80x128xf32, #tpu.memory_space<vmem>>, vector<1x16xf32>,
        %parallel_loop3A_1085 = arith.index_cast %parallel_loop3A_940 : i32 to index
        %parallel_loop3A_1086 = arith.constant 80 : index
        %parallel_loop3A_1087 = tpu.vector_load %arg13[%parallel_loop3A_1085, %parallel_loop3A_1086] {strides = array<i32>} : memref<80x128xf32, #tpu.memory_space<vmem>>, vector<1x16xf32>,
        %parallel_loop3A_1088 = vector.shape_cast %parallel_loop3A_1087 : vector<1x16xf32> to vector<16xf32>
        %parallel_loop3A_1089 = tpu.bitcast %parallel_loop3A_1088 : vector<16xf32> -> vector<16xi32>
        %parallel_loop3A_1090 = arith.constant 16 : i32
        %parallel_loop3A_1091 = vector.broadcast %parallel_loop3A_1090 : i32 to vector<16xi32>
        %parallel_loop3A_1092 = arith.shli %parallel_loop3A_1089, %parallel_loop3A_1091 : vector<16xi32>
        %parallel_loop3A_1093 = tpu.bitcast %parallel_loop3A_1092 : vector<16xi32> -> vector<16xf32>
        %parallel_loop3A_1094 = arith.andi %parallel_loop3A_1089, %parallel_loop3A_946 : vector<16xi32>
        %parallel_loop3A_1095 = tpu.bitcast %parallel_loop3A_1094 : vector<16xi32> -> vector<16xf32>
        %parallel_loop3A_1096 = arith.mulf %parallel_loop3A_1093, %parallel_loop3A_1061 : vector<16xf32>
        %parallel_loop3A_1097 = arith.index_cast %parallel_loop3A_940 : i32 to index
        %parallel_loop3A_1098 = arith.constant 16 : index
        %parallel_loop3A_1099 = tpu.vector_load %arg13[%parallel_loop3A_1097, %parallel_loop3A_1098] {strides = array<i32>} : memref<80x128xf32, #tpu.memory_space<vmem>>, vector<1x16xf32>,
        %parallel_loop3A_1100 = vector.shape_cast %parallel_loop3A_1099 : vector<1x16xf32> to vector<16xf32>
        %parallel_loop3A_1101 = vector.shape_cast %parallel_loop3A_1096 : vector<16xf32> to vector<1x16xf32>
        tpu.vector_store %arg13[%parallel_loop3A_1097, %parallel_loop3A_1098], %parallel_loop3A_1101 {strides = array<i32>} : memref<80x128xf32, #tpu.memory_space<vmem>>, vector<1x16xf32>,
        %parallel_loop3A_1102 = arith.mulf %parallel_loop3A_1095, %parallel_loop3A_1061 : vector<16xf32>
        %parallel_loop3A_1103 = arith.index_cast %parallel_loop3A_940 : i32 to index
        %parallel_loop3A_1104 = arith.constant 80 : index
        %parallel_loop3A_1105 = tpu.vector_load %arg13[%parallel_loop3A_1103, %parallel_loop3A_1104] {strides = array<i32>} : memref<80x128xf32, #tpu.memory_space<vmem>>, vector<1x16xf32>,
        %parallel_loop3A_1106 = vector.shape_cast %parallel_loop3A_1105 : vector<1x16xf32> to vector<16xf32>
        %parallel_loop3A_1107 = vector.shape_cast %parallel_loop3A_1102 : vector<16xf32> to vector<1x16xf32>
        tpu.vector_store %arg13[%parallel_loop3A_1103, %parallel_loop3A_1104], %parallel_loop3A_1107 {strides = array<i32>} : memref<80x128xf32, #tpu.memory_space<vmem>>, vector<1x16xf32>,
        %parallel_loop3A_1108 = arith.index_cast %parallel_loop3A_940 : i32 to index
        %parallel_loop3A_1109 = arith.constant 96 : index
        %parallel_loop3A_1110 = tpu.vector_load %arg13[%parallel_loop3A_1108, %parallel_loop3A_1109] {strides = array<i32>} : memref<80x128xf32, #tpu.memory_space<vmem>>, vector<1x16xf32>,
        %parallel_loop3A_1111 = vector.shape_cast %parallel_loop3A_1110 : vector<1x16xf32> to vector<16xf32>
        %parallel_loop3A_1112 = tpu.bitcast %parallel_loop3A_1111 : vector<16xf32> -> vector<16xi32>
        %parallel_loop3A_1113 = arith.constant 16 : i32
        %parallel_loop3A_1114 = vector.broadcast %parallel_loop3A_1113 : i32 to vector<16xi32>
        %parallel_loop3A_1115 = arith.shli %parallel_loop3A_1112, %parallel_loop3A_1114 : vector<16xi32>
        %parallel_loop3A_1116 = tpu.bitcast %parallel_loop3A_1115 : vector<16xi32> -> vector<16xf32>
        %parallel_loop3A_1117 = arith.andi %parallel_loop3A_1112, %parallel_loop3A_946 : vector<16xi32>
        %parallel_loop3A_1118 = tpu.bitcast %parallel_loop3A_1117 : vector<16xi32> -> vector<16xf32>
        %parallel_loop3A_1119 = arith.mulf %parallel_loop3A_1116, %parallel_loop3A_1061 : vector<16xf32>
        %parallel_loop3A_1120 = arith.index_cast %parallel_loop3A_940 : i32 to index
        %parallel_loop3A_1121 = arith.constant 32 : index
        %parallel_loop3A_1122 = tpu.vector_load %arg13[%parallel_loop3A_1120, %parallel_loop3A_1121] {strides = array<i32>} : memref<80x128xf32, #tpu.memory_space<vmem>>, vector<1x16xf32>,
        %parallel_loop3A_1123 = vector.shape_cast %parallel_loop3A_1122 : vector<1x16xf32> to vector<16xf32>
        %parallel_loop3A_1124 = vector.shape_cast %parallel_loop3A_1119 : vector<16xf32> to vector<1x16xf32>
        tpu.vector_store %arg13[%parallel_loop3A_1120, %parallel_loop3A_1121], %parallel_loop3A_1124 {strides = array<i32>} : memref<80x128xf32, #tpu.memory_space<vmem>>, vector<1x16xf32>,
        %parallel_loop3A_1125 = arith.mulf %parallel_loop3A_1118, %parallel_loop3A_1061 : vector<16xf32>
        %parallel_loop3A_1126 = arith.index_cast %parallel_loop3A_940 : i32 to index
        %parallel_loop3A_1127 = arith.constant 96 : index
        %parallel_loop3A_1128 = tpu.vector_load %arg13[%parallel_loop3A_1126, %parallel_loop3A_1127] {strides = array<i32>} : memref<80x128xf32, #tpu.memory_space<vmem>>, vector<1x16xf32>,
        %parallel_loop3A_1129 = vector.shape_cast %parallel_loop3A_1128 : vector<1x16xf32> to vector<16xf32>
        %parallel_loop3A_1130 = vector.shape_cast %parallel_loop3A_1125 : vector<16xf32> to vector<1x16xf32>
        tpu.vector_store %arg13[%parallel_loop3A_1126, %parallel_loop3A_1127], %parallel_loop3A_1130 {strides = array<i32>} : memref<80x128xf32, #tpu.memory_space<vmem>>, vector<1x16xf32>,
        %parallel_loop3A_1131 = arith.index_cast %parallel_loop3A_940 : i32 to index
        %parallel_loop3A_1132 = arith.constant 112 : index
        %parallel_loop3A_1133 = tpu.vector_load %arg13[%parallel_loop3A_1131, %parallel_loop3A_1132] {strides = array<i32>} : memref<80x128xf32, #tpu.memory_space<vmem>>, vector<1x16xf32>,
        %parallel_loop3A_1134 = vector.shape_cast %parallel_loop3A_1133 : vector<1x16xf32> to vector<16xf32>
        %parallel_loop3A_1135 = tpu.bitcast %parallel_loop3A_1134 : vector<16xf32> -> vector<16xi32>
        %parallel_loop3A_1136 = arith.constant 16 : i32
        %parallel_loop3A_1137 = vector.broadcast %parallel_loop3A_1136 : i32 to vector<16xi32>
        %parallel_loop3A_1138 = arith.shli %parallel_loop3A_1135, %parallel_loop3A_1137 : vector<16xi32>
        %parallel_loop3A_1139 = tpu.bitcast %parallel_loop3A_1138 : vector<16xi32> -> vector<16xf32>
        %parallel_loop3A_1140 = arith.andi %parallel_loop3A_1135, %parallel_loop3A_946 : vector<16xi32>
        %parallel_loop3A_1141 = tpu.bitcast %parallel_loop3A_1140 : vector<16xi32> -> vector<16xf32>
        %parallel_loop3A_1142 = arith.mulf %parallel_loop3A_1139, %parallel_loop3A_1061 : vector<16xf32>
        %parallel_loop3A_1143 = arith.index_cast %parallel_loop3A_940 : i32 to index
        %parallel_loop3A_1144 = arith.constant 48 : index
        %parallel_loop3A_1145 = tpu.vector_load %arg13[%parallel_loop3A_1143, %parallel_loop3A_1144] {strides = array<i32>} : memref<80x128xf32, #tpu.memory_space<vmem>>, vector<1x16xf32>,
        %parallel_loop3A_1146 = vector.shape_cast %parallel_loop3A_1145 : vector<1x16xf32> to vector<16xf32>
        %parallel_loop3A_1147 = vector.shape_cast %parallel_loop3A_1142 : vector<16xf32> to vector<1x16xf32>
        tpu.vector_store %arg13[%parallel_loop3A_1143, %parallel_loop3A_1144], %parallel_loop3A_1147 {strides = array<i32>} : memref<80x128xf32, #tpu.memory_space<vmem>>, vector<1x16xf32>,
        %parallel_loop3A_1148 = arith.mulf %parallel_loop3A_1141, %parallel_loop3A_1061 : vector<16xf32>
        %parallel_loop3A_1149 = arith.index_cast %parallel_loop3A_940 : i32 to index
        %parallel_loop3A_1150 = arith.constant 112 : index
        %parallel_loop3A_1151 = tpu.vector_load %arg13[%parallel_loop3A_1149, %parallel_loop3A_1150] {strides = array<i32>} : memref<80x128xf32, #tpu.memory_space<vmem>>, vector<1x16xf32>,
        %parallel_loop3A_1152 = vector.shape_cast %parallel_loop3A_1151 : vector<1x16xf32> to vector<16xf32>
        %parallel_loop3A_1153 = vector.shape_cast %parallel_loop3A_1148 : vector<16xf32> to vector<1x16xf32>
        tpu.vector_store %arg13[%parallel_loop3A_1149, %parallel_loop3A_1150], %parallel_loop3A_1153 {strides = array<i32>} : memref<80x128xf32, #tpu.memory_space<vmem>>, vector<1x16xf32>,
      } {sc.loop_unroll_factor = 2 : i64, sc.parallel_access}
      %dma_start3A_881 = arith.constant 1 : i32
      %dma_start3A_882 = arith.constant 0 : i32
      %dma_start3A_883 = tpu.memref_slice %arg9[%dma_start3A_881, %dma_start3A_882] : memref<2x80xi32, #tpu.memory_space<vmem>> -> memref<1x80xi32, #tpu.memory_space<vmem>>
      %dma_start3A_884 = tpu.memref_squeeze %dma_start3A_883 : memref<1x80xi32, #tpu.memory_space<vmem>> -> memref<80xi32, #tpu.memory_space<vmem>>
      %dma_start3A_885 = arith.constant 0 : i32
      %dma_start3A_886 = arith.constant 0 : i32
      %dma_start3A_887 = tpu.memref_slice %arg15[%dma_start3A_885, %dma_start3A_886] : memref<10000x128xf32, #tpu.memory_space<vmem_shared>> -> memref<10000x128xf32, #tpu.memory_space<vmem_shared>>
      tpu.enqueue_indirect_dma source(%arg13 : memref<80x128xf32, #tpu.memory_space<vmem>>) target(%dma_start3A_887 : memref<10000x128xf32, #tpu.memory_space<vmem_shared>>) offsets(%dma_start3A_884 : memref<80xi32, #tpu.memory_space<vmem>>) semaphore(%arg19 : memref<!tpu.dma_semaphore, #tpu.memory_space<semaphore_mem>>) {add = true}
      %dma_wait3A_888 = arith.constant 1 : i32
      %dma_wait3A_889 = arith.constant 0 : i32
      %dma_wait3A_890 = tpu.memref_slice %arg9[%dma_wait3A_888, %dma_wait3A_889] : memref<2x80xi32, #tpu.memory_space<vmem>> -> memref<1x80xi32, #tpu.memory_space<vmem>>
      %dma_wait3A_891 = tpu.memref_squeeze %dma_wait3A_890 : memref<1x80xi32, #tpu.memory_space<vmem>> -> memref<80xi32, #tpu.memory_space<vmem>>
      %dma_wait3A_892 = arith.constant 0 : i32
      %dma_wait3A_893 = arith.constant 0 : i32
      %dma_wait3A_894 = tpu.memref_slice %arg15[%dma_wait3A_892, %dma_wait3A_893] : memref<10000x128xf32, #tpu.memory_space<vmem_shared>> -> memref<10000x128xf32, #tpu.memory_space<vmem_shared>>
      tpu.wait_indirect_dma semaphore(%arg19 : memref<!tpu.dma_semaphore, #tpu.memory_space<semaphore_mem>>) src(%arg13 : memref<80x128xf32, #tpu.memory_space<vmem>>) dst(%dma_wait3A_894 : memref<10000x128xf32, #tpu.memory_space<vmem_shared>>)
      %add3A_895 = arith.constant 2 : i32
      %add3A_896 = arith.addi %add3A_863, %add3A_895 : i32
      %mul3A_897 = arith.constant 125 : i32
      %mul3A_898 = arith.muli %add3A, %mul3A_897 : i32
      %min3A_899 = arith.constant 124 : i32
      %min3A_900 = arith.minsi %add3A_896, %min3A_899 : i32
      %add3A_901 = arith.addi %mul3A_898, %min3A_900 : i32
      %dma_wait3A_902 = arith.constant 0 : i32
      %dma_wait3A_903 = arith.constant 0 : i32
      %dma_wait3A_904 = tpu.memref_slice %arg4[%add3A_901, %dma_wait3A_902, %dma_wait3A_903] : memref<4000x2x80xi32, #tpu.memory_space<hbm>> -> memref<1x2x80xi32, #tpu.memory_space<hbm>>
      %dma_wait3A_905 = tpu.memref_squeeze %dma_wait3A_904 : memref<1x2x80xi32, #tpu.memory_space<hbm>> -> memref<2x80xi32, #tpu.memory_space<hbm>>
      %dma_wait3A_906 = arith.constant 0 : i32
      %dma_wait3A_907 = arith.constant 0 : i32
      %dma_wait3A_908 = tpu.memref_slice %arg4[%add3A_901, %dma_wait3A_906, %dma_wait3A_907] : memref<4000x2x80xi32, #tpu.memory_space<hbm>> -> memref<1x2x80xi32, #tpu.memory_space<hbm>>
      %dma_wait3A_909 = tpu.memref_squeeze %dma_wait3A_908 : memref<1x2x80xi32, #tpu.memory_space<hbm>> -> memref<2x80xi32, #tpu.memory_space<hbm>>
      tpu.wait_dma2 semaphore(%arg21 : memref<!tpu.dma_semaphore, #tpu.memory_space<semaphore_mem>>) src(%dma_wait3A_909 : memref<2x80xi32, #tpu.memory_space<hbm>>) dst(%arg7 : memref<2x80xi32, #tpu.memory_space<vmem>>)
      %dma_start3A_910 = arith.constant 1 : i32
      %dma_start3A_911 = arith.constant 0 : i32
      %dma_start3A_912 = tpu.memref_slice %arg7[%dma_start3A_910, %dma_start3A_911] : memref<2x80xi32, #tpu.memory_space<vmem>> -> memref<1x80xi32, #tpu.memory_space<vmem>>
      %dma_start3A_913 = tpu.memref_squeeze %dma_start3A_912 : memref<1x80xi32, #tpu.memory_space<vmem>> -> memref<80xi32, #tpu.memory_space<vmem>>
      %dma_start3A_914 = arith.constant 0 : i32
      %dma_start3A_915 = arith.constant 0 : i32
      %dma_start3A_916 = tpu.memref_slice %arg2[%dma_start3A_914, %dma_start3A_915] : memref<10000x128xf32, #tpu.memory_space<hbm>> -> memref<10000x128xf32, #tpu.memory_space<hbm>>
      tpu.enqueue_indirect_dma source(%dma_start3A_916 : memref<10000x128xf32, #tpu.memory_space<hbm>>) target(%arg12 : memref<80x128xf32, #tpu.memory_space<vmem>>) offsets(%dma_start3A_913 : memref<80xi32, #tpu.memory_space<vmem>>) semaphore(%arg17 : memref<!tpu.dma_semaphore, #tpu.memory_space<semaphore_mem>>)
      %dma_start3A_917 = arith.constant 0 : i32
      %dma_start3A_918 = arith.constant 0 : i32
      %dma_start3A_919 = tpu.memref_slice %arg7[%dma_start3A_917, %dma_start3A_918] : memref<2x80xi32, #tpu.memory_space<vmem>> -> memref<1x80xi32, #tpu.memory_space<vmem>>
      %dma_start3A_920 = tpu.memref_squeeze %dma_start3A_919 : memref<1x80xi32, #tpu.memory_space<vmem>> -> memref<80xi32, #tpu.memory_space<vmem>>
      %dma_start3A_921 = arith.constant 0 : i32
      %dma_start3A_922 = arith.constant 0 : i32
      %dma_start3A_923 = tpu.memref_slice %arg3[%dma_start3A_921, %dma_start3A_922] : memref<10000x128xf32, #tpu.memory_space<hbm>> -> memref<10000x128xf32, #tpu.memory_space<hbm>>
      tpu.enqueue_indirect_dma source(%dma_start3A_923 : memref<10000x128xf32, #tpu.memory_space<hbm>>) target(%arg13 : memref<80x128xf32, #tpu.memory_space<vmem>>) offsets(%dma_start3A_920 : memref<80xi32, #tpu.memory_space<vmem>>) semaphore(%arg17 : memref<!tpu.dma_semaphore, #tpu.memory_space<semaphore_mem>>)
      %add3A_924 = arith.constant 4 : i32
      %add3A_925 = arith.addi %add3A_863, %add3A_924 : i32
      %mul3A_926 = arith.constant 125 : i32
      %mul3A_927 = arith.muli %add3A, %mul3A_926 : i32
      %min3A_928 = arith.constant 124 : i32
      %min3A_929 = arith.minsi %add3A_925, %min3A_928 : i32
      %add3A_930 = arith.addi %mul3A_927, %min3A_929 : i32
      %dma_start3A_931 = arith.constant 0 : i32
      %dma_start3A_932 = arith.constant 0 : i32
      %dma_start3A_933 = tpu.memref_slice %arg4[%add3A_930, %dma_start3A_931, %dma_start3A_932] : memref<4000x2x80xi32, #tpu.memory_space<hbm>> -> memref<1x2x80xi32, #tpu.memory_space<hbm>>
      %dma_start3A_934 = tpu.memref_squeeze %dma_start3A_933 : memref<1x2x80xi32, #tpu.memory_space<hbm>> -> memref<2x80xi32, #tpu.memory_space<hbm>>
      %dma_start3A_935 = arith.constant 0 : i32
      %dma_start3A_936 = arith.constant 0 : i32
      %dma_start3A_937 = tpu.memref_slice %arg4[%add3A_930, %dma_start3A_935, %dma_start3A_936] : memref<4000x2x80xi32, #tpu.memory_space<hbm>> -> memref<1x2x80xi32, #tpu.memory_space<hbm>>
      %dma_start3A_938 = tpu.memref_squeeze %dma_start3A_937 : memref<1x2x80xi32, #tpu.memory_space<hbm>> -> memref<2x80xi32, #tpu.memory_space<hbm>>
      tpu.enqueue_dma source(%dma_start3A_938 : memref<2x80xi32, #tpu.memory_space<hbm>>) target(%arg9 : memref<2x80xi32, #tpu.memory_space<vmem>>) target_semaphore(%arg23 : memref<!tpu.dma_semaphore, #tpu.memory_space<semaphore_mem>>)
      %scan3A_939 = arith.constant 0 : i32
      scf.yield %scan3A_939 : i32
    }
    %scan3A_544 = arith.constant 31 : i32
    %dma_wait3A_545 = arith.constant 1 : i32
    %dma_wait3A_546 = arith.constant 0 : i32
    %dma_wait3A_547 = tpu.memref_slice %arg6[%dma_wait3A_545, %dma_wait3A_546] : memref<2x80xi32, #tpu.memory_space<vmem>> -> memref<1x80xi32, #tpu.memory_space<vmem>>
    %dma_wait3A_548 = tpu.memref_squeeze %dma_wait3A_547 : memref<1x80xi32, #tpu.memory_space<vmem>> -> memref<80xi32, #tpu.memory_space<vmem>>
    %dma_wait3A_549 = arith.constant 0 : i32
    %dma_wait3A_550 = arith.constant 0 : i32
    %dma_wait3A_551 = tpu.memref_slice %arg2[%dma_wait3A_549, %dma_wait3A_550] : memref<10000x128xf32, #tpu.memory_space<hbm>> -> memref<10000x128xf32, #tpu.memory_space<hbm>>
    tpu.wait_indirect_dma semaphore(%arg16 : memref<!tpu.dma_semaphore, #tpu.memory_space<semaphore_mem>>) src(%dma_wait3A_551 : memref<10000x128xf32, #tpu.memory_space<hbm>>) dst(%arg10 : memref<80x128xf32, #tpu.memory_space<vmem>>)
    %dma_wait3A_552 = arith.constant 0 : i32
    %dma_wait3A_553 = arith.constant 0 : i32
    %dma_wait3A_554 = tpu.memref_slice %arg6[%dma_wait3A_552, %dma_wait3A_553] : memref<2x80xi32, #tpu.memory_space<vmem>> -> memref<1x80xi32, #tpu.memory_space<vmem>>
    %dma_wait3A_555 = tpu.memref_squeeze %dma_wait3A_554 : memref<1x80xi32, #tpu.memory_space<vmem>> -> memref<80xi32, #tpu.memory_space<vmem>>
    %dma_wait3A_556 = arith.constant 0 : i32
    %dma_wait3A_557 = arith.constant 0 : i32
    %dma_wait3A_558 = tpu.memref_slice %arg3[%dma_wait3A_556, %dma_wait3A_557] : memref<10000x128xf32, #tpu.memory_space<hbm>> -> memref<10000x128xf32, #tpu.memory_space<hbm>>
    tpu.wait_indirect_dma semaphore(%arg16 : memref<!tpu.dma_semaphore, #tpu.memory_space<semaphore_mem>>) src(%dma_wait3A_558 : memref<10000x128xf32, #tpu.memory_space<hbm>>) dst(%arg11 : memref<80x128xf32, #tpu.memory_space<vmem>>)
    %parallel_loop3A = arith.constant 0 : i32
    %parallel_loop3A_559 = arith.constant 80 : i32
    %parallel_loop3A_560 = arith.constant 1 : i32
    scf.for %parallel_loop3A_627 = %parallel_loop3A to %parallel_loop3A_559 step %parallel_loop3A_560  : i32 {
      %parallel_loop3A_628 = arith.constant 0.000000e+00 : f32
      %parallel_loop3A_629 = vector.broadcast %parallel_loop3A_628 : f32 to vector<16xf32>
      %parallel_loop3A_630 = arith.constant 0.000000e+00 : f32
      %parallel_loop3A_631 = vector.broadcast %parallel_loop3A_630 : f32 to vector<16xf32>
      %parallel_loop3A_632 = arith.constant -65536 : i32
      %parallel_loop3A_633 = vector.broadcast %parallel_loop3A_632 : i32 to vector<16xi32>
      %parallel_loop3A_634 = arith.index_cast %parallel_loop3A_627 : i32 to index
      %parallel_loop3A_635 = arith.constant 0 : index
      %parallel_loop3A_636 = tpu.vector_load %arg11[%parallel_loop3A_634, %parallel_loop3A_635] {strides = array<i32>} : memref<80x128xf32, #tpu.memory_space<vmem>>, vector<1x16xf32>,
      %parallel_loop3A_637 = vector.shape_cast %parallel_loop3A_636 : vector<1x16xf32> to vector<16xf32>
      %parallel_loop3A_638 = tpu.bitcast %parallel_loop3A_637 : vector<16xf32> -> vector<16xi32>
      %parallel_loop3A_639 = arith.index_cast %parallel_loop3A_627 : i32 to index
      %parallel_loop3A_640 = arith.constant 0 : index
      %parallel_loop3A_641 = tpu.vector_load %arg10[%parallel_loop3A_639, %parallel_loop3A_640] {strides = array<i32>} : memref<80x128xf32, #tpu.memory_space<vmem>>, vector<1x16xf32>,
      %parallel_loop3A_642 = vector.shape_cast %parallel_loop3A_641 : vector<1x16xf32> to vector<16xf32>
      %parallel_loop3A_643 = arith.index_cast %parallel_loop3A_627 : i32 to index
      %parallel_loop3A_644 = arith.constant 64 : index
      %parallel_loop3A_645 = tpu.vector_load %arg10[%parallel_loop3A_643, %parallel_loop3A_644] {strides = array<i32>} : memref<80x128xf32, #tpu.memory_space<vmem>>, vector<1x16xf32>,
      %parallel_loop3A_646 = vector.shape_cast %parallel_loop3A_645 : vector<1x16xf32> to vector<16xf32>
      %parallel_loop3A_647 = arith.constant 16 : i32
      %parallel_loop3A_648 = vector.broadcast %parallel_loop3A_647 : i32 to vector<16xi32>
      %parallel_loop3A_649 = arith.shli %parallel_loop3A_638, %parallel_loop3A_648 : vector<16xi32>
      %parallel_loop3A_650 = tpu.bitcast %parallel_loop3A_649 : vector<16xi32> -> vector<16xf32>
      %parallel_loop3A_651 = arith.andi %parallel_loop3A_638, %parallel_loop3A_633 : vector<16xi32>
      %parallel_loop3A_652 = tpu.bitcast %parallel_loop3A_651 : vector<16xi32> -> vector<16xf32>
      %parallel_loop3A_653 = arith.mulf %parallel_loop3A_642, %parallel_loop3A_650 : vector<16xf32>
      %parallel_loop3A_654 = arith.addf %parallel_loop3A_629, %parallel_loop3A_653 : vector<16xf32>
      %parallel_loop3A_655 = arith.mulf %parallel_loop3A_646, %parallel_loop3A_652 : vector<16xf32>
      %parallel_loop3A_656 = arith.addf %parallel_loop3A_631, %parallel_loop3A_655 : vector<16xf32>
      %parallel_loop3A_657 = arith.index_cast %parallel_loop3A_627 : i32 to index
      %parallel_loop3A_658 = arith.constant 16 : index
      %parallel_loop3A_659 = tpu.vector_load %arg11[%parallel_loop3A_657, %parallel_loop3A_658] {strides = array<i32>} : memref<80x128xf32, #tpu.memory_space<vmem>>, vector<1x16xf32>,
      %parallel_loop3A_660 = vector.shape_cast %parallel_loop3A_659 : vector<1x16xf32> to vector<16xf32>
      %parallel_loop3A_661 = tpu.bitcast %parallel_loop3A_660 : vector<16xf32> -> vector<16xi32>
      %parallel_loop3A_662 = arith.index_cast %parallel_loop3A_627 : i32 to index
      %parallel_loop3A_663 = arith.constant 16 : index
      %parallel_loop3A_664 = tpu.vector_load %arg10[%parallel_loop3A_662, %parallel_loop3A_663] {strides = array<i32>} : memref<80x128xf32, #tpu.memory_space<vmem>>, vector<1x16xf32>,
      %parallel_loop3A_665 = vector.shape_cast %parallel_loop3A_664 : vector<1x16xf32> to vector<16xf32>
      %parallel_loop3A_666 = arith.index_cast %parallel_loop3A_627 : i32 to index
      %parallel_loop3A_667 = arith.constant 80 : index
      %parallel_loop3A_668 = tpu.vector_load %arg10[%parallel_loop3A_666, %parallel_loop3A_667] {strides = array<i32>} : memref<80x128xf32, #tpu.memory_space<vmem>>, vector<1x16xf32>,
      %parallel_loop3A_669 = vector.shape_cast %parallel_loop3A_668 : vector<1x16xf32> to vector<16xf32>
      %parallel_loop3A_670 = arith.constant 16 : i32
      %parallel_loop3A_671 = vector.broadcast %parallel_loop3A_670 : i32 to vector<16xi32>
      %parallel_loop3A_672 = arith.shli %parallel_loop3A_661, %parallel_loop3A_671 : vector<16xi32>
      %parallel_loop3A_673 = tpu.bitcast %parallel_loop3A_672 : vector<16xi32> -> vector<16xf32>
      %parallel_loop3A_674 = arith.andi %parallel_loop3A_661, %parallel_loop3A_633 : vector<16xi32>
      %parallel_loop3A_675 = tpu.bitcast %parallel_loop3A_674 : vector<16xi32> -> vector<16xf32>
      %parallel_loop3A_676 = arith.mulf %parallel_loop3A_665, %parallel_loop3A_673 : vector<16xf32>
      %parallel_loop3A_677 = arith.addf %parallel_loop3A_654, %parallel_loop3A_676 : vector<16xf32>
      %parallel_loop3A_678 = arith.mulf %parallel_loop3A_669, %parallel_loop3A_675 : vector<16xf32>
      %parallel_loop3A_679 = arith.addf %parallel_loop3A_656, %parallel_loop3A_678 : vector<16xf32>
      %parallel_loop3A_680 = arith.index_cast %parallel_loop3A_627 : i32 to index
      %parallel_loop3A_681 = arith.constant 32 : index
      %parallel_loop3A_682 = tpu.vector_load %arg11[%parallel_loop3A_680, %parallel_loop3A_681] {strides = array<i32>} : memref<80x128xf32, #tpu.memory_space<vmem>>, vector<1x16xf32>,
      %parallel_loop3A_683 = vector.shape_cast %parallel_loop3A_682 : vector<1x16xf32> to vector<16xf32>
      %parallel_loop3A_684 = tpu.bitcast %parallel_loop3A_683 : vector<16xf32> -> vector<16xi32>
      %parallel_loop3A_685 = arith.index_cast %parallel_loop3A_627 : i32 to index
      %parallel_loop3A_686 = arith.constant 32 : index
      %parallel_loop3A_687 = tpu.vector_load %arg10[%parallel_loop3A_685, %parallel_loop3A_686] {strides = array<i32>} : memref<80x128xf32, #tpu.memory_space<vmem>>, vector<1x16xf32>,
      %parallel_loop3A_688 = vector.shape_cast %parallel_loop3A_687 : vector<1x16xf32> to vector<16xf32>
      %parallel_loop3A_689 = arith.index_cast %parallel_loop3A_627 : i32 to index
      %parallel_loop3A_690 = arith.constant 96 : index
      %parallel_loop3A_691 = tpu.vector_load %arg10[%parallel_loop3A_689, %parallel_loop3A_690] {strides = array<i32>} : memref<80x128xf32, #tpu.memory_space<vmem>>, vector<1x16xf32>,
      %parallel_loop3A_692 = vector.shape_cast %parallel_loop3A_691 : vector<1x16xf32> to vector<16xf32>
      %parallel_loop3A_693 = arith.constant 16 : i32
      %parallel_loop3A_694 = vector.broadcast %parallel_loop3A_693 : i32 to vector<16xi32>
      %parallel_loop3A_695 = arith.shli %parallel_loop3A_684, %parallel_loop3A_694 : vector<16xi32>
      %parallel_loop3A_696 = tpu.bitcast %parallel_loop3A_695 : vector<16xi32> -> vector<16xf32>
      %parallel_loop3A_697 = arith.andi %parallel_loop3A_684, %parallel_loop3A_633 : vector<16xi32>
      %parallel_loop3A_698 = tpu.bitcast %parallel_loop3A_697 : vector<16xi32> -> vector<16xf32>
      %parallel_loop3A_699 = arith.mulf %parallel_loop3A_688, %parallel_loop3A_696 : vector<16xf32>
      %parallel_loop3A_700 = arith.addf %parallel_loop3A_677, %parallel_loop3A_699 : vector<16xf32>
      %parallel_loop3A_701 = arith.mulf %parallel_loop3A_692, %parallel_loop3A_698 : vector<16xf32>
      %parallel_loop3A_702 = arith.addf %parallel_loop3A_679, %parallel_loop3A_701 : vector<16xf32>
      %parallel_loop3A_703 = arith.index_cast %parallel_loop3A_627 : i32 to index
      %parallel_loop3A_704 = arith.constant 48 : index
      %parallel_loop3A_705 = tpu.vector_load %arg11[%parallel_loop3A_703, %parallel_loop3A_704] {strides = array<i32>} : memref<80x128xf32, #tpu.memory_space<vmem>>, vector<1x16xf32>,
      %parallel_loop3A_706 = vector.shape_cast %parallel_loop3A_705 : vector<1x16xf32> to vector<16xf32>
      %parallel_loop3A_707 = tpu.bitcast %parallel_loop3A_706 : vector<16xf32> -> vector<16xi32>
      %parallel_loop3A_708 = arith.index_cast %parallel_loop3A_627 : i32 to index
      %parallel_loop3A_709 = arith.constant 48 : index
      %parallel_loop3A_710 = tpu.vector_load %arg10[%parallel_loop3A_708, %parallel_loop3A_709] {strides = array<i32>} : memref<80x128xf32, #tpu.memory_space<vmem>>, vector<1x16xf32>,
      %parallel_loop3A_711 = vector.shape_cast %parallel_loop3A_710 : vector<1x16xf32> to vector<16xf32>
      %parallel_loop3A_712 = arith.index_cast %parallel_loop3A_627 : i32 to index
      %parallel_loop3A_713 = arith.constant 112 : index
      %parallel_loop3A_714 = tpu.vector_load %arg10[%parallel_loop3A_712, %parallel_loop3A_713] {strides = array<i32>} : memref<80x128xf32, #tpu.memory_space<vmem>>, vector<1x16xf32>,
      %parallel_loop3A_715 = vector.shape_cast %parallel_loop3A_714 : vector<1x16xf32> to vector<16xf32>
      %parallel_loop3A_716 = arith.constant 16 : i32
      %parallel_loop3A_717 = vector.broadcast %parallel_loop3A_716 : i32 to vector<16xi32>
      %parallel_loop3A_718 = arith.shli %parallel_loop3A_707, %parallel_loop3A_717 : vector<16xi32>
      %parallel_loop3A_719 = tpu.bitcast %parallel_loop3A_718 : vector<16xi32> -> vector<16xf32>
      %parallel_loop3A_720 = arith.andi %parallel_loop3A_707, %parallel_loop3A_633 : vector<16xi32>
      %parallel_loop3A_721 = tpu.bitcast %parallel_loop3A_720 : vector<16xi32> -> vector<16xf32>
      %parallel_loop3A_722 = arith.mulf %parallel_loop3A_711, %parallel_loop3A_719 : vector<16xf32>
      %parallel_loop3A_723 = arith.addf %parallel_loop3A_700, %parallel_loop3A_722 : vector<16xf32>
      %parallel_loop3A_724 = arith.mulf %parallel_loop3A_715, %parallel_loop3A_721 : vector<16xf32>
      %parallel_loop3A_725 = arith.addf %parallel_loop3A_702, %parallel_loop3A_724 : vector<16xf32>
      %parallel_loop3A_726 = arith.addf %parallel_loop3A_723, %parallel_loop3A_725 : vector<16xf32>
      %parallel_loop3A_727 = vector.shape_cast %broadcast_in_dim3A_416 : vector<16x1xi32> to vector<16xi32>
      %parallel_loop3A_728 = tpu.dynamic_gather %parallel_loop3A_726[%parallel_loop3A_727] in [0] : vector<16xf32>, vector<16xi32> -> vector<16xf32>
      %parallel_loop3A_729 = arith.addf %parallel_loop3A_726, %parallel_loop3A_728 : vector<16xf32>
      %parallel_loop3A_730 = vector.shape_cast %broadcast_in_dim3A_420 : vector<16x1xi32> to vector<16xi32>
      %parallel_loop3A_731 = tpu.dynamic_gather %parallel_loop3A_729[%parallel_loop3A_730] in [0] : vector<16xf32>, vector<16xi32> -> vector<16xf32>
      %parallel_loop3A_732 = arith.addf %parallel_loop3A_729, %parallel_loop3A_731 : vector<16xf32>
      %parallel_loop3A_733 = vector.shape_cast %broadcast_in_dim3A_424 : vector<16x1xi32> to vector<16xi32>
      %parallel_loop3A_734 = tpu.dynamic_gather %parallel_loop3A_732[%parallel_loop3A_733] in [0] : vector<16xf32>, vector<16xi32> -> vector<16xf32>
      %parallel_loop3A_735 = arith.addf %parallel_loop3A_732, %parallel_loop3A_734 : vector<16xf32>
      %parallel_loop3A_736 = vector.shape_cast %broadcast_in_dim3A_428 : vector<16x1xi32> to vector<16xi32>
      %parallel_loop3A_737 = tpu.dynamic_gather %parallel_loop3A_735[%parallel_loop3A_736] in [0] : vector<16xf32>, vector<16xi32> -> vector<16xf32>
      %parallel_loop3A_738 = arith.addf %parallel_loop3A_735, %parallel_loop3A_737 : vector<16xf32>
      %parallel_loop3A_739 = arith.constant -0.176776692 : f32
      %parallel_loop3A_740 = vector.broadcast %parallel_loop3A_739 : f32 to vector<16xf32>
      %parallel_loop3A_741 = arith.mulf %parallel_loop3A_738, %parallel_loop3A_740 : vector<16xf32>
      %parallel_loop3A_742 = math.exp %parallel_loop3A_741 : vector<16xf32>
      %parallel_loop3A_743 = arith.constant 1.000000e+00 : f32
      %parallel_loop3A_744 = vector.broadcast %parallel_loop3A_743 : f32 to vector<16xf32>
      %parallel_loop3A_745 = arith.addf %parallel_loop3A_744, %parallel_loop3A_742 : vector<16xf32>
      %parallel_loop3A_746 = arith.constant 1.000000e+00 : f32
      %parallel_loop3A_747 = vector.broadcast %parallel_loop3A_746 : f32 to vector<16xf32>
      %parallel_loop3A_748 = arith.divf %parallel_loop3A_747, %parallel_loop3A_745 : vector<16xf32>
      %parallel_loop3A_749 = arith.index_cast %parallel_loop3A_627 : i32 to index
      %parallel_loop3A_750 = arith.constant 64 : index
      %parallel_loop3A_751 = tpu.vector_load %arg11[%parallel_loop3A_749, %parallel_loop3A_750] {strides = array<i32>} : memref<80x128xf32, #tpu.memory_space<vmem>>, vector<1x16xf32>,
      %parallel_loop3A_752 = vector.shape_cast %parallel_loop3A_751 : vector<1x16xf32> to vector<16xf32>
      %parallel_loop3A_753 = tpu.bitcast %parallel_loop3A_752 : vector<16xf32> -> vector<16xi32>
      %parallel_loop3A_754 = arith.constant 16 : i32
      %parallel_loop3A_755 = vector.broadcast %parallel_loop3A_754 : i32 to vector<16xi32>
      %parallel_loop3A_756 = arith.shli %parallel_loop3A_753, %parallel_loop3A_755 : vector<16xi32>
      %parallel_loop3A_757 = tpu.bitcast %parallel_loop3A_756 : vector<16xi32> -> vector<16xf32>
      %parallel_loop3A_758 = arith.andi %parallel_loop3A_753, %parallel_loop3A_633 : vector<16xi32>
      %parallel_loop3A_759 = tpu.bitcast %parallel_loop3A_758 : vector<16xi32> -> vector<16xf32>
      %parallel_loop3A_760 = arith.mulf %parallel_loop3A_757, %parallel_loop3A_748 : vector<16xf32>
      %parallel_loop3A_761 = arith.index_cast %parallel_loop3A_627 : i32 to index
      %parallel_loop3A_762 = arith.constant 0 : index
      %parallel_loop3A_763 = tpu.vector_load %arg11[%parallel_loop3A_761, %parallel_loop3A_762] {strides = array<i32>} : memref<80x128xf32, #tpu.memory_space<vmem>>, vector<1x16xf32>,
      %parallel_loop3A_764 = vector.shape_cast %parallel_loop3A_763 : vector<1x16xf32> to vector<16xf32>
      %parallel_loop3A_765 = vector.shape_cast %parallel_loop3A_760 : vector<16xf32> to vector<1x16xf32>
      tpu.vector_store %arg11[%parallel_loop3A_761, %parallel_loop3A_762], %parallel_loop3A_765 {strides = array<i32>} : memref<80x128xf32, #tpu.memory_space<vmem>>, vector<1x16xf32>,
      %parallel_loop3A_766 = arith.mulf %parallel_loop3A_759, %parallel_loop3A_748 : vector<16xf32>
      %parallel_loop3A_767 = arith.index_cast %parallel_loop3A_627 : i32 to index
      %parallel_loop3A_768 = arith.constant 64 : index
      %parallel_loop3A_769 = tpu.vector_load %arg11[%parallel_loop3A_767, %parallel_loop3A_768] {strides = array<i32>} : memref<80x128xf32, #tpu.memory_space<vmem>>, vector<1x16xf32>,
      %parallel_loop3A_770 = vector.shape_cast %parallel_loop3A_769 : vector<1x16xf32> to vector<16xf32>
      %parallel_loop3A_771 = vector.shape_cast %parallel_loop3A_766 : vector<16xf32> to vector<1x16xf32>
      tpu.vector_store %arg11[%parallel_loop3A_767, %parallel_loop3A_768], %parallel_loop3A_771 {strides = array<i32>} : memref<80x128xf32, #tpu.memory_space<vmem>>, vector<1x16xf32>,
      %parallel_loop3A_772 = arith.index_cast %parallel_loop3A_627 : i32 to index
      %parallel_loop3A_773 = arith.constant 80 : index
      %parallel_loop3A_774 = tpu.vector_load %arg11[%parallel_loop3A_772, %parallel_loop3A_773] {strides = array<i32>} : memref<80x128xf32, #tpu.memory_space<vmem>>, vector<1x16xf32>,
      %parallel_loop3A_775 = vector.shape_cast %parallel_loop3A_774 : vector<1x16xf32> to vector<16xf32>
      %parallel_loop3A_776 = tpu.bitcast %parallel_loop3A_775 : vector<16xf32> -> vector<16xi32>
      %parallel_loop3A_777 = arith.constant 16 : i32
      %parallel_loop3A_778 = vector.broadcast %parallel_loop3A_777 : i32 to vector<16xi32>
      %parallel_loop3A_779 = arith.shli %parallel_loop3A_776, %parallel_loop3A_778 : vector<16xi32>
      %parallel_loop3A_780 = tpu.bitcast %parallel_loop3A_779 : vector<16xi32> -> vector<16xf32>
      %parallel_loop3A_781 = arith.andi %parallel_loop3A_776, %parallel_loop3A_633 : vector<16xi32>
      %parallel_loop3A_782 = tpu.bitcast %parallel_loop3A_781 : vector<16xi32> -> vector<16xf32>
      %parallel_loop3A_783 = arith.mulf %parallel_loop3A_780, %parallel_loop3A_748 : vector<16xf32>
      %parallel_loop3A_784 = arith.index_cast %parallel_loop3A_627 : i32 to index
      %parallel_loop3A_785 = arith.constant 16 : index
      %parallel_loop3A_786 = tpu.vector_load %arg11[%parallel_loop3A_784, %parallel_loop3A_785] {strides = array<i32>} : memref<80x128xf32, #tpu.memory_space<vmem>>, vector<1x16xf32>,
      %parallel_loop3A_787 = vector.shape_cast %parallel_loop3A_786 : vector<1x16xf32> to vector<16xf32>
      %parallel_loop3A_788 = vector.shape_cast %parallel_loop3A_783 : vector<16xf32> to vector<1x16xf32>
      tpu.vector_store %arg11[%parallel_loop3A_784, %parallel_loop3A_785], %parallel_loop3A_788 {strides = array<i32>} : memref<80x128xf32, #tpu.memory_space<vmem>>, vector<1x16xf32>,
      %parallel_loop3A_789 = arith.mulf %parallel_loop3A_782, %parallel_loop3A_748 : vector<16xf32>
      %parallel_loop3A_790 = arith.index_cast %parallel_loop3A_627 : i32 to index
      %parallel_loop3A_791 = arith.constant 80 : index
      %parallel_loop3A_792 = tpu.vector_load %arg11[%parallel_loop3A_790, %parallel_loop3A_791] {strides = array<i32>} : memref<80x128xf32, #tpu.memory_space<vmem>>, vector<1x16xf32>,
      %parallel_loop3A_793 = vector.shape_cast %parallel_loop3A_792 : vector<1x16xf32> to vector<16xf32>
      %parallel_loop3A_794 = vector.shape_cast %parallel_loop3A_789 : vector<16xf32> to vector<1x16xf32>
      tpu.vector_store %arg11[%parallel_loop3A_790, %parallel_loop3A_791], %parallel_loop3A_794 {strides = array<i32>} : memref<80x128xf32, #tpu.memory_space<vmem>>, vector<1x16xf32>,
      %parallel_loop3A_795 = arith.index_cast %parallel_loop3A_627 : i32 to index
      %parallel_loop3A_796 = arith.constant 96 : index
      %parallel_loop3A_797 = tpu.vector_load %arg11[%parallel_loop3A_795, %parallel_loop3A_796] {strides = array<i32>} : memref<80x128xf32, #tpu.memory_space<vmem>>, vector<1x16xf32>,
      %parallel_loop3A_798 = vector.shape_cast %parallel_loop3A_797 : vector<1x16xf32> to vector<16xf32>
      %parallel_loop3A_799 = tpu.bitcast %parallel_loop3A_798 : vector<16xf32> -> vector<16xi32>
      %parallel_loop3A_800 = arith.constant 16 : i32
      %parallel_loop3A_801 = vector.broadcast %parallel_loop3A_800 : i32 to vector<16xi32>
      %parallel_loop3A_802 = arith.shli %parallel_loop3A_799, %parallel_loop3A_801 : vector<16xi32>
      %parallel_loop3A_803 = tpu.bitcast %parallel_loop3A_802 : vector<16xi32> -> vector<16xf32>
      %parallel_loop3A_804 = arith.andi %parallel_loop3A_799, %parallel_loop3A_633 : vector<16xi32>
      %parallel_loop3A_805 = tpu.bitcast %parallel_loop3A_804 : vector<16xi32> -> vector<16xf32>
      %parallel_loop3A_806 = arith.mulf %parallel_loop3A_803, %parallel_loop3A_748 : vector<16xf32>
      %parallel_loop3A_807 = arith.index_cast %parallel_loop3A_627 : i32 to index
      %parallel_loop3A_808 = arith.constant 32 : index
      %parallel_loop3A_809 = tpu.vector_load %arg11[%parallel_loop3A_807, %parallel_loop3A_808] {strides = array<i32>} : memref<80x128xf32, #tpu.memory_space<vmem>>, vector<1x16xf32>,
      %parallel_loop3A_810 = vector.shape_cast %parallel_loop3A_809 : vector<1x16xf32> to vector<16xf32>
      %parallel_loop3A_811 = vector.shape_cast %parallel_loop3A_806 : vector<16xf32> to vector<1x16xf32>
      tpu.vector_store %arg11[%parallel_loop3A_807, %parallel_loop3A_808], %parallel_loop3A_811 {strides = array<i32>} : memref<80x128xf32, #tpu.memory_space<vmem>>, vector<1x16xf32>,
      %parallel_loop3A_812 = arith.mulf %parallel_loop3A_805, %parallel_loop3A_748 : vector<16xf32>
      %parallel_loop3A_813 = arith.index_cast %parallel_loop3A_627 : i32 to index
      %parallel_loop3A_814 = arith.constant 96 : index
      %parallel_loop3A_815 = tpu.vector_load %arg11[%parallel_loop3A_813, %parallel_loop3A_814] {strides = array<i32>} : memref<80x128xf32, #tpu.memory_space<vmem>>, vector<1x16xf32>,
      %parallel_loop3A_816 = vector.shape_cast %parallel_loop3A_815 : vector<1x16xf32> to vector<16xf32>
      %parallel_loop3A_817 = vector.shape_cast %parallel_loop3A_812 : vector<16xf32> to vector<1x16xf32>
      tpu.vector_store %arg11[%parallel_loop3A_813, %parallel_loop3A_814], %parallel_loop3A_817 {strides = array<i32>} : memref<80x128xf32, #tpu.memory_space<vmem>>, vector<1x16xf32>,
      %parallel_loop3A_818 = arith.index_cast %parallel_loop3A_627 : i32 to index
      %parallel_loop3A_819 = arith.constant 112 : index
      %parallel_loop3A_820 = tpu.vector_load %arg11[%parallel_loop3A_818, %parallel_loop3A_819] {strides = array<i32>} : memref<80x128xf32, #tpu.memory_space<vmem>>, vector<1x16xf32>,
      %parallel_loop3A_821 = vector.shape_cast %parallel_loop3A_820 : vector<1x16xf32> to vector<16xf32>
      %parallel_loop3A_822 = tpu.bitcast %parallel_loop3A_821 : vector<16xf32> -> vector<16xi32>
      %parallel_loop3A_823 = arith.constant 16 : i32
      %parallel_loop3A_824 = vector.broadcast %parallel_loop3A_823 : i32 to vector<16xi32>
      %parallel_loop3A_825 = arith.shli %parallel_loop3A_822, %parallel_loop3A_824 : vector<16xi32>
      %parallel_loop3A_826 = tpu.bitcast %parallel_loop3A_825 : vector<16xi32> -> vector<16xf32>
      %parallel_loop3A_827 = arith.andi %parallel_loop3A_822, %parallel_loop3A_633 : vector<16xi32>
      %parallel_loop3A_828 = tpu.bitcast %parallel_loop3A_827 : vector<16xi32> -> vector<16xf32>
      %parallel_loop3A_829 = arith.mulf %parallel_loop3A_826, %parallel_loop3A_748 : vector<16xf32>
      %parallel_loop3A_830 = arith.index_cast %parallel_loop3A_627 : i32 to index
      %parallel_loop3A_831 = arith.constant 48 : index
      %parallel_loop3A_832 = tpu.vector_load %arg11[%parallel_loop3A_830, %parallel_loop3A_831] {strides = array<i32>} : memref<80x128xf32, #tpu.memory_space<vmem>>, vector<1x16xf32>,
      %parallel_loop3A_833 = vector.shape_cast %parallel_loop3A_832 : vector<1x16xf32> to vector<16xf32>
      %parallel_loop3A_834 = vector.shape_cast %parallel_loop3A_829 : vector<16xf32> to vector<1x16xf32>
      tpu.vector_store %arg11[%parallel_loop3A_830, %parallel_loop3A_831], %parallel_loop3A_834 {strides = array<i32>} : memref<80x128xf32, #tpu.memory_space<vmem>>, vector<1x16xf32>,
      %parallel_loop3A_835 = arith.mulf %parallel_loop3A_828, %parallel_loop3A_748 : vector<16xf32>
      %parallel_loop3A_836 = arith.index_cast %parallel_loop3A_627 : i32 to index
      %parallel_loop3A_837 = arith.constant 112 : index
      %parallel_loop3A_838 = tpu.vector_load %arg11[%parallel_loop3A_836, %parallel_loop3A_837] {strides = array<i32>} : memref<80x128xf32, #tpu.memory_space<vmem>>, vector<1x16xf32>,
      %parallel_loop3A_839 = vector.shape_cast %parallel_loop3A_838 : vector<1x16xf32> to vector<16xf32>
      %parallel_loop3A_840 = vector.shape_cast %parallel_loop3A_835 : vector<16xf32> to vector<1x16xf32>
      tpu.vector_store %arg11[%parallel_loop3A_836, %parallel_loop3A_837], %parallel_loop3A_840 {strides = array<i32>} : memref<80x128xf32, #tpu.memory_space<vmem>>, vector<1x16xf32>,
    } {sc.loop_unroll_factor = 2 : i64, sc.parallel_access}
    %dma_start3A_561 = arith.constant 1 : i32
    %dma_start3A_562 = arith.constant 0 : i32
    %dma_start3A_563 = tpu.memref_slice %arg6[%dma_start3A_561, %dma_start3A_562] : memref<2x80xi32, #tpu.memory_space<vmem>> -> memref<1x80xi32, #tpu.memory_space<vmem>>
    %dma_start3A_564 = tpu.memref_squeeze %dma_start3A_563 : memref<1x80xi32, #tpu.memory_space<vmem>> -> memref<80xi32, #tpu.memory_space<vmem>>
    %dma_start3A_565 = arith.constant 0 : i32
    %dma_start3A_566 = arith.constant 0 : i32
    %dma_start3A_567 = tpu.memref_slice %arg15[%dma_start3A_565, %dma_start3A_566] : memref<10000x128xf32, #tpu.memory_space<vmem_shared>> -> memref<10000x128xf32, #tpu.memory_space<vmem_shared>>
    tpu.enqueue_indirect_dma source(%arg11 : memref<80x128xf32, #tpu.memory_space<vmem>>) target(%dma_start3A_567 : memref<10000x128xf32, #tpu.memory_space<vmem_shared>>) offsets(%dma_start3A_564 : memref<80xi32, #tpu.memory_space<vmem>>) semaphore(%arg18 : memref<!tpu.dma_semaphore, #tpu.memory_space<semaphore_mem>>) {add = true}
    %dma_wait3A_568 = arith.constant 1 : i32
    %dma_wait3A_569 = arith.constant 0 : i32
    %dma_wait3A_570 = tpu.memref_slice %arg6[%dma_wait3A_568, %dma_wait3A_569] : memref<2x80xi32, #tpu.memory_space<vmem>> -> memref<1x80xi32, #tpu.memory_space<vmem>>
    %dma_wait3A_571 = tpu.memref_squeeze %dma_wait3A_570 : memref<1x80xi32, #tpu.memory_space<vmem>> -> memref<80xi32, #tpu.memory_space<vmem>>
    %dma_wait3A_572 = arith.constant 0 : i32
    %dma_wait3A_573 = arith.constant 0 : i32
    %dma_wait3A_574 = tpu.memref_slice %arg15[%dma_wait3A_572, %dma_wait3A_573] : memref<10000x128xf32, #tpu.memory_space<vmem_shared>> -> memref<10000x128xf32, #tpu.memory_space<vmem_shared>>
    tpu.wait_indirect_dma semaphore(%arg18 : memref<!tpu.dma_semaphore, #tpu.memory_space<semaphore_mem>>) src(%arg11 : memref<80x128xf32, #tpu.memory_space<vmem>>) dst(%dma_wait3A_574 : memref<10000x128xf32, #tpu.memory_space<vmem_shared>>)
    %dma_wait3A_575 = arith.constant 1 : i32
    %dma_wait3A_576 = arith.constant 0 : i32
    %dma_wait3A_577 = tpu.memref_slice %arg7[%dma_wait3A_575, %dma_wait3A_576] : memref<2x80xi32, #tpu.memory_space<vmem>> -> memref<1x80xi32, #tpu.memory_space<vmem>>
    %dma_wait3A_578 = tpu.memref_squeeze %dma_wait3A_577 : memref<1x80xi32, #tpu.memory_space<vmem>> -> memref<80xi32, #tpu.memory_space<vmem>>
    %dma_wait3A_579 = arith.constant 0 : i32
    %dma_wait3A_580 = arith.constant 0 : i32
    %dma_wait3A_581 = tpu.memref_slice %arg2[%dma_wait3A_579, %dma_wait3A_580] : memref<10000x128xf32, #tpu.memory_space<hbm>> -> memref<10000x128xf32, #tpu.memory_space<hbm>>
    tpu.wait_indirect_dma semaphore(%arg17 : memref<!tpu.dma_semaphore, #tpu.memory_space<semaphore_mem>>) src(%dma_wait3A_581 : memref<10000x128xf32, #tpu.memory_space<hbm>>) dst(%arg12 : memref<80x128xf32, #tpu.memory_space<vmem>>)
    %dma_wait3A_582 = arith.constant 0 : i32
    %dma_wait3A_583 = arith.constant 0 : i32
    %dma_wait3A_584 = tpu.memref_slice %arg7[%dma_wait3A_582, %dma_wait3A_583] : memref<2x80xi32, #tpu.memory_space<vmem>> -> memref<1x80xi32, #tpu.memory_space<vmem>>
    %dma_wait3A_585 = tpu.memref_squeeze %dma_wait3A_584 : memref<1x80xi32, #tpu.memory_space<vmem>> -> memref<80xi32, #tpu.memory_space<vmem>>
    %dma_wait3A_586 = arith.constant 0 : i32
    %dma_wait3A_587 = arith.constant 0 : i32
    %dma_wait3A_588 = tpu.memref_slice %arg3[%dma_wait3A_586, %dma_wait3A_587] : memref<10000x128xf32, #tpu.memory_space<hbm>> -> memref<10000x128xf32, #tpu.memory_space<hbm>>
    tpu.wait_indirect_dma semaphore(%arg17 : memref<!tpu.dma_semaphore, #tpu.memory_space<semaphore_mem>>) src(%dma_wait3A_588 : memref<10000x128xf32, #tpu.memory_space<hbm>>) dst(%arg13 : memref<80x128xf32, #tpu.memory_space<vmem>>)
    %mul3A_589 = arith.constant 125 : i32
    %mul3A_590 = arith.muli %add3A, %mul3A_589 : i32
    %min3A_591 = arith.constant 126 : i32
    %min3A_592 = arith.constant 124 : i32
    %min3A_593 = arith.minsi %min3A_591, %min3A_592 : i32
    %add3A_594 = arith.addi %mul3A_590, %min3A_593 : i32
    %dma_wait3A_595 = arith.constant 0 : i32
    %dma_wait3A_596 = arith.constant 0 : i32
    %dma_wait3A_597 = tpu.memref_slice %arg4[%add3A_594, %dma_wait3A_595, %dma_wait3A_596] : memref<4000x2x80xi32, #tpu.memory_space<hbm>> -> memref<1x2x80xi32, #tpu.memory_space<hbm>>
    %dma_wait3A_598 = tpu.memref_squeeze %dma_wait3A_597 : memref<1x2x80xi32, #tpu.memory_space<hbm>> -> memref<2x80xi32, #tpu.memory_space<hbm>>
    %dma_wait3A_599 = arith.constant 0 : i32
    %dma_wait3A_600 = arith.constant 0 : i32
    %dma_wait3A_601 = tpu.memref_slice %arg4[%add3A_594, %dma_wait3A_599, %dma_wait3A_600] : memref<4000x2x80xi32, #tpu.memory_space<hbm>> -> memref<1x2x80xi32, #tpu.memory_space<hbm>>
    %dma_wait3A_602 = tpu.memref_squeeze %dma_wait3A_601 : memref<1x2x80xi32, #tpu.memory_space<hbm>> -> memref<2x80xi32, #tpu.memory_space<hbm>>
    tpu.wait_dma2 semaphore(%arg22 : memref<!tpu.dma_semaphore, #tpu.memory_space<semaphore_mem>>) src(%dma_wait3A_602 : memref<2x80xi32, #tpu.memory_space<hbm>>) dst(%arg8 : memref<2x80xi32, #tpu.memory_space<vmem>>)
    %mul3A_603 = arith.constant 125 : i32
    %mul3A_604 = arith.muli %add3A, %mul3A_603 : i32
    %min3A_605 = arith.constant 127 : i32
    %min3A_606 = arith.constant 124 : i32
    %min3A_607 = arith.minsi %min3A_605, %min3A_606 : i32
    %add3A_608 = arith.addi %mul3A_604, %min3A_607 : i32
    %dma_wait3A_609 = arith.constant 0 : i32
    %dma_wait3A_610 = arith.constant 0 : i32
    %dma_wait3A_611 = tpu.memref_slice %arg4[%add3A_608, %dma_wait3A_609, %dma_wait3A_610] : memref<4000x2x80xi32, #tpu.memory_space<hbm>> -> memref<1x2x80xi32, #tpu.memory_space<hbm>>
    %dma_wait3A_612 = tpu.memref_squeeze %dma_wait3A_611 : memref<1x2x80xi32, #tpu.memory_space<hbm>> -> memref<2x80xi32, #tpu.memory_space<hbm>>
    %dma_wait3A_613 = arith.constant 0 : i32
    %dma_wait3A_614 = arith.constant 0 : i32
    %dma_wait3A_615 = tpu.memref_slice %arg4[%add3A_608, %dma_wait3A_613, %dma_wait3A_614] : memref<4000x2x80xi32, #tpu.memory_space<hbm>> -> memref<1x2x80xi32, #tpu.memory_space<hbm>>
    %dma_wait3A_616 = tpu.memref_squeeze %dma_wait3A_615 : memref<1x2x80xi32, #tpu.memory_space<hbm>> -> memref<2x80xi32, #tpu.memory_space<hbm>>
    tpu.wait_dma2 semaphore(%arg23 : memref<!tpu.dma_semaphore, #tpu.memory_space<semaphore_mem>>) src(%dma_wait3A_616 : memref<2x80xi32, #tpu.memory_space<hbm>>) dst(%arg9 : memref<2x80xi32, #tpu.memory_space<vmem>>)
    %barrier3A_617 = arith.constant 0 : index
    tpu.barrier barrier_id(%barrier3A_617)
    %mul3A_618 = arith.constant 8 : i32
    %mul3A_619 = arith.muli %add3A_7, %mul3A_618 : i32
    %multiple_of3A = tpu.assume_multiple %mul3A_619, 8 : i32
    %lt3A_620 = arith.constant 2 : i32
    %lt3A_621 = arith.cmpi slt, %arg1, %lt3A_620 : i32
    %convert_element_type3A = arith.extui %lt3A_621 : i1 to i32
    %cond3A = arith.constant 0 : i32
    %cond3A_622 = arith.cmpi ne, %convert_element_type3A, %cond3A : i32
    scf.if %cond3A_622 {
      "tpu.region"() ({
        %run_scoped3A = tpu.sem_alloc : memref<!tpu.dma_semaphore, #tpu.memory_space<semaphore_mem>>
        %dma_start3A_627 = arith.constant 0 : i32
        %dma_start3A_628 = tpu.memref_slice %arg5[%arg0, %multiple_of3A, %dma_start3A_627] : memref<2x10000x128xf32, #tpu.memory_space<hbm>> -> memref<1x632x128xf32, #tpu.memory_space<hbm>>
        %dma_start3A_629 = tpu.memref_squeeze %dma_start3A_628 : memref<1x632x128xf32, #tpu.memory_space<hbm>> -> memref<632x128xf32, #tpu.memory_space<hbm>>
        %dma_start3A_630 = arith.constant 0 : i32
        %dma_start3A_631 = tpu.memref_slice %arg15[%multiple_of3A, %dma_start3A_630] : memref<10000x128xf32, #tpu.memory_space<vmem_shared>> -> memref<632x128xf32, #tpu.memory_space<vmem_shared>>
        tpu.enqueue_dma source(%dma_start3A_631 : memref<632x128xf32, #tpu.memory_space<vmem_shared>>) target(%dma_start3A_629 : memref<632x128xf32, #tpu.memory_space<hbm>>) target_semaphore(%run_scoped3A : memref<!tpu.dma_semaphore, #tpu.memory_space<semaphore_mem>>)
        %dma_wait3A_632 = arith.constant 0 : i32
        %dma_wait3A_633 = tpu.memref_slice %arg5[%arg0, %multiple_of3A, %dma_wait3A_632] : memref<2x10000x128xf32, #tpu.memory_space<hbm>> -> memref<1x632x128xf32, #tpu.memory_space<hbm>>
        %dma_wait3A_634 = tpu.memref_squeeze %dma_wait3A_633 : memref<1x632x128xf32, #tpu.memory_space<hbm>> -> memref<632x128xf32, #tpu.memory_space<hbm>>
        %dma_wait3A_635 = arith.constant 0 : i32
        %dma_wait3A_636 = tpu.memref_slice %arg15[%multiple_of3A, %dma_wait3A_635] : memref<10000x128xf32, #tpu.memory_space<vmem_shared>> -> memref<632x128xf32, #tpu.memory_space<vmem_shared>>
        tpu.wait_dma2 semaphore(%run_scoped3A : memref<!tpu.dma_semaphore, #tpu.memory_space<semaphore_mem>>) src(%dma_wait3A_636 : memref<632x128xf32, #tpu.memory_space<vmem_shared>>) dst(%dma_wait3A_634 : memref<632x128xf32, #tpu.memory_space<hbm>>)
        tpu.yield
      }) : () -> ()
    } else {
    }
    %ge3A = arith.constant 2 : i32
    %ge3A_623 = arith.cmpi sge, %arg1, %ge3A : i32
    %convert_element_type3A_624 = arith.extui %ge3A_623 : i1 to i32
    %cond3A_625 = arith.constant 0 : i32
    %cond3A_626 = arith.cmpi ne, %convert_element_type3A_624, %cond3A_625 : i32
    scf.if %cond3A_626 {
      "tpu.region"() ({
        %run_scoped3A = tpu.sem_alloc : memref<!tpu.dma_semaphore, #tpu.memory_space<semaphore_mem>>
        %dma_start3A_627 = arith.constant 0 : i32
        %dma_start3A_628 = tpu.memref_slice %arg5[%arg0, %multiple_of3A, %dma_start3A_627] : memref<2x10000x128xf32, #tpu.memory_space<hbm>> -> memref<1x624x128xf32, #tpu.memory_space<hbm>>
        %dma_start3A_629 = tpu.memref_squeeze %dma_start3A_628 : memref<1x624x128xf32, #tpu.memory_space<hbm>> -> memref<624x128xf32, #tpu.memory_space<hbm>>
        %dma_start3A_630 = arith.constant 0 : i32
        %dma_start3A_631 = tpu.memref_slice %arg15[%multiple_of3A, %dma_start3A_630] : memref<10000x128xf32, #tpu.memory_space<vmem_shared>> -> memref<624x128xf32, #tpu.memory_space<vmem_shared>>
        tpu.enqueue_dma source(%dma_start3A_631 : memref<624x128xf32, #tpu.memory_space<vmem_shared>>) target(%dma_start3A_629 : memref<624x128xf32, #tpu.memory_space<hbm>>) target_semaphore(%run_scoped3A : memref<!tpu.dma_semaphore, #tpu.memory_space<semaphore_mem>>)
        %dma_wait3A_632 = arith.constant 0 : i32
        %dma_wait3A_633 = tpu.memref_slice %arg5[%arg0, %multiple_of3A, %dma_wait3A_632] : memref<2x10000x128xf32, #tpu.memory_space<hbm>> -> memref<1x624x128xf32, #tpu.memory_space<hbm>>
        %dma_wait3A_634 = tpu.memref_squeeze %dma_wait3A_633 : memref<1x624x128xf32, #tpu.memory_space<hbm>> -> memref<624x128xf32, #tpu.memory_space<hbm>>
        %dma_wait3A_635 = arith.constant 0 : i32
        %dma_wait3A_636 = tpu.memref_slice %arg15[%multiple_of3A, %dma_wait3A_635] : memref<10000x128xf32, #tpu.memory_space<vmem_shared>> -> memref<624x128xf32, #tpu.memory_space<vmem_shared>>
        tpu.wait_dma2 semaphore(%run_scoped3A : memref<!tpu.dma_semaphore, #tpu.memory_space<semaphore_mem>>) src(%dma_wait3A_636 : memref<624x128xf32, #tpu.memory_space<vmem_shared>>) dst(%dma_wait3A_634 : memref<624x128xf32, #tpu.memory_space<hbm>>)
        tpu.yield
      }) : () -> ()
    } else {
    }
    return
  }
}

module attributes {stable_mosaic.version = 14 : i64} {
  func.func @_qkv_body(%arg0: i32, %arg1: memref<2000x128xf32, #tpu.memory_space<vmem>>, %arg2: memref<128x128xf32, #tpu.memory_space<vmem>>, %arg3: memref<128x128xf32, #tpu.memory_space<vmem>>, %arg4: memref<128x128xf32, #tpu.memory_space<vmem>>, %arg5: memref<1x128xf32, #tpu.memory_space<vmem>>, %arg6: memref<1x128xf32, #tpu.memory_space<vmem>>, %arg7: memref<1x128xf32, #tpu.memory_space<vmem>>, %arg8: memref<2000x128xf32, #tpu.memory_space<vmem>>, %arg9: memref<2000x128xf32, #tpu.memory_space<vmem>>) attributes {dimension_semantics = [#tpu.dimension_semantics<arbitrary>], iteration_bounds = array<i64: 5>, scalar_prefetch = 0 : i64, scratch_operands = 0 : i64, tpu.core_type = #tpu.core_type<tc>, window_params = [{transform_indices = @transform_0, window_bounds = array<i64: 2000, 128>}, {pipeline_mode = #tpu.pipeline_mode<synchronous>, transform_indices = @transform_1, window_bounds = array<i64: 128, 128>}, {pipeline_mode = #tpu.pipeline_mode<synchronous>, transform_indices = @transform_2, window_bounds = array<i64: 128, 128>}, {pipeline_mode = #tpu.pipeline_mode<synchronous>, transform_indices = @transform_3, window_bounds = array<i64: 128, 128>}, {pipeline_mode = #tpu.pipeline_mode<synchronous>, transform_indices = @transform_4, window_bounds = array<i64: 1, 128>}, {pipeline_mode = #tpu.pipeline_mode<synchronous>, transform_indices = @transform_5, window_bounds = array<i64: 1, 128>}, {pipeline_mode = #tpu.pipeline_mode<synchronous>, transform_indices = @transform_6, window_bounds = array<i64: 1, 128>}, {transform_indices = @transform_7, window_bounds = array<i64: 2000, 128>}, {transform_indices = @transform_8, window_bounds = array<i64: 2000, 128>}]} {
    %get3A = arith.constant 0 : index
    %get3A_0 = arith.constant 0 : index
    %get3A_1 = vector.load %arg1[%get3A, %get3A_0] : memref<2000x128xf32, #tpu.memory_space<vmem>>, vector<2000x128xf32>
    %get3A_2 = arith.constant 0 : index
    %get3A_3 = arith.constant 0 : index
    %get3A_4 = vector.load %arg2[%get3A_2, %get3A_3] : memref<128x128xf32, #tpu.memory_space<vmem>>, vector<128x128xf32>
    %dot_general3A = arith.constant dense<0.000000e+00> : vector<2000x128xf32>
    %dot_general3A_5 = tpu.matmul %get3A_1, %get3A_4, %dot_general3A {dimension_numbers = #tpu.dot_dimension_numbers<[1], [0], [0], [1], [0, 0, 1, 1], [], []>, precision = #tpu.contract_precision<fp32>, transpose_lhs_hint = false} : vector<2000x128xf32>, vector<128x128xf32>, vector<2000x128xf32> -> vector<2000x128xf32>
    %get3A_6 = arith.constant 0 : index
    %get3A_7 = arith.constant 0 : index
    %get3A_8 = vector.load %arg5[%get3A_6, %get3A_7] : memref<1x128xf32, #tpu.memory_space<vmem>>, vector<1x128xf32>
    %add3A = vector.broadcast %get3A_8 : vector<1x128xf32> to vector<2000x128xf32>
    %add3A_9 = arith.addf %dot_general3A_5, %add3A : vector<2000x128xf32>
    %swap3A = arith.constant 0 : index
    %swap3A_10 = arith.constant 0 : index
    %swap3A_11 = vector.load %arg8[%swap3A, %swap3A_10] : memref<2000x128xf32, #tpu.memory_space<vmem>>, vector<2000x128xf32>
    tpu.vector_store %arg8[%swap3A, %swap3A_10], %add3A_9 {strides = array<i32>} : memref<2000x128xf32, #tpu.memory_space<vmem>>, vector<2000x128xf32>,
    %get3A_12 = arith.constant 0 : index
    %get3A_13 = arith.constant 0 : index
    %get3A_14 = vector.load %arg3[%get3A_12, %get3A_13] : memref<128x128xf32, #tpu.memory_space<vmem>>, vector<128x128xf32>
    %dot_general3A_15 = arith.constant dense<0.000000e+00> : vector<2000x128xf32>
    %dot_general3A_16 = tpu.matmul %get3A_1, %get3A_14, %dot_general3A_15 {dimension_numbers = #tpu.dot_dimension_numbers<[1], [0], [0], [1], [0, 0, 1, 1], [], []>, precision = #tpu.contract_precision<fp32>, transpose_lhs_hint = false} : vector<2000x128xf32>, vector<128x128xf32>, vector<2000x128xf32> -> vector<2000x128xf32>
    %get3A_17 = arith.constant 0 : index
    %get3A_18 = arith.constant 0 : index
    %get3A_19 = vector.load %arg6[%get3A_17, %get3A_18] : memref<1x128xf32, #tpu.memory_space<vmem>>, vector<1x128xf32>
    %add3A_20 = vector.broadcast %get3A_19 : vector<1x128xf32> to vector<2000x128xf32>
    %add3A_21 = arith.addf %dot_general3A_16, %add3A_20 : vector<2000x128xf32>
    %get3A_22 = arith.constant 0 : index
    %get3A_23 = arith.constant 0 : index
    %get3A_24 = vector.load %arg4[%get3A_22, %get3A_23] : memref<128x128xf32, #tpu.memory_space<vmem>>, vector<128x128xf32>
    %dot_general3A_25 = arith.constant dense<0.000000e+00> : vector<2000x128xf32>
    %dot_general3A_26 = tpu.matmul %get3A_1, %get3A_24, %dot_general3A_25 {dimension_numbers = #tpu.dot_dimension_numbers<[1], [0], [0], [1], [0, 0, 1, 1], [], []>, precision = #tpu.contract_precision<fp32>, transpose_lhs_hint = false} : vector<2000x128xf32>, vector<128x128xf32>, vector<2000x128xf32> -> vector<2000x128xf32>
    %get3A_27 = arith.constant 0 : index
    %get3A_28 = arith.constant 0 : index
    %get3A_29 = vector.load %arg7[%get3A_27, %get3A_28] : memref<1x128xf32, #tpu.memory_space<vmem>>, vector<1x128xf32>
    %add3A_30 = vector.broadcast %get3A_29 : vector<1x128xf32> to vector<2000x128xf32>
    %add3A_31 = arith.addf %dot_general3A_26, %add3A_30 : vector<2000x128xf32>
    %convert_element_type3A = arith.truncf %add3A_21 : vector<2000x128xf32> to vector<2000x128xbf16>
    %bitcast_convert_type3A = tpu.bitcast %convert_element_type3A : vector<2000x128xbf16> -> vector<2000x128xi16>
    %convert_element_type3A_32 = arith.extui %bitcast_convert_type3A : vector<2000x128xi16> to vector<2000x128xi32>
    %slice3A = vector.extract_strided_slice %convert_element_type3A_32 {offsets = [0, 0], sizes = [2000, 64], strides = [1, 1]} : vector<2000x128xi32> to vector<2000x64xi32>
    %slice3A_33 = vector.extract_strided_slice %convert_element_type3A_32 {offsets = [0, 64], sizes = [2000, 64], strides = [1, 1]} : vector<2000x128xi32> to vector<2000x64xi32>
    %shift_left3A = arith.constant 16 : i32
    %shift_left3A_34 = vector.broadcast %shift_left3A : i32 to vector<2000x64xi32>
    %shift_left3A_35 = arith.shli %slice3A_33, %shift_left3A_34 : vector<2000x64xi32>
    %or3A = arith.ori %slice3A, %shift_left3A_35 : vector<2000x64xi32>
    %convert_element_type3A_36 = arith.truncf %add3A_31 : vector<2000x128xf32> to vector<2000x128xbf16>
    %bitcast_convert_type3A_37 = tpu.bitcast %convert_element_type3A_36 : vector<2000x128xbf16> -> vector<2000x128xi16>
    %convert_element_type3A_38 = arith.extui %bitcast_convert_type3A_37 : vector<2000x128xi16> to vector<2000x128xi32>
    %slice3A_39 = vector.extract_strided_slice %convert_element_type3A_38 {offsets = [0, 0], sizes = [2000, 64], strides = [1, 1]} : vector<2000x128xi32> to vector<2000x64xi32>
    %slice3A_40 = vector.extract_strided_slice %convert_element_type3A_38 {offsets = [0, 64], sizes = [2000, 64], strides = [1, 1]} : vector<2000x128xi32> to vector<2000x64xi32>
    %shift_left3A_41 = arith.constant 16 : i32
    %shift_left3A_42 = vector.broadcast %shift_left3A_41 : i32 to vector<2000x64xi32>
    %shift_left3A_43 = arith.shli %slice3A_40, %shift_left3A_42 : vector<2000x64xi32>
    %or3A_44 = arith.ori %slice3A_39, %shift_left3A_43 : vector<2000x64xi32>
    %concatenate3A = tpu.concatenate %or3A, %or3A_44 in 1 : vector<2000x64xi32>, vector<2000x64xi32> -> vector<2000x128xi32>
    %bitcast_convert_type3A_45 = tpu.bitcast %concatenate3A : vector<2000x128xi32> -> vector<2000x128xf32>
    %swap3A_46 = arith.constant 0 : index
    %swap3A_47 = arith.constant 0 : index
    %swap3A_48 = vector.load %arg9[%swap3A_46, %swap3A_47] : memref<2000x128xf32, #tpu.memory_space<vmem>>, vector<2000x128xf32>
    tpu.vector_store %arg9[%swap3A_46, %swap3A_47], %bitcast_convert_type3A_45 {strides = array<i32>} : memref<2000x128xf32, #tpu.memory_space<vmem>>, vector<2000x128xf32>,
    return
  }
  func.func @transform_0(%arg0: i32) -> (i32, i32) {
    %c0_i32 = arith.constant 0 : i32
    %c0_i32_0 = arith.constant 0 : i32
    return %arg0, %c0_i32 : i32, i32
  }
  func.func @transform_1(%arg0: i32) -> (i32, i32) {
    %c0_i32 = arith.constant 0 : i32
    %c0_i32_0 = arith.constant 0 : i32
    %c0_i32_1 = arith.constant 0 : i32
    return %c0_i32, %c0_i32_0 : i32, i32
  }
  func.func @transform_2(%arg0: i32) -> (i32, i32) {
    %c0_i32 = arith.constant 0 : i32
    %c0_i32_0 = arith.constant 0 : i32
    %c0_i32_1 = arith.constant 0 : i32
    return %c0_i32, %c0_i32_0 : i32, i32
  }
  func.func @transform_3(%arg0: i32) -> (i32, i32) {
    %c0_i32 = arith.constant 0 : i32
    %c0_i32_0 = arith.constant 0 : i32
    %c0_i32_1 = arith.constant 0 : i32
    return %c0_i32, %c0_i32_0 : i32, i32
  }
  func.func @transform_4(%arg0: i32) -> (i32, i32) {
    %c0_i32 = arith.constant 0 : i32
    %c0_i32_0 = arith.constant 0 : i32
    %c0_i32_1 = arith.constant 0 : i32
    return %c0_i32, %c0_i32_0 : i32, i32
  }
  func.func @transform_5(%arg0: i32) -> (i32, i32) {
    %c0_i32 = arith.constant 0 : i32
    %c0_i32_0 = arith.constant 0 : i32
    %c0_i32_1 = arith.constant 0 : i32
    return %c0_i32, %c0_i32_0 : i32, i32
  }
  func.func @transform_6(%arg0: i32) -> (i32, i32) {
    %c0_i32 = arith.constant 0 : i32
    %c0_i32_0 = arith.constant 0 : i32
    %c0_i32_1 = arith.constant 0 : i32
    return %c0_i32, %c0_i32_0 : i32, i32
  }
  func.func @transform_7(%arg0: i32) -> (i32, i32) {
    %c0_i32 = arith.constant 0 : i32
    %c0_i32_0 = arith.constant 0 : i32
    return %arg0, %c0_i32 : i32, i32
  }
  func.func @transform_8(%arg0: i32) -> (i32, i32) {
    %c0_i32 = arith.constant 0 : i32
    %c0_i32_0 = arith.constant 0 : i32
    return %arg0, %c0_i32 : i32, i32
  }
}

module attributes {stable_mosaic.version = 14 : i64} {
  func.func @_out_body(%arg0: i32, %arg1: memref<2x2000x128xf32, #tpu.memory_space<vmem>>, %arg2: memref<128x128xf32, #tpu.memory_space<vmem>>, %arg3: memref<1x128xf32, #tpu.memory_space<vmem>>, %arg4: memref<2000x128xf32, #tpu.memory_space<vmem>>) attributes {dimension_semantics = [#tpu.dimension_semantics<arbitrary>], iteration_bounds = array<i64: 5>, scalar_prefetch = 0 : i64, scratch_operands = 0 : i64, tpu.core_type = #tpu.core_type<tc>, window_params = [{transform_indices = @transform_0, window_bounds = array<i64: 2, 2000, 128>}, {pipeline_mode = #tpu.pipeline_mode<synchronous>, transform_indices = @transform_1, window_bounds = array<i64: 128, 128>}, {pipeline_mode = #tpu.pipeline_mode<synchronous>, transform_indices = @transform_2, window_bounds = array<i64: 1, 128>}, {transform_indices = @transform_3, window_bounds = array<i64: 2000, 128>}]} {
    %get3A = arith.constant 0 : index
    %get3A_0 = arith.constant 0 : index
    %get3A_1 = arith.constant 0 : index
    %get3A_2 = vector.load %arg1[%get3A, %get3A_0, %get3A_1] : memref<2x2000x128xf32, #tpu.memory_space<vmem>>, vector<1x2000x128xf32>
    %get3A_3 = vector.shape_cast %get3A_2 : vector<1x2000x128xf32> to vector<2000x128xf32>
    %get3A_4 = arith.constant 1 : index
    %get3A_5 = arith.constant 0 : index
    %get3A_6 = arith.constant 0 : index
    %get3A_7 = vector.load %arg1[%get3A_4, %get3A_5, %get3A_6] : memref<2x2000x128xf32, #tpu.memory_space<vmem>>, vector<1x2000x128xf32>
    %get3A_8 = vector.shape_cast %get3A_7 : vector<1x2000x128xf32> to vector<2000x128xf32>
    %add3A = arith.addf %get3A_3, %get3A_8 : vector<2000x128xf32>
    %get3A_9 = arith.constant 0 : index
    %get3A_10 = arith.constant 0 : index
    %get3A_11 = vector.load %arg2[%get3A_9, %get3A_10] : memref<128x128xf32, #tpu.memory_space<vmem>>, vector<128x128xf32>
    %dot_general3A = arith.constant dense<0.000000e+00> : vector<2000x128xf32>
    %dot_general3A_12 = tpu.matmul %add3A, %get3A_11, %dot_general3A {dimension_numbers = #tpu.dot_dimension_numbers<[1], [0], [0], [1], [0, 0, 1, 1], [], []>, precision = #tpu.contract_precision<fp32>, transpose_lhs_hint = false} : vector<2000x128xf32>, vector<128x128xf32>, vector<2000x128xf32> -> vector<2000x128xf32>
    %get3A_13 = arith.constant 0 : index
    %get3A_14 = arith.constant 0 : index
    %get3A_15 = vector.load %arg3[%get3A_13, %get3A_14] : memref<1x128xf32, #tpu.memory_space<vmem>>, vector<1x128xf32>
    %add3A_16 = vector.broadcast %get3A_15 : vector<1x128xf32> to vector<2000x128xf32>
    %add3A_17 = arith.addf %dot_general3A_12, %add3A_16 : vector<2000x128xf32>
    %swap3A = arith.constant 0 : index
    %swap3A_18 = arith.constant 0 : index
    %swap3A_19 = vector.load %arg4[%swap3A, %swap3A_18] : memref<2000x128xf32, #tpu.memory_space<vmem>>, vector<2000x128xf32>
    tpu.vector_store %arg4[%swap3A, %swap3A_18], %add3A_17 {strides = array<i32>} : memref<2000x128xf32, #tpu.memory_space<vmem>>, vector<2000x128xf32>,
    return
  }
  func.func @transform_0(%arg0: i32) -> (i32, i32, i32) {
    %c0_i32 = arith.constant 0 : i32
    %c0_i32_0 = arith.constant 0 : i32
    %c0_i32_1 = arith.constant 0 : i32
    return %c0_i32, %arg0, %c0_i32_0 : i32, i32, i32
  }
  func.func @transform_1(%arg0: i32) -> (i32, i32) {
    %c0_i32 = arith.constant 0 : i32
    %c0_i32_0 = arith.constant 0 : i32
    %c0_i32_1 = arith.constant 0 : i32
    return %c0_i32, %c0_i32_0 : i32, i32
  }
  func.func @transform_2(%arg0: i32) -> (i32, i32) {
    %c0_i32 = arith.constant 0 : i32
    %c0_i32_0 = arith.constant 0 : i32
    %c0_i32_1 = arith.constant 0 : i32
    return %c0_i32, %c0_i32_0 : i32, i32
  }
  func.func @transform_3(%arg0: i32) -> (i32, i32) {
    %c0_i32 = arith.constant 0 : i32
    %c0_i32_0 = arith.constant 0 : i32
    return %arg0, %c0_i32 : i32, i32
  }
}

</mosaic_0001>

<sc_bundles>
// kernel: kernel.5.cloned.1.call-start
scs
__scs_entry_jumppad:
0x0: {  	(pc) =	sbr.rel $0x88, $3  }
0x1: {  	(tag) =	ssettag $0x0;
	lr =	simm.s32 $0x1  }
0x2: {  	[smem:$0x3F97] =	sst lr;
	_ =	strace $0xD0000000  }
0x3: {  	_ = 	snop  }
0x4: {  	_ = 	snop  }
0x5: {  	_ = 	snop  }
0x6: {  	_ = 	snop  }
0x7: {  	_ = 	snop  }
__scs_overlays_trampoline_lowered:
0x8: {  	[smem:$0x3FA6] =	sst s0  }
0x9: {  	[smem:$0x3FA7] =	sst s1  }
0xa: {  	[smem:$0x3FA8] =	sst s2  }
0xb: {  	[smem:$0x3FA9] =	sst s3  }
0xc: {  	[smem:$0x3FAA] =	sst s4  }
0xd: {  	[smem:$0x3FAB] =	sst s5  }
0xe: {  	[smem:$0x3FAC] =	sst s6  }
0xf: {  	[smem:$0x3FAD] =	sst s7  }
0x10: {  	[smem:$0x3FAE] =	sst s8  }
0x11: {  	[smem:$0x3FAF] =	sst s9;
	s0 =	simm.s32 @!p0 $0x0  }
0x12: {  	s1 =	sld [smem:$0x3F95];
	s0 =	simm.s32 @p0 $0x1  }
0x13: {  	[smem:$0x3FB0] =	sst s0;
	s0 =	simm.s32 @!p1 $0x0  }
0x14: {  	s2 =	sld [smem:$0x3F94];
	s0 =	simm.s32 @p1 $0x1  }
0x15: {  	[smem:$0x3FB1] =	sst s0;
	s0 =	simm.s32 @!p2 $0x0  }
0x16: {  	s3 =	sld [smem:$0x3FDB];
	s0 =	simm.s32 @p2 $0x1  }
0x17: {  	s4 =	simm.s32 $0x1BF5;
	[smem:$0x3FB3] =	sst s0  }
0x18: {  	s0 =	sld [smem:$0x3F96];
	_ =	swait.ge [sflag:s4], $0x0  }
0x19: {  	s7 =	sld [smem:$0x3F97]  }
0x1a: {  	s8 =	sadd.s32 $0xFFFFE003, lr  }
0x1b: {  	s9 =	sadd.s32 $0xFFFFFEF7, lr;
	s5 =	simm.s32 $0xFFFFFFFF;
	p2 =	slt.u32 s8, $0xFFFFF086  }
0x1c: {  	p1 =	slt.u32 s9, $0xF7A;
	s5 =	simm.s32 @!p2 $0x0  }
0x1d: {  	s5 =	simm.s32 @p1 $0x1;
	p0 =	seq.s32 s7, s2  }
0x1e: {  	s7 =	smul.u32 @!p0 $0xF7A, s2;
	p2 =	seq.s32 @!p0 s5, $0x0  }
0x1f: {  	s9 =	smul.u32 $0xF7A, s1;
	s8 =	simm.s32 @!p0 $0x1BF5;
	p2 =	por !p2, p0  }
0x20: {  	[sflag:s8] =	ssyncset.s32 @!p0 $0xFFFFF086;
	s6 =	sadd.s32 @!p0 s3, s7;
	s7 =	simm.s32 @!p0 $0x108  }
0x21: {  	s3 =	sadd.s32 s3, s9;
	s6 =	sadd.s32 @!p0 $0x88, s6;
	s7 =	simm.s32 @p2 $0x1082  }
0x22: {  	[simem:s7], [sflag:s8] =	dma.local @!p0 [hbm:s6], $0xF7A  }
0x23: {  	s9 =	sor.u32 $0xD0000000, s2;
	s6 =	simm.s32 $0x108;
	_ =	swait.ge @!p0 [sflag:s8], $0x0  }
0x24: {  	s3 =	sadd.s32 $0x88, s3;
	s6 =	simm.s32 @!p1 $0x1082;
	[sflag:s4] =	ssyncset.s32 $0xFFFFF086  }
0x25: {  	[simem:s6], [sflag:s4] =	dma.local [hbm:s3], $0xF7A  }
0x26: {  	[smem:$0x3F97] =	sst s1;
	(tag) =	ssettag s2;
	_ =	strace s9  }
0x27: {  	s1 =	sld [smem:$0x3FA7]  }
0x28: {  	s2 =	sld [smem:$0x3FA8]  }
0x29: {  	s4 =	sld [smem:$0x3FAA]  }
0x2a: {  	p0 =	seq.s32 s5, $0x0;
	s5 =	sld [smem:$0x3FAB]  }
0x2b: {  	s6 =	sld [smem:$0x3FAC]  }
0x2c: {  	s7 =	sld [smem:$0x3FAD]  }
0x2d: {  	s3 =	simm.s32 $0x108;
	s8 =	sld [smem:$0x3FAE]  }
0x2e: {  	s3 =	simm.s32 @!p0 $0x1082;
	s9 =	sld [smem:$0x3FAF]  }
0x2f: {  	lr =	sadd.s32 s0, s3;
	s0 =	sld [smem:$0x3FA6]  }
0x30: {  	s3 =	sld [smem:$0x3FA9]  }
0x31: {  	[smem:$0x3FB2] =	sst s10  }
0x32: {  	s10 =	sld [smem:$0x3FB0];
	_ =	sdelay $0x3  }
0x33: {  	p0 =	seq.s32 s10, $0x1;
	s10 =	sld [smem:$0x3FB2];
	_ =	sdelay $0x3  }
0x34: {  	[smem:$0x3FB2] =	sst s10  }
0x35: {  	s10 =	sld [smem:$0x3FB1];
	_ =	sdelay $0x3  }
0x36: {  	p1 =	seq.s32 s10, $0x1;
	s10 =	sld [smem:$0x3FB2];
	_ =	sdelay $0x3  }
0x37: {  	[smem:$0x3FB2] =	sst s10  }
0x38: {  	s10 =	sld [smem:$0x3FB3]  }
0x39: {  	_ = 	snop;
	(pc) =	sbr.ind lr, $3  }
0x3a: {  	_ = 	snop  }
0x3b: {  	_ = 	snop  }
0x3c: {  	p2 =	seq.s32 s10, $0x1;
	s10 =	sld [smem:$0x3FB2]  }
0x3d: {  	_ =	shalt  }
0x3e: {  	_ =	shalt  }
0x3f: {  	_ =	shalt  }
0x40: {  	_ =	shalt  }
0x41: {  	_ =	shalt  }
0x42: {  	_ =	shalt  }
0x43: {  	_ =	shalt  }
0x44: {  	_ =	shalt  }
0x45: {  	_ =	shalt  }
0x46: {  	_ =	shalt  }
0x47: {  	_ =	shalt  }
0x48: {  	_ =	shalt  }
0x49: {  	_ =	shalt  }
0x4a: {  	_ =	shalt  }
0x4b: {  	_ =	shalt  }
0x4c: {  	_ =	shalt  }
0x4d: {  	_ =	shalt  }
0x4e: {  	_ =	shalt  }
0x4f: {  	_ =	shalt  }
0x50: {  	_ =	shalt  }
0x51: {  	_ =	shalt  }
0x52: {  	_ =	shalt  }
0x53: {  	_ =	shalt  }
0x54: {  	_ =	shalt  }
0x55: {  	_ =	shalt  }
0x56: {  	_ =	shalt  }
0x57: {  	_ =	shalt  }
0x58: {  	_ =	shalt  }
0x59: {  	_ =	shalt  }
0x5a: {  	_ =	shalt  }
0x5b: {  	_ =	shalt  }
0x5c: {  	_ =	shalt  }
0x5d: {  	_ =	shalt  }
0x5e: {  	_ =	shalt  }
0x5f: {  	_ =	shalt  }
0x60: {  	_ =	shalt  }
0x61: {  	_ =	shalt  }
0x62: {  	_ =	shalt  }
0x63: {  	_ =	shalt  }
0x64: {  	_ =	shalt  }
0x65: {  	_ =	shalt  }
0x66: {  	_ =	shalt  }
0x67: {  	_ =	shalt  }
0x68: {  	_ =	shalt  }
0x69: {  	_ =	shalt  }
0x6a: {  	_ =	shalt  }
0x6b: {  	_ =	shalt  }
0x6c: {  	_ =	shalt  }
0x6d: {  	_ =	shalt  }
0x6e: {  	_ =	shalt  }
0x6f: {  	_ =	shalt  }
0x70: {  	_ =	shalt  }
0x71: {  	_ =	shalt  }
0x72: {  	_ =	shalt  }
0x73: {  	_ =	shalt  }
0x74: {  	_ =	shalt  }
0x75: {  	_ =	shalt  }
0x76: {  	_ =	shalt  }
0x77: {  	_ =	shalt  }
0x78: {  	_ =	shalt  }
0x79: {  	_ =	shalt  }
0x7a: {  	_ =	shalt  }
0x7b: {  	_ =	shalt  }
0x7c: {  	_ =	shalt  }
0x7d: {  	_ =	shalt  }
0x7e: {  	_ =	shalt  }
0x7f: {  	_ =	shalt  }
0x80: {  	_ =	shalt  }
0x81: {  	_ =	shalt  }
0x82: {  	_ =	shalt  }
0x83: {  	_ =	shalt  }
0x84: {  	_ =	shalt  }
0x85: {  	_ =	shalt  }
0x86: {  	_ =	shalt  }
0x87: {  	_ =	shalt  }
.Lfunc_end0:
.L_simem_size_0:
called_computation_lowered:
.L_overlay_start_0:
0x88: {  	s2 =	sld [smem:$0x3FD9]  }
0x89: {  	s3 =	sld [smem:$0x3FFE];
	_ =	sdelay $0x1  }
0x8a: {  	s1 =	srdreg.scid  }
0x8b: {  	s0 =	sand.u32 $0x1, s1  }
0x8c: {  	s17 =	sshll.u32 s0, $0xA;
	s2 =	sadd.s32 s3, s2  }
0x8d: {  	s2 =	sadd.s32 s2, s17  }
0x8e: {  	[smem:$0x3FBE] =	sst s2  }
0x8f: {  	_ = 	snop  }
0x90: {  	s2 =	sld [smem:$0x3FD0];
	(tm) =	ssettm $0x1  }
0x91: {  	s18 =	sld [smem:$0x3FFB];
	_ =	sdelay $0x3  }
0x92: {  	_ =	strace s18  }
0x93: {  	s3 =	sld [smem:$0x3FFC];
	_ =	sdelay $0x3  }
0x94: {  	_ =	strace s3  }
0x95: {  	s3 =	sld [smem:$0x3FFD];
	_ =	sdelay $0x3  }
0x96: {  	_ =	strace s3  }
0x97: {  	_ =	strace $0x8FFFFFFF  }
0x98: {  	s19 =	sld [smem:$0x3FDB];
	_ =	sdelay $0x1  }
0x99: {  	s4 =	simm.s32 $_scs_section_size  }
0x9a: {  	s5 =	simm.s32 $_size__tile_overlayer_lowered;
	s6 =	simm.s32 $_tile_overlayer_lowered  }
0x9b: {  	s22 =	simm.s32 $0x1BFF;
	s21 =	sshll.u32 s6, $0x1;
	s3 =	sadd.s32 s4, s19  }
0x9c: {  	s7 =	simm.s32 $0x0;
	s20 =	sshll.u32 s5, $0x1;
	s5 =	sadd.s32 s21, s3  }
0x9d: {  	[timem:s7], [sflag:s22] =	dma.local [hbm:s5], s20  }
0x9e: {  	_ =	swait.ge [sflag:s22], s20  }
0x9f: {  	s4 =	ssub.s32 $0x0, s20;
	[sflag:s22] =	ssyncset.done $0x0  }
0xa0: {  	[sflag:s22] =	ssyncadd.s32 s4;
	_ =	sdelay $0x1  }
0xa1: {  	s23 =	simm.s32 $0x1B8B  }
0xa2: {  	_ =	swait.ge [sflag:s23], $0x1  }
0xa3: {  	[sflag:s23] =	ssyncset.done $0x0  }
0xa4: {  	s25 =	simm.s32 $0x1B8E;
	s24 =	sld [smem:$0x3FFE];
	[sflag:s23] =	ssyncadd.s32 $0xFFFFFFFF  }
0xa5: {  	s26 =	simm.s32 $execute0_lowered;
	[smem:$0x3FD2] =	sst s25  }
0xa6: {  	s5 =	sshll.u32 s26, $0x1;
	_ =	strace $0x80000046;
	[dreg:$0x1] =	wrdreg $0xFFFFFFFF  }
0xa7: {  	s28 =	simm.s32 $_size_execute0_lowered;
	s3 =	sadd.s32 s3, s5;
	[dreg:$0x0] =	wrdreg $0x0  }
0xa8: {  	s5 =	sshll.u32 s28, $0x1;
	[dreg:$0x2] =	wrdreg s3  }
0xa9: {  	[dreg:$0x3] =	wrdreg s5  }
0xaa: {  	[dreg:$0x4] =	wrdreg $0xC0  }
0xab: {  	_ =	task [dreg:s7], $0x5FFFF  }
0xac: {  	[dreg:$0x1] =	wrdreg $0xFFFFFFFF  }
0xad: {  	[dreg:$0x0] =	wrdreg $0x60  }
0xae: {  	[dreg:$0x2] =	wrdreg s2  }
0xaf: {  	[dreg:$0x3] =	wrdreg s24  }
0xb0: {  	[dreg:$0x4] =	wrdreg $0xA8000  }
0xb1: {  	[dreg:$0x5] =	wrdreg $0x9  }
0xb2: {  	_ =	task.clear_ibuf [dreg:s7], $0x6FFFF;
	_ =	strace $0x90000046  }
0xb3: {  	s29 =	simm.s32 $0x9;
	_ =	strace $0x80000048  }
0xb4: {  	_ =	swait.ge [sflag:s29], $0x1  }
0xb5: {  	[sflag:s29] =	ssyncadd.s32 $0xFFFFFFFF  }
0xb6: {  	_ =	strace $0x90000048  }
0xb7: {  	_ =	sfence  }
0xb8: {  	s30 =	sld [smem:$0x0];
	_ =	sdelay $0x2  }
0xb9: {  	s31 =	sshll.u32 s1, $0xD;
	s1 =	sshrl.u32 s1, $0x2  }
0xba: {  	s3 =	sand.u32 $0x4000, s31;
	s1 =	sadd.s32 s1, s30  }
0xbb: {  	s0 =	sor.u32 s3, s0;
	s1 =	sshll.u32 s1, $0x11  }
0xbc: {  	s0 =	sor.u32 s1, s0  }
0xbd: {  	s0 =	sadd.s32 $0x8F2B, s0  }
0xbe: {  	[sflag:s0] =	ssyncadd.remote.s32 $0x1  }
0xbf: {  	_ =	sfence.sel $0xFFFF  }
0xc0: {  	[dreg:$0x0] =	wrdreg $0xFFFFFFFF;
	(pc) =	sbr.abs _section_cstart, $3  }
0xc1: {  	[dreg:$0x1] =	wrdreg $0xFFFFFFFF  }
0xc2: {  	_ =	task.clear_ibuf [dreg:s7], $0x2FFFF;
	_ =	strace $0x9FFFFFFF  }
0xc3: {  	(tm) =	ssettm $0x7FFFFFFF  }
tec
execute0_lowered:
.L_overlay_start_1:
0x0: {  	(tag) =	ssettag $0x1  }
0x1: {  	s1 =	rddreg [dreg:$0x0]  }
0x2: {  	s0 =	rddreg [dreg:$0x1]  }
0x3: {  	s3 =	rddreg [dreg:$0x2];
	s4 =	simm.s32 $0x0;
	s13 =	stileid.u32  }
0x4: {  	s2 =	srdreg.scid;
	s15 =	simm.s32 $0x4F;
	s28 =	simm.s32 $0x400  }
0x5: {  	s29 =	simm.s32 $0x2C00;
	s30 =	simm.s32 $0x6;
	s31 =	simm.s32 $0x180  }
0x6: {  	[smem:$0x7FF] =	sst s4;
	s6 =	smul.u32 $0x4E, s13;
	s2 =	sand.u32 $0x1, s2  }
0x7: {  	s7 =	smin.u32 s13, $0x2;
	s5 =	sadd.s32 $0x21800, s0;
	s21 =	smul.u32 $0x4E000, s13  }
0x8: {  	p0 =	slt.u32 s13, $0x2;
	_ =	strace $0x80000047;
	s9 =	smul.u32 $0x138800, s2  }
0x9: {  	s10 =	sshll.u32 s2, $0x4;
	s2 =	ssub.s32 $0x2, s2;
	s15 =	simm.s32 @!p0 $0x4E  }
0xa: {  	s23 =	sshll.u32 s7, $0xC;
	p0 =	sgt.u32 s13, $0x1;
	s10 =	sor.u32 s13, s10  }
0xb: {  	s8 =	sadd.s32 s7, s6;
	s6 =	sadd.s32 $0x2400, s0;
	s12 =	smul.u32 $0x7D00, s10  }
0xc: {  	s11 =	sshrl.u32 s2, $0x1;
	[dreg:$0x4] =	wrdreg s15;
	s14 =	smul.u32 $0xFA0, s10  }
0xd: {  	s8 =	sshll.u32 s8, $0xA;
	s2 =	ssub.s32 s2, s11;
	s10 =	smul.u32 $0x7D, s10  }
0xe: {  	s9 =	sadd.s32 s9, s8;
	s26 =	sadd.s32 s8, s3;
	s2 =	smax.u32 s2, $0x1  }
0xf: {  	s8 =	simm.s32 $0x1;
	s9 =	sshrl.u32 s9, $0x3;
	s16 =	sshrl.u32 s12, $0x3  }
0x10: {  	s20 =	sadd.s32 $0x4, s10;
	s22 =	sadd.s32 $0x5, s10;
	[dreg:$0xe] =	wrdreg s26  }
0x11: {  	v0 =	vimm.s32 $0xFEDCBA98;
	v1 =	vimm.s32 $0x76543210;
	v2 =	vimm.s32 $0xBA98FEDC;
	s24 =	sadd.s32 $0x6, s10;
	s25 =	sadd.s32 $0x7, s10;
	[dreg:$0xf] =	wrdreg s2  }
0x12: {  	v3 =	vimm.s32 $0x32107654;
	v4 =	vimm.s32 $0xDCFE98BA;
	s26 =	simm.s32 $0x80;
	s2 =	simm.s32 $0x7C00;
	[dreg:$0x9] =	wrdreg s20  }
0x13: {  	v5 =	vimm.s32 $0x54761032;
	v6 =	vimm.s32 $0xEFCDAB89;
	v7 =	vimm.s32 $0x67452301;
	s10 =	simm.s32 $0x7;
	s12 =	simm.s32 $0x0;
	[dreg:$0xa] =	wrdreg s22  }
0x14: {  	v0 =	vunpack.c.l.s4.s8 v0;
	v1 =	vunpack.c.l.s4.s8 v1;
	v2 =	vunpack.c.l.s4.s8 v2;
	s0 =	sadd.s32 s9, s0;
	s11 =	sadd.s32 s6, s16;
	[dreg:$0xc] =	wrdreg s24  }
0x15: {  	v3 =	vunpack.c.l.s4.s8 v3;
	v4 =	vunpack.c.l.s4.s8 v4;
	v5 =	vunpack.c.l.s4.s8 v5;
	s9 =	sadd.s32 s6, s14;
	[dreg:$0xd] =	wrdreg s25;
	s22 =	simm.s32 $0x100  }
0x16: {  	v6 =	vunpack.c.l.s4.s8 v6;
	v7 =	vunpack.c.l.s4.s8 v7;
	v0 =	vunpack.c.0.s8.s32 v0;
	s25 =	simm.s32 $0x50;
	[dreg:$0x5] =	wrdreg s9;
	s17 =	sadd.s32 $0x20, s11  }
0x17: {  	v2 =	vunpack.c.0.s8.s32 v2;
	v3 =	vunpack.c.0.s8.s32 v3;
	v4 =	vunpack.c.0.s8.s32 v4;
	s14 =	simm.s32 $0x4;
	s18 =	sadd.s32 $0x40, s11;
	[dreg:$0x6] =	wrdreg s17  }
0x18: {  	v5 =	vunpack.c.0.s8.s32 v5;
	v6 =	vunpack.c.0.s8.s32 v6;
	v7 =	vunpack.c.0.s8.s32 v7;
	s19 =	sadd.s32 $0x60, s11;
	s0 =	sadd.s32 $0x48A00, s0;
	[dreg:$0x7] =	wrdreg s18  }
0x19: {  	v1 =	vunpack.c.0.s8.s32 v1;
	v2 =	vcombine.low v3, v2;
	s9 =	simm.s32 $0x3;
	[dreg:$0xb] =	wrdreg s0;
	s0 =	sadd.s32 s23, s21  }
0x1a: {  	v3 =	vcombine.low v5, v4;
	v4 =	vand.u32 $0xF, v0;
	v5 =	vcombine.low v7, v6;
	[dreg:$0x8] =	wrdreg s19;
	s18 =	simm.s32 $0xA400;
	s0 =	sshrl.u32 s0, $0x2  }
0x1b: {  	v1 =	vcombine.low v4, v1;
	s21 =	simm.s32 $0x5;
	s19 =	simm.s32 $0x2;
	s0 =	sadd.s32 s0, s3  }
0x1c: {  	v2 =	vand.u32 $0xF, v2;
	v3 =	vand.u32 $0xF, v3;
	v4 =	vand.u32 $0xF, v5;
	s17 =	simm.s32 $0x8;
	[dreg:$0x10] =	wrdreg s0;
	s0 =	simm.s32 $0x5400  }
.LBB2_1:
0x1d: {  	v0 =	vimm.f32 $0.0e+00  }
0x1e: {  	[tilespmem:$0xA400] =	vst v0  }
0x1f: {  	[tilespmem:$0xA410] =	vst v0  }
0x20: {  	[tilespmem:$0xA420] =	vst v0  }
0x21: {  	[tilespmem:$0xA430] =	vst v0  }
0x22: {  	[tilespmem:$0xA440] =	vst v0  }
0x23: {  	[tilespmem:$0xA450] =	vst v0  }
0x24: {  	[tilespmem:$0xA460] =	vst v0  }
0x25: {  	[tilespmem:$0xA470] =	vst v0  }
0x26: {  	[tilespmem:$0xA480] =	vst v0  }
0x27: {  	[tilespmem:$0xA490] =	vst v0  }
0x28: {  	[tilespmem:$0xA4A0] =	vst v0  }
0x29: {  	[tilespmem:$0xA4B0] =	vst v0  }
0x2a: {  	[tilespmem:$0xA4C0] =	vst v0  }
0x2b: {  	[tilespmem:$0xA4D0] =	vst v0  }
0x2c: {  	[tilespmem:$0xA4E0] =	vst v0  }
0x2d: {  	[tilespmem:$0xA4F0] =	vst v0  }
0x2e: {  	[tilespmem:$0xA500] =	vst v0  }
0x2f: {  	[tilespmem:$0xA510] =	vst v0  }
0x30: {  	[tilespmem:$0xA520] =	vst v0  }
0x31: {  	[tilespmem:$0xA530] =	vst v0  }
0x32: {  	[tilespmem:$0xA540] =	vst v0  }
0x33: {  	[tilespmem:$0xA550] =	vst v0  }
0x34: {  	[tilespmem:$0xA560] =	vst v0  }
0x35: {  	[tilespmem:$0xA570] =	vst v0  }
0x36: {  	[tilespmem:$0xA580] =	vst v0  }
0x37: {  	[tilespmem:$0xA590] =	vst v0  }
0x38: {  	[tilespmem:$0xA5A0] =	vst v0  }
0x39: {  	[tilespmem:$0xA5B0] =	vst v0  }
0x3a: {  	[tilespmem:$0xA5C0] =	vst v0  }
0x3b: {  	[tilespmem:$0xA5D0] =	vst v0  }
0x3c: {  	[tilespmem:$0xA5E0] =	vst v0  }
0x3d: {  	[tilespmem:$0xA5F0] =	vst v0  }
0x3e: {  	[tilespmem:$0xA600] =	vst v0  }
0x3f: {  	[tilespmem:$0xA610] =	vst v0  }
0x40: {  	[tilespmem:$0xA620] =	vst v0  }
0x41: {  	[tilespmem:$0xA630] =	vst v0  }
0x42: {  	[tilespmem:$0xA640] =	vst v0  }
0x43: {  	[tilespmem:$0xA650] =	vst v0  }
0x44: {  	[tilespmem:$0xA660] =	vst v0  }
0x45: {  	[tilespmem:$0xA670] =	vst v0  }
0x46: {  	[tilespmem:$0xA680] =	vst v0  }
0x47: {  	[tilespmem:$0xA690] =	vst v0  }
0x48: {  	[tilespmem:$0xA6A0] =	vst v0  }
0x49: {  	[tilespmem:$0xA6B0] =	vst v0  }
0x4a: {  	[tilespmem:$0xA6C0] =	vst v0  }
0x4b: {  	[tilespmem:$0xA6D0] =	vst v0  }
0x4c: {  	[tilespmem:$0xA6E0] =	vst v0  }
0x4d: {  	[tilespmem:$0xA6F0] =	vst v0  }
0x4e: {  	[tilespmem:$0xA700] =	vst v0  }
0x4f: {  	[tilespmem:$0xA710] =	vst v0  }
0x50: {  	[tilespmem:$0xA720] =	vst v0  }
0x51: {  	[tilespmem:$0xA730] =	vst v0  }
0x52: {  	[tilespmem:$0xA740] =	vst v0  }
0x53: {  	[tilespmem:$0xA750] =	vst v0  }
0x54: {  	[tilespmem:$0xA760] =	vst v0  }
0x55: {  	[tilespmem:$0xA770] =	vst v0  }
0x56: {  	[tilespmem:$0xA780] =	vst v0  }
0x57: {  	[tilespmem:$0xA790] =	vst v0  }
0x58: {  	[tilespmem:$0xA7A0] =	vst v0  }
0x59: {  	p1 =	sne.s32 s15, $0x1;
	[tilespmem:$0xA7B0] =	vst v0  }
.Ltmp0:
0x5a: {  	[tilespmem:$0xA7C0] =	vst v0;
	(pc) =	sbr.rel @!p1 .LBB2_3-.Ltmp0, $4  }
0x5b: {  	[tilespmem:$0xA7D0] =	vst v0  }
0x5c: {  	[tilespmem:$0xA7E0] =	vst v0  }
0x5d: {  	s11 =	rddreg [dreg:$0x10];
	s7 =	sadd.s32 $0xFFFFFFFF, s15;
	[tilespmem:$0xA7F0] =	vst v0  }
0x5e: {  	[spmem:s11] =	stream.linear.scatter [tilespmem:s18], [sflag:$0x5], $0x400, $0x38;
	[tilespmem:$0x1E080] =	vst v63  }
.LBB2_2:
0x5f: {  	p2 =	sne.s32 s7, $0x1  }
.Ltmp1:
0x60: {  	_ = 	snop;
	(pc) =	sbr.rel @p2 .LBB2_2-.Ltmp1, $3  }
0x61: {  	_ = 	snop  }
0x62: {  	s7 =	sadd.s32 $0xFFFFFFFF, s7;
	s11 =	sadd.s32 $0x400, s11;
	_ =	sdelay $0x1  }
0x63: {  	[spmem:s11] =	stream.linear.scatter [tilespmem:s18], [sflag:$0x5], $0x400, $0x38;
	[tilespmem:$0x1E080] =	vst v63  }
.LBB2_3:
.Ltmp2:
0x64: {  	(pc) =	sbr.rel @!p1 .LBB2_5-.Ltmp2, $4  }
0x65: {  	_ = 	snop  }
0x66: {  	[dreg:$0x11] =	wrdreg s12  }
0x67: {  	_ =	swait.ge [sflag:s21], $0x400  }
0x68: {  	s7 =	sadd.s32 $0xFFFFFFFF, s15;
	[sflag:s21] =	ssyncset.done $0x0  }
.LBB2_4:
0x69: {  	p1 =	sne.s32 s7, $0x1;
	s7 =	sadd.s32 $0xFFFFFFFF, s7;
	[sflag:s21] =	ssyncadd.s32 $0xFFFFFC00  }
.Ltmp3:
0x6a: {  	(pc) =	sbr.rel @p1 .LBB2_4-.Ltmp3, $3  }
0x6b: {  	_ =	sdelay $0x1  }
0x6c: {  	_ =	swait.ge [sflag:s21], $0x400  }
0x6d: {  	[sflag:s21] =	ssyncset.done $0x0  }
.LBB2_5:
0x6e: {  	[sflag:s21] =	ssyncadd.s32 $0xFFFFFC00  }
0x6f: {  	[bflag:$0x0] =	sbarrier.arrive $0xFFFF  }
0x70: {  	s7 =	simm.s32 $0x0;
	s11 =	rddreg [dreg:$0x5]  }
0x71: {  	[tilespmem:s7], [sflag:$0x5] =	stream.linear.gather [hbm4b:s11+s7], $0x100, $0x38;
	[tilespmem:$0x1E080] =	vst v63  }
0x72: {  	s16 =	rddreg [dreg:$0x6]  }
0x73: {  	[tilespmem:s22], [sflag:$0x6] =	stream.linear.gather [hbm4b:s16+s7], $0x100, $0x38;
	[tilespmem:$0x1E080] =	vst v63  }
0x74: {  	s12 =	simm.s32 $0x200;
	s20 =	rddreg [dreg:$0x7]  }
0x75: {  	[tilespmem:s12], [sflag:$0x7] =	stream.linear.gather [hbm4b:s20+s7], $0x100, $0x38;
	[tilespmem:$0x1E080] =	vst v63  }
0x76: {  	s24 =	simm.s32 $0x300;
	s23 =	rddreg [dreg:$0x8]  }
0x77: {  	[tilespmem:s24], [sflag:$0x8] =	stream.linear.gather [hbm4b:s23+s7], $0x100, $0x38;
	[tilespmem:$0x1E080] =	vst v63  }
0x78: {  	_ =	swait.ge [sflag:s21], $0x100  }
0x79: {  	[sflag:s21] =	ssyncset.done $0x0  }
0x7a: {  	[sflag:s21] =	ssyncadd.s32 $0xFFFFFF00  }
0x7b: {  	[tilespmem:s28], [sflag:$0x1] =	stream.indirect.gather [hbm4b:s1+s25], $0x80, s26, s25, $0xb8;
	[tilespmem:$0x1E080] =	vst v63  }
0x7c: {  	_ = 	snop  }
0x7d: {  	[tilespmem:s29], [sflag:$0x1] =	stream.indirect.gather [hbm4b:s5+s25], $0x80, s7, s25, $0xb8;
	[tilespmem:$0x1E080] =	vst v63  }
0x7e: {  	_ =	swait.ge [sflag:s30], $0x100  }
0x7f: {  	[sflag:s30] =	ssyncset.done $0x0  }
0x80: {  	[sflag:s30] =	ssyncadd.s32 $0xFFFFFF00  }
0x81: {  	[tilespmem:s0], [sflag:$0x2] =	stream.indirect.gather [hbm4b:s1+s25], $0x80, s31, s25, $0xb8;
	[tilespmem:$0x1E080] =	vst v63  }
0x82: {  	_ = 	snop  }
0x83: {  	[tilespmem:s2], [sflag:$0x2] =	stream.indirect.gather [hbm4b:s5+s25], $0x80, s22, s25, $0xb8;
	[tilespmem:$0x1E080] =	vst v63  }
.LBB2_6:
0x84: {  	_ =	swait.ge [sflag:s8], $0x2800  }
0x85: {  	[sflag:s8] =	ssyncset.done $0x0  }
0x86: {  	[sflag:s8] =	ssyncadd.s32 $0xFFFFD800  }
0x87: {  	_ =	swait.ge [sflag:s8], $0x2800  }
0x88: {  	[sflag:s8] =	ssyncset.done $0x0  }
0x89: {  	s12 =	simm.s32 $0x2C80;
	[sflag:s8] =	ssyncadd.s32 $0xFFFFD800  }
0x8a: {  	s11 =	simm.s32 $0x480;
	v5 =	vld [tilespmem:s12+$0x0]  }
0x8b: {  	v6 =	vld [tilespmem:s11+$0xFFFFFF90]  }
0x8c: {  	v7 =	vld [tilespmem:s11+$0x20]  }
0x8d: {  	v8 =	vld [tilespmem:s11+$0xFFFFFFC0]  }
0x8e: {  	v9 =	vld [tilespmem:s12+$0x30]  }
0x8f: {  	v10 =	vld [tilespmem:s11+$0xFFFFFF80]  }
0x90: {  	v11 =	vld [tilespmem:s12+$0x20]  }
0x91: {  	v12 =	vld [tilespmem:s12+$0xFFFFFF90]  }
0x92: {  	v13 =	vld [tilespmem:s11+$0x0]  }
0x93: {  	v14 =	vld [tilespmem:s12+$0xFFFFFFA0]  }
0x94: {  	v15 =	vld [tilespmem:s12+$0x10]  }
0x95: {  	v16 =	vld [tilespmem:s12+$0xFFFFFF80]  }
0x96: {  	v17 =	vld [tilespmem:s11+$0x40]  }
0x97: {  	v19 =	vld [tilespmem:s12+$0xFFFFFFB0]  }
0x98: {  	v24 =	vld [tilespmem:s11+$0x10]  }
0x99: {  	v26 =	vld [tilespmem:s11+$0x60]  }
0x9a: {  	v27 =	vld [tilespmem:s11+$0x70]  }
0x9b: {  	s23 =	simm.s32 $0x580;
	v29 =	vld [tilespmem:s11+$0xFFFFFFD0]  }
0x9c: {  	v31 =	vld [tilespmem:s23+$0x30];
	v18 =	vshll.u32 v5, $0x10;
	v5 =	vand.u32 $0xFFFF0000, v5;
	v20 =	vshll.u32 v11, $0x10  }
0x9d: {  	v21 =	vshll.u32 v9, $0x10;
	v22 =	vshll.u32 v12, $0x10;
	v13 =	vmul.f32 v18, v13;
	v18 =	vld [tilespmem:s11+$0x50]  }
0x9e: {  	s15 =	simm.s32 $0x2E80;
	v33 =	vld [tilespmem:s23+$0xFFFFFFD0];
	v12 =	vand.u32 $0xFFFF0000, v12;
	v23 =	vshll.u32 v14, $0x10;
	v14 =	vand.u32 $0xFFFF0000, v14  }
0x9f: {  	v57 =	vld [tilespmem:s15+$0xFFFFFFA0];
	v25 =	vshll.u32 v16, $0x10;
	v28 =	vshll.u32 v15, $0x10;
	v16 =	vand.u32 $0xFFFF0000, v16  }
0xa0: {  	v37 =	vld [tilespmem:s15+$0xFFFFFF80];
	v15 =	vand.u32 $0xFFFF0000, v15;
	v5 =	vmul.f32 v5, v17;
	v7 =	vmul.f32 v20, v7  }
0xa1: {  	v11 =	vand.u32 $0xFFFF0000, v11;
	v17 =	vld [tilespmem:s11+$0x30];
	v20 =	vmul.f32 v28, v24;
	v6 =	vmul.f32 v22, v6  }
0xa2: {  	v22 =	vld [tilespmem:s11+$0xFFFFFFE0];
	v13 =	vadd.f32 $0.0e+00, v13;
	v5 =	vadd.f32 $0.0e+00, v5;
	v15 =	vmul.f32 v15, v18  }
0xa3: {  	v9 =	vand.u32 $0xFFFF0000, v9;
	v10 =	vmul.f32 v25, v10;
	v25 =	vshll.u32 v19, $0x10;
	v18 =	vld [tilespmem:s11+$0xFFFFFFA0]  }
0xa4: {  	s24 =	simm.s32 $0x680;
	v11 =	vmul.f32 v11, v26;
	v13 =	vadd.f32 v20, v13;
	v5 =	vadd.f32 v15, v5;
	v15 =	vld [tilespmem:s11+$0xFFFFFFB0]  }
0xa5: {  	v45 =	vld [tilespmem:s24+$0xFFFFFFA0];
	v8 =	vmul.f32 v16, v8;
	v9 =	vmul.f32 v9, v27;
	v10 =	vadd.f32 $0.0e+00, v10  }
0xa6: {  	v16 =	vld [tilespmem:s11+$0xFFFFFFF0];
	v17 =	vmul.f32 v21, v17;
	v7 =	vadd.f32 v7, v13;
	v5 =	vadd.f32 v11, v5  }
0xa7: {  	s13 =	simm.s32 $0x2D80;
	v28 =	vld [tilespmem:s23+$0x70];
	v8 =	vadd.f32 $0.0e+00, v8;
	v6 =	vadd.f32 v6, v10;
	v11 =	vmul.f32 v12, v29  }
0xa8: {  	v10 =	vld [tilespmem:s13+$0x0];
	v7 =	vadd.f32 v17, v7;
	v12 =	vmul.f32 v23, v18;
	v5 =	vadd.f32 v9, v5  }
0xa9: {  	v21 =	vld [tilespmem:s13+$0xFFFFFF80];
	v9 =	vmul.f32 v14, v22;
	v8 =	vadd.f32 v11, v8;
	v11 =	vmul.f32 v25, v15  }
0xaa: {  	v17 =	vld [tilespmem:s13+$0xFFFFFF90];
	v6 =	vadd.f32 v12, v6;
	v12 =	vand.u32 $0xFFFF0000, v19;
	v5 =	vadd.f32 v5, v7  }
0xab: {  	v18 =	vld [tilespmem:s23+$0x0];
	v12 =	vmul.f32 v12, v16;
	v8 =	vadd.f32 v9, v8  }
0xac: {  	v23 =	vld [tilespmem:s13+$0xFFFFFFB0];
	v6 =	vadd.f32 v11, v6;
	v11 =	vperm.xlane v5, v1  }
0xad: {  	v14 =	vld [tilespmem:s13+$0x30];
	v8 =	vadd.f32 v12, v8  }
0xae: {  	v15 =	vld [tilespmem:s13+$0x20];
	v5 =	vadd.f32 v5, v11  }
0xaf: {  	v43 =	vshll.u32 v57, $0x10;
	v60 =	vshll.u32 v37, $0x10;
	v7 =	vld [tilespmem:s23+$0xFFFFFF90];
	v6 =	vadd.f32 v8, v6  }
0xb0: {  	v37 =	vand.u32 $0xFFFF0000, v37;
	v45 =	vmul.f32 v43, v45;
	v9 =	vld [tilespmem:s23+$0x20];
	v16 =	vperm.xlane v5, v2  }
0xb1: {  	v30 =	vshll.u32 v21, $0x10;
	v21 =	vand.u32 $0xFFFF0000, v21;
	v12 =	vld [tilespmem:s23+$0xFFFFFFC0];
	v11 =	vperm.xlane v6, v1  }
0xb2: {  	v22 =	vshll.u32 v10, $0x10;
	v10 =	vand.u32 $0xFFFF0000, v10;
	v8 =	vld [tilespmem:s23+$0xFFFFFF80];
	v5 =	vadd.f32 v5, v16  }
0xb3: {  	v25 =	vshll.u32 v17, $0x10;
	v18 =	vmul.f32 v22, v18;
	v6 =	vadd.f32 v6, v11;
	v11 =	vld [tilespmem:s13+$0xFFFFFFA0]  }
0xb4: {  	v24 =	vshll.u32 v14, $0x10;
	v14 =	vand.u32 $0xFFFF0000, v14;
	v16 =	vld [tilespmem:s13+$0x10];
	v20 =	vperm.xlane v5, v3  }
0xb5: {  	v17 =	vand.u32 $0xFFFF0000, v17;
	v22 =	vld [tilespmem:s23+$0x50];
	v14 =	vmul.f32 v14, v28;
	v19 =	vperm.xlane v6, v2  }
0xb6: {  	v7 =	vmul.f32 v25, v7;
	v12 =	vmul.f32 v21, v12;
	v5 =	vadd.f32 v5, v20;
	v20 =	vld [tilespmem:s23+$0x40]  }
0xb7: {  	v13 =	vld [tilespmem:s23+$0xFFFFFFB0];
	v21 =	vmul.f32 v24, v31;
	v8 =	vmul.f32 v30, v8;
	v6 =	vadd.f32 v6, v19  }
0xb8: {  	v19 =	vshll.u32 v15, $0x10;
	v26 =	vshll.u32 v11, $0x10;
	v27 =	vand.u32 $0xFFFF0000, v11;
	v11 =	vld [tilespmem:s23+$0xFFFFFFA0]  }
0xb9: {  	v56 =	vld [tilespmem:s24+$0x0];
	v29 =	vshll.u32 v16, $0x10;
	v16 =	vand.u32 $0xFFFF0000, v16;
	v32 =	vperm.xlane v5, v4  }
0xba: {  	v18 =	vadd.f32 $0.0e+00, v18;
	v16 =	vmul.f32 v16, v22;
	v22 =	vmul.f32 v19, v9;
	v9 =	vld [tilespmem:s23+$0x60]  }
0xbb: {  	v30 =	vshll.u32 v23, $0x10;
	v8 =	vadd.f32 $0.0e+00, v8;
	v10 =	vmul.f32 v10, v20;
	v20 =	vld [tilespmem:s23+$0x10]  }
0xbc: {  	v12 =	vadd.f32 $0.0e+00, v12;
	v13 =	vmul.f32 v30, v13;
	v30 =	vld [tilespmem:s15+$0x20];
	v5 =	vadd.f32 v5, v32  }
0xbd: {  	v15 =	vand.u32 $0xFFFF0000, v15;
	v8 =	vadd.f32 v7, v8;
	v25 =	vmul.f32 v26, v11;
	v26 =	vld [tilespmem:s23+$0xFFFFFFE0]  }
0xbe: {  	v7 =	vmul.f32 v17, v33;
	v33 =	vand.u32 $0xFFFF0000, v57;
	v11 =	vld [tilespmem:s12+$0x70];
	v5 =	vmul.f32 $-1.767766920e-01, v5  }
0xbf: {  	v24 =	vld [tilespmem:s23+$0xFFFFFFF0];
	v10 =	vadd.f32 $0.0e+00, v10;
	v15 =	vmul.f32 v15, v9;
	v8 =	vadd.f32 v25, v8  }
0xc0: {  	v12 =	vadd.f32 v7, v12;
	v9 =	vld [tilespmem:s12+$0x40];
	v5 =	vmul.f32 $1.442695020e+00, v5;
	v29 =	vmul.f32 v29, v20  }
0xc1: {  	v39 =	vshll.u32 v30, $0x10;
	v10 =	vadd.f32 v16, v10;
	v8 =	vadd.f32 v13, v8;
	v13 =	vld [tilespmem:s15+$0x0]  }
0xc2: {  	v38 =	vld [tilespmem:s15+$0xFFFFFFB0];
	(erf) = vpow2.f32 v5;
	v17 =	vmul.f32 v27, v26;
	v16 =	vadd.f32 v29, v18  }
0xc3: {  	v41 =	vld [tilespmem:s24+$0x40];
	v10 =	vadd.f32 v15, v10;
	v25 =	vshll.u32 v11, $0x10;
	v18 =	vand.u32 $0xFFFF0000, v23  }
0xc4: {  	v23 =	vld [tilespmem:s24+$0xFFFFFFC0];
	v12 =	vadd.f32 v17, v12;
	v15 =	vadd.f32 v22, v16;
	v16 =	vmul.f32 v18, v24  }
0xc5: {  	v44 =	vld [tilespmem:s24+$0x50];
	v42 =	vand.u32 $0xFFFF0000, v9;
	v9 =	vshll.u32 v9, $0x10;
	v18 =	vperm.xlane v6, v3  }
0xc6: {  	v19 =	vld [tilespmem:s12+$0xFFFFFFD0];
	v10 =	vadd.f32 v14, v10;
	v31 =	vshll.u32 v13, $0x10;
	v12 =	vadd.f32 v16, v12  }
0xc7: {  	v13 =	vand.u32 $0xFFFF0000, v13;
	v14 =	vadd.f32 v21, v15;
	v15 =	vld [tilespmem:s12+$0x60];
	v6 =	vadd.f32 v6, v18  }
0xc8: {  	v21 =	vld [tilespmem:s24+$0x20];
	v31 =	vmul.f32 v31, v56;
	v13 =	vmul.f32 v13, v41;
	v8 =	vadd.f32 v12, v8  }
0xc9: {  	v7 =	vld [tilespmem:s13+$0xFFFFFFD0];
	v23 =	vmul.f32 v37, v23;
	v10 =	vadd.f32 v10, v14;
	v18 =	vperm.xlane v6, v4  }
0xca: {  	v20 =	vld [tilespmem:s13+$0x70];
	v31 =	vadd.f32 $0.0e+00, v31;
	v13 =	vadd.f32 $0.0e+00, v13;
	v22 =	vperm.xlane v8, v1  }
0xcb: {  	v23 =	vadd.f32 $0.0e+00, v23;
	v12 =	vperm.xlane v10, v1;
	v6 =	vadd.f32 v6, v18;
	v18 =	vld [tilespmem:s15+$0x30]  }
0xcc: {  	v28 =	vpop (erf);
	v35 =	vshll.u32 v15, $0x10;
	v36 =	vand.u32 $0xFFFF0000, v15;
	v15 =	vld [tilespmem:s15+$0x10];
	v8 =	vadd.f32 v8, v22  }
0xcd: {  	v28 =	vadd.f32 $1.000000000e+00, v28;
	v21 =	vmul.f32 v39, v21;
	v24 =	vadd.f32 v10, v12;
	v22 =	vld [tilespmem:s24+$0xFFFFFF80]  }
0xce: {  	v5 =	vld [tilespmem:s15+$0x70];
	v10 =	vshll.u32 v19, $0x10;
	v27 =	vmul.f32 $-1.767766920e-01, v6;
	v29 =	vperm.xlane v8, v2  }
0xcf: {  	v47 =	vld [tilespmem:s24+$0x70];
	v12 =	vshll.u32 v20, $0x10;
	v6 =	vshll.u32 v7, $0x10;
	v26 =	vperm.xlane v24, v2  }
0xd0: {  	v17 =	vld [tilespmem:s12+$0x50];
	(erf) = vrcp.f32 v28;
	v27 =	vmul.f32 $1.442695020e+00, v27;
	v29 =	vadd.f32 v8, v29  }
0xd1: {  	v40 =	vshll.u32 v18, $0x10;
	v18 =	vand.u32 $0xFFFF0000, v18;
	v24 =	vadd.f32 v24, v26;
	v26 =	vld [tilespmem:s15+$0xFFFFFF90]  }
0xd2: {  	v16 =	vld [tilespmem:s24+$0xFFFFFF90];
	v61 =	vand.u32 $0xFFFF0000, v15;
	v22 =	vmul.f32 v60, v22;
	v34 =	vperm.xlane v29, v3  }
0xd3: {  	v50 =	vld [tilespmem:s24+$0xFFFFFFD0];
	v8 =	vshll.u32 v5, $0x10;
	v32 =	vmul.f32 v61, v44;
	v28 =	vperm.xlane v24, v3  }
0xd4: {  	v62 =	vld [tilespmem:s24+$0x10];
	v46 =	vshll.u32 v15, $0x10;
	v22 =	vadd.f32 $0.0e+00, v22;
	v29 =	vadd.f32 v29, v34  }
0xd5: {  	v54 =	vld [tilespmem:s12+$0xFFFFFFF0];
	v18 =	vmul.f32 v18, v47;
	v13 =	vadd.f32 v32, v13;
	v24 =	vadd.f32 v24, v28  }
0xd6: {  	v14 =	vld [tilespmem:s24+$0xFFFFFFB0];
	v28 =	vshll.u32 v17, $0x10;
	v58 =	vshll.u32 v26, $0x10;
	v59 =	vperm.xlane v29, v4  }
0xd7: {  	v63 =	vld [tilespmem:s24+$0x60];
	v26 =	vand.u32 $0xFFFF0000, v26;
	v49 =	vperm.xlane v24, v4;
	v16 =	vmul.f32 v58, v16  }
0xd8: {  	v17 =	vand.u32 $0xFFFF0000, v17;
	v26 =	vmul.f32 v26, v50;
	v29 =	vadd.f32 v29, v59  }
0xd9: {  	v24 =	vadd.f32 v24, v49;
	v49 =	vld [tilespmem:s24+$0xFFFFFFE0];
	v16 =	vadd.f32 v16, v22;
	v22 =	vmul.f32 v46, v62  }
0xda: {  	v48 =	vld [tilespmem:s24+$0x30];
	v46 =	vshll.u32 v54, $0x10;
	v15 =	vmul.f32 $-1.767766920e-01, v29;
	v29 =	vshll.u32 v38, $0x10  }
0xdb: {  	v51 =	vld [tilespmem:s24+$0xFFFFFFF0];
	v24 =	vmul.f32 $-1.767766920e-01, v24;
	v29 =	vmul.f32 v29, v14;
	v14 =	vand.u32 $0xFFFF0000, v30  }
0xdc: {  	v16 =	vadd.f32 v45, v16;
	v22 =	vadd.f32 v22, v31;
	v14 =	vmul.f32 v14, v63  }
0xdd: {  	v53 =	vld [tilespmem:s12+$0xFFFFFFE0];
	s11 =	simm.s32 $0x780;
	v31 =	vand.u32 $0xFFFF0000, v38;
	v45 =	vand.u32 $0xFFFF0000, v19;
	v24 =	vmul.f32 $1.442695020e+00, v24  }
0xde: {  	s16 =	simm.s32 $0x2F80;
	v0 =	vld [tilespmem:s11+$0x70];
	v52 =	vmul.f32 v33, v49;
	v13 =	vadd.f32 v14, v13;
	v14 =	vadd.f32 v26, v23  }
0xdf: {  	v41 =	vld [tilespmem:s16+$0x30];
	v19 =	vand.u32 $0xFFFF0000, v20;
	v30 =	vmul.f32 v40, v48;
	v22 =	vadd.f32 v21, v22  }
0xe0: {  	v37 =	vld [tilespmem:s11+$0xFFFFFFB0];
	v23 =	vmul.f32 v31, v51;
	v13 =	vadd.f32 v18, v13;
	v18 =	vadd.f32 v52, v14  }
0xe1: {  	v39 =	vld [tilespmem:s11+$0xFFFFFF90];
	v20 =	vand.u32 $0xFFFF0000, v54;
	(erf) = vpow2.f32 v24;
	v30 =	vadd.f32 v30, v22  }
0xe2: {  	v59 =	vld [tilespmem:s16+$0xFFFFFF90];
	v29 =	vadd.f32 v29, v16;
	v24 =	vpop (erf);
	(erf) = vpow2.f32 v27;
	v18 =	vadd.f32 v23, v18  }
0xe3: {  	v44 =	vld [tilespmem:s11+$0xFFFFFF80];
	v16 =	vmul.f32 v28, v24;
	v22 =	vmul.f32 v17, v24;
	v13 =	vadd.f32 v13, v30  }
0xe4: {  	v28 =	vld [tilespmem:s16+$0x0];
	v23 =	vmul.f32 v35, v24;
	v35 =	vmul.f32 v36, v24;
	v17 =	vadd.f32 v18, v29  }
0xe5: {  	v36 =	vmul.f32 v25, v24;
	v25 =	vld [tilespmem:s13+$0x60];
	v18 =	vand.u32 $0xFFFF0000, v11;
	v29 =	vperm.xlane v13, v1  }
0xe6: {  	v54 =	vshll.u32 v41, $0x10;
	v26 =	vld [tilespmem:s12+$0xFFFFFFC0];
	v38 =	vmul.f32 v18, v24;
	v18 =	vperm.xlane v17, v1  }
0xe7: {  	v60 =	vld [tilespmem:s11+$0x0];
	v33 =	vshll.u32 v53, $0x10;
	v43 =	vand.u32 $0xFFFF0000, v59;
	v29 =	vadd.f32 v13, v29  }
0xe8: {  	v34 =	vld [tilespmem:s16+$0xFFFFFFA0];
	v31 =	vmul.f32 v9, v24;
	v32 =	vmul.f32 v42, v24;
	v55 =	vadd.f32 v17, v18  }
0xe9: {  	v42 =	vand.u32 $0xFFFF0000, v53;
	v30 =	vld [tilespmem:s13+$0x50];
	v24 =	vshll.u32 v28, $0x10;
	v56 =	vperm.xlane v29, v2  }
0xea: {  	v21 =	vld [tilespmem:s13+$0x40];
	v28 =	vand.u32 $0xFFFF0000, v28;
	v50 =	vshll.u32 v25, $0x10;
	v17 =	vpop (erf);
	v58 =	vperm.xlane v55, v2  }
0xeb: {  	v27 =	vld [tilespmem:s11+$0x20];
	v18 =	vshll.u32 v26, $0x10;
	v57 =	vadd.f32 $1.000000000e+00, v17;
	v63 =	vpop (erf);
	v29 =	vadd.f32 v29, v56  }
0xec: {  	v17 =	vand.u32 $0xFFFF0000, v26;
	v26 =	vld [tilespmem:s16+$0x20];
	v49 =	vadd.f32 $1.000000000e+00, v63;
	v40 =	vadd.f32 v55, v58  }
0xed: {  	v51 =	vand.u32 $0xFFFF0000, v25;
	v56 =	vld [tilespmem:s11+$0x40];
	(erf) = vrcp.f32 v57;
	v61 =	vperm.xlane v29, v3  }
0xee: {  	v48 =	vand.u32 $0xFFFF0000, v30;
	(erf) = vrcp.f32 v49;
	v49 =	vld [tilespmem:s11+$0xFFFFFFA0];
	v62 =	vperm.xlane v40, v3  }
0xef: {  	v24 =	vmul.f32 v24, v60;
	v25 =	vadd.f32 v29, v61;
	v29 =	vshll.u32 v30, $0x10;
	v30 =	vld [tilespmem:s16+$0xFFFFFF80]  }
0xf0: {  	v60 =	vshll.u32 v34, $0x10;
	v55 =	vshll.u32 v59, $0x10;
	v59 =	vld [tilespmem:s16+$0xFFFFFFB0];
	v40 =	vadd.f32 v40, v62  }
0xf1: {  	v52 =	vld [tilespmem:s16+$0x10];
	v34 =	vand.u32 $0xFFFF0000, v34;
	v63 =	vadd.f32 $0.0e+00, v24;
	v61 =	vperm.xlane v25, v4  }
0xf2: {  	[tilespmem:s12+$0x0] =	vst v31;
	v57 =	vand.u32 $0xFFFF0000, v21;
	v58 =	vld [tilespmem:s11+$0x50];
	v31 =	vmul.f32 v55, v39;
	v47 =	vperm.xlane v40, v4  }
0xf3: {  	v53 =	vshll.u32 v26, $0x10;
	v28 =	vmul.f32 v28, v56;
	v56 =	vld [tilespmem:s11+$0x30];
	v61 =	vadd.f32 v25, v61  }
0xf4: {  	v62 =	vld [tilespmem:s11+$0xFFFFFFC0];
	v49 =	vmul.f32 v60, v49;
	v25 =	vand.u32 $0xFFFF0000, v30;
	v40 =	vadd.f32 v40, v47  }
0xf5: {  	v39 =	vld [tilespmem:s11+$0xFFFFFFE0];
	v47 =	vshll.u32 v30, $0x10;
	v30 =	vshll.u32 v59, $0x10;
	v60 =	vmul.f32 $-1.767766920e-01, v61  }
0xf6: {  	[tilespmem:s12+$0x20] =	vst v23;
	v23 =	vld [tilespmem:s11+$0xFFFFFFF0];
	v44 =	vmul.f32 v47, v44;
	v47 =	vshll.u32 v52, $0x10;
	v52 =	vand.u32 $0xFFFF0000, v52  }
0xf7: {  	v61 =	vld [tilespmem:s11+$0xFFFFFFD0];
	v37 =	vmul.f32 v30, v37;
	v30 =	vand.u32 $0xFFFF0000, v41;
	v24 =	vmul.f32 $-1.767766920e-01, v40  }
0xf8: {  	v26 =	vand.u32 $0xFFFF0000, v26;
	v40 =	vmul.f32 v52, v58;
	v52 =	vmul.f32 v53, v27;
	v27 =	vld [tilespmem:s11+$0x60]  }
0xf9: {  	v28 =	vadd.f32 $0.0e+00, v28;
	v41 =	vmul.f32 v54, v56;
	v58 =	vmul.f32 v25, v62;
	v53 =	vld [tilespmem:s11+$0x10];
	v25 =	vpop (erf)  }
0xfa: {  	[tilespmem:s12+$0x40] =	vst v32;
	v56 =	vmul.f32 v34, v39;
	v0 =	vmul.f32 v30, v0;
	v44 =	vadd.f32 $0.0e+00, v44;
	v30 =	vpop (erf)  }
0xfb: {  	[tilespmem:s12+$0x50] =	vst v22;
	v62 =	vadd.f32 $0.0e+00, v58;
	v58 =	vand.u32 $0xFFFF0000, v59;
	v20 =	vmul.f32 v20, v30  }
0xfc: {  	[tilespmem:s12+$0x60] =	vst v35;
	v28 =	vadd.f32 v40, v28;
	v32 =	vmul.f32 v58, v23;
	v23 =	vmul.f32 v43, v61  }
0xfd: {  	v14 =	vld [tilespmem:s15+$0xFFFFFFD0];
	[tilespmem:s12+$0x30] =	vst v36;
	v31 =	vadd.f32 v31, v44;
	v61 =	vmul.f32 v46, v30;
	v26 =	vmul.f32 v26, v27  }
0xfe: {  	v9 =	vld [tilespmem:s16+$0x70];
	v27 =	vmul.f32 v45, v30;
	v59 =	vmul.f32 v47, v53;
	[tilespmem:s12+$0xFFFFFFF0] =	vst v20;
	v20 =	vshll.u32 v21, $0x10  }
0xff: {  	[tilespmem:s12+$0x70] =	vst v38;
	v23 =	vadd.f32 v23, v62;
	v62 =	vmul.f32 v20, v25;
	v20 =	vld [tilespmem:s16+$0xFFFFFFD0];
	v28 =	vadd.f32 v26, v28  }
0x100: {  	v60 =	vmul.f32 $1.442695020e+00, v60;
	v31 =	vadd.f32 v49, v31;
	v21 =	vmul.f32 v33, v30;
	[tilespmem:s12+$0xFFFFFFB0] =	vst v61;
	v26 =	vld [tilespmem:s13+$0xFFFFFFE0]  }
0x101: {  	[tilespmem:s12+$0xFFFFFFD0] =	vst v27;
	v22 =	vadd.f32 v59, v63;
	v27 =	vld [tilespmem:s13+$0xFFFFFFC0];
	v33 =	vadd.f32 v0, v28;
	v0 =	vmul.f32 v42, v30  }
0x102: {  	v11 =	vshll.u32 v14, $0x10;
	(erf) = vpow2.f32 v60;
	[tilespmem:s12+$0xFFFFFFA0] =	vst v21;
	v21 =	vld [tilespmem:s15+$0x40];
	v34 =	vadd.f32 v37, v31  }
0x103: {  	v63 =	vmul.f32 v57, v25;
	v37 =	vadd.f32 v56, v23;
	v23 =	vld [tilespmem:s15+$0x50];
	[tilespmem:s12+$0xFFFFFFE0] =	vst v0;
	v0 =	vadd.f32 v52, v22  }
0x104: {  	v13 =	vshll.u32 v9, $0x10;
	v36 =	vmul.f32 v50, v25;
	v31 =	vmul.f32 v29, v25;
	v29 =	vld [tilespmem:s15+$0x60];
	[tilespmem:s13+$0x0] =	vst v62  }
0x105: {  	s20 =	simm.s32 $0x6;
	s23 =	simm.s32 $0x3080;
	v35 =	vmul.f32 v51, v25;
	v28 =	vld [tilespmem:s13+$0xFFFFFFF0];
	[tilespmem:s13+$0x40] =	vst v63;
	v22 =	vmul.f32 v48, v25;
	v38 =	vadd.f32 v41, v0  }
.LBB2_7:
0x106: {  	v0 =	vld [tilespmem:s23+$0x0];
	s20 =	sadd.s32 $0x2, s20;
	v32 =	vadd.f32 v32, v37;
	s11 =	sadd.s32 $0x100, s11;
	v18 =	vmul.f32 v18, v30;
	v17 =	vmul.f32 v17, v30;
	[tilespmem:s12+$0x10] =	vst v16  }
0x107: {  	v37 =	vld [tilespmem:s23+$0x70];
	p1 =	slt.u32 s20, $0x4E;
	v33 =	vadd.f32 v33, v38;
	[tilespmem:s13+$0x20] =	vst v36;
	v36 =	vmul.f32 v12, v25;
	v38 =	vmul.f32 v10, v30  }
0x108: {  	v19 =	vmul.f32 v19, v25;
	v10 =	vmovc v6;
	v30 =	vld [tilespmem:s11+$0xFFFFFFB0];
	v32 =	vadd.f32 v32, v34;
	v41 =	vshll.u32 v20, $0x10;
	[tilespmem:s13+$0x60] =	vst v35  }
0x109: {  	v6 =	vmovc v11;
	v12 =	vmovc v8;
	v35 =	vmul.f32 $1.442695020e+00, v15;
	v34 =	vld [tilespmem:s11+$0xFFFFFF90];
	v25 =	vperm.xlane v33, v1;
	[tilespmem:s12+$0xFFFFFFC0] =	vst v17;
	v11 =	vmov v41  }
0x10a: {  	v16 =	vmovc v31;
	v8 =	vmov v13;
	v15 =	vmov v24;
	v39 =	vld [tilespmem:s11+$0x20];
	v40 =	vperm.xlane v32, v1;
	[tilespmem:s12+$0xFFFFFF80] =	vst v18  }
0x10b: {  	v31 =	vld [tilespmem:s11+$0xFFFFFFC0];
	v24 =	vshll.u32 v0, $0x10;
	v25 =	vadd.f32 v33, v25;
	(erf) = vpow2.f32 v35;
	[tilespmem:s12+$0xFFFFFF90] =	vst v38;
	s12 =	smov.u32 s13;
	s13 =	smov.u32 s15;
	s15 =	smov.u32 s16  }
0x10c: {  	v0 =	vand.u32 $0xFFFF0000, v0;
	s16 =	smov.u32 s23;
	v33 =	vld [tilespmem:s23+$0x30];
	v13 =	vshll.u32 v37, $0x10;
	v32 =	vadd.f32 v32, v40;
	v17 =	vpop (erf);
	[tilespmem:s12+$0x30] =	vst v36  }
0x10d: {  	v35 =	vld [tilespmem:s11+$0xFFFFFF80];
	v36 =	vperm.xlane v25, v2;
	v38 =	vadd.f32 $1.000000000e+00, v17;
	v17 =	vand.u32 $0xFFFF0000, v27;
	[tilespmem:s12+$0x70] =	vst v19  }
0x10e: {  	v41 =	vshll.u32 v28, $0x10;
	v18 =	vshll.u32 v27, $0x10;
	v40 =	vld [tilespmem:s23+$0xFFFFFFB0];
	v19 =	vperm.xlane v32, v2  }
0x10f: {  	v27 =	vld [tilespmem:s23+$0x20];
	v25 =	vadd.f32 v25, v36;
	(erf) = vrcp.f32 v38;
	v36 =	vand.u32 $0xFFFF0000, v26  }
0x110: {  	v42 =	vand.u32 $0xFFFF0000, v7;
	v43 =	vshll.u32 v26, $0x10;
	v7 =	vmovc v14;
	v14 =	vmovc v20;
	v38 =	vld [tilespmem:s23+$0xFFFFFF90];
	v32 =	vadd.f32 v32, v19  }
0x111: {  	v28 =	vand.u32 $0xFFFF0000, v28;
	v19 =	vand.u32 $0xFFFF0000, v5;
	v5 =	vmovc v9;
	v9 =	vmovc v37;
	v20 =	vld [tilespmem:s11+$0x0];
	v26 =	vperm.xlane v25, v3  }
0x112: {  	v45 =	vshll.u32 v29, $0x10;
	v46 =	vand.u32 $0xFFFF0000, v29;
	v37 =	vld [tilespmem:s23+$0xFFFFFFA0];
	v44 =	vperm.xlane v32, v3  }
0x113: {  	v47 =	vshll.u32 v23, $0x10;
	v48 =	vand.u32 $0xFFFF0000, v23;
	v29 =	vld [tilespmem:s23+$0x10];
	v26 =	vadd.f32 v25, v26  }
0x114: {  	v50 =	vshll.u32 v33, $0x10;
	v23 =	vld [tilespmem:s23+$0xFFFFFF80];
	v49 =	vshll.u32 v27, $0x10;
	v25 =	vadd.f32 v32, v44;
	v32 =	vpop (erf)  }
0x115: {  	v44 =	vshll.u32 v38, $0x10;
	v38 =	vand.u32 $0xFFFF0000, v38;
	v51 =	vld [tilespmem:s11+$0x40];
	v32 =	vadd.f32 $1.000000000e+00, v32  }
0x116: {  	v53 =	vand.u32 $0xFFFF0000, v21;
	v20 =	vmul.f32 v24, v20;
	v52 =	vld [tilespmem:s11+$0x70];
	v24 =	vperm.xlane v25, v4  }
0x117: {  	v54 =	vshll.u32 v37, $0x10;
	v37 =	vand.u32 $0xFFFF0000, v37;
	v55 =	vld [tilespmem:s11+$0x50];
	(erf) = vrcp.f32 v32  }
0x118: {  	v32 =	vld [tilespmem:s11+$0xFFFFFFA0];
	v20 =	vadd.f32 $0.0e+00, v20;
	v56 =	vshll.u32 v29, $0x10;
	v24 =	vadd.f32 v25, v24;
	v25 =	vpop (erf)  }
0x119: {  	v59 =	vperm.xlane v26, v4;
	v57 =	vshll.u32 v23, $0x10;
	v23 =	vand.u32 $0xFFFF0000, v23;
	v58 =	vld [tilespmem:s11+$0x30]  }
0x11a: {  	v29 =	vand.u32 $0xFFFF0000, v29;
	v35 =	vmul.f32 v57, v35;
	v57 =	vld [tilespmem:s11+$0xFFFFFFD0];
	v24 =	vmul.f32 $-1.767766920e-01, v24  }
0x11b: {  	v60 =	vshll.u32 v40, $0x10;
	v26 =	vadd.f32 v26, v59;
	v0 =	vmul.f32 v0, v51  }
0x11c: {  	v39 =	vmul.f32 v49, v39;
	v35 =	vadd.f32 $0.0e+00, v35;
	v29 =	vmul.f32 v29, v55;
	v51 =	vld [tilespmem:s11+$0x60]  }
0x11d: {  	v34 =	vmul.f32 v44, v34;
	v0 =	vadd.f32 $0.0e+00, v0;
	v44 =	vld [tilespmem:s11+$0xFFFFFFE0];
	v32 =	vmul.f32 v54, v32  }
0x11e: {  	v27 =	vand.u32 $0xFFFF0000, v27;
	v23 =	vmul.f32 v23, v31;
	v31 =	vmul.f32 v60, v30;
	v49 =	vld [tilespmem:s11+$0x10]  }
0x11f: {  	v59 =	vand.u32 $0xFFFF0000, v33;
	v55 =	vmul.f32 $-1.767766920e-01, v26;
	v50 =	vmul.f32 v50, v58;
	v54 =	vld [tilespmem:s11+$0xFFFFFFF0]  }
0x120: {  	v33 =	vmul.f32 v59, v52;
	v23 =	vadd.f32 $0.0e+00, v23;
	v26 =	vadd.f32 v34, v35;
	v30 =	vpop (erf)  }
0x121: {  	v0 =	vadd.f32 v29, v0;
	v27 =	vmul.f32 v27, v51;
	v28 =	vmul.f32 v28, v30  }
0x122: {  	v29 =	vadd.f32 v32, v26;
	v34 =	vmul.f32 v42, v30;
	v35 =	vmul.f32 v37, v44  }
0x123: {  	v26 =	vand.u32 $0xFFFF0000, v40;
	v37 =	vmul.f32 v56, v49;
	v0 =	vadd.f32 v27, v0;
	[tilespmem:s12+$0xFFFFFFF0] =	vst v28  }
0x124: {  	v40 =	vshll.u32 v21, $0x10;
	v21 =	vmul.f32 v43, v30;
	v32 =	vmul.f32 v26, v54;
	v26 =	vld [tilespmem:s13+$0xFFFFFFE0];
	[tilespmem:s12+$0xFFFFFFD0] =	vst v34  }
0x125: {  	v34 =	vmul.f32 v38, v57;
	v33 =	vadd.f32 v33, v0;
	v28 =	vld [tilespmem:s13+$0xFFFFFFF0];
	v0 =	vmul.f32 v36, v30;
	[tilespmem:s12+$0x50] =	vst v22  }
.Ltmp4:
0x126: {  	v22 =	vadd.f32 v37, v20;
	v36 =	vmul.f32 $1.442695020e+00, v55;
	v37 =	vmul.f32 v41, v30;
	v27 =	vld [tilespmem:s13+$0xFFFFFFC0];
	[tilespmem:s12+$0xFFFFFFA0] =	vst v21;
	(pc) =	sbr.rel @p1 .LBB2_7-.Ltmp4, $4  }
0x127: {  	v38 =	vmul.f32 v40, v25;
	v40 =	vmul.f32 v53, v25;
	v23 =	vadd.f32 v34, v23;
	v21 =	vld [tilespmem:s15+$0x40];
	[tilespmem:s12+$0xFFFFFFE0] =	vst v0  }
0x128: {  	v34 =	vadd.f32 v31, v29;
	v0 =	vadd.f32 v39, v22;
	v20 =	vld [tilespmem:s23+$0xFFFFFFD0];
	(erf) = vpow2.f32 v36;
	[tilespmem:s12+$0xFFFFFFB0] =	vst v37  }
0x129: {  	v31 =	vmul.f32 v47, v25;
	v22 =	vmul.f32 v48, v25;
	v37 =	vadd.f32 v35, v23;
	v23 =	vld [tilespmem:s15+$0x50];
	[tilespmem:s13+$0x0] =	vst v38  }
0x12a: {  	s23 =	sadd.s32 $0x100, s23;
	v36 =	vmul.f32 v45, v25;
	v35 =	vmul.f32 v46, v25;
	v38 =	vadd.f32 v50, v0;
	v29 =	vld [tilespmem:s15+$0x60];
	[tilespmem:s13+$0x40] =	vst v40  }
0x12b: {  	_ = 	snop  }
0x12c: {  	v0 =	vadd.f32 v33, v38;
	_ =	sdelay $0x1  }
0x12d: {  	v33 =	vperm.xlane v0, v1;
	_ =	sdelay $0x1  }
0x12e: {  	v0 =	vadd.f32 v0, v33  }
0x12f: {  	v15 =	vmul.f32 $1.442695020e+00, v15  }
0x130: {  	v33 =	vperm.xlane v0, v2  }
0x131: {  	(erf) = vpow2.f32 v15  }
0x132: {  	v0 =	vadd.f32 v0, v33;
	_ =	sdelay $0x1  }
0x133: {  	v15 =	vperm.xlane v0, v3;
	_ =	sdelay $0x1  }
0x134: {  	v0 =	vadd.f32 v0, v15;
	v15 =	vadd.f32 v32, v37;
	_ =	sdelay $0x1  }
0x135: {  	v50 =	vperm.xlane v0, v4;
	v15 =	vadd.f32 v15, v34  }
0x136: {  	v51 =	vpop (erf)  }
0x137: {  	v33 =	vadd.f32 $1.000000000e+00, v51;
	v52 =	vpop (erf);
	v0 =	vadd.f32 v0, v50;
	v53 =	vperm.xlane v15, v1  }
0x138: {  	v34 =	vadd.f32 $1.000000000e+00, v52  }
0x139: {  	(erf) = vrcp.f32 v33;
	v0 =	vmul.f32 $-1.767766920e-01, v0;
	v15 =	vadd.f32 v15, v53  }
0x13a: {  	(erf) = vrcp.f32 v34  }
0x13b: {  	v0 =	vmul.f32 $1.442695020e+00, v0;
	v32 =	vperm.xlane v15, v2;
	_ =	sdelay $0x1  }
0x13c: {  	(erf) = vpow2.f32 v0;
	v0 =	vadd.f32 v15, v32  }
0x13d: {  	v24 =	vmul.f32 $1.442695020e+00, v24;
	v15 =	vmul.f32 v17, v30  }
0x13e: {  	v17 =	vperm.xlane v0, v3  }
0x13f: {  	(erf) = vpow2.f32 v24  }
0x140: {  	[tilespmem:s12+$0x10] =	vst v16;
	v10 =	vmul.f32 v10, v30  }
0x141: {  	[tilespmem:s12+$0xFFFFFFC0] =	vst v15;
	v15 =	vpop (erf)  }
0x142: {  	[tilespmem:s12+$0xFFFFFF90] =	vst v10;
	v10 =	vand.u32 $0xFFFF0000, v28;
	v0 =	vadd.f32 v0, v17;
	v17 =	vpop (erf)  }
0x143: {  	v16 =	vmul.f32 v18, v30;
	[tilespmem:s13+$0x50] =	vst v22;
	v10 =	vmul.f32 v10, v17  }
0x144: {  	v12 =	vmul.f32 v12, v25;
	[tilespmem:s13+$0x10] =	vst v31  }
0x145: {  	v7 =	vand.u32 $0xFFFF0000, v7;
	v18 =	vshll.u32 v26, $0x10;
	[tilespmem:s12+$0xFFFFFF80] =	vst v16  }
0x146: {  	[tilespmem:s13+$0x30] =	vst v12;
	v7 =	vmul.f32 v7, v17  }
0x147: {  	v16 =	vmul.f32 v19, v25;
	[tilespmem:s13+$0xFFFFFFF0] =	vst v10;
	v10 =	vpop (erf)  }
0x148: {  	v12 =	vperm.xlane v0, v4;
	[tilespmem:s13+$0xFFFFFFD0] =	vst v7;
	v7 =	vmul.f32 v18, v17;
	v10 =	vadd.f32 $1.000000000e+00, v10;
	v18 =	vpop (erf)  }
0x149: {  	[tilespmem:s13+$0x70] =	vst v16;
	v16 =	vshll.u32 v28, $0x10;
	v18 =	vadd.f32 $1.000000000e+00, v18  }
0x14a: {  	[tilespmem:s13+$0x20] =	vst v36;
	v8 =	vmul.f32 v8, v15;
	v0 =	vadd.f32 v0, v12;
	(erf) = vrcp.f32 v10  }
0x14b: {  	[tilespmem:s13+$0xFFFFFFA0] =	vst v7;
	v7 =	vmul.f32 v16, v17;
	v10 =	vand.u32 $0xFFFF0000, v21;
	(erf) = vrcp.f32 v18  }
0x14c: {  	v19 =	vshll.u32 v21, $0x10;
	[tilespmem:s15+$0x30] =	vst v8;
	v0 =	vmul.f32 $-1.767766920e-01, v0;
	v10 =	vmul.f32 v10, v15  }
0x14d: {  	v6 =	vmul.f32 v6, v17;
	v16 =	vmul.f32 v19, v15;
	[tilespmem:s13+$0xFFFFFFB0] =	vst v7  }
0x14e: {  	v0 =	vmul.f32 $1.442695020e+00, v0;
	v7 =	vshll.u32 v29, $0x10;
	[tilespmem:s15+$0x40] =	vst v10;
	v10 =	vand.u32 $0xFFFF0000, v27  }
0x14f: {  	v12 =	vand.u32 $0xFFFF0000, v26;
	[tilespmem:s15+$0x0] =	vst v16;
	v16 =	vld [tilespmem:s15+$0xFFFFFFF0];
	v7 =	vmul.f32 v7, v15;
	v10 =	vmul.f32 v10, v17  }
0x150: {  	v12 =	vmul.f32 v12, v17;
	[tilespmem:s13+$0xFFFFFF90] =	vst v6;
	(erf) = vpow2.f32 v0  }
0x151: {  	v0 =	vshll.u32 v27, $0x10;
	[tilespmem:s15+$0x20] =	vst v7;
	v7 =	vld [tilespmem:s15+$0xFFFFFFE0]  }
0x152: {  	[tilespmem:s13+$0xFFFFFFE0] =	vst v12;
	v12 =	vand.u32 $0xFFFF0000, v29;
	v0 =	vmul.f32 v0, v17  }
0x153: {  	v5 =	vand.u32 $0xFFFF0000, v5;
	v12 =	vmul.f32 v12, v15;
	[tilespmem:s13+$0xFFFFFFC0] =	vst v10;
	v10 =	vpop (erf)  }
0x154: {  	[tilespmem:s13+$0xFFFFFF80] =	vst v0;
	v0 =	vmul.f32 v5, v15;
	v5 =	vand.u32 $0xFFFF0000, v16;
	v6 =	vpop (erf)  }
0x155: {  	v8 =	vand.u32 $0xFFFF0000, v14;
	v14 =	vand.u32 $0xFFFF0000, v23;
	[tilespmem:s15+$0x60] =	vst v12;
	v5 =	vmul.f32 v5, v6  }
0x156: {  	v12 =	vld [tilespmem:s16+$0x40];
	[tilespmem:s15+$0x70] =	vst v0;
	v0 =	vmul.f32 v8, v6;
	v8 =	vmul.f32 v14, v15;
	v14 =	vshll.u32 v7, $0x10  }
0x157: {  	[tilespmem:s13+$0x60] =	vst v35  }
0x158: {  	[tilespmem:s15+$0xFFFFFFF0] =	vst v5  }
0x159: {  	v7 =	vand.u32 $0xFFFF0000, v7;
	v5 =	vld [tilespmem:s16+$0x60];
	[tilespmem:s15+$0xFFFFFFD0] =	vst v0;
	v0 =	vmul.f32 v14, v6;
	v14 =	vpop (erf)  }
0x15a: {  	v16 =	vshll.u32 v16, $0x10;
	v7 =	vmul.f32 v7, v6;
	[tilespmem:s15+$0x50] =	vst v8;
	v8 =	vadd.f32 $1.000000000e+00, v14  }
0x15b: {  	v17 =	vld [tilespmem:s15+$0xFFFFFFC0];
	v14 =	vshll.u32 v12, $0x10;
	[tilespmem:s15+$0xFFFFFFA0] =	vst v0;
	v0 =	vmul.f32 v16, v6  }
0x15c: {  	[tilespmem:s15+$0xFFFFFFE0] =	vst v7;
	v12 =	vand.u32 $0xFFFF0000, v12;
	v14 =	vmul.f32 v14, v10;
	(erf) = vrcp.f32 v8  }
0x15d: {  	v7 =	vshll.u32 v23, $0x10;
	v12 =	vmul.f32 v12, v10;
	[tilespmem:s15+$0xFFFFFFB0] =	vst v0  }
0x15e: {  	v0 =	vmul.f32 v7, v15;
	v7 =	vshll.u32 v5, $0x10;
	[tilespmem:s16+$0x0] =	vst v14  }
0x15f: {  	v5 =	vand.u32 $0xFFFF0000, v5;
	[tilespmem:s16+$0x40] =	vst v12;
	v7 =	vmul.f32 v7, v10  }
0x160: {  	v12 =	vand.u32 $0xFFFF0000, v17;
	v14 =	vld [tilespmem:s16+$0xFFFFFFF0];
	v5 =	vmul.f32 v5, v10;
	[tilespmem:s15+$0x10] =	vst v0  }
0x161: {  	v0 =	vshll.u32 v17, $0x10;
	v12 =	vmul.f32 v12, v6;
	[tilespmem:s16+$0x20] =	vst v7  }
0x162: {  	v8 =	vld [tilespmem:s16+$0x50];
	v0 =	vmul.f32 v0, v6;
	[tilespmem:s16+$0x60] =	vst v5;
	v7 =	vand.u32 $0xFFFF0000, v9  }
0x163: {  	v6 =	vmul.f32 v11, v6;
	v5 =	vld [tilespmem:s16+$0xFFFFFFE0];
	[tilespmem:s15+$0xFFFFFFC0] =	vst v12  }
0x164: {  	v9 =	vmul.f32 v13, v10;
	[tilespmem:s15+$0xFFFFFF80] =	vst v0  }
0x165: {  	v0 =	vmul.f32 v7, v10;
	[tilespmem:s15+$0xFFFFFF90] =	vst v6;
	v6 =	vand.u32 $0xFFFF0000, v14;
	v7 =	vpop (erf)  }
0x166: {  	[tilespmem:s16+$0x30] =	vst v9;
	v9 =	vand.u32 $0xFFFF0000, v20;
	v6 =	vmul.f32 v6, v7  }
0x167: {  	v12 =	vld [tilespmem:s16+$0xFFFFFFC0];
	v11 =	vand.u32 $0xFFFF0000, v8;
	[tilespmem:s16+$0x70] =	vst v0;
	v0 =	vmul.f32 v9, v7  }
0x168: {  	v9 =	vmul.f32 v11, v10;
	v11 =	vshll.u32 v5, $0x10;
	[tilespmem:s16+$0xFFFFFFF0] =	vst v6  }
0x169: {  	v5 =	vand.u32 $0xFFFF0000, v5;
	[tilespmem:s16+$0xFFFFFFD0] =	vst v0;
	v0 =	vmul.f32 v11, v7  }
0x16a: {  	v5 =	vmul.f32 v5, v7;
	v6 =	vshll.u32 v14, $0x10;
	[tilespmem:s16+$0x50] =	vst v9  }
0x16b: {  	v8 =	vshll.u32 v8, $0x10;
	[tilespmem:s16+$0xFFFFFFA0] =	vst v0;
	v0 =	vmul.f32 v6, v7  }
0x16c: {  	[tilespmem:s16+$0xFFFFFFE0] =	vst v5;
	v5 =	vshll.u32 v12, $0x10;
	v6 =	vmul.f32 v8, v10  }
0x16d: {  	v8 =	vand.u32 $0xFFFF0000, v12;
	v5 =	vmul.f32 v5, v7;
	[tilespmem:s16+$0xFFFFFFB0] =	vst v0  }
0x16e: {  	v0 =	vmul.f32 v8, v7;
	v8 =	vshll.u32 v20, $0x10;
	[tilespmem:s16+$0x10] =	vst v6  }
0x16f: {  	[tilespmem:s16+$0xFFFFFF80] =	vst v5;
	v6 =	vmul.f32 v8, v7  }
0x170: {  	[tilespmem:s16+$0xFFFFFFC0] =	vst v0  }
0x171: {  	[tilespmem:s16+$0xFFFFFF90] =	vst v6  }
0x172: {  	[spmem:s3] =	stream.indirect.scatter.add.f32 [tilespmem:s29], [sflag:$0x3], $0x80, s26, s25, $0xb8;
	[tilespmem:$0x1E080] =	vst v63  }
0x173: {  	_ =	swait.ge [sflag:s9], $0x2800  }
0x174: {  	[sflag:s9] =	ssyncset.done $0x0  }
0x175: {  	[sflag:s9] =	ssyncadd.s32 $0xFFFFD800  }
0x176: {  	_ =	swait.ge [sflag:s10], $0x100  }
0x177: {  	s11 =	simm.s32 $0x280;
	[sflag:s10] =	ssyncset.done $0x0  }
0x178: {  	s12 =	sshll.u32 s7, $0x2;
	s16 =	rddreg [dreg:$0x9];
	[sflag:s10] =	ssyncadd.s32 $0xFFFFFF00  }
0x179: {  	[tilespmem:s28], [sflag:$0x1] =	stream.indirect.gather [hbm4b:s1+s25], $0x80, s11, s25, $0xb8;
	[tilespmem:$0x1E080] =	vst v63  }
0x17a: {  	s11 =	sadd.s32 s12, s16  }
0x17b: {  	s15 =	simm.s32 $0x200;
	s11 =	sshll.u32 s11, $0x5  }
0x17c: {  	[tilespmem:s29], [sflag:$0x1] =	stream.indirect.gather [hbm4b:s5+s25], $0x80, s15, s25, $0xb8;
	[tilespmem:$0x1E080] =	vst v63  }
0x17d: {  	s11 =	sand.u32 $0x1FFFFFE0, s11  }
0x17e: {  	s11 =	sadd.s32 s6, s11  }
0x17f: {  	[tilespmem:s4], [sflag:$0x5] =	stream.linear.gather [hbm4b:s11+s4], $0x100, $0x38;
	[tilespmem:$0x1E080] =	vst v63  }
0x180: {  	_ =	swait.ge [sflag:s19], $0x2800  }
0x181: {  	[sflag:s19] =	ssyncset.done $0x0  }
0x182: {  	[sflag:s19] =	ssyncadd.s32 $0xFFFFD800  }
0x183: {  	_ =	swait.ge [sflag:s19], $0x2800  }
0x184: {  	[sflag:s19] =	ssyncset.done $0x0  }
0x185: {  	s13 =	simm.s32 $0x7C80;
	[sflag:s19] =	ssyncadd.s32 $0xFFFFD800  }
0x186: {  	s20 =	simm.s32 $0x5480;
	v0 =	vld [tilespmem:s13+$0x0]  }
0x187: {  	v5 =	vld [tilespmem:s20+$0xFFFFFF90]  }
0x188: {  	v6 =	vld [tilespmem:s20+$0x20]  }
0x189: {  	v7 =	vld [tilespmem:s20+$0xFFFFFFC0]  }
0x18a: {  	v8 =	vld [tilespmem:s13+$0x30]  }
0x18b: {  	v9 =	vld [tilespmem:s20+$0xFFFFFF80]  }
0x18c: {  	v10 =	vld [tilespmem:s13+$0x20]  }
0x18d: {  	v11 =	vld [tilespmem:s13+$0xFFFFFF90]  }
0x18e: {  	v12 =	vld [tilespmem:s20+$0x0]  }
0x18f: {  	v13 =	vld [tilespmem:s13+$0xFFFFFFA0]  }
0x190: {  	v14 =	vld [tilespmem:s13+$0x10]  }
0x191: {  	v15 =	vld [tilespmem:s13+$0xFFFFFF80]  }
0x192: {  	v16 =	vld [tilespmem:s20+$0x40]  }
0x193: {  	v18 =	vld [tilespmem:s13+$0xFFFFFFB0]  }
0x194: {  	v23 =	vld [tilespmem:s20+$0x10]  }
0x195: {  	v25 =	vld [tilespmem:s20+$0x60];
	v17 =	vshll.u32 v0, $0x10  }
0x196: {  	v0 =	vand.u32 $0xFFFF0000, v0;
	v19 =	vshll.u32 v10, $0x10;
	v12 =	vmul.f32 v17, v12;
	v17 =	vld [tilespmem:s20+$0x50]  }
0x197: {  	v26 =	vld [tilespmem:s20+$0x70];
	v20 =	vshll.u32 v8, $0x10;
	v21 =	vshll.u32 v11, $0x10;
	v11 =	vand.u32 $0xFFFF0000, v11  }
0x198: {  	s23 =	simm.s32 $0x5580;
	v28 =	vld [tilespmem:s20+$0xFFFFFFD0];
	v22 =	vshll.u32 v13, $0x10;
	v24 =	vshll.u32 v15, $0x10;
	v27 =	vshll.u32 v14, $0x10  }
0x199: {  	v30 =	vld [tilespmem:s23+$0x30];
	v15 =	vand.u32 $0xFFFF0000, v15;
	v14 =	vand.u32 $0xFFFF0000, v14;
	v0 =	vmul.f32 v0, v16  }
0x19a: {  	v10 =	vand.u32 $0xFFFF0000, v10;
	v16 =	vld [tilespmem:s20+$0x30];
	v6 =	vmul.f32 v19, v6;
	v19 =	vmul.f32 v27, v23  }
0x19b: {  	v54 =	vld [tilespmem:s23+$0xFFFFFFD0];
	v12 =	vadd.f32 $0.0e+00, v12;
	v0 =	vadd.f32 $0.0e+00, v0;
	v14 =	vmul.f32 v14, v17  }
0x19c: {  	s16 =	simm.s32 $0x7E80;
	v8 =	vand.u32 $0xFFFF0000, v8;
	v9 =	vmul.f32 v24, v9;
	v5 =	vmul.f32 v21, v5;
	v17 =	vld [tilespmem:s20+$0xFFFFFFA0]  }
0x19d: {  	v55 =	vld [tilespmem:s16+$0xFFFFFFA0];
	v10 =	vmul.f32 v10, v25;
	v12 =	vadd.f32 v19, v12;
	v0 =	vadd.f32 v14, v0  }
0x19e: {  	v7 =	vmul.f32 v15, v7;
	v8 =	vmul.f32 v8, v26;
	v9 =	vadd.f32 $0.0e+00, v9;
	v14 =	vld [tilespmem:s20+$0xFFFFFFB0]  }
0x19f: {  	v58 =	vld [tilespmem:s16+$0x10];
	v16 =	vmul.f32 v20, v16;
	v6 =	vadd.f32 v6, v12;
	v0 =	vadd.f32 v10, v0  }
0x1a0: {  	v21 =	vld [tilespmem:s20+$0xFFFFFFE0];
	v7 =	vadd.f32 $0.0e+00, v7;
	v5 =	vadd.f32 v5, v9;
	v10 =	vmul.f32 v11, v28  }
0x1a1: {  	v15 =	vld [tilespmem:s20+$0xFFFFFFF0];
	v6 =	vadd.f32 v16, v6;
	v11 =	vmul.f32 v22, v17;
	v0 =	vadd.f32 v8, v0  }
0x1a2: {  	v24 =	vshll.u32 v18, $0x10;
	v26 =	vld [tilespmem:s23+$0xFFFFFFA0];
	v7 =	vadd.f32 v10, v7  }
0x1a3: {  	s15 =	simm.s32 $0x7D80;
	v27 =	vld [tilespmem:s23+$0x70];
	v10 =	vmul.f32 v24, v14;
	v5 =	vadd.f32 v11, v5;
	v0 =	vadd.f32 v0, v6  }
0x1a4: {  	v9 =	vld [tilespmem:s15+$0x0]  }
0x1a5: {  	v20 =	vld [tilespmem:s15+$0xFFFFFF80];
	v5 =	vadd.f32 v10, v5;
	v10 =	vperm.xlane v0, v1  }
0x1a6: {  	v13 =	vand.u32 $0xFFFF0000, v13;
	v12 =	vld [tilespmem:s23+$0xFFFFFFB0]  }
0x1a7: {  	v16 =	vld [tilespmem:s15+$0xFFFFFF90];
	v8 =	vmul.f32 v13, v21;
	v0 =	vadd.f32 v0, v10  }
0x1a8: {  	v17 =	vld [tilespmem:s23+$0x0];
	v11 =	vand.u32 $0xFFFF0000, v18  }
0x1a9: {  	v22 =	vld [tilespmem:s15+$0xFFFFFFB0];
	v11 =	vmul.f32 v11, v15;
	v7 =	vadd.f32 v8, v7;
	v15 =	vperm.xlane v0, v2  }
0x1aa: {  	v13 =	vld [tilespmem:s15+$0x30]  }
0x1ab: {  	v6 =	vld [tilespmem:s23+$0xFFFFFF90];
	v7 =	vadd.f32 v11, v7;
	v0 =	vadd.f32 v0, v15  }
0x1ac: {  	v29 =	vshll.u32 v20, $0x10;
	v8 =	vld [tilespmem:s23+$0x20]  }
0x1ad: {  	v20 =	vand.u32 $0xFFFF0000, v20;
	v5 =	vadd.f32 v7, v5;
	v7 =	vld [tilespmem:s23+$0xFFFFFF80];
	v19 =	vperm.xlane v0, v3  }
0x1ae: {  	v21 =	vshll.u32 v9, $0x10;
	v9 =	vand.u32 $0xFFFF0000, v9;
	v24 =	vshll.u32 v16, $0x10;
	v11 =	vld [tilespmem:s23+$0xFFFFFFC0]  }
0x1af: {  	v16 =	vand.u32 $0xFFFF0000, v16;
	v14 =	vperm.xlane v5, v1;
	v0 =	vadd.f32 v0, v19;
	v19 =	vld [tilespmem:s23+$0x40]  }
0x1b0: {  	v17 =	vmul.f32 v21, v17;
	v23 =	vshll.u32 v13, $0x10;
	v13 =	vand.u32 $0xFFFF0000, v13;
	v10 =	vld [tilespmem:s15+$0x20]  }
0x1b1: {  	v23 =	vmul.f32 v23, v30;
	v13 =	vmul.f32 v13, v27;
	v5 =	vadd.f32 v5, v14;
	v14 =	vld [tilespmem:s15+$0xFFFFFFA0]  }
0x1b2: {  	v17 =	vadd.f32 $0.0e+00, v17;
	v6 =	vmul.f32 v24, v6;
	v15 =	vld [tilespmem:s15+$0x10];
	v7 =	vmul.f32 v29, v7  }
0x1b3: {  	v21 =	vld [tilespmem:s23+$0x50];
	v20 =	vmul.f32 v20, v11;
	v29 =	vshll.u32 v22, $0x10;
	v18 =	vperm.xlane v5, v2  }
0x1b4: {  	v12 =	vmul.f32 v29, v12;
	v7 =	vadd.f32 $0.0e+00, v7;
	v9 =	vmul.f32 v9, v19;
	v19 =	vld [tilespmem:s23+$0x10]  }
0x1b5: {  	v60 =	vld [tilespmem:s16+$0xFFFFFFB0];
	v18 =	vadd.f32 v5, v18;
	v5 =	vshll.u32 v10, $0x10;
	v10 =	vand.u32 $0xFFFF0000, v10  }
0x1b6: {  	v25 =	vshll.u32 v14, $0x10;
	v5 =	vmul.f32 v5, v8;
	v8 =	vld [tilespmem:s23+$0x60];
	v31 =	vperm.xlane v0, v4  }
0x1b7: {  	s24 =	simm.s32 $0x5680;
	v24 =	vld [tilespmem:s23+$0xFFFFFFE0];
	v14 =	vand.u32 $0xFFFF0000, v14;
	v28 =	vshll.u32 v15, $0x10;
	v15 =	vand.u32 $0xFFFF0000, v15  }
0x1b8: {  	v40 =	vld [tilespmem:s24+$0x40];
	v6 =	vadd.f32 v6, v7;
	v15 =	vmul.f32 v15, v21;
	v0 =	vadd.f32 v0, v31  }
0x1b9: {  	v21 =	vmul.f32 v25, v26;
	v25 =	vld [tilespmem:s23+$0xFFFFFFF0];
	v9 =	vadd.f32 $0.0e+00, v9;
	v28 =	vmul.f32 v28, v19  }
0x1ba: {  	v43 =	vld [tilespmem:s24+$0x50];
	v7 =	vmul.f32 v16, v54;
	v26 =	vadd.f32 $0.0e+00, v20;
	v0 =	vmul.f32 $-1.767766920e-01, v0  }
0x1bb: {  	v44 =	vld [tilespmem:s24+$0xFFFFFFA0];
	v8 =	vmul.f32 v10, v8;
	v15 =	vadd.f32 v15, v9;
	v10 =	vadd.f32 v28, v17  }
0x1bc: {  	v46 =	vld [tilespmem:s24+$0x70];
	v16 =	vand.u32 $0xFFFF0000, v22;
	v14 =	vmul.f32 v14, v24;
	v17 =	vadd.f32 v7, v26  }
0x1bd: {  	v48 =	vld [tilespmem:s24+$0x30];
	v0 =	vmul.f32 $1.442695020e+00, v0;
	v8 =	vadd.f32 v8, v15;
	v5 =	vadd.f32 v5, v10  }
0x1be: {  	v11 =	vld [tilespmem:s13+$0x70];
	v6 =	vadd.f32 v21, v6;
	v10 =	vmul.f32 v16, v25;
	v14 =	vadd.f32 v14, v17  }
0x1bf: {  	v29 =	vld [tilespmem:s16+$0x20];
	(erf) = vpow2.f32 v0;
	v8 =	vadd.f32 v13, v8;
	v0 =	vadd.f32 v23, v5  }
0x1c0: {  	v6 =	vadd.f32 v12, v6;
	v9 =	vld [tilespmem:s13+$0x40];
	v16 =	vperm.xlane v18, v3;
	v10 =	vadd.f32 v10, v14  }
0x1c1: {  	v19 =	vld [tilespmem:s13+$0xFFFFFFD0];
	v0 =	vadd.f32 v8, v0  }
0x1c2: {  	v42 =	vshll.u32 v55, $0x10;
	v15 =	vld [tilespmem:s13+$0x50];
	v8 =	vadd.f32 v18, v16;
	v6 =	vadd.f32 v10, v6  }
0x1c3: {  	v32 =	vand.u32 $0xFFFF0000, v55;
	v51 =	vmul.f32 v42, v44;
	v13 =	vld [tilespmem:s13+$0x60]  }
0x1c4: {  	v45 =	vshll.u32 v58, $0x10;
	v17 =	vld [tilespmem:s16+$0x0];
	v12 =	vperm.xlane v8, v4;
	v21 =	vperm.xlane v6, v1  }
0x1c5: {  	v63 =	vld [tilespmem:s24+$0xFFFFFFD0];
	v24 =	vshll.u32 v11, $0x10;
	v61 =	vshll.u32 v29, $0x10;
	v10 =	vperm.xlane v0, v1  }
0x1c6: {  	v55 =	vld [tilespmem:s13+$0xFFFFFFF0];
	v41 =	vand.u32 $0xFFFF0000, v9;
	v8 =	vadd.f32 v8, v12;
	v21 =	vadd.f32 v6, v21  }
0x1c7: {  	v9 =	vshll.u32 v9, $0x10;
	v44 =	vand.u32 $0xFFFF0000, v19;
	v23 =	vld [tilespmem:s16+$0x30];
	v0 =	vadd.f32 v0, v10  }
0x1c8: {  	v20 =	vld [tilespmem:s15+$0x70];
	v59 =	vand.u32 $0xFFFF0000, v15;
	v57 =	vshll.u32 v13, $0x10;
	v28 =	vperm.xlane v21, v2  }
0x1c9: {  	v7 =	vld [tilespmem:s15+$0xFFFFFFD0];
	v13 =	vand.u32 $0xFFFF0000, v13;
	v31 =	vshll.u32 v17, $0x10;
	v26 =	vperm.xlane v0, v2  }
0x1ca: {  	v5 =	vld [tilespmem:s16+$0x70];
	v17 =	vand.u32 $0xFFFF0000, v17;
	v27 =	vmul.f32 $-1.767766920e-01, v8;
	v8 =	vpop (erf);
	v21 =	vadd.f32 v21, v28  }
0x1cb: {  	v18 =	vld [tilespmem:s24+$0x20];
	v17 =	vmul.f32 v17, v40;
	v0 =	vadd.f32 v0, v26;
	v30 =	vadd.f32 $1.000000000e+00, v8  }
0x1cc: {  	v39 =	vshll.u32 v23, $0x10;
	v10 =	vshll.u32 v19, $0x10;
	v28 =	vld [tilespmem:s24+$0x0];
	v56 =	vperm.xlane v21, v3  }
0x1cd: {  	v12 =	vshll.u32 v20, $0x10;
	v26 =	vld [tilespmem:s16+$0xFFFFFF90];
	(erf) = vrcp.f32 v30;
	v30 =	vperm.xlane v0, v3  }
0x1ce: {  	v16 =	vld [tilespmem:s24+$0xFFFFFF90];
	v6 =	vshll.u32 v7, $0x10;
	v17 =	vadd.f32 $0.0e+00, v17;
	v19 =	vand.u32 $0xFFFF0000, v20  }
0x1cf: {  	v21 =	vadd.f32 v21, v56;
	v0 =	vadd.f32 v0, v30;
	v30 =	vshll.u32 v15, $0x10;
	v15 =	vld [tilespmem:s16+$0xFFFFFF80]  }
0x1d0: {  	v22 =	vld [tilespmem:s24+$0xFFFFFFC0];
	v20 =	vand.u32 $0xFFFF0000, v55;
	v18 =	vmul.f32 v61, v18;
	v27 =	vmul.f32 $1.442695020e+00, v27  }
0x1d1: {  	v25 =	vld [tilespmem:s24+$0xFFFFFF80];
	v8 =	vshll.u32 v5, $0x10;
	v28 =	vmul.f32 v31, v28;
	v31 =	vperm.xlane v21, v4  }
0x1d2: {  	v14 =	vld [tilespmem:s24+$0xFFFFFFB0];
	v62 =	vshll.u32 v26, $0x10;
	v26 =	vand.u32 $0xFFFF0000, v26;
	v49 =	vperm.xlane v0, v4  }
0x1d3: {  	s11 =	simm.s32 $0x7F80;
	v50 =	vld [tilespmem:s24+$0x60];
	v16 =	vmul.f32 v62, v16;
	v26 =	vmul.f32 v26, v63;
	v21 =	vadd.f32 v21, v31  }
0x1d4: {  	v63 =	vld [tilespmem:s11+$0xFFFFFFA0];
	v28 =	vadd.f32 $0.0e+00, v28;
	v0 =	vadd.f32 v0, v49;
	v31 =	vshll.u32 v15, $0x10  }
0x1d5: {  	v49 =	vld [tilespmem:s24+$0x10];
	v47 =	vand.u32 $0xFFFF0000, v15;
	v15 =	vmul.f32 $-1.767766920e-01, v21;
	v21 =	vshll.u32 v60, $0x10  }
0x1d6: {  	v52 =	vld [tilespmem:s24+$0xFFFFFFE0];
	v25 =	vmul.f32 v31, v25;
	v31 =	vand.u32 $0xFFFF0000, v58;
	v22 =	vmul.f32 v47, v22  }
0x1d7: {  	v54 =	vld [tilespmem:s13+$0xFFFFFFE0];
	v53 =	vmul.f32 v21, v14;
	v14 =	vand.u32 $0xFFFF0000, v29;
	v21 =	vand.u32 $0xFFFF0000, v23  }
0x1d8: {  	v23 =	vmul.f32 v39, v48;
	v0 =	vmul.f32 $-1.767766920e-01, v0;
	v25 =	vadd.f32 $0.0e+00, v25  }
0x1d9: {  	v33 =	vand.u32 $0xFFFF0000, v63;
	v31 =	vmul.f32 v31, v43;
	v21 =	vmul.f32 v21, v46  }
0x1da: {  	v29 =	vld [tilespmem:s24+$0xFFFFFFF0];
	v14 =	vmul.f32 v14, v50;
	v16 =	vadd.f32 v16, v25;
	v25 =	vmul.f32 v45, v49  }
0x1db: {  	s20 =	simm.s32 $0x5780;
	v22 =	vadd.f32 $0.0e+00, v22;
	v0 =	vmul.f32 $1.442695020e+00, v0;
	v17 =	vadd.f32 v31, v17  }
0x1dc: {  	v36 =	vld [tilespmem:s20+$0xFFFFFFB0];
	v46 =	vshll.u32 v54, $0x10;
	v31 =	vmul.f32 v32, v52;
	v25 =	vadd.f32 v25, v28  }
0x1dd: {  	v38 =	vld [tilespmem:s20+$0xFFFFFF90];
	(erf) = vpow2.f32 v0;
	v14 =	vadd.f32 v14, v17;
	v17 =	vadd.f32 v26, v22  }
0x1de: {  	v40 =	vld [tilespmem:s11+$0x30];
	v45 =	vshll.u32 v55, $0x10;
	v28 =	vand.u32 $0xFFFF0000, v60;
	v18 =	vadd.f32 v18, v25  }
0x1df: {  	v61 =	vld [tilespmem:s20+$0x0];
	v16 =	vadd.f32 v51, v16;
	v22 =	vmul.f32 v28, v29;
	v17 =	vadd.f32 v31, v17  }
0x1e0: {  	v43 =	vld [tilespmem:s20+$0xFFFFFF80];
	v0 =	vpop (erf);
	(erf) = vpow2.f32 v27;
	v25 =	vadd.f32 v21, v14;
	v18 =	vadd.f32 v23, v18  }
0x1e1: {  	v26 =	vld [tilespmem:s13+$0xFFFFFFC0];
	v28 =	vmul.f32 v9, v0;
	v17 =	vadd.f32 v22, v17;
	v23 =	vadd.f32 v53, v16  }
0x1e2: {  	v60 =	vld [tilespmem:s11+$0xFFFFFF90];
	v29 =	vmul.f32 v41, v0;
	v31 =	vmul.f32 v57, v0;
	v18 =	vadd.f32 v25, v18  }
0x1e3: {  	v9 =	vld [tilespmem:s11+$0x70];
	v34 =	vmul.f32 v13, v0;
	v35 =	vmul.f32 v24, v0;
	v17 =	vadd.f32 v17, v23  }
0x1e4: {  	v55 =	vld [tilespmem:s20+$0x40];
	v13 =	vand.u32 $0xFFFF0000, v11;
	v22 =	vmul.f32 v59, v0;
	v24 =	vperm.xlane v18, v1  }
0x1e5: {  	v41 =	vand.u32 $0xFFFF0000, v54;
	v16 =	vmul.f32 v30, v0;
	v30 =	vld [tilespmem:s11+$0x0];
	v56 =	vperm.xlane v17, v1  }
0x1e6: {  	v0 =	vmul.f32 v13, v0;
	v53 =	vshll.u32 v40, $0x10;
	v25 =	vld [tilespmem:s15+$0x50];
	v24 =	vadd.f32 v18, v24  }
0x1e7: {  	v54 =	vshll.u32 v60, $0x10;
	v42 =	vand.u32 $0xFFFF0000, v60;
	v23 =	vld [tilespmem:s15+$0x60];
	v37 =	vadd.f32 v17, v56  }
0x1e8: {  	v27 =	vld [tilespmem:s20+$0x20];
	v13 =	vshll.u32 v9, $0x10;
	v17 =	vpop (erf);
	v18 =	vshll.u32 v26, $0x10;
	v57 =	vperm.xlane v24, v2  }
0x1e9: {  	v58 =	vadd.f32 $1.000000000e+00, v17;
	v17 =	vand.u32 $0xFFFF0000, v26;
	v26 =	vld [tilespmem:s11+$0x20];
	v59 =	vperm.xlane v37, v2  }
0x1ea: {  	v21 =	vld [tilespmem:s15+$0x40];
	v39 =	vshll.u32 v30, $0x10;
	v30 =	vand.u32 $0xFFFF0000, v30;
	v24 =	vadd.f32 v24, v57  }
0x1eb: {  	v14 =	vld [tilespmem:s16+$0xFFFFFFD0];
	[tilespmem:s13+$0x0] =	vst v28;
	v28 =	vmul.f32 v54, v38;
	v30 =	vmul.f32 v30, v55;
	v37 =	vadd.f32 v37, v59  }
0x1ec: {  	v38 =	vld [tilespmem:s20+$0xFFFFFFE0];
	v49 =	vshll.u32 v23, $0x10;
	v47 =	vshll.u32 v25, $0x10;
	v62 =	vperm.xlane v24, v3  }
0x1ed: {  	v51 =	vand.u32 $0xFFFF0000, v25;
	v25 =	vld [tilespmem:s11+$0x10];
	(erf) = vrcp.f32 v58;
	v58 =	vperm.xlane v37, v3  }
0x1ee: {  	v50 =	vand.u32 $0xFFFF0000, v23;
	v52 =	vshll.u32 v26, $0x10;
	v59 =	vpop (erf);
	v23 =	vadd.f32 v24, v62;
	v24 =	vld [tilespmem:s11+$0xFFFFFF80]  }
0x1ef: {  	v48 =	vadd.f32 $1.000000000e+00, v59;
	v52 =	vmul.f32 v52, v27;
	v27 =	vld [tilespmem:s20+$0x60];
	v37 =	vadd.f32 v37, v58  }
0x1f0: {  	v11 =	vshll.u32 v14, $0x10;
	v32 =	vmul.f32 v39, v61;
	v54 =	vadd.f32 $0.0e+00, v30;
	v57 =	vld [tilespmem:s20+$0x50]  }
0x1f1: {  	v30 =	vand.u32 $0xFFFF0000, v40;
	v58 =	vld [tilespmem:s11+$0xFFFFFFB0];
	(erf) = vrcp.f32 v48;
	v60 =	vperm.xlane v37, v4  }
0x1f2: {  	v61 =	vld [tilespmem:s20+$0xFFFFFFC0];
	v26 =	vand.u32 $0xFFFF0000, v26;
	v59 =	vshll.u32 v63, $0x10;
	v62 =	vadd.f32 $0.0e+00, v32  }
0x1f3: {  	v48 =	vld [tilespmem:s20+$0xFFFFFFA0];
	v37 =	vadd.f32 v37, v60;
	v60 =	vperm.xlane v23, v4;
	v39 =	vshll.u32 v24, $0x10  }
0x1f4: {  	v26 =	vmul.f32 v26, v27;
	v32 =	vmul.f32 v39, v43;
	v39 =	vshll.u32 v25, $0x10;
	v43 =	vld [tilespmem:s20+$0x30]  }
0x1f5: {  	v55 =	vld [tilespmem:s20+$0x70];
	v25 =	vand.u32 $0xFFFF0000, v25;
	v23 =	vadd.f32 v23, v60;
	v60 =	vand.u32 $0xFFFF0000, v24  }
0x1f6: {  	v24 =	vmul.f32 $-1.767766920e-01, v37;
	v37 =	vmul.f32 v25, v57;
	v25 =	vshll.u32 v58, $0x10  }
0x1f7: {  	[tilespmem:s13+$0x40] =	vst v29;
	v29 =	vmul.f32 v60, v61;
	v61 =	vld [tilespmem:s20+$0x10];
	v32 =	vadd.f32 $0.0e+00, v32;
	v23 =	vmul.f32 $-1.767766920e-01, v23  }
0x1f8: {  	[tilespmem:s13+$0x20] =	vst v31;
	v31 =	vld [tilespmem:s20+$0xFFFFFFF0];
	v56 =	vand.u32 $0xFFFF0000, v21;
	v48 =	vmul.f32 v59, v48;
	v36 =	vmul.f32 v25, v36  }
0x1f9: {  	[tilespmem:s13+$0x60] =	vst v34;
	v63 =	vld [tilespmem:s20+$0xFFFFFFD0];
	v25 =	vpop (erf);
	v28 =	vadd.f32 v28, v32;
	v23 =	vmul.f32 $1.442695020e+00, v23;
	v40 =	vmul.f32 v53, v43  }
0x1fa: {  	[tilespmem:s13+$0x30] =	vst v35;
	v54 =	vadd.f32 v37, v54;
	v53 =	vmul.f32 v30, v55;
	v30 =	vpop (erf);
	v55 =	vmul.f32 v33, v38  }
0x1fb: {  	[tilespmem:s13+$0x70] =	vst v0;
	v20 =	vmul.f32 v20, v30;
	v0 =	vadd.f32 v48, v28;
	v27 =	vmul.f32 v44, v30  }
0x1fc: {  	[tilespmem:s13+$0x50] =	vst v22;
	v28 =	vand.u32 $0xFFFF0000, v58;
	v59 =	vmul.f32 v39, v61;
	v61 =	vmul.f32 v41, v30  }
0x1fd: {  	v60 =	vadd.f32 v26, v54;
	v26 =	vld [tilespmem:s15+$0xFFFFFFE0];
	(erf) = vpow2.f32 v23;
	v32 =	vmul.f32 v28, v31;
	[tilespmem:s13+$0xFFFFFFF0] =	vst v20  }
0x1fe: {  	v29 =	vadd.f32 $0.0e+00, v29;
	v23 =	vld [tilespmem:s16+$0x50];
	v31 =	vmul.f32 v42, v63;
	v63 =	vmul.f32 v56, v25;
	[tilespmem:s13+$0xFFFFFFD0] =	vst v27  }
0x1ff: {  	v28 =	vld [tilespmem:s15+$0xFFFFFFF0];
	v20 =	vshll.u32 v21, $0x10;
	v21 =	vmul.f32 v46, v30;
	v22 =	vadd.f32 v59, v62;
	[tilespmem:s13+$0xFFFFFFE0] =	vst v61  }
0x200: {  	v35 =	vmul.f32 v50, v25;
	v27 =	vld [tilespmem:s15+$0xFFFFFFC0];
	v62 =	vmul.f32 v45, v30;
	v29 =	vadd.f32 v31, v29;
	[tilespmem:s15+$0x40] =	vst v63  }
0x201: {  	v34 =	vadd.f32 v36, v0;
	v31 =	vmul.f32 v20, v25;
	v20 =	vld [tilespmem:s11+$0xFFFFFFD0];
	[tilespmem:s13+$0xFFFFFFA0] =	vst v21;
	v0 =	vadd.f32 v52, v22  }
0x202: {  	v33 =	vadd.f32 v53, v60;
	v36 =	vmul.f32 v49, v25;
	v21 =	vld [tilespmem:s16+$0x40];
	[tilespmem:s13+$0xFFFFFFB0] =	vst v62;
	v37 =	vadd.f32 v55, v29  }
0x203: {  	s23 =	simm.s32 $0x6;
	s24 =	simm.s32 $0x8080;
	v22 =	vmul.f32 v51, v25;
	[tilespmem:s15+$0x0] =	vst v31;
	v31 =	vmul.f32 v47, v25;
	v29 =	vld [tilespmem:s16+$0x60];
	v38 =	vadd.f32 v40, v0  }
.LBB2_9:
0x204: {  	v0 =	vld [tilespmem:s24+$0x0];
	s23 =	sadd.s32 $0x2, s23;
	v32 =	vadd.f32 v32, v37;
	s20 =	sadd.s32 $0x100, s20;
	v18 =	vmul.f32 v18, v30;
	v17 =	vmul.f32 v17, v30;
	[tilespmem:s13+$0x10] =	vst v16  }
0x205: {  	v37 =	vld [tilespmem:s24+$0x70];
	p1 =	slt.u32 s23, $0x4E;
	v33 =	vadd.f32 v33, v38;
	[tilespmem:s15+$0x20] =	vst v36;
	v36 =	vmul.f32 v12, v25;
	v38 =	vmul.f32 v10, v30  }
0x206: {  	v19 =	vmul.f32 v19, v25;
	v10 =	vmovc v6;
	v30 =	vld [tilespmem:s20+$0xFFFFFFB0];
	v32 =	vadd.f32 v32, v34;
	v41 =	vshll.u32 v20, $0x10;
	[tilespmem:s15+$0x60] =	vst v35  }
0x207: {  	v6 =	vmovc v11;
	v12 =	vmovc v8;
	v35 =	vmul.f32 $1.442695020e+00, v15;
	v34 =	vld [tilespmem:s20+$0xFFFFFF90];
	v25 =	vperm.xlane v33, v1;
	[tilespmem:s13+$0xFFFFFFC0] =	vst v17;
	v11 =	vmov v41  }
0x208: {  	v16 =	vmovc v31;
	v8 =	vmov v13;
	v15 =	vmov v24;
	v39 =	vld [tilespmem:s20+$0x20];
	v40 =	vperm.xlane v32, v1;
	[tilespmem:s13+$0xFFFFFF80] =	vst v18  }
0x209: {  	v31 =	vld [tilespmem:s20+$0xFFFFFFC0];
	v24 =	vshll.u32 v0, $0x10;
	v25 =	vadd.f32 v33, v25;
	(erf) = vpow2.f32 v35;
	[tilespmem:s13+$0xFFFFFF90] =	vst v38;
	s13 =	smov.u32 s15;
	s15 =	smov.u32 s16;
	s16 =	smov.u32 s11  }
0x20a: {  	v0 =	vand.u32 $0xFFFF0000, v0;
	s11 =	smov.u32 s24;
	v33 =	vld [tilespmem:s24+$0x30];
	v13 =	vshll.u32 v37, $0x10;
	v32 =	vadd.f32 v32, v40;
	v17 =	vpop (erf);
	[tilespmem:s13+$0x30] =	vst v36  }
0x20b: {  	v35 =	vld [tilespmem:s20+$0xFFFFFF80];
	v36 =	vperm.xlane v25, v2;
	v38 =	vadd.f32 $1.000000000e+00, v17;
	v17 =	vand.u32 $0xFFFF0000, v27;
	[tilespmem:s13+$0x70] =	vst v19  }
0x20c: {  	v41 =	vshll.u32 v28, $0x10;
	v18 =	vshll.u32 v27, $0x10;
	v40 =	vld [tilespmem:s24+$0xFFFFFFB0];
	v19 =	vperm.xlane v32, v2  }
0x20d: {  	v27 =	vld [tilespmem:s24+$0x20];
	v25 =	vadd.f32 v25, v36;
	(erf) = vrcp.f32 v38;
	v36 =	vand.u32 $0xFFFF0000, v26  }
0x20e: {  	v42 =	vand.u32 $0xFFFF0000, v7;
	v43 =	vshll.u32 v26, $0x10;
	v7 =	vmovc v14;
	v14 =	vmovc v20;
	v38 =	vld [tilespmem:s24+$0xFFFFFF90];
	v32 =	vadd.f32 v32, v19  }
0x20f: {  	v28 =	vand.u32 $0xFFFF0000, v28;
	v19 =	vand.u32 $0xFFFF0000, v5;
	v5 =	vmovc v9;
	v9 =	vmovc v37;
	v20 =	vld [tilespmem:s20+$0x0];
	v26 =	vperm.xlane v25, v3  }
0x210: {  	v45 =	vshll.u32 v29, $0x10;
	v46 =	vand.u32 $0xFFFF0000, v29;
	v37 =	vld [tilespmem:s24+$0xFFFFFFA0];
	v44 =	vperm.xlane v32, v3  }
0x211: {  	v47 =	vshll.u32 v23, $0x10;
	v48 =	vand.u32 $0xFFFF0000, v23;
	v29 =	vld [tilespmem:s24+$0x10];
	v26 =	vadd.f32 v25, v26  }
0x212: {  	v50 =	vshll.u32 v33, $0x10;
	v23 =	vld [tilespmem:s24+$0xFFFFFF80];
	v49 =	vshll.u32 v27, $0x10;
	v25 =	vadd.f32 v32, v44;
	v32 =	vpop (erf)  }
0x213: {  	v44 =	vshll.u32 v38, $0x10;
	v38 =	vand.u32 $0xFFFF0000, v38;
	v51 =	vld [tilespmem:s20+$0x40];
	v32 =	vadd.f32 $1.000000000e+00, v32  }
0x214: {  	v53 =	vand.u32 $0xFFFF0000, v21;
	v20 =	vmul.f32 v24, v20;
	v52 =	vld [tilespmem:s20+$0x70];
	v24 =	vperm.xlane v25, v4  }
0x215: {  	v54 =	vshll.u32 v37, $0x10;
	v37 =	vand.u32 $0xFFFF0000, v37;
	v55 =	vld [tilespmem:s20+$0x50];
	(erf) = vrcp.f32 v32  }
0x216: {  	v32 =	vld [tilespmem:s20+$0xFFFFFFA0];
	v20 =	vadd.f32 $0.0e+00, v20;
	v56 =	vshll.u32 v29, $0x10;
	v24 =	vadd.f32 v25, v24;
	v25 =	vpop (erf)  }
0x217: {  	v59 =	vperm.xlane v26, v4;
	v57 =	vshll.u32 v23, $0x10;
	v23 =	vand.u32 $0xFFFF0000, v23;
	v58 =	vld [tilespmem:s20+$0x30]  }
0x218: {  	v29 =	vand.u32 $0xFFFF0000, v29;
	v35 =	vmul.f32 v57, v35;
	v57 =	vld [tilespmem:s20+$0xFFFFFFD0];
	v24 =	vmul.f32 $-1.767766920e-01, v24  }
0x219: {  	v60 =	vshll.u32 v40, $0x10;
	v26 =	vadd.f32 v26, v59;
	v0 =	vmul.f32 v0, v51  }
0x21a: {  	v39 =	vmul.f32 v49, v39;
	v35 =	vadd.f32 $0.0e+00, v35;
	v29 =	vmul.f32 v29, v55;
	v51 =	vld [tilespmem:s20+$0x60]  }
0x21b: {  	v34 =	vmul.f32 v44, v34;
	v0 =	vadd.f32 $0.0e+00, v0;
	v44 =	vld [tilespmem:s20+$0xFFFFFFE0];
	v32 =	vmul.f32 v54, v32  }
0x21c: {  	v27 =	vand.u32 $0xFFFF0000, v27;
	v23 =	vmul.f32 v23, v31;
	v31 =	vmul.f32 v60, v30;
	v49 =	vld [tilespmem:s20+$0x10]  }
0x21d: {  	v59 =	vand.u32 $0xFFFF0000, v33;
	v55 =	vmul.f32 $-1.767766920e-01, v26;
	v50 =	vmul.f32 v50, v58;
	v54 =	vld [tilespmem:s20+$0xFFFFFFF0]  }
0x21e: {  	v33 =	vmul.f32 v59, v52;
	v23 =	vadd.f32 $0.0e+00, v23;
	v26 =	vadd.f32 v34, v35;
	v30 =	vpop (erf)  }
0x21f: {  	v0 =	vadd.f32 v29, v0;
	v27 =	vmul.f32 v27, v51;
	v28 =	vmul.f32 v28, v30  }
0x220: {  	v29 =	vadd.f32 v32, v26;
	v34 =	vmul.f32 v42, v30;
	v35 =	vmul.f32 v37, v44  }
0x221: {  	v26 =	vand.u32 $0xFFFF0000, v40;
	v37 =	vmul.f32 v56, v49;
	v0 =	vadd.f32 v27, v0;
	[tilespmem:s13+$0xFFFFFFF0] =	vst v28  }
0x222: {  	v40 =	vshll.u32 v21, $0x10;
	v21 =	vmul.f32 v43, v30;
	v32 =	vmul.f32 v26, v54;
	v26 =	vld [tilespmem:s15+$0xFFFFFFE0];
	[tilespmem:s13+$0xFFFFFFD0] =	vst v34  }
0x223: {  	v34 =	vmul.f32 v38, v57;
	v33 =	vadd.f32 v33, v0;
	v28 =	vld [tilespmem:s15+$0xFFFFFFF0];
	v0 =	vmul.f32 v36, v30;
	[tilespmem:s13+$0x50] =	vst v22  }
.Ltmp5:
0x224: {  	v22 =	vadd.f32 v37, v20;
	v36 =	vmul.f32 $1.442695020e+00, v55;
	v37 =	vmul.f32 v41, v30;
	v27 =	vld [tilespmem:s15+$0xFFFFFFC0];
	[tilespmem:s13+$0xFFFFFFA0] =	vst v21;
	(pc) =	sbr.rel @p1 .LBB2_9-.Ltmp5, $4  }
0x225: {  	v38 =	vmul.f32 v40, v25;
	v40 =	vmul.f32 v53, v25;
	v23 =	vadd.f32 v34, v23;
	v21 =	vld [tilespmem:s16+$0x40];
	[tilespmem:s13+$0xFFFFFFE0] =	vst v0  }
0x226: {  	v34 =	vadd.f32 v31, v29;
	v0 =	vadd.f32 v39, v22;
	v20 =	vld [tilespmem:s24+$0xFFFFFFD0];
	(erf) = vpow2.f32 v36;
	[tilespmem:s13+$0xFFFFFFB0] =	vst v37  }
0x227: {  	v31 =	vmul.f32 v47, v25;
	v22 =	vmul.f32 v48, v25;
	v37 =	vadd.f32 v35, v23;
	v23 =	vld [tilespmem:s16+$0x50];
	[tilespmem:s15+$0x0] =	vst v38  }
0x228: {  	s24 =	sadd.s32 $0x100, s24;
	v36 =	vmul.f32 v45, v25;
	v35 =	vmul.f32 v46, v25;
	v38 =	vadd.f32 v50, v0;
	v29 =	vld [tilespmem:s16+$0x60];
	[tilespmem:s15+$0x40] =	vst v40  }
0x229: {  	_ = 	snop  }
0x22a: {  	v0 =	vadd.f32 v33, v38;
	_ =	sdelay $0x1  }
0x22b: {  	v33 =	vperm.xlane v0, v1;
	_ =	sdelay $0x1  }
0x22c: {  	v0 =	vadd.f32 v0, v33  }
0x22d: {  	v15 =	vmul.f32 $1.442695020e+00, v15  }
0x22e: {  	v33 =	vperm.xlane v0, v2  }
0x22f: {  	(erf) = vpow2.f32 v15  }
0x230: {  	v0 =	vadd.f32 v0, v33;
	_ =	sdelay $0x1  }
0x231: {  	v15 =	vperm.xlane v0, v3;
	_ =	sdelay $0x1  }
0x232: {  	v0 =	vadd.f32 v0, v15;
	v15 =	vadd.f32 v32, v37;
	_ =	sdelay $0x1  }
0x233: {  	v50 =	vperm.xlane v0, v4;
	v15 =	vadd.f32 v15, v34  }
0x234: {  	v51 =	vpop (erf)  }
0x235: {  	v33 =	vadd.f32 $1.000000000e+00, v51;
	v52 =	vpop (erf);
	v0 =	vadd.f32 v0, v50;
	v53 =	vperm.xlane v15, v1  }
0x236: {  	v34 =	vadd.f32 $1.000000000e+00, v52  }
0x237: {  	(erf) = vrcp.f32 v33;
	v0 =	vmul.f32 $-1.767766920e-01, v0;
	v15 =	vadd.f32 v15, v53  }
0x238: {  	(erf) = vrcp.f32 v34  }
0x239: {  	v0 =	vmul.f32 $1.442695020e+00, v0;
	v32 =	vperm.xlane v15, v2;
	_ =	sdelay $0x1  }
0x23a: {  	(erf) = vpow2.f32 v0;
	v0 =	vadd.f32 v15, v32  }
0x23b: {  	v24 =	vmul.f32 $1.442695020e+00, v24;
	v15 =	vmul.f32 v17, v30  }
0x23c: {  	v17 =	vperm.xlane v0, v3  }
0x23d: {  	(erf) = vpow2.f32 v24  }
0x23e: {  	[tilespmem:s13+$0x10] =	vst v16;
	v10 =	vmul.f32 v10, v30  }
0x23f: {  	[tilespmem:s13+$0xFFFFFFC0] =	vst v15;
	v15 =	vpop (erf)  }
0x240: {  	[tilespmem:s13+$0xFFFFFF90] =	vst v10;
	v10 =	vand.u32 $0xFFFF0000, v28;
	v0 =	vadd.f32 v0, v17;
	v17 =	vpop (erf)  }
0x241: {  	v16 =	vmul.f32 v18, v30;
	[tilespmem:s15+$0x50] =	vst v22;
	v10 =	vmul.f32 v10, v17  }
0x242: {  	v12 =	vmul.f32 v12, v25;
	[tilespmem:s15+$0x10] =	vst v31  }
0x243: {  	v7 =	vand.u32 $0xFFFF0000, v7;
	v18 =	vshll.u32 v26, $0x10;
	[tilespmem:s13+$0xFFFFFF80] =	vst v16  }
0x244: {  	[tilespmem:s15+$0x30] =	vst v12;
	v7 =	vmul.f32 v7, v17  }
0x245: {  	v16 =	vmul.f32 v19, v25;
	[tilespmem:s15+$0xFFFFFFF0] =	vst v10;
	v10 =	vpop (erf)  }
0x246: {  	v12 =	vperm.xlane v0, v4;
	[tilespmem:s15+$0xFFFFFFD0] =	vst v7;
	v7 =	vmul.f32 v18, v17;
	v10 =	vadd.f32 $1.000000000e+00, v10;
	v18 =	vpop (erf)  }
0x247: {  	[tilespmem:s15+$0x70] =	vst v16;
	v16 =	vshll.u32 v28, $0x10;
	v18 =	vadd.f32 $1.000000000e+00, v18  }
0x248: {  	[tilespmem:s15+$0x20] =	vst v36;
	v8 =	vmul.f32 v8, v15;
	v0 =	vadd.f32 v0, v12;
	(erf) = vrcp.f32 v10  }
0x249: {  	[tilespmem:s15+$0xFFFFFFA0] =	vst v7;
	v7 =	vmul.f32 v16, v17;
	v10 =	vand.u32 $0xFFFF0000, v21;
	(erf) = vrcp.f32 v18  }
0x24a: {  	v19 =	vshll.u32 v21, $0x10;
	[tilespmem:s16+$0x30] =	vst v8;
	v0 =	vmul.f32 $-1.767766920e-01, v0;
	v10 =	vmul.f32 v10, v15  }
0x24b: {  	v6 =	vmul.f32 v6, v17;
	v16 =	vmul.f32 v19, v15;
	[tilespmem:s15+$0xFFFFFFB0] =	vst v7  }
0x24c: {  	v0 =	vmul.f32 $1.442695020e+00, v0;
	v7 =	vshll.u32 v29, $0x10;
	[tilespmem:s16+$0x40] =	vst v10;
	v10 =	vand.u32 $0xFFFF0000, v27  }
0x24d: {  	v12 =	vand.u32 $0xFFFF0000, v26;
	[tilespmem:s16+$0x0] =	vst v16;
	v16 =	vld [tilespmem:s16+$0xFFFFFFF0];
	v7 =	vmul.f32 v7, v15;
	v10 =	vmul.f32 v10, v17  }
0x24e: {  	v12 =	vmul.f32 v12, v17;
	[tilespmem:s15+$0xFFFFFF90] =	vst v6;
	(erf) = vpow2.f32 v0  }
0x24f: {  	v0 =	vshll.u32 v27, $0x10;
	[tilespmem:s16+$0x20] =	vst v7;
	v7 =	vld [tilespmem:s16+$0xFFFFFFE0]  }
0x250: {  	[tilespmem:s15+$0xFFFFFFE0] =	vst v12;
	v12 =	vand.u32 $0xFFFF0000, v29;
	v0 =	vmul.f32 v0, v17  }
0x251: {  	v5 =	vand.u32 $0xFFFF0000, v5;
	v12 =	vmul.f32 v12, v15;
	[tilespmem:s15+$0xFFFFFFC0] =	vst v10;
	v10 =	vpop (erf)  }
0x252: {  	[tilespmem:s15+$0xFFFFFF80] =	vst v0;
	v0 =	vmul.f32 v5, v15;
	v5 =	vand.u32 $0xFFFF0000, v16;
	v6 =	vpop (erf)  }
0x253: {  	v8 =	vand.u32 $0xFFFF0000, v14;
	v14 =	vand.u32 $0xFFFF0000, v23;
	[tilespmem:s16+$0x60] =	vst v12;
	v5 =	vmul.f32 v5, v6  }
0x254: {  	v12 =	vld [tilespmem:s11+$0x40];
	[tilespmem:s16+$0x70] =	vst v0;
	v0 =	vmul.f32 v8, v6;
	v8 =	vmul.f32 v14, v15;
	v14 =	vshll.u32 v7, $0x10  }
0x255: {  	[tilespmem:s15+$0x60] =	vst v35  }
0x256: {  	[tilespmem:s16+$0xFFFFFFF0] =	vst v5  }
0x257: {  	v7 =	vand.u32 $0xFFFF0000, v7;
	v5 =	vld [tilespmem:s11+$0x60];
	[tilespmem:s16+$0xFFFFFFD0] =	vst v0;
	v0 =	vmul.f32 v14, v6;
	v14 =	vpop (erf)  }
0x258: {  	v16 =	vshll.u32 v16, $0x10;
	v7 =	vmul.f32 v7, v6;
	[tilespmem:s16+$0x50] =	vst v8;
	v8 =	vadd.f32 $1.000000000e+00, v14  }
0x259: {  	v17 =	vld [tilespmem:s16+$0xFFFFFFC0];
	v14 =	vshll.u32 v12, $0x10;
	[tilespmem:s16+$0xFFFFFFA0] =	vst v0;
	v0 =	vmul.f32 v16, v6  }
0x25a: {  	[tilespmem:s16+$0xFFFFFFE0] =	vst v7;
	v12 =	vand.u32 $0xFFFF0000, v12;
	v14 =	vmul.f32 v14, v10;
	(erf) = vrcp.f32 v8  }
0x25b: {  	v7 =	vshll.u32 v23, $0x10;
	v12 =	vmul.f32 v12, v10;
	[tilespmem:s16+$0xFFFFFFB0] =	vst v0  }
0x25c: {  	v0 =	vmul.f32 v7, v15;
	v7 =	vshll.u32 v5, $0x10;
	[tilespmem:s11+$0x0] =	vst v14  }
0x25d: {  	v5 =	vand.u32 $0xFFFF0000, v5;
	[tilespmem:s11+$0x40] =	vst v12;
	v7 =	vmul.f32 v7, v10  }
0x25e: {  	v12 =	vand.u32 $0xFFFF0000, v17;
	v14 =	vld [tilespmem:s11+$0xFFFFFFF0];
	v5 =	vmul.f32 v5, v10;
	[tilespmem:s16+$0x10] =	vst v0  }
0x25f: {  	v0 =	vshll.u32 v17, $0x10;
	v12 =	vmul.f32 v12, v6;
	[tilespmem:s11+$0x20] =	vst v7  }
0x260: {  	v8 =	vld [tilespmem:s11+$0x50];
	v0 =	vmul.f32 v0, v6;
	[tilespmem:s11+$0x60] =	vst v5;
	v7 =	vand.u32 $0xFFFF0000, v9  }
0x261: {  	v6 =	vmul.f32 v11, v6;
	v5 =	vld [tilespmem:s11+$0xFFFFFFE0];
	[tilespmem:s16+$0xFFFFFFC0] =	vst v12  }
0x262: {  	v9 =	vmul.f32 v13, v10;
	[tilespmem:s16+$0xFFFFFF80] =	vst v0  }
0x263: {  	v0 =	vmul.f32 v7, v10;
	[tilespmem:s16+$0xFFFFFF90] =	vst v6;
	v6 =	vand.u32 $0xFFFF0000, v14;
	v7 =	vpop (erf)  }
0x264: {  	[tilespmem:s11+$0x30] =	vst v9;
	v9 =	vand.u32 $0xFFFF0000, v20;
	v6 =	vmul.f32 v6, v7  }
0x265: {  	v12 =	vld [tilespmem:s11+$0xFFFFFFC0];
	v11 =	vand.u32 $0xFFFF0000, v8;
	[tilespmem:s11+$0x70] =	vst v0;
	v0 =	vmul.f32 v9, v7  }
0x266: {  	v9 =	vmul.f32 v11, v10;
	v11 =	vshll.u32 v5, $0x10;
	[tilespmem:s11+$0xFFFFFFF0] =	vst v6  }
0x267: {  	v5 =	vand.u32 $0xFFFF0000, v5;
	[tilespmem:s11+$0xFFFFFFD0] =	vst v0;
	v0 =	vmul.f32 v11, v7  }
0x268: {  	v5 =	vmul.f32 v5, v7;
	v6 =	vshll.u32 v14, $0x10;
	[tilespmem:s11+$0x50] =	vst v9  }
0x269: {  	v8 =	vshll.u32 v8, $0x10;
	[tilespmem:s11+$0xFFFFFFA0] =	vst v0;
	v0 =	vmul.f32 v6, v7  }
0x26a: {  	[tilespmem:s11+$0xFFFFFFE0] =	vst v5;
	v5 =	vshll.u32 v12, $0x10;
	v6 =	vmul.f32 v8, v10  }
0x26b: {  	v8 =	vand.u32 $0xFFFF0000, v12;
	v5 =	vmul.f32 v5, v7;
	[tilespmem:s11+$0xFFFFFFB0] =	vst v0  }
0x26c: {  	v0 =	vmul.f32 v8, v7;
	v8 =	vshll.u32 v20, $0x10;
	[tilespmem:s11+$0x10] =	vst v6  }
0x26d: {  	[tilespmem:s11+$0xFFFFFF80] =	vst v5;
	v6 =	vmul.f32 v8, v7  }
0x26e: {  	[tilespmem:s11+$0xFFFFFFC0] =	vst v0  }
0x26f: {  	[tilespmem:s11+$0xFFFFFF90] =	vst v6  }
0x270: {  	[spmem:s3] =	stream.indirect.scatter.add.f32 [tilespmem:s2], [sflag:$0x4], $0x80, s31, s25, $0xb8;
	[tilespmem:$0x1E080] =	vst v63  }
0x271: {  	_ =	swait.ge [sflag:s14], $0x2800  }
0x272: {  	[sflag:s14] =	ssyncset.done $0x0  }
0x273: {  	[sflag:s14] =	ssyncadd.s32 $0xFFFFD800  }
0x274: {  	_ =	swait.ge [sflag:s17], $0x100  }
0x275: {  	s15 =	smin.u32 s12, $0x77;
	[sflag:s17] =	ssyncset.done $0x0;
	s16 =	rddreg [dreg:$0xa]  }
0x276: {  	s24 =	simm.s32 $0x380;
	[sflag:s17] =	ssyncadd.s32 $0xFFFFFF00;
	s11 =	sadd.s32 s15, s16  }
0x277: {  	[tilespmem:s0], [sflag:$0x2] =	stream.indirect.gather [hbm4b:s1+s25], $0x80, s24, s25, $0xb8;
	[tilespmem:$0x1E080] =	vst v63  }
0x278: {  	s13 =	simm.s32 $0x300;
	s11 =	sshll.u32 s11, $0x5  }
0x279: {  	[tilespmem:s2], [sflag:$0x2] =	stream.indirect.gather [hbm4b:s5+s25], $0x80, s13, s25, $0xb8;
	[tilespmem:$0x1E080] =	vst v63  }
0x27a: {  	s11 =	sadd.s32 s6, s11  }
0x27b: {  	[tilespmem:s22], [sflag:$0x6] =	stream.linear.gather [hbm4b:s11+s4], $0x100, $0x38;
	[tilespmem:$0x1E080] =	vst v63  }
0x27c: {  	_ =	swait.ge [sflag:s8], $0x2800  }
0x27d: {  	[sflag:s8] =	ssyncset.done $0x0  }
0x27e: {  	[sflag:s8] =	ssyncadd.s32 $0xFFFFD800  }
0x27f: {  	_ =	swait.ge [sflag:s8], $0x2800  }
0x280: {  	[sflag:s8] =	ssyncset.done $0x0  }
0x281: {  	s13 =	simm.s32 $0x2C80;
	[sflag:s8] =	ssyncadd.s32 $0xFFFFD800  }
0x282: {  	s20 =	simm.s32 $0x480;
	v0 =	vld [tilespmem:s13+$0x0]  }
0x283: {  	v5 =	vld [tilespmem:s20+$0xFFFFFF90]  }
0x284: {  	v6 =	vld [tilespmem:s20+$0x20]  }
0x285: {  	v7 =	vld [tilespmem:s20+$0xFFFFFFC0]  }
0x286: {  	v8 =	vld [tilespmem:s13+$0x30]  }
0x287: {  	v9 =	vld [tilespmem:s20+$0xFFFFFF80]  }
0x288: {  	v10 =	vld [tilespmem:s13+$0x20]  }
0x289: {  	v11 =	vld [tilespmem:s13+$0xFFFFFF90]  }
0x28a: {  	v12 =	vld [tilespmem:s20+$0x0]  }
0x28b: {  	v13 =	vld [tilespmem:s13+$0xFFFFFFA0]  }
0x28c: {  	v14 =	vld [tilespmem:s13+$0x10]  }
0x28d: {  	v15 =	vld [tilespmem:s13+$0xFFFFFF80]  }
0x28e: {  	v16 =	vld [tilespmem:s20+$0x40]  }
0x28f: {  	v18 =	vld [tilespmem:s13+$0xFFFFFFB0]  }
0x290: {  	v23 =	vld [tilespmem:s20+$0x10]  }
0x291: {  	v25 =	vld [tilespmem:s20+$0x60];
	v17 =	vshll.u32 v0, $0x10  }
0x292: {  	v0 =	vand.u32 $0xFFFF0000, v0;
	v19 =	vshll.u32 v10, $0x10;
	v12 =	vmul.f32 v17, v12;
	v17 =	vld [tilespmem:s20+$0x50]  }
0x293: {  	v26 =	vld [tilespmem:s20+$0x70];
	v20 =	vshll.u32 v8, $0x10;
	v21 =	vshll.u32 v11, $0x10;
	v11 =	vand.u32 $0xFFFF0000, v11  }
0x294: {  	s23 =	simm.s32 $0x580;
	v28 =	vld [tilespmem:s20+$0xFFFFFFD0];
	v22 =	vshll.u32 v13, $0x10;
	v24 =	vshll.u32 v15, $0x10;
	v27 =	vshll.u32 v14, $0x10  }
0x295: {  	v30 =	vld [tilespmem:s23+$0x30];
	v15 =	vand.u32 $0xFFFF0000, v15;
	v14 =	vand.u32 $0xFFFF0000, v14;
	v0 =	vmul.f32 v0, v16  }
0x296: {  	v10 =	vand.u32 $0xFFFF0000, v10;
	v16 =	vld [tilespmem:s20+$0x30];
	v6 =	vmul.f32 v19, v6;
	v19 =	vmul.f32 v27, v23  }
0x297: {  	v54 =	vld [tilespmem:s23+$0xFFFFFFD0];
	v12 =	vadd.f32 $0.0e+00, v12;
	v0 =	vadd.f32 $0.0e+00, v0;
	v14 =	vmul.f32 v14, v17  }
0x298: {  	s16 =	simm.s32 $0x2E80;
	v8 =	vand.u32 $0xFFFF0000, v8;
	v9 =	vmul.f32 v24, v9;
	v5 =	vmul.f32 v21, v5;
	v17 =	vld [tilespmem:s20+$0xFFFFFFA0]  }
0x299: {  	v55 =	vld [tilespmem:s16+$0xFFFFFFA0];
	v10 =	vmul.f32 v10, v25;
	v12 =	vadd.f32 v19, v12;
	v0 =	vadd.f32 v14, v0  }
0x29a: {  	v7 =	vmul.f32 v15, v7;
	v8 =	vmul.f32 v8, v26;
	v9 =	vadd.f32 $0.0e+00, v9;
	v14 =	vld [tilespmem:s20+$0xFFFFFFB0]  }
0x29b: {  	v58 =	vld [tilespmem:s16+$0x10];
	v16 =	vmul.f32 v20, v16;
	v6 =	vadd.f32 v6, v12;
	v0 =	vadd.f32 v10, v0  }
0x29c: {  	v21 =	vld [tilespmem:s20+$0xFFFFFFE0];
	v7 =	vadd.f32 $0.0e+00, v7;
	v5 =	vadd.f32 v5, v9;
	v10 =	vmul.f32 v11, v28  }
0x29d: {  	v15 =	vld [tilespmem:s20+$0xFFFFFFF0];
	v6 =	vadd.f32 v16, v6;
	v11 =	vmul.f32 v22, v17;
	v0 =	vadd.f32 v8, v0  }
0x29e: {  	v24 =	vshll.u32 v18, $0x10;
	v26 =	vld [tilespmem:s23+$0xFFFFFFA0];
	v7 =	vadd.f32 v10, v7  }
0x29f: {  	s15 =	simm.s32 $0x2D80;
	v27 =	vld [tilespmem:s23+$0x70];
	v10 =	vmul.f32 v24, v14;
	v5 =	vadd.f32 v11, v5;
	v0 =	vadd.f32 v0, v6  }
0x2a0: {  	v9 =	vld [tilespmem:s15+$0x0]  }
0x2a1: {  	v20 =	vld [tilespmem:s15+$0xFFFFFF80];
	v5 =	vadd.f32 v10, v5;
	v10 =	vperm.xlane v0, v1  }
0x2a2: {  	v13 =	vand.u32 $0xFFFF0000, v13;
	v12 =	vld [tilespmem:s23+$0xFFFFFFB0]  }
0x2a3: {  	v16 =	vld [tilespmem:s15+$0xFFFFFF90];
	v8 =	vmul.f32 v13, v21;
	v0 =	vadd.f32 v0, v10  }
0x2a4: {  	v17 =	vld [tilespmem:s23+$0x0];
	v11 =	vand.u32 $0xFFFF0000, v18  }
0x2a5: {  	v22 =	vld [tilespmem:s15+$0xFFFFFFB0];
	v11 =	vmul.f32 v11, v15;
	v7 =	vadd.f32 v8, v7;
	v15 =	vperm.xlane v0, v2  }
0x2a6: {  	v13 =	vld [tilespmem:s15+$0x30]  }
0x2a7: {  	v6 =	vld [tilespmem:s23+$0xFFFFFF90];
	v7 =	vadd.f32 v11, v7;
	v0 =	vadd.f32 v0, v15  }
0x2a8: {  	v29 =	vshll.u32 v20, $0x10;
	v8 =	vld [tilespmem:s23+$0x20]  }
0x2a9: {  	v20 =	vand.u32 $0xFFFF0000, v20;
	v5 =	vadd.f32 v7, v5;
	v7 =	vld [tilespmem:s23+$0xFFFFFF80];
	v19 =	vperm.xlane v0, v3  }
0x2aa: {  	v21 =	vshll.u32 v9, $0x10;
	v9 =	vand.u32 $0xFFFF0000, v9;
	v24 =	vshll.u32 v16, $0x10;
	v11 =	vld [tilespmem:s23+$0xFFFFFFC0]  }
0x2ab: {  	v16 =	vand.u32 $0xFFFF0000, v16;
	v14 =	vperm.xlane v5, v1;
	v0 =	vadd.f32 v0, v19;
	v19 =	vld [tilespmem:s23+$0x40]  }
0x2ac: {  	v17 =	vmul.f32 v21, v17;
	v23 =	vshll.u32 v13, $0x10;
	v13 =	vand.u32 $0xFFFF0000, v13;
	v10 =	vld [tilespmem:s15+$0x20]  }
0x2ad: {  	v23 =	vmul.f32 v23, v30;
	v13 =	vmul.f32 v13, v27;
	v5 =	vadd.f32 v5, v14;
	v14 =	vld [tilespmem:s15+$0xFFFFFFA0]  }
0x2ae: {  	v17 =	vadd.f32 $0.0e+00, v17;
	v6 =	vmul.f32 v24, v6;
	v15 =	vld [tilespmem:s15+$0x10];
	v7 =	vmul.f32 v29, v7  }
0x2af: {  	v21 =	vld [tilespmem:s23+$0x50];
	v20 =	vmul.f32 v20, v11;
	v29 =	vshll.u32 v22, $0x10;
	v18 =	vperm.xlane v5, v2  }
0x2b0: {  	v12 =	vmul.f32 v29, v12;
	v7 =	vadd.f32 $0.0e+00, v7;
	v9 =	vmul.f32 v9, v19;
	v19 =	vld [tilespmem:s23+$0x10]  }
0x2b1: {  	v60 =	vld [tilespmem:s16+$0xFFFFFFB0];
	v18 =	vadd.f32 v5, v18;
	v5 =	vshll.u32 v10, $0x10;
	v10 =	vand.u32 $0xFFFF0000, v10  }
0x2b2: {  	v25 =	vshll.u32 v14, $0x10;
	v5 =	vmul.f32 v5, v8;
	v8 =	vld [tilespmem:s23+$0x60];
	v31 =	vperm.xlane v0, v4  }
0x2b3: {  	s24 =	simm.s32 $0x680;
	v24 =	vld [tilespmem:s23+$0xFFFFFFE0];
	v14 =	vand.u32 $0xFFFF0000, v14;
	v28 =	vshll.u32 v15, $0x10;
	v15 =	vand.u32 $0xFFFF0000, v15  }
0x2b4: {  	v40 =	vld [tilespmem:s24+$0x40];
	v6 =	vadd.f32 v6, v7;
	v15 =	vmul.f32 v15, v21;
	v0 =	vadd.f32 v0, v31  }
0x2b5: {  	v21 =	vmul.f32 v25, v26;
	v25 =	vld [tilespmem:s23+$0xFFFFFFF0];
	v9 =	vadd.f32 $0.0e+00, v9;
	v28 =	vmul.f32 v28, v19  }
0x2b6: {  	v43 =	vld [tilespmem:s24+$0x50];
	v7 =	vmul.f32 v16, v54;
	v26 =	vadd.f32 $0.0e+00, v20;
	v0 =	vmul.f32 $-1.767766920e-01, v0  }
0x2b7: {  	v44 =	vld [tilespmem:s24+$0xFFFFFFA0];
	v8 =	vmul.f32 v10, v8;
	v15 =	vadd.f32 v15, v9;
	v10 =	vadd.f32 v28, v17  }
0x2b8: {  	v46 =	vld [tilespmem:s24+$0x70];
	v16 =	vand.u32 $0xFFFF0000, v22;
	v14 =	vmul.f32 v14, v24;
	v17 =	vadd.f32 v7, v26  }
0x2b9: {  	v48 =	vld [tilespmem:s24+$0x30];
	v0 =	vmul.f32 $1.442695020e+00, v0;
	v8 =	vadd.f32 v8, v15;
	v5 =	vadd.f32 v5, v10  }
0x2ba: {  	v11 =	vld [tilespmem:s13+$0x70];
	v6 =	vadd.f32 v21, v6;
	v10 =	vmul.f32 v16, v25;
	v14 =	vadd.f32 v14, v17  }
0x2bb: {  	v29 =	vld [tilespmem:s16+$0x20];
	(erf) = vpow2.f32 v0;
	v8 =	vadd.f32 v13, v8;
	v0 =	vadd.f32 v23, v5  }
0x2bc: {  	v6 =	vadd.f32 v12, v6;
	v9 =	vld [tilespmem:s13+$0x40];
	v16 =	vperm.xlane v18, v3;
	v10 =	vadd.f32 v10, v14  }
0x2bd: {  	v19 =	vld [tilespmem:s13+$0xFFFFFFD0];
	v0 =	vadd.f32 v8, v0  }
0x2be: {  	v42 =	vshll.u32 v55, $0x10;
	v15 =	vld [tilespmem:s13+$0x50];
	v8 =	vadd.f32 v18, v16;
	v6 =	vadd.f32 v10, v6  }
0x2bf: {  	v32 =	vand.u32 $0xFFFF0000, v55;
	v51 =	vmul.f32 v42, v44;
	v13 =	vld [tilespmem:s13+$0x60]  }
0x2c0: {  	v45 =	vshll.u32 v58, $0x10;
	v17 =	vld [tilespmem:s16+$0x0];
	v12 =	vperm.xlane v8, v4;
	v21 =	vperm.xlane v6, v1  }
0x2c1: {  	v63 =	vld [tilespmem:s24+$0xFFFFFFD0];
	v24 =	vshll.u32 v11, $0x10;
	v61 =	vshll.u32 v29, $0x10;
	v10 =	vperm.xlane v0, v1  }
0x2c2: {  	v55 =	vld [tilespmem:s13+$0xFFFFFFF0];
	v41 =	vand.u32 $0xFFFF0000, v9;
	v8 =	vadd.f32 v8, v12;
	v21 =	vadd.f32 v6, v21  }
0x2c3: {  	v9 =	vshll.u32 v9, $0x10;
	v44 =	vand.u32 $0xFFFF0000, v19;
	v23 =	vld [tilespmem:s16+$0x30];
	v0 =	vadd.f32 v0, v10  }
0x2c4: {  	v20 =	vld [tilespmem:s15+$0x70];
	v59 =	vand.u32 $0xFFFF0000, v15;
	v57 =	vshll.u32 v13, $0x10;
	v28 =	vperm.xlane v21, v2  }
0x2c5: {  	v7 =	vld [tilespmem:s15+$0xFFFFFFD0];
	v13 =	vand.u32 $0xFFFF0000, v13;
	v31 =	vshll.u32 v17, $0x10;
	v26 =	vperm.xlane v0, v2  }
0x2c6: {  	v5 =	vld [tilespmem:s16+$0x70];
	v17 =	vand.u32 $0xFFFF0000, v17;
	v27 =	vmul.f32 $-1.767766920e-01, v8;
	v8 =	vpop (erf);
	v21 =	vadd.f32 v21, v28  }
0x2c7: {  	v18 =	vld [tilespmem:s24+$0x20];
	v17 =	vmul.f32 v17, v40;
	v0 =	vadd.f32 v0, v26;
	v30 =	vadd.f32 $1.000000000e+00, v8  }
0x2c8: {  	v39 =	vshll.u32 v23, $0x10;
	v10 =	vshll.u32 v19, $0x10;
	v28 =	vld [tilespmem:s24+$0x0];
	v56 =	vperm.xlane v21, v3  }
0x2c9: {  	v12 =	vshll.u32 v20, $0x10;
	v26 =	vld [tilespmem:s16+$0xFFFFFF90];
	(erf) = vrcp.f32 v30;
	v30 =	vperm.xlane v0, v3  }
0x2ca: {  	v16 =	vld [tilespmem:s24+$0xFFFFFF90];
	v6 =	vshll.u32 v7, $0x10;
	v17 =	vadd.f32 $0.0e+00, v17;
	v19 =	vand.u32 $0xFFFF0000, v20  }
0x2cb: {  	v21 =	vadd.f32 v21, v56;
	v0 =	vadd.f32 v0, v30;
	v30 =	vshll.u32 v15, $0x10;
	v15 =	vld [tilespmem:s16+$0xFFFFFF80]  }
0x2cc: {  	v22 =	vld [tilespmem:s24+$0xFFFFFFC0];
	v20 =	vand.u32 $0xFFFF0000, v55;
	v18 =	vmul.f32 v61, v18;
	v27 =	vmul.f32 $1.442695020e+00, v27  }
0x2cd: {  	v25 =	vld [tilespmem:s24+$0xFFFFFF80];
	v8 =	vshll.u32 v5, $0x10;
	v28 =	vmul.f32 v31, v28;
	v31 =	vperm.xlane v21, v4  }
0x2ce: {  	v14 =	vld [tilespmem:s24+$0xFFFFFFB0];
	v62 =	vshll.u32 v26, $0x10;
	v26 =	vand.u32 $0xFFFF0000, v26;
	v49 =	vperm.xlane v0, v4  }
0x2cf: {  	s11 =	simm.s32 $0x2F80;
	v50 =	vld [tilespmem:s24+$0x60];
	v16 =	vmul.f32 v62, v16;
	v26 =	vmul.f32 v26, v63;
	v21 =	vadd.f32 v21, v31  }
0x2d0: {  	v63 =	vld [tilespmem:s11+$0xFFFFFFA0];
	v28 =	vadd.f32 $0.0e+00, v28;
	v0 =	vadd.f32 v0, v49;
	v31 =	vshll.u32 v15, $0x10  }
0x2d1: {  	v49 =	vld [tilespmem:s24+$0x10];
	v47 =	vand.u32 $0xFFFF0000, v15;
	v15 =	vmul.f32 $-1.767766920e-01, v21;
	v21 =	vshll.u32 v60, $0x10  }
0x2d2: {  	v52 =	vld [tilespmem:s24+$0xFFFFFFE0];
	v25 =	vmul.f32 v31, v25;
	v31 =	vand.u32 $0xFFFF0000, v58;
	v22 =	vmul.f32 v47, v22  }
0x2d3: {  	v54 =	vld [tilespmem:s13+$0xFFFFFFE0];
	v53 =	vmul.f32 v21, v14;
	v14 =	vand.u32 $0xFFFF0000, v29;
	v21 =	vand.u32 $0xFFFF0000, v23  }
0x2d4: {  	v23 =	vmul.f32 v39, v48;
	v0 =	vmul.f32 $-1.767766920e-01, v0;
	v25 =	vadd.f32 $0.0e+00, v25  }
0x2d5: {  	v33 =	vand.u32 $0xFFFF0000, v63;
	v31 =	vmul.f32 v31, v43;
	v21 =	vmul.f32 v21, v46  }
0x2d6: {  	v29 =	vld [tilespmem:s24+$0xFFFFFFF0];
	v14 =	vmul.f32 v14, v50;
	v16 =	vadd.f32 v16, v25;
	v25 =	vmul.f32 v45, v49  }
0x2d7: {  	s20 =	simm.s32 $0x780;
	v22 =	vadd.f32 $0.0e+00, v22;
	v0 =	vmul.f32 $1.442695020e+00, v0;
	v17 =	vadd.f32 v31, v17  }
0x2d8: {  	v36 =	vld [tilespmem:s20+$0xFFFFFFB0];
	v46 =	vshll.u32 v54, $0x10;
	v31 =	vmul.f32 v32, v52;
	v25 =	vadd.f32 v25, v28  }
0x2d9: {  	v38 =	vld [tilespmem:s20+$0xFFFFFF90];
	(erf) = vpow2.f32 v0;
	v14 =	vadd.f32 v14, v17;
	v17 =	vadd.f32 v26, v22  }
0x2da: {  	v40 =	vld [tilespmem:s11+$0x30];
	v45 =	vshll.u32 v55, $0x10;
	v28 =	vand.u32 $0xFFFF0000, v60;
	v18 =	vadd.f32 v18, v25  }
0x2db: {  	v61 =	vld [tilespmem:s20+$0x0];
	v16 =	vadd.f32 v51, v16;
	v22 =	vmul.f32 v28, v29;
	v17 =	vadd.f32 v31, v17  }
0x2dc: {  	v43 =	vld [tilespmem:s20+$0xFFFFFF80];
	v0 =	vpop (erf);
	(erf) = vpow2.f32 v27;
	v25 =	vadd.f32 v21, v14;
	v18 =	vadd.f32 v23, v18  }
0x2dd: {  	v26 =	vld [tilespmem:s13+$0xFFFFFFC0];
	v28 =	vmul.f32 v9, v0;
	v17 =	vadd.f32 v22, v17;
	v23 =	vadd.f32 v53, v16  }
0x2de: {  	v60 =	vld [tilespmem:s11+$0xFFFFFF90];
	v29 =	vmul.f32 v41, v0;
	v31 =	vmul.f32 v57, v0;
	v18 =	vadd.f32 v25, v18  }
0x2df: {  	v9 =	vld [tilespmem:s11+$0x70];
	v34 =	vmul.f32 v13, v0;
	v35 =	vmul.f32 v24, v0;
	v17 =	vadd.f32 v17, v23  }
0x2e0: {  	v55 =	vld [tilespmem:s20+$0x40];
	v13 =	vand.u32 $0xFFFF0000, v11;
	v22 =	vmul.f32 v59, v0;
	v24 =	vperm.xlane v18, v1  }
0x2e1: {  	v41 =	vand.u32 $0xFFFF0000, v54;
	v16 =	vmul.f32 v30, v0;
	v30 =	vld [tilespmem:s11+$0x0];
	v56 =	vperm.xlane v17, v1  }
0x2e2: {  	v0 =	vmul.f32 v13, v0;
	v53 =	vshll.u32 v40, $0x10;
	v25 =	vld [tilespmem:s15+$0x50];
	v24 =	vadd.f32 v18, v24  }
0x2e3: {  	v54 =	vshll.u32 v60, $0x10;
	v42 =	vand.u32 $0xFFFF0000, v60;
	v23 =	vld [tilespmem:s15+$0x60];
	v37 =	vadd.f32 v17, v56  }
0x2e4: {  	v27 =	vld [tilespmem:s20+$0x20];
	v13 =	vshll.u32 v9, $0x10;
	v17 =	vpop (erf);
	v18 =	vshll.u32 v26, $0x10;
	v57 =	vperm.xlane v24, v2  }
0x2e5: {  	v58 =	vadd.f32 $1.000000000e+00, v17;
	v17 =	vand.u32 $0xFFFF0000, v26;
	v26 =	vld [tilespmem:s11+$0x20];
	v59 =	vperm.xlane v37, v2  }
0x2e6: {  	v21 =	vld [tilespmem:s15+$0x40];
	v39 =	vshll.u32 v30, $0x10;
	v30 =	vand.u32 $0xFFFF0000, v30;
	v24 =	vadd.f32 v24, v57  }
0x2e7: {  	v14 =	vld [tilespmem:s16+$0xFFFFFFD0];
	[tilespmem:s13+$0x0] =	vst v28;
	v28 =	vmul.f32 v54, v38;
	v30 =	vmul.f32 v30, v55;
	v37 =	vadd.f32 v37, v59  }
0x2e8: {  	v38 =	vld [tilespmem:s20+$0xFFFFFFE0];
	v49 =	vshll.u32 v23, $0x10;
	v47 =	vshll.u32 v25, $0x10;
	v62 =	vperm.xlane v24, v3  }
0x2e9: {  	v51 =	vand.u32 $0xFFFF0000, v25;
	v25 =	vld [tilespmem:s11+$0x10];
	(erf) = vrcp.f32 v58;
	v58 =	vperm.xlane v37, v3  }
0x2ea: {  	v50 =	vand.u32 $0xFFFF0000, v23;
	v52 =	vshll.u32 v26, $0x10;
	v59 =	vpop (erf);
	v23 =	vadd.f32 v24, v62;
	v24 =	vld [tilespmem:s11+$0xFFFFFF80]  }
0x2eb: {  	v48 =	vadd.f32 $1.000000000e+00, v59;
	v52 =	vmul.f32 v52, v27;
	v27 =	vld [tilespmem:s20+$0x60];
	v37 =	vadd.f32 v37, v58  }
0x2ec: {  	v11 =	vshll.u32 v14, $0x10;
	v32 =	vmul.f32 v39, v61;
	v54 =	vadd.f32 $0.0e+00, v30;
	v57 =	vld [tilespmem:s20+$0x50]  }
0x2ed: {  	v30 =	vand.u32 $0xFFFF0000, v40;
	v58 =	vld [tilespmem:s11+$0xFFFFFFB0];
	(erf) = vrcp.f32 v48;
	v60 =	vperm.xlane v37, v4  }
0x2ee: {  	v61 =	vld [tilespmem:s20+$0xFFFFFFC0];
	v26 =	vand.u32 $0xFFFF0000, v26;
	v59 =	vshll.u32 v63, $0x10;
	v62 =	vadd.f32 $0.0e+00, v32  }
0x2ef: {  	v48 =	vld [tilespmem:s20+$0xFFFFFFA0];
	v37 =	vadd.f32 v37, v60;
	v60 =	vperm.xlane v23, v4;
	v39 =	vshll.u32 v24, $0x10  }
0x2f0: {  	v26 =	vmul.f32 v26, v27;
	v32 =	vmul.f32 v39, v43;
	v39 =	vshll.u32 v25, $0x10;
	v43 =	vld [tilespmem:s20+$0x30]  }
0x2f1: {  	v55 =	vld [tilespmem:s20+$0x70];
	v25 =	vand.u32 $0xFFFF0000, v25;
	v23 =	vadd.f32 v23, v60;
	v60 =	vand.u32 $0xFFFF0000, v24  }
0x2f2: {  	v24 =	vmul.f32 $-1.767766920e-01, v37;
	v37 =	vmul.f32 v25, v57;
	v25 =	vshll.u32 v58, $0x10  }
0x2f3: {  	[tilespmem:s13+$0x40] =	vst v29;
	v29 =	vmul.f32 v60, v61;
	v61 =	vld [tilespmem:s20+$0x10];
	v32 =	vadd.f32 $0.0e+00, v32;
	v23 =	vmul.f32 $-1.767766920e-01, v23  }
0x2f4: {  	[tilespmem:s13+$0x20] =	vst v31;
	v31 =	vld [tilespmem:s20+$0xFFFFFFF0];
	v56 =	vand.u32 $0xFFFF0000, v21;
	v48 =	vmul.f32 v59, v48;
	v36 =	vmul.f32 v25, v36  }
0x2f5: {  	[tilespmem:s13+$0x60] =	vst v34;
	v63 =	vld [tilespmem:s20+$0xFFFFFFD0];
	v25 =	vpop (erf);
	v28 =	vadd.f32 v28, v32;
	v23 =	vmul.f32 $1.442695020e+00, v23;
	v40 =	vmul.f32 v53, v43  }
0x2f6: {  	[tilespmem:s13+$0x30] =	vst v35;
	v54 =	vadd.f32 v37, v54;
	v53 =	vmul.f32 v30, v55;
	v30 =	vpop (erf);
	v55 =	vmul.f32 v33, v38  }
0x2f7: {  	[tilespmem:s13+$0x70] =	vst v0;
	v20 =	vmul.f32 v20, v30;
	v0 =	vadd.f32 v48, v28;
	v27 =	vmul.f32 v44, v30  }
0x2f8: {  	[tilespmem:s13+$0x50] =	vst v22;
	v28 =	vand.u32 $0xFFFF0000, v58;
	v59 =	vmul.f32 v39, v61;
	v61 =	vmul.f32 v41, v30  }
0x2f9: {  	v60 =	vadd.f32 v26, v54;
	v26 =	vld [tilespmem:s15+$0xFFFFFFE0];
	(erf) = vpow2.f32 v23;
	v32 =	vmul.f32 v28, v31;
	[tilespmem:s13+$0xFFFFFFF0] =	vst v20  }
0x2fa: {  	v29 =	vadd.f32 $0.0e+00, v29;
	v23 =	vld [tilespmem:s16+$0x50];
	v31 =	vmul.f32 v42, v63;
	v63 =	vmul.f32 v56, v25;
	[tilespmem:s13+$0xFFFFFFD0] =	vst v27  }
0x2fb: {  	v28 =	vld [tilespmem:s15+$0xFFFFFFF0];
	v20 =	vshll.u32 v21, $0x10;
	v21 =	vmul.f32 v46, v30;
	v22 =	vadd.f32 v59, v62;
	[tilespmem:s13+$0xFFFFFFE0] =	vst v61  }
0x2fc: {  	v35 =	vmul.f32 v50, v25;
	v27 =	vld [tilespmem:s15+$0xFFFFFFC0];
	v62 =	vmul.f32 v45, v30;
	v29 =	vadd.f32 v31, v29;
	[tilespmem:s15+$0x40] =	vst v63  }
0x2fd: {  	v34 =	vadd.f32 v36, v0;
	v31 =	vmul.f32 v20, v25;
	v20 =	vld [tilespmem:s11+$0xFFFFFFD0];
	[tilespmem:s13+$0xFFFFFFA0] =	vst v21;
	v0 =	vadd.f32 v52, v22  }
0x2fe: {  	v33 =	vadd.f32 v53, v60;
	v36 =	vmul.f32 v49, v25;
	v21 =	vld [tilespmem:s16+$0x40];
	[tilespmem:s13+$0xFFFFFFB0] =	vst v62;
	v37 =	vadd.f32 v55, v29  }
0x2ff: {  	s23 =	simm.s32 $0x6;
	s24 =	simm.s32 $0x3080;
	v22 =	vmul.f32 v51, v25;
	[tilespmem:s15+$0x0] =	vst v31;
	v31 =	vmul.f32 v47, v25;
	v29 =	vld [tilespmem:s16+$0x60];
	v38 =	vadd.f32 v40, v0  }
.LBB2_11:
0x300: {  	v0 =	vld [tilespmem:s24+$0x0];
	s23 =	sadd.s32 $0x2, s23;
	v32 =	vadd.f32 v32, v37;
	s20 =	sadd.s32 $0x100, s20;
	v18 =	vmul.f32 v18, v30;
	v17 =	vmul.f32 v17, v30;
	[tilespmem:s13+$0x10] =	vst v16  }
0x301: {  	v37 =	vld [tilespmem:s24+$0x70];
	p1 =	slt.u32 s23, $0x4E;
	v33 =	vadd.f32 v33, v38;
	[tilespmem:s15+$0x20] =	vst v36;
	v36 =	vmul.f32 v12, v25;
	v38 =	vmul.f32 v10, v30  }
0x302: {  	v19 =	vmul.f32 v19, v25;
	v10 =	vmovc v6;
	v30 =	vld [tilespmem:s20+$0xFFFFFFB0];
	v32 =	vadd.f32 v32, v34;
	v41 =	vshll.u32 v20, $0x10;
	[tilespmem:s15+$0x60] =	vst v35  }
0x303: {  	v6 =	vmovc v11;
	v12 =	vmovc v8;
	v35 =	vmul.f32 $1.442695020e+00, v15;
	v34 =	vld [tilespmem:s20+$0xFFFFFF90];
	v25 =	vperm.xlane v33, v1;
	[tilespmem:s13+$0xFFFFFFC0] =	vst v17;
	v11 =	vmov v41  }
0x304: {  	v16 =	vmovc v31;
	v8 =	vmov v13;
	v15 =	vmov v24;
	v39 =	vld [tilespmem:s20+$0x20];
	v40 =	vperm.xlane v32, v1;
	[tilespmem:s13+$0xFFFFFF80] =	vst v18  }
0x305: {  	v31 =	vld [tilespmem:s20+$0xFFFFFFC0];
	v24 =	vshll.u32 v0, $0x10;
	v25 =	vadd.f32 v33, v25;
	(erf) = vpow2.f32 v35;
	[tilespmem:s13+$0xFFFFFF90] =	vst v38;
	s13 =	smov.u32 s15;
	s15 =	smov.u32 s16;
	s16 =	smov.u32 s11  }
0x306: {  	v0 =	vand.u32 $0xFFFF0000, v0;
	s11 =	smov.u32 s24;
	v33 =	vld [tilespmem:s24+$0x30];
	v13 =	vshll.u32 v37, $0x10;
	v32 =	vadd.f32 v32, v40;
	v17 =	vpop (erf);
	[tilespmem:s13+$0x30] =	vst v36  }
0x307: {  	v35 =	vld [tilespmem:s20+$0xFFFFFF80];
	v36 =	vperm.xlane v25, v2;
	v38 =	vadd.f32 $1.000000000e+00, v17;
	v17 =	vand.u32 $0xFFFF0000, v27;
	[tilespmem:s13+$0x70] =	vst v19  }
0x308: {  	v41 =	vshll.u32 v28, $0x10;
	v18 =	vshll.u32 v27, $0x10;
	v40 =	vld [tilespmem:s24+$0xFFFFFFB0];
	v19 =	vperm.xlane v32, v2  }
0x309: {  	v27 =	vld [tilespmem:s24+$0x20];
	v25 =	vadd.f32 v25, v36;
	(erf) = vrcp.f32 v38;
	v36 =	vand.u32 $0xFFFF0000, v26  }
0x30a: {  	v42 =	vand.u32 $0xFFFF0000, v7;
	v43 =	vshll.u32 v26, $0x10;
	v7 =	vmovc v14;
	v14 =	vmovc v20;
	v38 =	vld [tilespmem:s24+$0xFFFFFF90];
	v32 =	vadd.f32 v32, v19  }
0x30b: {  	v28 =	vand.u32 $0xFFFF0000, v28;
	v19 =	vand.u32 $0xFFFF0000, v5;
	v5 =	vmovc v9;
	v9 =	vmovc v37;
	v20 =	vld [tilespmem:s20+$0x0];
	v26 =	vperm.xlane v25, v3  }
0x30c: {  	v45 =	vshll.u32 v29, $0x10;
	v46 =	vand.u32 $0xFFFF0000, v29;
	v37 =	vld [tilespmem:s24+$0xFFFFFFA0];
	v44 =	vperm.xlane v32, v3  }
0x30d: {  	v47 =	vshll.u32 v23, $0x10;
	v48 =	vand.u32 $0xFFFF0000, v23;
	v29 =	vld [tilespmem:s24+$0x10];
	v26 =	vadd.f32 v25, v26  }
0x30e: {  	v50 =	vshll.u32 v33, $0x10;
	v23 =	vld [tilespmem:s24+$0xFFFFFF80];
	v49 =	vshll.u32 v27, $0x10;
	v25 =	vadd.f32 v32, v44;
	v32 =	vpop (erf)  }
0x30f: {  	v44 =	vshll.u32 v38, $0x10;
	v38 =	vand.u32 $0xFFFF0000, v38;
	v51 =	vld [tilespmem:s20+$0x40];
	v32 =	vadd.f32 $1.000000000e+00, v32  }
0x310: {  	v53 =	vand.u32 $0xFFFF0000, v21;
	v20 =	vmul.f32 v24, v20;
	v52 =	vld [tilespmem:s20+$0x70];
	v24 =	vperm.xlane v25, v4  }
0x311: {  	v54 =	vshll.u32 v37, $0x10;
	v37 =	vand.u32 $0xFFFF0000, v37;
	v55 =	vld [tilespmem:s20+$0x50];
	(erf) = vrcp.f32 v32  }
0x312: {  	v32 =	vld [tilespmem:s20+$0xFFFFFFA0];
	v20 =	vadd.f32 $0.0e+00, v20;
	v56 =	vshll.u32 v29, $0x10;
	v24 =	vadd.f32 v25, v24;
	v25 =	vpop (erf)  }
0x313: {  	v59 =	vperm.xlane v26, v4;
	v57 =	vshll.u32 v23, $0x10;
	v23 =	vand.u32 $0xFFFF0000, v23;
	v58 =	vld [tilespmem:s20+$0x30]  }
0x314: {  	v29 =	vand.u32 $0xFFFF0000, v29;
	v35 =	vmul.f32 v57, v35;
	v57 =	vld [tilespmem:s20+$0xFFFFFFD0];
	v24 =	vmul.f32 $-1.767766920e-01, v24  }
0x315: {  	v60 =	vshll.u32 v40, $0x10;
	v26 =	vadd.f32 v26, v59;
	v0 =	vmul.f32 v0, v51  }
0x316: {  	v39 =	vmul.f32 v49, v39;
	v35 =	vadd.f32 $0.0e+00, v35;
	v29 =	vmul.f32 v29, v55;
	v51 =	vld [tilespmem:s20+$0x60]  }
0x317: {  	v34 =	vmul.f32 v44, v34;
	v0 =	vadd.f32 $0.0e+00, v0;
	v44 =	vld [tilespmem:s20+$0xFFFFFFE0];
	v32 =	vmul.f32 v54, v32  }
0x318: {  	v27 =	vand.u32 $0xFFFF0000, v27;
	v23 =	vmul.f32 v23, v31;
	v31 =	vmul.f32 v60, v30;
	v49 =	vld [tilespmem:s20+$0x10]  }
0x319: {  	v59 =	vand.u32 $0xFFFF0000, v33;
	v55 =	vmul.f32 $-1.767766920e-01, v26;
	v50 =	vmul.f32 v50, v58;
	v54 =	vld [tilespmem:s20+$0xFFFFFFF0]  }
0x31a: {  	v33 =	vmul.f32 v59, v52;
	v23 =	vadd.f32 $0.0e+00, v23;
	v26 =	vadd.f32 v34, v35;
	v30 =	vpop (erf)  }
0x31b: {  	v0 =	vadd.f32 v29, v0;
	v27 =	vmul.f32 v27, v51;
	v28 =	vmul.f32 v28, v30  }
0x31c: {  	v29 =	vadd.f32 v32, v26;
	v34 =	vmul.f32 v42, v30;
	v35 =	vmul.f32 v37, v44  }
0x31d: {  	v26 =	vand.u32 $0xFFFF0000, v40;
	v37 =	vmul.f32 v56, v49;
	v0 =	vadd.f32 v27, v0;
	[tilespmem:s13+$0xFFFFFFF0] =	vst v28  }
0x31e: {  	v40 =	vshll.u32 v21, $0x10;
	v21 =	vmul.f32 v43, v30;
	v32 =	vmul.f32 v26, v54;
	v26 =	vld [tilespmem:s15+$0xFFFFFFE0];
	[tilespmem:s13+$0xFFFFFFD0] =	vst v34  }
0x31f: {  	v34 =	vmul.f32 v38, v57;
	v33 =	vadd.f32 v33, v0;
	v28 =	vld [tilespmem:s15+$0xFFFFFFF0];
	v0 =	vmul.f32 v36, v30;
	[tilespmem:s13+$0x50] =	vst v22  }
.Ltmp6:
0x320: {  	v22 =	vadd.f32 v37, v20;
	v36 =	vmul.f32 $1.442695020e+00, v55;
	v37 =	vmul.f32 v41, v30;
	v27 =	vld [tilespmem:s15+$0xFFFFFFC0];
	[tilespmem:s13+$0xFFFFFFA0] =	vst v21;
	(pc) =	sbr.rel @p1 .LBB2_11-.Ltmp6, $4  }
0x321: {  	v38 =	vmul.f32 v40, v25;
	v40 =	vmul.f32 v53, v25;
	v23 =	vadd.f32 v34, v23;
	v21 =	vld [tilespmem:s16+$0x40];
	[tilespmem:s13+$0xFFFFFFE0] =	vst v0  }
0x322: {  	v34 =	vadd.f32 v31, v29;
	v0 =	vadd.f32 v39, v22;
	v20 =	vld [tilespmem:s24+$0xFFFFFFD0];
	(erf) = vpow2.f32 v36;
	[tilespmem:s13+$0xFFFFFFB0] =	vst v37  }
0x323: {  	v31 =	vmul.f32 v47, v25;
	v22 =	vmul.f32 v48, v25;
	v37 =	vadd.f32 v35, v23;
	v23 =	vld [tilespmem:s16+$0x50];
	[tilespmem:s15+$0x0] =	vst v38  }
0x324: {  	s24 =	sadd.s32 $0x100, s24;
	v36 =	vmul.f32 v45, v25;
	v35 =	vmul.f32 v46, v25;
	v38 =	vadd.f32 v50, v0;
	v29 =	vld [tilespmem:s16+$0x60];
	[tilespmem:s15+$0x40] =	vst v40  }
0x325: {  	_ = 	snop  }
0x326: {  	v0 =	vadd.f32 v33, v38;
	_ =	sdelay $0x1  }
0x327: {  	v33 =	vperm.xlane v0, v1;
	_ =	sdelay $0x1  }
0x328: {  	v0 =	vadd.f32 v0, v33  }
0x329: {  	v15 =	vmul.f32 $1.442695020e+00, v15  }
0x32a: {  	v33 =	vperm.xlane v0, v2  }
0x32b: {  	(erf) = vpow2.f32 v15  }
0x32c: {  	v0 =	vadd.f32 v0, v33;
	_ =	sdelay $0x1  }
0x32d: {  	v15 =	vperm.xlane v0, v3;
	_ =	sdelay $0x1  }
0x32e: {  	v0 =	vadd.f32 v0, v15;
	v15 =	vadd.f32 v32, v37;
	_ =	sdelay $0x1  }
0x32f: {  	v50 =	vperm.xlane v0, v4;
	v15 =	vadd.f32 v15, v34  }
0x330: {  	v51 =	vpop (erf)  }
0x331: {  	v33 =	vadd.f32 $1.000000000e+00, v51;
	v52 =	vpop (erf);
	v0 =	vadd.f32 v0, v50;
	v53 =	vperm.xlane v15, v1  }
0x332: {  	v34 =	vadd.f32 $1.000000000e+00, v52  }
0x333: {  	(erf) = vrcp.f32 v33;
	v0 =	vmul.f32 $-1.767766920e-01, v0;
	v15 =	vadd.f32 v15, v53  }
0x334: {  	(erf) = vrcp.f32 v34  }
0x335: {  	v0 =	vmul.f32 $1.442695020e+00, v0;
	v32 =	vperm.xlane v15, v2;
	_ =	sdelay $0x1  }
0x336: {  	(erf) = vpow2.f32 v0;
	v0 =	vadd.f32 v15, v32  }
0x337: {  	v24 =	vmul.f32 $1.442695020e+00, v24;
	v15 =	vmul.f32 v17, v30  }
0x338: {  	v17 =	vperm.xlane v0, v3  }
0x339: {  	(erf) = vpow2.f32 v24  }
0x33a: {  	[tilespmem:s13+$0x10] =	vst v16;
	v10 =	vmul.f32 v10, v30  }
0x33b: {  	[tilespmem:s13+$0xFFFFFFC0] =	vst v15;
	v15 =	vpop (erf)  }
0x33c: {  	[tilespmem:s13+$0xFFFFFF90] =	vst v10;
	v10 =	vand.u32 $0xFFFF0000, v28;
	v0 =	vadd.f32 v0, v17;
	v17 =	vpop (erf)  }
0x33d: {  	v16 =	vmul.f32 v18, v30;
	[tilespmem:s15+$0x50] =	vst v22;
	v10 =	vmul.f32 v10, v17  }
0x33e: {  	v12 =	vmul.f32 v12, v25;
	[tilespmem:s15+$0x10] =	vst v31  }
0x33f: {  	v7 =	vand.u32 $0xFFFF0000, v7;
	v18 =	vshll.u32 v26, $0x10;
	[tilespmem:s13+$0xFFFFFF80] =	vst v16  }
0x340: {  	[tilespmem:s15+$0x30] =	vst v12;
	v7 =	vmul.f32 v7, v17  }
0x341: {  	v16 =	vmul.f32 v19, v25;
	[tilespmem:s15+$0xFFFFFFF0] =	vst v10;
	v10 =	vpop (erf)  }
0x342: {  	v12 =	vperm.xlane v0, v4;
	[tilespmem:s15+$0xFFFFFFD0] =	vst v7;
	v7 =	vmul.f32 v18, v17;
	v10 =	vadd.f32 $1.000000000e+00, v10;
	v18 =	vpop (erf)  }
0x343: {  	[tilespmem:s15+$0x70] =	vst v16;
	v16 =	vshll.u32 v28, $0x10;
	v18 =	vadd.f32 $1.000000000e+00, v18  }
0x344: {  	[tilespmem:s15+$0x20] =	vst v36;
	v8 =	vmul.f32 v8, v15;
	v0 =	vadd.f32 v0, v12;
	(erf) = vrcp.f32 v10  }
0x345: {  	[tilespmem:s15+$0xFFFFFFA0] =	vst v7;
	v7 =	vmul.f32 v16, v17;
	v10 =	vand.u32 $0xFFFF0000, v21;
	(erf) = vrcp.f32 v18  }
0x346: {  	v19 =	vshll.u32 v21, $0x10;
	[tilespmem:s16+$0x30] =	vst v8;
	v0 =	vmul.f32 $-1.767766920e-01, v0;
	v10 =	vmul.f32 v10, v15  }
0x347: {  	v6 =	vmul.f32 v6, v17;
	v16 =	vmul.f32 v19, v15;
	[tilespmem:s15+$0xFFFFFFB0] =	vst v7  }
0x348: {  	v0 =	vmul.f32 $1.442695020e+00, v0;
	v7 =	vshll.u32 v29, $0x10;
	[tilespmem:s16+$0x40] =	vst v10;
	v10 =	vand.u32 $0xFFFF0000, v27  }
0x349: {  	v12 =	vand.u32 $0xFFFF0000, v26;
	[tilespmem:s16+$0x0] =	vst v16;
	v16 =	vld [tilespmem:s16+$0xFFFFFFF0];
	v7 =	vmul.f32 v7, v15;
	v10 =	vmul.f32 v10, v17  }
0x34a: {  	v12 =	vmul.f32 v12, v17;
	[tilespmem:s15+$0xFFFFFF90] =	vst v6;
	(erf) = vpow2.f32 v0  }
0x34b: {  	v0 =	vshll.u32 v27, $0x10;
	[tilespmem:s16+$0x20] =	vst v7;
	v7 =	vld [tilespmem:s16+$0xFFFFFFE0]  }
0x34c: {  	[tilespmem:s15+$0xFFFFFFE0] =	vst v12;
	v12 =	vand.u32 $0xFFFF0000, v29;
	v0 =	vmul.f32 v0, v17  }
0x34d: {  	v5 =	vand.u32 $0xFFFF0000, v5;
	v12 =	vmul.f32 v12, v15;
	[tilespmem:s15+$0xFFFFFFC0] =	vst v10;
	v10 =	vpop (erf)  }
0x34e: {  	[tilespmem:s15+$0xFFFFFF80] =	vst v0;
	v0 =	vmul.f32 v5, v15;
	v5 =	vand.u32 $0xFFFF0000, v16;
	v6 =	vpop (erf)  }
0x34f: {  	v8 =	vand.u32 $0xFFFF0000, v14;
	v14 =	vand.u32 $0xFFFF0000, v23;
	[tilespmem:s16+$0x60] =	vst v12;
	v5 =	vmul.f32 v5, v6  }
0x350: {  	v12 =	vld [tilespmem:s11+$0x40];
	[tilespmem:s16+$0x70] =	vst v0;
	v0 =	vmul.f32 v8, v6;
	v8 =	vmul.f32 v14, v15;
	v14 =	vshll.u32 v7, $0x10  }
0x351: {  	[tilespmem:s15+$0x60] =	vst v35  }
0x352: {  	[tilespmem:s16+$0xFFFFFFF0] =	vst v5  }
0x353: {  	v7 =	vand.u32 $0xFFFF0000, v7;
	v5 =	vld [tilespmem:s11+$0x60];
	[tilespmem:s16+$0xFFFFFFD0] =	vst v0;
	v0 =	vmul.f32 v14, v6;
	v14 =	vpop (erf)  }
0x354: {  	v16 =	vshll.u32 v16, $0x10;
	v7 =	vmul.f32 v7, v6;
	[tilespmem:s16+$0x50] =	vst v8;
	v8 =	vadd.f32 $1.000000000e+00, v14  }
0x355: {  	v17 =	vld [tilespmem:s16+$0xFFFFFFC0];
	v14 =	vshll.u32 v12, $0x10;
	[tilespmem:s16+$0xFFFFFFA0] =	vst v0;
	v0 =	vmul.f32 v16, v6  }
0x356: {  	[tilespmem:s16+$0xFFFFFFE0] =	vst v7;
	v12 =	vand.u32 $0xFFFF0000, v12;
	v14 =	vmul.f32 v14, v10;
	(erf) = vrcp.f32 v8  }
0x357: {  	v7 =	vshll.u32 v23, $0x10;
	v12 =	vmul.f32 v12, v10;
	[tilespmem:s16+$0xFFFFFFB0] =	vst v0  }
0x358: {  	v0 =	vmul.f32 v7, v15;
	v7 =	vshll.u32 v5, $0x10;
	[tilespmem:s11+$0x0] =	vst v14  }
0x359: {  	v5 =	vand.u32 $0xFFFF0000, v5;
	[tilespmem:s11+$0x40] =	vst v12;
	v7 =	vmul.f32 v7, v10  }
0x35a: {  	v12 =	vand.u32 $0xFFFF0000, v17;
	v14 =	vld [tilespmem:s11+$0xFFFFFFF0];
	v5 =	vmul.f32 v5, v10;
	[tilespmem:s16+$0x10] =	vst v0  }
0x35b: {  	v0 =	vshll.u32 v17, $0x10;
	v12 =	vmul.f32 v12, v6;
	[tilespmem:s11+$0x20] =	vst v7  }
0x35c: {  	v8 =	vld [tilespmem:s11+$0x50];
	v0 =	vmul.f32 v0, v6;
	[tilespmem:s11+$0x60] =	vst v5;
	v7 =	vand.u32 $0xFFFF0000, v9  }
0x35d: {  	v6 =	vmul.f32 v11, v6;
	v5 =	vld [tilespmem:s11+$0xFFFFFFE0];
	[tilespmem:s16+$0xFFFFFFC0] =	vst v12  }
0x35e: {  	v9 =	vmul.f32 v13, v10;
	[tilespmem:s16+$0xFFFFFF80] =	vst v0  }
0x35f: {  	v0 =	vmul.f32 v7, v10;
	[tilespmem:s16+$0xFFFFFF90] =	vst v6;
	v6 =	vand.u32 $0xFFFF0000, v14;
	v7 =	vpop (erf)  }
0x360: {  	[tilespmem:s11+$0x30] =	vst v9;
	v9 =	vand.u32 $0xFFFF0000, v20;
	v6 =	vmul.f32 v6, v7  }
0x361: {  	v12 =	vld [tilespmem:s11+$0xFFFFFFC0];
	v11 =	vand.u32 $0xFFFF0000, v8;
	[tilespmem:s11+$0x70] =	vst v0;
	v0 =	vmul.f32 v9, v7  }
0x362: {  	v9 =	vmul.f32 v11, v10;
	v11 =	vshll.u32 v5, $0x10;
	[tilespmem:s11+$0xFFFFFFF0] =	vst v6  }
0x363: {  	v5 =	vand.u32 $0xFFFF0000, v5;
	[tilespmem:s11+$0xFFFFFFD0] =	vst v0;
	v0 =	vmul.f32 v11, v7  }
0x364: {  	v5 =	vmul.f32 v5, v7;
	v6 =	vshll.u32 v14, $0x10;
	[tilespmem:s11+$0x50] =	vst v9  }
0x365: {  	v8 =	vshll.u32 v8, $0x10;
	[tilespmem:s11+$0xFFFFFFA0] =	vst v0;
	v0 =	vmul.f32 v6, v7  }
0x366: {  	[tilespmem:s11+$0xFFFFFFE0] =	vst v5;
	v5 =	vshll.u32 v12, $0x10;
	v6 =	vmul.f32 v8, v10  }
0x367: {  	v8 =	vand.u32 $0xFFFF0000, v12;
	v5 =	vmul.f32 v5, v7;
	[tilespmem:s11+$0xFFFFFFB0] =	vst v0  }
0x368: {  	v0 =	vmul.f32 v8, v7;
	v8 =	vshll.u32 v20, $0x10;
	[tilespmem:s11+$0x10] =	vst v6  }
0x369: {  	[tilespmem:s11+$0xFFFFFF80] =	vst v5;
	v6 =	vmul.f32 v8, v7  }
0x36a: {  	[tilespmem:s11+$0xFFFFFFC0] =	vst v0  }
0x36b: {  	s24 =	simm.s32 $0x280;
	[tilespmem:s11+$0xFFFFFF90] =	vst v6  }
0x36c: {  	[spmem:s3] =	stream.indirect.scatter.add.f32 [tilespmem:s29], [sflag:$0x3], $0x80, s24, s25, $0xb8;
	[tilespmem:$0x1E080] =	vst v63  }
0x36d: {  	_ =	swait.ge [sflag:s9], $0x2800  }
0x36e: {  	[sflag:s9] =	ssyncset.done $0x0  }
0x36f: {  	[sflag:s9] =	ssyncadd.s32 $0xFFFFD800  }
0x370: {  	_ =	swait.ge [sflag:s21], $0x100  }
0x371: {  	s13 =	smin.u32 s12, $0x76;
	[sflag:s21] =	ssyncset.done $0x0;
	s15 =	rddreg [dreg:$0xc]  }
0x372: {  	[sflag:s21] =	ssyncadd.s32 $0xFFFFFF00;
	s11 =	sadd.s32 s13, s15  }
0x373: {  	[tilespmem:s28], [sflag:$0x1] =	stream.indirect.gather [hbm4b:s1+s25], $0x80, s26, s25, $0xb8;
	[tilespmem:$0x1E080] =	vst v63  }
0x374: {  	s11 =	sshll.u32 s11, $0x5  }
0x375: {  	[tilespmem:s29], [sflag:$0x1] =	stream.indirect.gather [hbm4b:s5+s25], $0x80, s4, s25, $0xb8;
	[tilespmem:$0x1E080] =	vst v63  }
0x376: {  	s16 =	simm.s32 $0x200;
	s11 =	sadd.s32 s6, s11  }
0x377: {  	[tilespmem:s16], [sflag:$0x7] =	stream.linear.gather [hbm4b:s11+s4], $0x100, $0x38;
	[tilespmem:$0x1E080] =	vst v63  }
0x378: {  	_ =	swait.ge [sflag:s19], $0x2800  }
0x379: {  	[sflag:s19] =	ssyncset.done $0x0  }
0x37a: {  	[sflag:s19] =	ssyncadd.s32 $0xFFFFD800  }
0x37b: {  	_ =	swait.ge [sflag:s19], $0x2800  }
0x37c: {  	[sflag:s19] =	ssyncset.done $0x0  }
0x37d: {  	s13 =	simm.s32 $0x7C80;
	[sflag:s19] =	ssyncadd.s32 $0xFFFFD800  }
0x37e: {  	s20 =	simm.s32 $0x5480;
	v0 =	vld [tilespmem:s13+$0x0]  }
0x37f: {  	v5 =	vld [tilespmem:s20+$0xFFFFFF90]  }
0x380: {  	v6 =	vld [tilespmem:s20+$0x20]  }
0x381: {  	v7 =	vld [tilespmem:s20+$0xFFFFFFC0]  }
0x382: {  	v8 =	vld [tilespmem:s13+$0x30]  }
0x383: {  	v9 =	vld [tilespmem:s20+$0xFFFFFF80]  }
0x384: {  	v10 =	vld [tilespmem:s13+$0x20]  }
0x385: {  	v11 =	vld [tilespmem:s13+$0xFFFFFF90]  }
0x386: {  	v12 =	vld [tilespmem:s20+$0x0]  }
0x387: {  	v13 =	vld [tilespmem:s13+$0xFFFFFFA0]  }
0x388: {  	v14 =	vld [tilespmem:s13+$0x10]  }
0x389: {  	v15 =	vld [tilespmem:s13+$0xFFFFFF80]  }
0x38a: {  	v16 =	vld [tilespmem:s20+$0x40]  }
0x38b: {  	v18 =	vld [tilespmem:s13+$0xFFFFFFB0]  }
0x38c: {  	v23 =	vld [tilespmem:s20+$0x10]  }
0x38d: {  	v25 =	vld [tilespmem:s20+$0x60];
	v17 =	vshll.u32 v0, $0x10  }
0x38e: {  	v0 =	vand.u32 $0xFFFF0000, v0;
	v19 =	vshll.u32 v10, $0x10;
	v12 =	vmul.f32 v17, v12;
	v17 =	vld [tilespmem:s20+$0x50]  }
0x38f: {  	v26 =	vld [tilespmem:s20+$0x70];
	v20 =	vshll.u32 v8, $0x10;
	v21 =	vshll.u32 v11, $0x10;
	v11 =	vand.u32 $0xFFFF0000, v11  }
0x390: {  	s23 =	simm.s32 $0x5580;
	v28 =	vld [tilespmem:s20+$0xFFFFFFD0];
	v22 =	vshll.u32 v13, $0x10;
	v24 =	vshll.u32 v15, $0x10;
	v27 =	vshll.u32 v14, $0x10  }
0x391: {  	v30 =	vld [tilespmem:s23+$0x30];
	v15 =	vand.u32 $0xFFFF0000, v15;
	v14 =	vand.u32 $0xFFFF0000, v14;
	v0 =	vmul.f32 v0, v16  }
0x392: {  	v10 =	vand.u32 $0xFFFF0000, v10;
	v16 =	vld [tilespmem:s20+$0x30];
	v6 =	vmul.f32 v19, v6;
	v19 =	vmul.f32 v27, v23  }
0x393: {  	v54 =	vld [tilespmem:s23+$0xFFFFFFD0];
	v12 =	vadd.f32 $0.0e+00, v12;
	v0 =	vadd.f32 $0.0e+00, v0;
	v14 =	vmul.f32 v14, v17  }
0x394: {  	s16 =	simm.s32 $0x7E80;
	v8 =	vand.u32 $0xFFFF0000, v8;
	v9 =	vmul.f32 v24, v9;
	v5 =	vmul.f32 v21, v5;
	v17 =	vld [tilespmem:s20+$0xFFFFFFA0]  }
0x395: {  	v55 =	vld [tilespmem:s16+$0xFFFFFFA0];
	v10 =	vmul.f32 v10, v25;
	v12 =	vadd.f32 v19, v12;
	v0 =	vadd.f32 v14, v0  }
0x396: {  	v7 =	vmul.f32 v15, v7;
	v8 =	vmul.f32 v8, v26;
	v9 =	vadd.f32 $0.0e+00, v9;
	v14 =	vld [tilespmem:s20+$0xFFFFFFB0]  }
0x397: {  	v58 =	vld [tilespmem:s16+$0x10];
	v16 =	vmul.f32 v20, v16;
	v6 =	vadd.f32 v6, v12;
	v0 =	vadd.f32 v10, v0  }
0x398: {  	v21 =	vld [tilespmem:s20+$0xFFFFFFE0];
	v7 =	vadd.f32 $0.0e+00, v7;
	v5 =	vadd.f32 v5, v9;
	v10 =	vmul.f32 v11, v28  }
0x399: {  	v15 =	vld [tilespmem:s20+$0xFFFFFFF0];
	v6 =	vadd.f32 v16, v6;
	v11 =	vmul.f32 v22, v17;
	v0 =	vadd.f32 v8, v0  }
0x39a: {  	v24 =	vshll.u32 v18, $0x10;
	v26 =	vld [tilespmem:s23+$0xFFFFFFA0];
	v7 =	vadd.f32 v10, v7  }
0x39b: {  	s15 =	simm.s32 $0x7D80;
	v27 =	vld [tilespmem:s23+$0x70];
	v10 =	vmul.f32 v24, v14;
	v5 =	vadd.f32 v11, v5;
	v0 =	vadd.f32 v0, v6  }
0x39c: {  	v9 =	vld [tilespmem:s15+$0x0]  }
0x39d: {  	v20 =	vld [tilespmem:s15+$0xFFFFFF80];
	v5 =	vadd.f32 v10, v5;
	v10 =	vperm.xlane v0, v1  }
0x39e: {  	v13 =	vand.u32 $0xFFFF0000, v13;
	v12 =	vld [tilespmem:s23+$0xFFFFFFB0]  }
0x39f: {  	v16 =	vld [tilespmem:s15+$0xFFFFFF90];
	v8 =	vmul.f32 v13, v21;
	v0 =	vadd.f32 v0, v10  }
0x3a0: {  	v17 =	vld [tilespmem:s23+$0x0];
	v11 =	vand.u32 $0xFFFF0000, v18  }
0x3a1: {  	v22 =	vld [tilespmem:s15+$0xFFFFFFB0];
	v11 =	vmul.f32 v11, v15;
	v7 =	vadd.f32 v8, v7;
	v15 =	vperm.xlane v0, v2  }
0x3a2: {  	v13 =	vld [tilespmem:s15+$0x30]  }
0x3a3: {  	v6 =	vld [tilespmem:s23+$0xFFFFFF90];
	v7 =	vadd.f32 v11, v7;
	v0 =	vadd.f32 v0, v15  }
0x3a4: {  	v29 =	vshll.u32 v20, $0x10;
	v8 =	vld [tilespmem:s23+$0x20]  }
0x3a5: {  	v20 =	vand.u32 $0xFFFF0000, v20;
	v5 =	vadd.f32 v7, v5;
	v7 =	vld [tilespmem:s23+$0xFFFFFF80];
	v19 =	vperm.xlane v0, v3  }
0x3a6: {  	v21 =	vshll.u32 v9, $0x10;
	v9 =	vand.u32 $0xFFFF0000, v9;
	v24 =	vshll.u32 v16, $0x10;
	v11 =	vld [tilespmem:s23+$0xFFFFFFC0]  }
0x3a7: {  	v16 =	vand.u32 $0xFFFF0000, v16;
	v14 =	vperm.xlane v5, v1;
	v0 =	vadd.f32 v0, v19;
	v19 =	vld [tilespmem:s23+$0x40]  }
0x3a8: {  	v17 =	vmul.f32 v21, v17;
	v23 =	vshll.u32 v13, $0x10;
	v13 =	vand.u32 $0xFFFF0000, v13;
	v10 =	vld [tilespmem:s15+$0x20]  }
0x3a9: {  	v23 =	vmul.f32 v23, v30;
	v13 =	vmul.f32 v13, v27;
	v5 =	vadd.f32 v5, v14;
	v14 =	vld [tilespmem:s15+$0xFFFFFFA0]  }
0x3aa: {  	v17 =	vadd.f32 $0.0e+00, v17;
	v6 =	vmul.f32 v24, v6;
	v15 =	vld [tilespmem:s15+$0x10];
	v7 =	vmul.f32 v29, v7  }
0x3ab: {  	v21 =	vld [tilespmem:s23+$0x50];
	v20 =	vmul.f32 v20, v11;
	v29 =	vshll.u32 v22, $0x10;
	v18 =	vperm.xlane v5, v2  }
0x3ac: {  	v12 =	vmul.f32 v29, v12;
	v7 =	vadd.f32 $0.0e+00, v7;
	v9 =	vmul.f32 v9, v19;
	v19 =	vld [tilespmem:s23+$0x10]  }
0x3ad: {  	v60 =	vld [tilespmem:s16+$0xFFFFFFB0];
	v18 =	vadd.f32 v5, v18;
	v5 =	vshll.u32 v10, $0x10;
	v10 =	vand.u32 $0xFFFF0000, v10  }
0x3ae: {  	v25 =	vshll.u32 v14, $0x10;
	v5 =	vmul.f32 v5, v8;
	v8 =	vld [tilespmem:s23+$0x60];
	v31 =	vperm.xlane v0, v4  }
0x3af: {  	s24 =	simm.s32 $0x5680;
	v24 =	vld [tilespmem:s23+$0xFFFFFFE0];
	v14 =	vand.u32 $0xFFFF0000, v14;
	v28 =	vshll.u32 v15, $0x10;
	v15 =	vand.u32 $0xFFFF0000, v15  }
0x3b0: {  	v40 =	vld [tilespmem:s24+$0x40];
	v6 =	vadd.f32 v6, v7;
	v15 =	vmul.f32 v15, v21;
	v0 =	vadd.f32 v0, v31  }
0x3b1: {  	v21 =	vmul.f32 v25, v26;
	v25 =	vld [tilespmem:s23+$0xFFFFFFF0];
	v9 =	vadd.f32 $0.0e+00, v9;
	v28 =	vmul.f32 v28, v19  }
0x3b2: {  	v43 =	vld [tilespmem:s24+$0x50];
	v7 =	vmul.f32 v16, v54;
	v26 =	vadd.f32 $0.0e+00, v20;
	v0 =	vmul.f32 $-1.767766920e-01, v0  }
0x3b3: {  	v44 =	vld [tilespmem:s24+$0xFFFFFFA0];
	v8 =	vmul.f32 v10, v8;
	v15 =	vadd.f32 v15, v9;
	v10 =	vadd.f32 v28, v17  }
0x3b4: {  	v46 =	vld [tilespmem:s24+$0x70];
	v16 =	vand.u32 $0xFFFF0000, v22;
	v14 =	vmul.f32 v14, v24;
	v17 =	vadd.f32 v7, v26  }
0x3b5: {  	v48 =	vld [tilespmem:s24+$0x30];
	v0 =	vmul.f32 $1.442695020e+00, v0;
	v8 =	vadd.f32 v8, v15;
	v5 =	vadd.f32 v5, v10  }
0x3b6: {  	v11 =	vld [tilespmem:s13+$0x70];
	v6 =	vadd.f32 v21, v6;
	v10 =	vmul.f32 v16, v25;
	v14 =	vadd.f32 v14, v17  }
0x3b7: {  	v29 =	vld [tilespmem:s16+$0x20];
	(erf) = vpow2.f32 v0;
	v8 =	vadd.f32 v13, v8;
	v0 =	vadd.f32 v23, v5  }
0x3b8: {  	v6 =	vadd.f32 v12, v6;
	v9 =	vld [tilespmem:s13+$0x40];
	v16 =	vperm.xlane v18, v3;
	v10 =	vadd.f32 v10, v14  }
0x3b9: {  	v19 =	vld [tilespmem:s13+$0xFFFFFFD0];
	v0 =	vadd.f32 v8, v0  }
0x3ba: {  	v42 =	vshll.u32 v55, $0x10;
	v15 =	vld [tilespmem:s13+$0x50];
	v8 =	vadd.f32 v18, v16;
	v6 =	vadd.f32 v10, v6  }
0x3bb: {  	v32 =	vand.u32 $0xFFFF0000, v55;
	v51 =	vmul.f32 v42, v44;
	v13 =	vld [tilespmem:s13+$0x60]  }
0x3bc: {  	v45 =	vshll.u32 v58, $0x10;
	v17 =	vld [tilespmem:s16+$0x0];
	v12 =	vperm.xlane v8, v4;
	v21 =	vperm.xlane v6, v1  }
0x3bd: {  	v63 =	vld [tilespmem:s24+$0xFFFFFFD0];
	v24 =	vshll.u32 v11, $0x10;
	v61 =	vshll.u32 v29, $0x10;
	v10 =	vperm.xlane v0, v1  }
0x3be: {  	v55 =	vld [tilespmem:s13+$0xFFFFFFF0];
	v41 =	vand.u32 $0xFFFF0000, v9;
	v8 =	vadd.f32 v8, v12;
	v21 =	vadd.f32 v6, v21  }
0x3bf: {  	v9 =	vshll.u32 v9, $0x10;
	v44 =	vand.u32 $0xFFFF0000, v19;
	v23 =	vld [tilespmem:s16+$0x30];
	v0 =	vadd.f32 v0, v10  }
0x3c0: {  	v20 =	vld [tilespmem:s15+$0x70];
	v59 =	vand.u32 $0xFFFF0000, v15;
	v57 =	vshll.u32 v13, $0x10;
	v28 =	vperm.xlane v21, v2  }
0x3c1: {  	v7 =	vld [tilespmem:s15+$0xFFFFFFD0];
	v13 =	vand.u32 $0xFFFF0000, v13;
	v31 =	vshll.u32 v17, $0x10;
	v26 =	vperm.xlane v0, v2  }
0x3c2: {  	v5 =	vld [tilespmem:s16+$0x70];
	v17 =	vand.u32 $0xFFFF0000, v17;
	v27 =	vmul.f32 $-1.767766920e-01, v8;
	v8 =	vpop (erf);
	v21 =	vadd.f32 v21, v28  }
0x3c3: {  	v18 =	vld [tilespmem:s24+$0x20];
	v17 =	vmul.f32 v17, v40;
	v0 =	vadd.f32 v0, v26;
	v30 =	vadd.f32 $1.000000000e+00, v8  }
0x3c4: {  	v39 =	vshll.u32 v23, $0x10;
	v10 =	vshll.u32 v19, $0x10;
	v28 =	vld [tilespmem:s24+$0x0];
	v56 =	vperm.xlane v21, v3  }
0x3c5: {  	v12 =	vshll.u32 v20, $0x10;
	v26 =	vld [tilespmem:s16+$0xFFFFFF90];
	(erf) = vrcp.f32 v30;
	v30 =	vperm.xlane v0, v3  }
0x3c6: {  	v16 =	vld [tilespmem:s24+$0xFFFFFF90];
	v6 =	vshll.u32 v7, $0x10;
	v17 =	vadd.f32 $0.0e+00, v17;
	v19 =	vand.u32 $0xFFFF0000, v20  }
0x3c7: {  	v21 =	vadd.f32 v21, v56;
	v0 =	vadd.f32 v0, v30;
	v30 =	vshll.u32 v15, $0x10;
	v15 =	vld [tilespmem:s16+$0xFFFFFF80]  }
0x3c8: {  	v22 =	vld [tilespmem:s24+$0xFFFFFFC0];
	v20 =	vand.u32 $0xFFFF0000, v55;
	v18 =	vmul.f32 v61, v18;
	v27 =	vmul.f32 $1.442695020e+00, v27  }
0x3c9: {  	v25 =	vld [tilespmem:s24+$0xFFFFFF80];
	v8 =	vshll.u32 v5, $0x10;
	v28 =	vmul.f32 v31, v28;
	v31 =	vperm.xlane v21, v4  }
0x3ca: {  	v14 =	vld [tilespmem:s24+$0xFFFFFFB0];
	v62 =	vshll.u32 v26, $0x10;
	v26 =	vand.u32 $0xFFFF0000, v26;
	v49 =	vperm.xlane v0, v4  }
0x3cb: {  	s11 =	simm.s32 $0x7F80;
	v50 =	vld [tilespmem:s24+$0x60];
	v16 =	vmul.f32 v62, v16;
	v26 =	vmul.f32 v26, v63;
	v21 =	vadd.f32 v21, v31  }
0x3cc: {  	v63 =	vld [tilespmem:s11+$0xFFFFFFA0];
	v28 =	vadd.f32 $0.0e+00, v28;
	v0 =	vadd.f32 v0, v49;
	v31 =	vshll.u32 v15, $0x10  }
0x3cd: {  	v49 =	vld [tilespmem:s24+$0x10];
	v47 =	vand.u32 $0xFFFF0000, v15;
	v15 =	vmul.f32 $-1.767766920e-01, v21;
	v21 =	vshll.u32 v60, $0x10  }
0x3ce: {  	v52 =	vld [tilespmem:s24+$0xFFFFFFE0];
	v25 =	vmul.f32 v31, v25;
	v31 =	vand.u32 $0xFFFF0000, v58;
	v22 =	vmul.f32 v47, v22  }
0x3cf: {  	v54 =	vld [tilespmem:s13+$0xFFFFFFE0];
	v53 =	vmul.f32 v21, v14;
	v14 =	vand.u32 $0xFFFF0000, v29;
	v21 =	vand.u32 $0xFFFF0000, v23  }
0x3d0: {  	v23 =	vmul.f32 v39, v48;
	v0 =	vmul.f32 $-1.767766920e-01, v0;
	v25 =	vadd.f32 $0.0e+00, v25  }
0x3d1: {  	v33 =	vand.u32 $0xFFFF0000, v63;
	v31 =	vmul.f32 v31, v43;
	v21 =	vmul.f32 v21, v46  }
0x3d2: {  	v29 =	vld [tilespmem:s24+$0xFFFFFFF0];
	v14 =	vmul.f32 v14, v50;
	v16 =	vadd.f32 v16, v25;
	v25 =	vmul.f32 v45, v49  }
0x3d3: {  	s20 =	simm.s32 $0x5780;
	v22 =	vadd.f32 $0.0e+00, v22;
	v0 =	vmul.f32 $1.442695020e+00, v0;
	v17 =	vadd.f32 v31, v17  }
0x3d4: {  	v36 =	vld [tilespmem:s20+$0xFFFFFFB0];
	v46 =	vshll.u32 v54, $0x10;
	v31 =	vmul.f32 v32, v52;
	v25 =	vadd.f32 v25, v28  }
0x3d5: {  	v38 =	vld [tilespmem:s20+$0xFFFFFF90];
	(erf) = vpow2.f32 v0;
	v14 =	vadd.f32 v14, v17;
	v17 =	vadd.f32 v26, v22  }
0x3d6: {  	v40 =	vld [tilespmem:s11+$0x30];
	v45 =	vshll.u32 v55, $0x10;
	v28 =	vand.u32 $0xFFFF0000, v60;
	v18 =	vadd.f32 v18, v25  }
0x3d7: {  	v61 =	vld [tilespmem:s20+$0x0];
	v16 =	vadd.f32 v51, v16;
	v22 =	vmul.f32 v28, v29;
	v17 =	vadd.f32 v31, v17  }
0x3d8: {  	v43 =	vld [tilespmem:s20+$0xFFFFFF80];
	v0 =	vpop (erf);
	(erf) = vpow2.f32 v27;
	v25 =	vadd.f32 v21, v14;
	v18 =	vadd.f32 v23, v18  }
0x3d9: {  	v26 =	vld [tilespmem:s13+$0xFFFFFFC0];
	v28 =	vmul.f32 v9, v0;
	v17 =	vadd.f32 v22, v17;
	v23 =	vadd.f32 v53, v16  }
0x3da: {  	v60 =	vld [tilespmem:s11+$0xFFFFFF90];
	v29 =	vmul.f32 v41, v0;
	v31 =	vmul.f32 v57, v0;
	v18 =	vadd.f32 v25, v18  }
0x3db: {  	v9 =	vld [tilespmem:s11+$0x70];
	v34 =	vmul.f32 v13, v0;
	v35 =	vmul.f32 v24, v0;
	v17 =	vadd.f32 v17, v23  }
0x3dc: {  	v55 =	vld [tilespmem:s20+$0x40];
	v13 =	vand.u32 $0xFFFF0000, v11;
	v22 =	vmul.f32 v59, v0;
	v24 =	vperm.xlane v18, v1  }
0x3dd: {  	v41 =	vand.u32 $0xFFFF0000, v54;
	v16 =	vmul.f32 v30, v0;
	v30 =	vld [tilespmem:s11+$0x0];
	v56 =	vperm.xlane v17, v1  }
0x3de: {  	v0 =	vmul.f32 v13, v0;
	v53 =	vshll.u32 v40, $0x10;
	v25 =	vld [tilespmem:s15+$0x50];
	v24 =	vadd.f32 v18, v24  }
0x3df: {  	v54 =	vshll.u32 v60, $0x10;
	v42 =	vand.u32 $0xFFFF0000, v60;
	v23 =	vld [tilespmem:s15+$0x60];
	v37 =	vadd.f32 v17, v56  }
0x3e0: {  	v27 =	vld [tilespmem:s20+$0x20];
	v13 =	vshll.u32 v9, $0x10;
	v17 =	vpop (erf);
	v18 =	vshll.u32 v26, $0x10;
	v57 =	vperm.xlane v24, v2  }
0x3e1: {  	v58 =	vadd.f32 $1.000000000e+00, v17;
	v17 =	vand.u32 $0xFFFF0000, v26;
	v26 =	vld [tilespmem:s11+$0x20];
	v59 =	vperm.xlane v37, v2  }
0x3e2: {  	v21 =	vld [tilespmem:s15+$0x40];
	v39 =	vshll.u32 v30, $0x10;
	v30 =	vand.u32 $0xFFFF0000, v30;
	v24 =	vadd.f32 v24, v57  }
0x3e3: {  	v14 =	vld [tilespmem:s16+$0xFFFFFFD0];
	[tilespmem:s13+$0x0] =	vst v28;
	v28 =	vmul.f32 v54, v38;
	v30 =	vmul.f32 v30, v55;
	v37 =	vadd.f32 v37, v59  }
0x3e4: {  	v38 =	vld [tilespmem:s20+$0xFFFFFFE0];
	v49 =	vshll.u32 v23, $0x10;
	v47 =	vshll.u32 v25, $0x10;
	v62 =	vperm.xlane v24, v3  }
0x3e5: {  	v51 =	vand.u32 $0xFFFF0000, v25;
	v25 =	vld [tilespmem:s11+$0x10];
	(erf) = vrcp.f32 v58;
	v58 =	vperm.xlane v37, v3  }
0x3e6: {  	v50 =	vand.u32 $0xFFFF0000, v23;
	v52 =	vshll.u32 v26, $0x10;
	v59 =	vpop (erf);
	v23 =	vadd.f32 v24, v62;
	v24 =	vld [tilespmem:s11+$0xFFFFFF80]  }
0x3e7: {  	v48 =	vadd.f32 $1.000000000e+00, v59;
	v52 =	vmul.f32 v52, v27;
	v27 =	vld [tilespmem:s20+$0x60];
	v37 =	vadd.f32 v37, v58  }
0x3e8: {  	v11 =	vshll.u32 v14, $0x10;
	v32 =	vmul.f32 v39, v61;
	v54 =	vadd.f32 $0.0e+00, v30;
	v57 =	vld [tilespmem:s20+$0x50]  }
0x3e9: {  	v30 =	vand.u32 $0xFFFF0000, v40;
	v58 =	vld [tilespmem:s11+$0xFFFFFFB0];
	(erf) = vrcp.f32 v48;
	v60 =	vperm.xlane v37, v4  }
0x3ea: {  	v61 =	vld [tilespmem:s20+$0xFFFFFFC0];
	v26 =	vand.u32 $0xFFFF0000, v26;
	v59 =	vshll.u32 v63, $0x10;
	v62 =	vadd.f32 $0.0e+00, v32  }
0x3eb: {  	v48 =	vld [tilespmem:s20+$0xFFFFFFA0];
	v37 =	vadd.f32 v37, v60;
	v60 =	vperm.xlane v23, v4;
	v39 =	vshll.u32 v24, $0x10  }
0x3ec: {  	v26 =	vmul.f32 v26, v27;
	v32 =	vmul.f32 v39, v43;
	v39 =	vshll.u32 v25, $0x10;
	v43 =	vld [tilespmem:s20+$0x30]  }
0x3ed: {  	v55 =	vld [tilespmem:s20+$0x70];
	v25 =	vand.u32 $0xFFFF0000, v25;
	v23 =	vadd.f32 v23, v60;
	v60 =	vand.u32 $0xFFFF0000, v24  }
0x3ee: {  	v24 =	vmul.f32 $-1.767766920e-01, v37;
	v37 =	vmul.f32 v25, v57;
	v25 =	vshll.u32 v58, $0x10  }
0x3ef: {  	[tilespmem:s13+$0x40] =	vst v29;
	v29 =	vmul.f32 v60, v61;
	v61 =	vld [tilespmem:s20+$0x10];
	v32 =	vadd.f32 $0.0e+00, v32;
	v23 =	vmul.f32 $-1.767766920e-01, v23  }
0x3f0: {  	[tilespmem:s13+$0x20] =	vst v31;
	v31 =	vld [tilespmem:s20+$0xFFFFFFF0];
	v56 =	vand.u32 $0xFFFF0000, v21;
	v48 =	vmul.f32 v59, v48;
	v36 =	vmul.f32 v25, v36  }
0x3f1: {  	[tilespmem:s13+$0x60] =	vst v34;
	v63 =	vld [tilespmem:s20+$0xFFFFFFD0];
	v25 =	vpop (erf);
	v28 =	vadd.f32 v28, v32;
	v23 =	vmul.f32 $1.442695020e+00, v23;
	v40 =	vmul.f32 v53, v43  }
0x3f2: {  	[tilespmem:s13+$0x30] =	vst v35;
	v54 =	vadd.f32 v37, v54;
	v53 =	vmul.f32 v30, v55;
	v30 =	vpop (erf);
	v55 =	vmul.f32 v33, v38  }
0x3f3: {  	[tilespmem:s13+$0x70] =	vst v0;
	v20 =	vmul.f32 v20, v30;
	v0 =	vadd.f32 v48, v28;
	v27 =	vmul.f32 v44, v30  }
0x3f4: {  	[tilespmem:s13+$0x50] =	vst v22;
	v28 =	vand.u32 $0xFFFF0000, v58;
	v59 =	vmul.f32 v39, v61;
	v61 =	vmul.f32 v41, v30  }
0x3f5: {  	v60 =	vadd.f32 v26, v54;
	v26 =	vld [tilespmem:s15+$0xFFFFFFE0];
	(erf) = vpow2.f32 v23;
	v32 =	vmul.f32 v28, v31;
	[tilespmem:s13+$0xFFFFFFF0] =	vst v20  }
0x3f6: {  	v29 =	vadd.f32 $0.0e+00, v29;
	v23 =	vld [tilespmem:s16+$0x50];
	v31 =	vmul.f32 v42, v63;
	v63 =	vmul.f32 v56, v25;
	[tilespmem:s13+$0xFFFFFFD0] =	vst v27  }
0x3f7: {  	v28 =	vld [tilespmem:s15+$0xFFFFFFF0];
	v20 =	vshll.u32 v21, $0x10;
	v21 =	vmul.f32 v46, v30;
	v22 =	vadd.f32 v59, v62;
	[tilespmem:s13+$0xFFFFFFE0] =	vst v61  }
0x3f8: {  	v35 =	vmul.f32 v50, v25;
	v27 =	vld [tilespmem:s15+$0xFFFFFFC0];
	v62 =	vmul.f32 v45, v30;
	v29 =	vadd.f32 v31, v29;
	[tilespmem:s15+$0x40] =	vst v63  }
0x3f9: {  	v34 =	vadd.f32 v36, v0;
	v31 =	vmul.f32 v20, v25;
	v20 =	vld [tilespmem:s11+$0xFFFFFFD0];
	[tilespmem:s13+$0xFFFFFFA0] =	vst v21;
	v0 =	vadd.f32 v52, v22  }
0x3fa: {  	v33 =	vadd.f32 v53, v60;
	v36 =	vmul.f32 v49, v25;
	v21 =	vld [tilespmem:s16+$0x40];
	[tilespmem:s13+$0xFFFFFFB0] =	vst v62;
	v37 =	vadd.f32 v55, v29  }
0x3fb: {  	s23 =	simm.s32 $0x6;
	s24 =	simm.s32 $0x8080;
	v22 =	vmul.f32 v51, v25;
	[tilespmem:s15+$0x0] =	vst v31;
	v31 =	vmul.f32 v47, v25;
	v29 =	vld [tilespmem:s16+$0x60];
	v38 =	vadd.f32 v40, v0  }
.LBB2_13:
0x3fc: {  	v0 =	vld [tilespmem:s24+$0x0];
	s23 =	sadd.s32 $0x2, s23;
	v32 =	vadd.f32 v32, v37;
	s20 =	sadd.s32 $0x100, s20;
	v18 =	vmul.f32 v18, v30;
	v17 =	vmul.f32 v17, v30;
	[tilespmem:s13+$0x10] =	vst v16  }
0x3fd: {  	v37 =	vld [tilespmem:s24+$0x70];
	p1 =	slt.u32 s23, $0x4E;
	v33 =	vadd.f32 v33, v38;
	[tilespmem:s15+$0x20] =	vst v36;
	v36 =	vmul.f32 v12, v25;
	v38 =	vmul.f32 v10, v30  }
0x3fe: {  	v19 =	vmul.f32 v19, v25;
	v10 =	vmovc v6;
	v30 =	vld [tilespmem:s20+$0xFFFFFFB0];
	v32 =	vadd.f32 v32, v34;
	v41 =	vshll.u32 v20, $0x10;
	[tilespmem:s15+$0x60] =	vst v35  }
0x3ff: {  	v6 =	vmovc v11;
	v12 =	vmovc v8;
	v35 =	vmul.f32 $1.442695020e+00, v15;
	v34 =	vld [tilespmem:s20+$0xFFFFFF90];
	v25 =	vperm.xlane v33, v1;
	[tilespmem:s13+$0xFFFFFFC0] =	vst v17;
	v11 =	vmov v41  }
0x400: {  	v16 =	vmovc v31;
	v8 =	vmov v13;
	v15 =	vmov v24;
	v39 =	vld [tilespmem:s20+$0x20];
	v40 =	vperm.xlane v32, v1;
	[tilespmem:s13+$0xFFFFFF80] =	vst v18  }
0x401: {  	v31 =	vld [tilespmem:s20+$0xFFFFFFC0];
	v24 =	vshll.u32 v0, $0x10;
	v25 =	vadd.f32 v33, v25;
	(erf) = vpow2.f32 v35;
	[tilespmem:s13+$0xFFFFFF90] =	vst v38;
	s13 =	smov.u32 s15;
	s15 =	smov.u32 s16;
	s16 =	smov.u32 s11  }
0x402: {  	v0 =	vand.u32 $0xFFFF0000, v0;
	s11 =	smov.u32 s24;
	v33 =	vld [tilespmem:s24+$0x30];
	v13 =	vshll.u32 v37, $0x10;
	v32 =	vadd.f32 v32, v40;
	v17 =	vpop (erf);
	[tilespmem:s13+$0x30] =	vst v36  }
0x403: {  	v35 =	vld [tilespmem:s20+$0xFFFFFF80];
	v36 =	vperm.xlane v25, v2;
	v38 =	vadd.f32 $1.000000000e+00, v17;
	v17 =	vand.u32 $0xFFFF0000, v27;
	[tilespmem:s13+$0x70] =	vst v19  }
0x404: {  	v41 =	vshll.u32 v28, $0x10;
	v18 =	vshll.u32 v27, $0x10;
	v40 =	vld [tilespmem:s24+$0xFFFFFFB0];
	v19 =	vperm.xlane v32, v2  }
0x405: {  	v27 =	vld [tilespmem:s24+$0x20];
	v25 =	vadd.f32 v25, v36;
	(erf) = vrcp.f32 v38;
	v36 =	vand.u32 $0xFFFF0000, v26  }
0x406: {  	v42 =	vand.u32 $0xFFFF0000, v7;
	v43 =	vshll.u32 v26, $0x10;
	v7 =	vmovc v14;
	v14 =	vmovc v20;
	v38 =	vld [tilespmem:s24+$0xFFFFFF90];
	v32 =	vadd.f32 v32, v19  }
0x407: {  	v28 =	vand.u32 $0xFFFF0000, v28;
	v19 =	vand.u32 $0xFFFF0000, v5;
	v5 =	vmovc v9;
	v9 =	vmovc v37;
	v20 =	vld [tilespmem:s20+$0x0];
	v26 =	vperm.xlane v25, v3  }
0x408: {  	v45 =	vshll.u32 v29, $0x10;
	v46 =	vand.u32 $0xFFFF0000, v29;
	v37 =	vld [tilespmem:s24+$0xFFFFFFA0];
	v44 =	vperm.xlane v32, v3  }
0x409: {  	v47 =	vshll.u32 v23, $0x10;
	v48 =	vand.u32 $0xFFFF0000, v23;
	v29 =	vld [tilespmem:s24+$0x10];
	v26 =	vadd.f32 v25, v26  }
0x40a: {  	v50 =	vshll.u32 v33, $0x10;
	v23 =	vld [tilespmem:s24+$0xFFFFFF80];
	v49 =	vshll.u32 v27, $0x10;
	v25 =	vadd.f32 v32, v44;
	v32 =	vpop (erf)  }
0x40b: {  	v44 =	vshll.u32 v38, $0x10;
	v38 =	vand.u32 $0xFFFF0000, v38;
	v51 =	vld [tilespmem:s20+$0x40];
	v32 =	vadd.f32 $1.000000000e+00, v32  }
0x40c: {  	v53 =	vand.u32 $0xFFFF0000, v21;
	v20 =	vmul.f32 v24, v20;
	v52 =	vld [tilespmem:s20+$0x70];
	v24 =	vperm.xlane v25, v4  }
0x40d: {  	v54 =	vshll.u32 v37, $0x10;
	v37 =	vand.u32 $0xFFFF0000, v37;
	v55 =	vld [tilespmem:s20+$0x50];
	(erf) = vrcp.f32 v32  }
0x40e: {  	v32 =	vld [tilespmem:s20+$0xFFFFFFA0];
	v20 =	vadd.f32 $0.0e+00, v20;
	v56 =	vshll.u32 v29, $0x10;
	v24 =	vadd.f32 v25, v24;
	v25 =	vpop (erf)  }
0x40f: {  	v59 =	vperm.xlane v26, v4;
	v57 =	vshll.u32 v23, $0x10;
	v23 =	vand.u32 $0xFFFF0000, v23;
	v58 =	vld [tilespmem:s20+$0x30]  }
0x410: {  	v29 =	vand.u32 $0xFFFF0000, v29;
	v35 =	vmul.f32 v57, v35;
	v57 =	vld [tilespmem:s20+$0xFFFFFFD0];
	v24 =	vmul.f32 $-1.767766920e-01, v24  }
0x411: {  	v60 =	vshll.u32 v40, $0x10;
	v26 =	vadd.f32 v26, v59;
	v0 =	vmul.f32 v0, v51  }
0x412: {  	v39 =	vmul.f32 v49, v39;
	v35 =	vadd.f32 $0.0e+00, v35;
	v29 =	vmul.f32 v29, v55;
	v51 =	vld [tilespmem:s20+$0x60]  }
0x413: {  	v34 =	vmul.f32 v44, v34;
	v0 =	vadd.f32 $0.0e+00, v0;
	v44 =	vld [tilespmem:s20+$0xFFFFFFE0];
	v32 =	vmul.f32 v54, v32  }
0x414: {  	v27 =	vand.u32 $0xFFFF0000, v27;
	v23 =	vmul.f32 v23, v31;
	v31 =	vmul.f32 v60, v30;
	v49 =	vld [tilespmem:s20+$0x10]  }
0x415: {  	v59 =	vand.u32 $0xFFFF0000, v33;
	v55 =	vmul.f32 $-1.767766920e-01, v26;
	v50 =	vmul.f32 v50, v58;
	v54 =	vld [tilespmem:s20+$0xFFFFFFF0]  }
0x416: {  	v33 =	vmul.f32 v59, v52;
	v23 =	vadd.f32 $0.0e+00, v23;
	v26 =	vadd.f32 v34, v35;
	v30 =	vpop (erf)  }
0x417: {  	v0 =	vadd.f32 v29, v0;
	v27 =	vmul.f32 v27, v51;
	v28 =	vmul.f32 v28, v30  }
0x418: {  	v29 =	vadd.f32 v32, v26;
	v34 =	vmul.f32 v42, v30;
	v35 =	vmul.f32 v37, v44  }
0x419: {  	v26 =	vand.u32 $0xFFFF0000, v40;
	v37 =	vmul.f32 v56, v49;
	v0 =	vadd.f32 v27, v0;
	[tilespmem:s13+$0xFFFFFFF0] =	vst v28  }
0x41a: {  	v40 =	vshll.u32 v21, $0x10;
	v21 =	vmul.f32 v43, v30;
	v32 =	vmul.f32 v26, v54;
	v26 =	vld [tilespmem:s15+$0xFFFFFFE0];
	[tilespmem:s13+$0xFFFFFFD0] =	vst v34  }
0x41b: {  	v34 =	vmul.f32 v38, v57;
	v33 =	vadd.f32 v33, v0;
	v28 =	vld [tilespmem:s15+$0xFFFFFFF0];
	v0 =	vmul.f32 v36, v30;
	[tilespmem:s13+$0x50] =	vst v22  }
.Ltmp7:
0x41c: {  	v22 =	vadd.f32 v37, v20;
	v36 =	vmul.f32 $1.442695020e+00, v55;
	v37 =	vmul.f32 v41, v30;
	v27 =	vld [tilespmem:s15+$0xFFFFFFC0];
	[tilespmem:s13+$0xFFFFFFA0] =	vst v21;
	(pc) =	sbr.rel @p1 .LBB2_13-.Ltmp7, $4  }
0x41d: {  	v38 =	vmul.f32 v40, v25;
	v40 =	vmul.f32 v53, v25;
	v23 =	vadd.f32 v34, v23;
	v21 =	vld [tilespmem:s16+$0x40];
	[tilespmem:s13+$0xFFFFFFE0] =	vst v0  }
0x41e: {  	v34 =	vadd.f32 v31, v29;
	v0 =	vadd.f32 v39, v22;
	v20 =	vld [tilespmem:s24+$0xFFFFFFD0];
	(erf) = vpow2.f32 v36;
	[tilespmem:s13+$0xFFFFFFB0] =	vst v37  }
0x41f: {  	v31 =	vmul.f32 v47, v25;
	v22 =	vmul.f32 v48, v25;
	v37 =	vadd.f32 v35, v23;
	v23 =	vld [tilespmem:s16+$0x50];
	[tilespmem:s15+$0x0] =	vst v38  }
0x420: {  	s24 =	sadd.s32 $0x100, s24;
	v36 =	vmul.f32 v45, v25;
	v35 =	vmul.f32 v46, v25;
	v38 =	vadd.f32 v50, v0;
	v29 =	vld [tilespmem:s16+$0x60];
	[tilespmem:s15+$0x40] =	vst v40  }
0x421: {  	_ = 	snop  }
0x422: {  	v0 =	vadd.f32 v33, v38;
	_ =	sdelay $0x1  }
0x423: {  	v33 =	vperm.xlane v0, v1;
	_ =	sdelay $0x1  }
0x424: {  	v0 =	vadd.f32 v0, v33;
	_ =	sdelay $0x1  }
0x425: {  	v15 =	vmul.f32 $1.442695020e+00, v15;
	v33 =	vperm.xlane v0, v2;
	_ =	sdelay $0x1  }
0x426: {  	(erf) = vpow2.f32 v15;
	v0 =	vadd.f32 v0, v33;
	_ =	sdelay $0x1  }
0x427: {  	v53 =	vperm.xlane v0, v3;
	_ =	sdelay $0x1  }
0x428: {  	v0 =	vadd.f32 v0, v53;
	_ =	sdelay $0x1  }
0x429: {  	v54 =	vadd.f32 v32, v37;
	v55 =	vperm.xlane v0, v4;
	_ =	sdelay $0x1  }
0x42a: {  	v15 =	vadd.f32 v54, v34;
	v56 =	vpop (erf);
	v0 =	vadd.f32 v0, v55  }
0x42b: {  	v33 =	vadd.f32 $1.000000000e+00, v56;
	v57 =	vpop (erf)  }
0x42c: {  	v58 =	vperm.xlane v15, v1;
	v34 =	vadd.f32 $1.000000000e+00, v57;
	v0 =	vmul.f32 $-1.767766920e-01, v0  }
0x42d: {  	(erf) = vrcp.f32 v33  }
0x42e: {  	v15 =	vadd.f32 v15, v58;
	(erf) = vrcp.f32 v34;
	v0 =	vmul.f32 $1.442695020e+00, v0  }
0x42f: {  	v24 =	vmul.f32 $1.442695020e+00, v24;
	[tilespmem:s13+$0x10] =	vst v16  }
0x430: {  	[tilespmem:s15+$0x50] =	vst v22;
	v32 =	vperm.xlane v15, v2;
	(erf) = vpow2.f32 v0  }
0x431: {  	[tilespmem:s15+$0x10] =	vst v31;
	(erf) = vpow2.f32 v24  }
0x432: {  	v59 =	vmul.f32 v17, v30;
	[tilespmem:s15+$0x20] =	vst v36;
	v0 =	vadd.f32 v15, v32  }
0x433: {  	v60 =	vmul.f32 v18, v30;
	[tilespmem:s15+$0x60] =	vst v35  }
0x434: {  	v10 =	vmul.f32 v10, v30;
	[tilespmem:s13+$0xFFFFFFC0] =	vst v59;
	v61 =	vperm.xlane v0, v3  }
0x435: {  	v12 =	vmul.f32 v12, v25;
	[tilespmem:s13+$0xFFFFFF80] =	vst v60  }
0x436: {  	v63 =	vmul.f32 v19, v25;
	v37 =	vshll.u32 v21, $0x10;
	[tilespmem:s13+$0xFFFFFF90] =	vst v10;
	v62 =	vpop (erf);
	v0 =	vadd.f32 v0, v61  }
0x437: {  	[tilespmem:s15+$0x30] =	vst v12;
	v39 =	vmul.f32 v37, v62;
	v25 =	vpop (erf);
	v24 =	vand.u32 $0xFFFF0000, v28  }
0x438: {  	v7 =	vand.u32 $0xFFFF0000, v7;
	[tilespmem:s15+$0x70] =	vst v63;
	v10 =	vmul.f32 v24, v25;
	v30 =	vperm.xlane v0, v4  }
0x439: {  	v46 =	vand.u32 $0xFFFF0000, v23;
	v33 =	vshll.u32 v26, $0x10;
	[tilespmem:s16+$0x0] =	vst v39;
	v7 =	vmul.f32 v7, v25;
	v34 =	vpop (erf)  }
0x43a: {  	v8 =	vmul.f32 v8, v62;
	[tilespmem:s15+$0xFFFFFFF0] =	vst v10;
	v0 =	vadd.f32 v0, v30;
	v10 =	vadd.f32 $1.000000000e+00, v34;
	v36 =	vpop (erf)  }
0x43b: {  	v48 =	vmul.f32 v46, v62;
	[tilespmem:s15+$0xFFFFFFD0] =	vst v7;
	v7 =	vmul.f32 v33, v25;
	v18 =	vadd.f32 $1.000000000e+00, v36  }
0x43c: {  	v35 =	vand.u32 $0xFFFF0000, v26;
	[tilespmem:s16+$0x30] =	vst v8;
	v0 =	vmul.f32 $-1.767766920e-01, v0;
	(erf) = vrcp.f32 v10  }
0x43d: {  	v32 =	vshll.u32 v28, $0x10;
	[tilespmem:s16+$0x50] =	vst v48;
	v12 =	vmul.f32 v35, v25;
	(erf) = vrcp.f32 v18  }
0x43e: {  	[tilespmem:s15+$0xFFFFFFA0] =	vst v7;
	v7 =	vmul.f32 v32, v25;
	v0 =	vmul.f32 $1.442695020e+00, v0  }
0x43f: {  	v40 =	vand.u32 $0xFFFF0000, v29;
	v6 =	vmul.f32 v6, v25;
	[tilespmem:s15+$0xFFFFFFE0] =	vst v12  }
0x440: {  	v44 =	vld [tilespmem:s11+$0x40];
	v12 =	vmul.f32 v40, v62;
	[tilespmem:s15+$0xFFFFFFB0] =	vst v7;
	v7 =	vshll.u32 v29, $0x10;
	(erf) = vpow2.f32 v0  }
0x441: {  	v42 =	vld [tilespmem:s16+$0xFFFFFFF0];
	v38 =	vand.u32 $0xFFFF0000, v21;
	[tilespmem:s15+$0xFFFFFF90] =	vst v6;
	v7 =	vmul.f32 v7, v62  }
0x442: {  	[tilespmem:s16+$0x60] =	vst v12;
	v10 =	vmul.f32 v38, v62;
	v0 =	vshll.u32 v27, $0x10  }
0x443: {  	v41 =	vand.u32 $0xFFFF0000, v27;
	[tilespmem:s16+$0x20] =	vst v7;
	v0 =	vmul.f32 v0, v25  }
0x444: {  	v5 =	vand.u32 $0xFFFF0000, v5;
	v7 =	vld [tilespmem:s16+$0xFFFFFFE0];
	[tilespmem:s16+$0x40] =	vst v10;
	v10 =	vmul.f32 v41, v25  }
0x445: {  	v52 =	vshll.u32 v44, $0x10;
	[tilespmem:s15+$0xFFFFFF80] =	vst v0;
	v0 =	vmul.f32 v5, v62;
	v43 =	vpop (erf)  }
0x446: {  	v45 =	vand.u32 $0xFFFF0000, v14;
	[tilespmem:s15+$0xFFFFFFC0] =	vst v10;
	v5 =	vand.u32 $0xFFFF0000, v42;
	v6 =	vpop (erf);
	v14 =	vmul.f32 v52, v43  }
0x447: {  	[tilespmem:s16+$0x70] =	vst v0;
	v5 =	vmul.f32 v5, v6  }
0x448: {  	v12 =	vand.u32 $0xFFFF0000, v44;
	v0 =	vmul.f32 v45, v6;
	[tilespmem:s11+$0x0] =	vst v14  }
0x449: {  	v49 =	vshll.u32 v7, $0x10;
	v12 =	vmul.f32 v12, v43;
	v50 =	vpop (erf);
	[tilespmem:s16+$0xFFFFFFF0] =	vst v5;
	v5 =	vld [tilespmem:s11+$0x60]  }
0x44a: {  	v7 =	vand.u32 $0xFFFF0000, v7;
	v51 =	vadd.f32 $1.000000000e+00, v50;
	[tilespmem:s16+$0xFFFFFFD0] =	vst v0;
	v0 =	vmul.f32 v49, v6  }
0x44b: {  	v16 =	vshll.u32 v42, $0x10;
	v53 =	vld [tilespmem:s11+$0x50];
	v7 =	vmul.f32 v7, v6;
	[tilespmem:s11+$0x40] =	vst v12  }
0x44c: {  	v47 =	vld [tilespmem:s16+$0xFFFFFFC0];
	(erf) = vrcp.f32 v51;
	[tilespmem:s16+$0xFFFFFFA0] =	vst v0;
	v0 =	vmul.f32 v16, v6  }
0x44d: {  	v56 =	vmul.f32 v13, v43;
	[tilespmem:s16+$0xFFFFFFE0] =	vst v7;
	v7 =	vshll.u32 v23, $0x10  }
0x44e: {  	[tilespmem:s16+$0xFFFFFFB0] =	vst v0;
	v0 =	vmul.f32 v7, v62;
	v7 =	vshll.u32 v5, $0x10  }
0x44f: {  	[tilespmem:s11+$0x30] =	vst v56;
	v5 =	vand.u32 $0xFFFF0000, v5;
	v7 =	vmul.f32 v7, v43  }
0x450: {  	v58 =	vand.u32 $0xFFFF0000, v53;
	v5 =	vmul.f32 v5, v43;
	[tilespmem:s16+$0x10] =	vst v0  }
0x451: {  	v55 =	vld [tilespmem:s11+$0xFFFFFFF0];
	v60 =	vmul.f32 v58, v43;
	v0 =	vshll.u32 v47, $0x10;
	[tilespmem:s11+$0x20] =	vst v7  }
0x452: {  	v54 =	vand.u32 $0xFFFF0000, v47;
	v0 =	vmul.f32 v0, v6;
	[tilespmem:s11+$0x60] =	vst v5;
	v5 =	vld [tilespmem:s11+$0xFFFFFFE0];
	v7 =	vand.u32 $0xFFFF0000, v9  }
0x453: {  	v12 =	vmul.f32 v54, v6;
	[tilespmem:s11+$0x50] =	vst v60;
	v6 =	vmul.f32 v11, v6  }
0x454: {  	[tilespmem:s16+$0xFFFFFF80] =	vst v0;
	v0 =	vmul.f32 v7, v43  }
0x455: {  	v57 =	vand.u32 $0xFFFF0000, v20;
	[tilespmem:s16+$0xFFFFFF90] =	vst v6;
	v7 =	vpop (erf)  }
0x456: {  	v59 =	vld [tilespmem:s11+$0xFFFFFFC0];
	v6 =	vand.u32 $0xFFFF0000, v55;
	[tilespmem:s11+$0x70] =	vst v0;
	v0 =	vmul.f32 v57, v7  }
0x457: {  	[tilespmem:s16+$0xFFFFFFC0] =	vst v12;
	v6 =	vmul.f32 v6, v7;
	v61 =	vshll.u32 v5, $0x10  }
0x458: {  	v5 =	vand.u32 $0xFFFF0000, v5;
	[tilespmem:s11+$0xFFFFFFD0] =	vst v0;
	v0 =	vmul.f32 v61, v7  }
0x459: {  	[tilespmem:s11+$0xFFFFFFF0] =	vst v6;
	v6 =	vshll.u32 v55, $0x10;
	v5 =	vmul.f32 v5, v7  }
0x45a: {  	v8 =	vshll.u32 v53, $0x10;
	[tilespmem:s11+$0xFFFFFFA0] =	vst v0;
	v0 =	vmul.f32 v6, v7  }
0x45b: {  	v6 =	vmul.f32 v8, v43;
	[tilespmem:s11+$0xFFFFFFE0] =	vst v5;
	v5 =	vshll.u32 v59, $0x10  }
0x45c: {  	v62 =	vand.u32 $0xFFFF0000, v59;
	v5 =	vmul.f32 v5, v7;
	[tilespmem:s11+$0xFFFFFFB0] =	vst v0  }
0x45d: {  	v63 =	vshll.u32 v20, $0x10;
	v0 =	vmul.f32 v62, v7;
	[tilespmem:s11+$0x10] =	vst v6  }
0x45e: {  	v6 =	vmul.f32 v63, v7;
	[tilespmem:s11+$0xFFFFFF80] =	vst v5  }
0x45f: {  	[tilespmem:s11+$0xFFFFFFC0] =	vst v0  }
0x460: {  	s16 =	simm.s32 $0x380;
	[tilespmem:s11+$0xFFFFFF90] =	vst v6  }
0x461: {  	[spmem:s3] =	stream.indirect.scatter.add.f32 [tilespmem:s2], [sflag:$0x4], $0x80, s16, s25, $0xb8;
	[tilespmem:$0x1E080] =	vst v63  }
0x462: {  	_ =	swait.ge [sflag:s14], $0x2800  }
0x463: {  	[sflag:s14] =	ssyncset.done $0x0  }
0x464: {  	[sflag:s14] =	ssyncadd.s32 $0xFFFFD800  }
0x465: {  	_ =	swait.ge [sflag:s30], $0x100  }
0x466: {  	s20 =	smin.u32 s12, $0x75;
	s7 =	sadd.s32 $0x1, s7;
	[sflag:s30] =	ssyncset.done $0x0  }
0x467: {  	p1 =	sne.s32 s7, $0x1F;
	s23 =	rddreg [dreg:$0xd];
	[sflag:s30] =	ssyncadd.s32 $0xFFFFFF00  }
0x468: {  	[tilespmem:s0], [sflag:$0x2] =	stream.indirect.gather [hbm4b:s1+s25], $0x80, s31, s25, $0xb8;
	[tilespmem:$0x1E080] =	vst v63  }
.Ltmp8:
0x469: {  	s11 =	sadd.s32 s20, s23;
	(pc) =	sbr.rel @p1 .LBB2_6-.Ltmp8, $4  }
0x46a: {  	s11 =	sshll.u32 s11, $0x5  }
0x46b: {  	[tilespmem:s2], [sflag:$0x2] =	stream.indirect.gather [hbm4b:s5+s25], $0x80, s22, s25, $0xb8;
	[tilespmem:$0x1E080] =	vst v63  }
0x46c: {  	s24 =	simm.s32 $0x300;
	s11 =	sadd.s32 s6, s11  }
0x46d: {  	[tilespmem:s24], [sflag:$0x8] =	stream.linear.gather [hbm4b:s11+s4], $0x100, $0x38;
	[tilespmem:$0x1E080] =	vst v63  }
0x46e: {  	_ =	swait.ge [sflag:s8], $0x2800  }
0x46f: {  	[sflag:s8] =	ssyncset.done $0x0  }
0x470: {  	[sflag:s8] =	ssyncadd.s32 $0xFFFFD800  }
0x471: {  	_ =	swait.ge [sflag:s8], $0x2800  }
0x472: {  	[sflag:s8] =	ssyncset.done $0x0  }
0x473: {  	s7 =	simm.s32 $0x2C80;
	[sflag:s8] =	ssyncadd.s32 $0xFFFFD800  }
0x474: {  	s11 =	simm.s32 $0x480;
	v0 =	vld [tilespmem:s7+$0x0]  }
0x475: {  	v5 =	vld [tilespmem:s11+$0xFFFFFF90]  }
0x476: {  	v6 =	vld [tilespmem:s11+$0x20]  }
0x477: {  	v7 =	vld [tilespmem:s11+$0xFFFFFFC0]  }
0x478: {  	v8 =	vld [tilespmem:s7+$0x30]  }
0x479: {  	v9 =	vld [tilespmem:s11+$0xFFFFFF80]  }
0x47a: {  	v10 =	vld [tilespmem:s7+$0x20]  }
0x47b: {  	v11 =	vld [tilespmem:s7+$0xFFFFFF90]  }
0x47c: {  	v12 =	vld [tilespmem:s11+$0x0]  }
0x47d: {  	v13 =	vld [tilespmem:s7+$0xFFFFFFA0]  }
0x47e: {  	v14 =	vld [tilespmem:s7+$0x10]  }
0x47f: {  	v15 =	vld [tilespmem:s7+$0xFFFFFF80]  }
0x480: {  	v16 =	vld [tilespmem:s11+$0x40]  }
0x481: {  	v18 =	vld [tilespmem:s7+$0xFFFFFFB0]  }
0x482: {  	v23 =	vld [tilespmem:s11+$0x10]  }
0x483: {  	v25 =	vld [tilespmem:s11+$0x60]  }
0x484: {  	v26 =	vld [tilespmem:s11+$0x70];
	v17 =	vshll.u32 v0, $0x10  }
0x485: {  	v0 =	vand.u32 $0xFFFF0000, v0;
	v19 =	vshll.u32 v10, $0x10;
	v12 =	vmul.f32 v17, v12;
	v17 =	vld [tilespmem:s11+$0x50]  }
0x486: {  	s23 =	simm.s32 $0x580;
	v28 =	vld [tilespmem:s11+$0xFFFFFFD0];
	v20 =	vshll.u32 v8, $0x10;
	v21 =	vshll.u32 v11, $0x10;
	v11 =	vand.u32 $0xFFFF0000, v11  }
0x487: {  	v30 =	vld [tilespmem:s23+$0x30];
	v22 =	vshll.u32 v13, $0x10;
	v24 =	vshll.u32 v15, $0x10;
	v27 =	vshll.u32 v14, $0x10  }
0x488: {  	v32 =	vld [tilespmem:s23+$0xFFFFFFD0];
	v15 =	vand.u32 $0xFFFF0000, v15;
	v14 =	vand.u32 $0xFFFF0000, v14;
	v0 =	vmul.f32 v0, v16  }
0x489: {  	s13 =	simm.s32 $0x2E80;
	v10 =	vand.u32 $0xFFFF0000, v10;
	v16 =	vld [tilespmem:s11+$0x30];
	v6 =	vmul.f32 v19, v6;
	v19 =	vmul.f32 v27, v23  }
0x48a: {  	v61 =	vld [tilespmem:s13+$0xFFFFFFA0];
	v12 =	vadd.f32 $0.0e+00, v12;
	v0 =	vadd.f32 $0.0e+00, v0;
	v14 =	vmul.f32 v14, v17  }
0x48b: {  	v8 =	vand.u32 $0xFFFF0000, v8;
	v9 =	vmul.f32 v24, v9;
	v5 =	vmul.f32 v21, v5;
	v17 =	vld [tilespmem:s11+$0xFFFFFFA0]  }
0x48c: {  	v35 =	vld [tilespmem:s13+$0x10];
	v10 =	vmul.f32 v10, v25;
	v12 =	vadd.f32 v19, v12;
	v0 =	vadd.f32 v14, v0  }
0x48d: {  	v7 =	vmul.f32 v15, v7;
	v8 =	vmul.f32 v8, v26;
	v9 =	vadd.f32 $0.0e+00, v9;
	v14 =	vld [tilespmem:s11+$0xFFFFFFB0]  }
0x48e: {  	v37 =	vld [tilespmem:s13+$0xFFFFFFB0];
	v16 =	vmul.f32 v20, v16;
	v6 =	vadd.f32 v6, v12;
	v0 =	vadd.f32 v10, v0  }
0x48f: {  	v21 =	vld [tilespmem:s11+$0xFFFFFFE0];
	v7 =	vadd.f32 $0.0e+00, v7;
	v5 =	vadd.f32 v5, v9;
	v10 =	vmul.f32 v11, v28  }
0x490: {  	v15 =	vld [tilespmem:s11+$0xFFFFFFF0];
	v6 =	vadd.f32 v16, v6;
	v11 =	vmul.f32 v22, v17;
	v0 =	vadd.f32 v8, v0  }
0x491: {  	v24 =	vshll.u32 v18, $0x10;
	v26 =	vld [tilespmem:s23+$0xFFFFFFA0];
	v7 =	vadd.f32 v10, v7  }
0x492: {  	s12 =	simm.s32 $0x2D80;
	v27 =	vld [tilespmem:s23+$0x70];
	v10 =	vmul.f32 v24, v14;
	v5 =	vadd.f32 v11, v5;
	v0 =	vadd.f32 v0, v6  }
0x493: {  	v9 =	vld [tilespmem:s12+$0x0]  }
0x494: {  	v20 =	vld [tilespmem:s12+$0xFFFFFF80];
	v5 =	vadd.f32 v10, v5;
	v10 =	vperm.xlane v0, v1  }
0x495: {  	v13 =	vand.u32 $0xFFFF0000, v13;
	v12 =	vld [tilespmem:s23+$0xFFFFFFB0]  }
0x496: {  	v16 =	vld [tilespmem:s12+$0xFFFFFF90];
	v8 =	vmul.f32 v13, v21;
	v0 =	vadd.f32 v0, v10  }
0x497: {  	v17 =	vld [tilespmem:s23+$0x0];
	v11 =	vand.u32 $0xFFFF0000, v18  }
0x498: {  	v22 =	vld [tilespmem:s12+$0xFFFFFFB0];
	v11 =	vmul.f32 v11, v15;
	v7 =	vadd.f32 v8, v7;
	v15 =	vperm.xlane v0, v2  }
0x499: {  	v13 =	vld [tilespmem:s12+$0x30]  }
0x49a: {  	v6 =	vld [tilespmem:s23+$0xFFFFFF90];
	v7 =	vadd.f32 v11, v7;
	v0 =	vadd.f32 v0, v15  }
0x49b: {  	v29 =	vshll.u32 v20, $0x10;
	v8 =	vld [tilespmem:s23+$0x20]  }
0x49c: {  	v20 =	vand.u32 $0xFFFF0000, v20;
	v5 =	vadd.f32 v7, v5;
	v7 =	vld [tilespmem:s23+$0xFFFFFF80];
	v19 =	vperm.xlane v0, v3  }
0x49d: {  	v21 =	vshll.u32 v9, $0x10;
	v9 =	vand.u32 $0xFFFF0000, v9;
	v24 =	vshll.u32 v16, $0x10;
	v11 =	vld [tilespmem:s23+$0xFFFFFFC0]  }
0x49e: {  	v16 =	vand.u32 $0xFFFF0000, v16;
	v14 =	vperm.xlane v5, v1;
	v0 =	vadd.f32 v0, v19;
	v19 =	vld [tilespmem:s23+$0x40]  }
0x49f: {  	v17 =	vmul.f32 v21, v17;
	v23 =	vshll.u32 v13, $0x10;
	v13 =	vand.u32 $0xFFFF0000, v13;
	v10 =	vld [tilespmem:s12+$0x20]  }
0x4a0: {  	v23 =	vmul.f32 v23, v30;
	v13 =	vmul.f32 v13, v27;
	v5 =	vadd.f32 v5, v14;
	v14 =	vld [tilespmem:s12+$0xFFFFFFA0]  }
0x4a1: {  	v17 =	vadd.f32 $0.0e+00, v17;
	v6 =	vmul.f32 v24, v6;
	v15 =	vld [tilespmem:s12+$0x10];
	v7 =	vmul.f32 v29, v7  }
0x4a2: {  	v21 =	vld [tilespmem:s23+$0x50];
	v20 =	vmul.f32 v20, v11;
	v29 =	vshll.u32 v22, $0x10;
	v18 =	vperm.xlane v5, v2  }
0x4a3: {  	s24 =	simm.s32 $0x680;
	v12 =	vmul.f32 v29, v12;
	v7 =	vadd.f32 $0.0e+00, v7;
	v9 =	vmul.f32 v9, v19;
	v19 =	vld [tilespmem:s23+$0x10]  }
0x4a4: {  	v40 =	vld [tilespmem:s24+$0x40];
	v18 =	vadd.f32 v5, v18;
	v5 =	vshll.u32 v10, $0x10;
	v10 =	vand.u32 $0xFFFF0000, v10  }
0x4a5: {  	v25 =	vshll.u32 v14, $0x10;
	v5 =	vmul.f32 v5, v8;
	v8 =	vld [tilespmem:s23+$0x60];
	v31 =	vperm.xlane v0, v4  }
0x4a6: {  	v24 =	vld [tilespmem:s23+$0xFFFFFFE0];
	v14 =	vand.u32 $0xFFFF0000, v14;
	v28 =	vshll.u32 v15, $0x10;
	v15 =	vand.u32 $0xFFFF0000, v15  }
0x4a7: {  	v43 =	vld [tilespmem:s24+$0x50];
	v6 =	vadd.f32 v6, v7;
	v15 =	vmul.f32 v15, v21;
	v0 =	vadd.f32 v0, v31  }
0x4a8: {  	v21 =	vmul.f32 v25, v26;
	v25 =	vld [tilespmem:s23+$0xFFFFFFF0];
	v9 =	vadd.f32 $0.0e+00, v9;
	v28 =	vmul.f32 v28, v19  }
0x4a9: {  	v44 =	vld [tilespmem:s24+$0xFFFFFFA0];
	v7 =	vmul.f32 v16, v32;
	v26 =	vadd.f32 $0.0e+00, v20;
	v0 =	vmul.f32 $-1.767766920e-01, v0  }
0x4aa: {  	v46 =	vld [tilespmem:s24+$0x70];
	s11 =	simm.s32 $0x2F80;
	v8 =	vmul.f32 v10, v8;
	v15 =	vadd.f32 v15, v9;
	v10 =	vadd.f32 v28, v17  }
0x4ab: {  	v60 =	vld [tilespmem:s11+$0xFFFFFF90];
	v16 =	vand.u32 $0xFFFF0000, v22;
	v14 =	vmul.f32 v14, v24;
	v17 =	vadd.f32 v7, v26  }
0x4ac: {  	v11 =	vld [tilespmem:s7+$0x70];
	v0 =	vmul.f32 $1.442695020e+00, v0;
	v8 =	vadd.f32 v8, v15;
	v5 =	vadd.f32 v5, v10  }
0x4ad: {  	v29 =	vld [tilespmem:s13+$0x20];
	v6 =	vadd.f32 v21, v6;
	v10 =	vmul.f32 v16, v25;
	v14 =	vadd.f32 v14, v17  }
0x4ae: {  	v9 =	vld [tilespmem:s7+$0x40];
	(erf) = vpow2.f32 v0;
	v8 =	vadd.f32 v13, v8;
	v0 =	vadd.f32 v23, v5  }
0x4af: {  	v6 =	vadd.f32 v12, v6;
	v19 =	vld [tilespmem:s7+$0xFFFFFFD0];
	v16 =	vperm.xlane v18, v3;
	v10 =	vadd.f32 v10, v14  }
0x4b0: {  	v42 =	vshll.u32 v61, $0x10;
	v45 =	vshll.u32 v35, $0x10;
	v15 =	vld [tilespmem:s7+$0x50];
	v0 =	vadd.f32 v8, v0  }
0x4b1: {  	v51 =	vmul.f32 v42, v44;
	v13 =	vld [tilespmem:s7+$0x60];
	v8 =	vadd.f32 v18, v16;
	v6 =	vadd.f32 v10, v6  }
0x4b2: {  	v42 =	vand.u32 $0xFFFF0000, v60;
	v32 =	vand.u32 $0xFFFF0000, v61;
	v24 =	vshll.u32 v11, $0x10;
	v17 =	vld [tilespmem:s13+$0x0]  }
0x4b3: {  	v63 =	vld [tilespmem:s24+$0xFFFFFFD0];
	v38 =	vshll.u32 v29, $0x10;
	v12 =	vperm.xlane v8, v4;
	v21 =	vperm.xlane v6, v1  }
0x4b4: {  	v41 =	vand.u32 $0xFFFF0000, v9;
	v9 =	vshll.u32 v9, $0x10;
	v23 =	vld [tilespmem:s13+$0x30];
	v10 =	vperm.xlane v0, v1  }
0x4b5: {  	v20 =	vld [tilespmem:s12+$0x70];
	v44 =	vand.u32 $0xFFFF0000, v19;
	v8 =	vadd.f32 v8, v12;
	v21 =	vadd.f32 v6, v21  }
0x4b6: {  	v7 =	vld [tilespmem:s12+$0xFFFFFFD0];
	v36 =	vand.u32 $0xFFFF0000, v15;
	v34 =	vshll.u32 v13, $0x10;
	v0 =	vadd.f32 v0, v10  }
0x4b7: {  	v55 =	vld [tilespmem:s7+$0xFFFFFFF0];
	v31 =	vshll.u32 v17, $0x10;
	v17 =	vand.u32 $0xFFFF0000, v17;
	v28 =	vperm.xlane v21, v2  }
0x4b8: {  	v18 =	vld [tilespmem:s24+$0x20];
	v13 =	vand.u32 $0xFFFF0000, v13;
	v17 =	vmul.f32 v17, v40;
	v26 =	vperm.xlane v0, v2  }
0x4b9: {  	v5 =	vld [tilespmem:s13+$0x70];
	v39 =	vshll.u32 v23, $0x10;
	v27 =	vmul.f32 $-1.767766920e-01, v8;
	v8 =	vpop (erf);
	v21 =	vadd.f32 v21, v28  }
0x4ba: {  	v10 =	vshll.u32 v19, $0x10;
	v0 =	vadd.f32 v0, v26;
	v28 =	vld [tilespmem:s24+$0x0];
	v30 =	vadd.f32 $1.000000000e+00, v8  }
0x4bb: {  	v12 =	vshll.u32 v20, $0x10;
	v6 =	vshll.u32 v7, $0x10;
	v26 =	vld [tilespmem:s13+$0xFFFFFF90];
	v33 =	vperm.xlane v21, v3  }
0x4bc: {  	v16 =	vld [tilespmem:s24+$0xFFFFFF90];
	v17 =	vadd.f32 $0.0e+00, v17;
	(erf) = vrcp.f32 v30;
	v30 =	vperm.xlane v0, v3  }
0x4bd: {  	v22 =	vld [tilespmem:s24+$0xFFFFFFC0];
	v19 =	vand.u32 $0xFFFF0000, v20;
	v18 =	vmul.f32 v38, v18;
	v21 =	vadd.f32 v21, v33  }
0x4be: {  	v27 =	vmul.f32 $1.442695020e+00, v27;
	v0 =	vadd.f32 v0, v30;
	v30 =	vshll.u32 v15, $0x10;
	v15 =	vld [tilespmem:s13+$0xFFFFFF80]  }
0x4bf: {  	v25 =	vld [tilespmem:s24+$0xFFFFFF80];
	v20 =	vand.u32 $0xFFFF0000, v55;
	v28 =	vmul.f32 v31, v28;
	v31 =	vperm.xlane v21, v4  }
0x4c0: {  	v14 =	vld [tilespmem:s24+$0xFFFFFFB0];
	v8 =	vshll.u32 v5, $0x10;
	v62 =	vshll.u32 v26, $0x10;
	v49 =	vperm.xlane v0, v4  }
0x4c1: {  	v48 =	vld [tilespmem:s24+$0x30];
	v26 =	vand.u32 $0xFFFF0000, v26;
	v16 =	vmul.f32 v62, v16;
	v21 =	vadd.f32 v21, v31  }
0x4c2: {  	v26 =	vmul.f32 v26, v63;
	v63 =	vld [tilespmem:s11+$0xFFFFFFA0];
	v28 =	vadd.f32 $0.0e+00, v28;
	v0 =	vadd.f32 v0, v49  }
0x4c3: {  	v49 =	vld [tilespmem:s24+$0x10];
	v31 =	vshll.u32 v15, $0x10;
	v47 =	vand.u32 $0xFFFF0000, v15;
	v15 =	vmul.f32 $-1.767766920e-01, v21  }
0x4c4: {  	v50 =	vld [tilespmem:s24+$0x60];
	v21 =	vshll.u32 v37, $0x10;
	v25 =	vmul.f32 v31, v25;
	v31 =	vand.u32 $0xFFFF0000, v35  }
0x4c5: {  	v54 =	vld [tilespmem:s7+$0xFFFFFFE0];
	v22 =	vmul.f32 v47, v22;
	v53 =	vmul.f32 v21, v14;
	v14 =	vand.u32 $0xFFFF0000, v29  }
0x4c6: {  	v52 =	vld [tilespmem:s24+$0xFFFFFFE0];
	v21 =	vand.u32 $0xFFFF0000, v23;
	v23 =	vmul.f32 v39, v48;
	v25 =	vadd.f32 $0.0e+00, v25  }
0x4c7: {  	v0 =	vmul.f32 $-1.767766920e-01, v0;
	v33 =	vand.u32 $0xFFFF0000, v63;
	v31 =	vmul.f32 v31, v43  }
0x4c8: {  	v29 =	vld [tilespmem:s24+$0xFFFFFFF0];
	v21 =	vmul.f32 v21, v46;
	v16 =	vadd.f32 v16, v25;
	v25 =	vmul.f32 v45, v49  }
0x4c9: {  	v14 =	vmul.f32 v14, v50;
	v22 =	vadd.f32 $0.0e+00, v22;
	v17 =	vadd.f32 v31, v17  }
0x4ca: {  	s15 =	simm.s32 $0x780;
	v46 =	vshll.u32 v54, $0x10;
	v0 =	vmul.f32 $1.442695020e+00, v0;
	v25 =	vadd.f32 v25, v28  }
0x4cb: {  	v61 =	vld [tilespmem:s15+$0x0];
	v31 =	vmul.f32 v32, v52;
	v14 =	vadd.f32 v14, v17;
	v17 =	vadd.f32 v26, v22  }
0x4cc: {  	v40 =	vld [tilespmem:s11+$0x30];
	(erf) = vpow2.f32 v0;
	v28 =	vand.u32 $0xFFFF0000, v37;
	v18 =	vadd.f32 v18, v25  }
0x4cd: {  	v38 =	vld [tilespmem:s15+$0xFFFFFF90];
	v16 =	vadd.f32 v51, v16;
	v22 =	vmul.f32 v28, v29;
	v17 =	vadd.f32 v31, v17  }
0x4ce: {  	v43 =	vld [tilespmem:s15+$0xFFFFFF80];
	v45 =	vshll.u32 v55, $0x10;
	v25 =	vadd.f32 v21, v14;
	v18 =	vadd.f32 v23, v18  }
0x4cf: {  	v55 =	vld [tilespmem:s15+$0x40];
	v0 =	vpop (erf);
	(erf) = vpow2.f32 v27;
	v17 =	vadd.f32 v22, v17;
	v23 =	vadd.f32 v53, v16  }
0x4d0: {  	v26 =	vld [tilespmem:s7+$0xFFFFFFC0];
	v28 =	vmul.f32 v9, v0;
	v29 =	vmul.f32 v41, v0;
	v18 =	vadd.f32 v25, v18  }
0x4d1: {  	v27 =	vld [tilespmem:s15+$0x20];
	v31 =	vmul.f32 v34, v0;
	v34 =	vmul.f32 v13, v0;
	v17 =	vadd.f32 v17, v23  }
0x4d2: {  	v9 =	vld [tilespmem:s11+$0x70];
	v35 =	vmul.f32 v24, v0;
	v13 =	vand.u32 $0xFFFF0000, v11;
	v24 =	vperm.xlane v18, v1  }
0x4d3: {  	v41 =	vand.u32 $0xFFFF0000, v54;
	v16 =	vmul.f32 v30, v0;
	v30 =	vld [tilespmem:s11+$0x0];
	v56 =	vperm.xlane v17, v1  }
0x4d4: {  	v54 =	vshll.u32 v60, $0x10;
	v22 =	vmul.f32 v36, v0;
	v25 =	vld [tilespmem:s12+$0x50];
	v24 =	vadd.f32 v18, v24  }
0x4d5: {  	[tilespmem:s7+$0x0] =	vst v28;
	v28 =	vmul.f32 v54, v38;
	v0 =	vmul.f32 v13, v0;
	v23 =	vld [tilespmem:s12+$0x60];
	v37 =	vadd.f32 v17, v56  }
0x4d6: {  	v21 =	vld [tilespmem:s12+$0x40];
	v53 =	vshll.u32 v40, $0x10;
	v17 =	vpop (erf);
	v18 =	vshll.u32 v26, $0x10;
	v57 =	vperm.xlane v24, v2  }
0x4d7: {  	v58 =	vadd.f32 $1.000000000e+00, v17;
	v17 =	vand.u32 $0xFFFF0000, v26;
	v26 =	vld [tilespmem:s11+$0x20];
	v59 =	vperm.xlane v37, v2  }
0x4d8: {  	v14 =	vld [tilespmem:s13+$0xFFFFFFD0];
	v39 =	vshll.u32 v30, $0x10;
	v30 =	vand.u32 $0xFFFF0000, v30;
	v24 =	vadd.f32 v24, v57  }
0x4d9: {  	v36 =	vld [tilespmem:s15+$0xFFFFFFB0];
	v13 =	vshll.u32 v9, $0x10;
	v30 =	vmul.f32 v30, v55;
	v37 =	vadd.f32 v37, v59  }
0x4da: {  	v38 =	vld [tilespmem:s15+$0xFFFFFFE0];
	v49 =	vshll.u32 v23, $0x10;
	v47 =	vshll.u32 v25, $0x10;
	v62 =	vperm.xlane v24, v3  }
0x4db: {  	v51 =	vand.u32 $0xFFFF0000, v25;
	v25 =	vld [tilespmem:s11+$0x10];
	(erf) = vrcp.f32 v58;
	v58 =	vperm.xlane v37, v3  }
0x4dc: {  	v50 =	vand.u32 $0xFFFF0000, v23;
	v52 =	vshll.u32 v26, $0x10;
	v59 =	vpop (erf);
	v23 =	vadd.f32 v24, v62;
	v24 =	vld [tilespmem:s11+$0xFFFFFF80]  }
0x4dd: {  	v48 =	vadd.f32 $1.000000000e+00, v59;
	v52 =	vmul.f32 v52, v27;
	v27 =	vld [tilespmem:s15+$0x60];
	v37 =	vadd.f32 v37, v58  }
0x4de: {  	v11 =	vshll.u32 v14, $0x10;
	v32 =	vmul.f32 v39, v61;
	v54 =	vadd.f32 $0.0e+00, v30;
	v57 =	vld [tilespmem:s15+$0x50]  }
0x4df: {  	v30 =	vand.u32 $0xFFFF0000, v40;
	v58 =	vld [tilespmem:s11+$0xFFFFFFB0];
	(erf) = vrcp.f32 v48;
	v60 =	vperm.xlane v37, v4  }
0x4e0: {  	v61 =	vld [tilespmem:s15+$0xFFFFFFC0];
	v26 =	vand.u32 $0xFFFF0000, v26;
	v59 =	vshll.u32 v63, $0x10;
	v62 =	vadd.f32 $0.0e+00, v32  }
0x4e1: {  	v48 =	vld [tilespmem:s15+$0xFFFFFFA0];
	v37 =	vadd.f32 v37, v60;
	v60 =	vperm.xlane v23, v4;
	v39 =	vshll.u32 v24, $0x10  }
0x4e2: {  	v26 =	vmul.f32 v26, v27;
	v32 =	vmul.f32 v39, v43;
	v39 =	vshll.u32 v25, $0x10;
	v43 =	vld [tilespmem:s15+$0x30]  }
0x4e3: {  	v55 =	vld [tilespmem:s15+$0x70];
	v25 =	vand.u32 $0xFFFF0000, v25;
	v23 =	vadd.f32 v23, v60;
	v60 =	vand.u32 $0xFFFF0000, v24  }
0x4e4: {  	v24 =	vmul.f32 $-1.767766920e-01, v37;
	v37 =	vmul.f32 v25, v57;
	v25 =	vshll.u32 v58, $0x10  }
0x4e5: {  	[tilespmem:s7+$0x40] =	vst v29;
	v29 =	vmul.f32 v60, v61;
	v61 =	vld [tilespmem:s15+$0x10];
	v32 =	vadd.f32 $0.0e+00, v32;
	v23 =	vmul.f32 $-1.767766920e-01, v23  }
0x4e6: {  	[tilespmem:s7+$0x20] =	vst v31;
	v31 =	vld [tilespmem:s15+$0xFFFFFFF0];
	v56 =	vand.u32 $0xFFFF0000, v21;
	v48 =	vmul.f32 v59, v48;
	v36 =	vmul.f32 v25, v36  }
0x4e7: {  	[tilespmem:s7+$0x60] =	vst v34;
	v63 =	vld [tilespmem:s15+$0xFFFFFFD0];
	v25 =	vpop (erf);
	v28 =	vadd.f32 v28, v32;
	v23 =	vmul.f32 $1.442695020e+00, v23;
	v40 =	vmul.f32 v53, v43  }
0x4e8: {  	[tilespmem:s7+$0x30] =	vst v35;
	v54 =	vadd.f32 v37, v54;
	v53 =	vmul.f32 v30, v55;
	v30 =	vpop (erf);
	v55 =	vmul.f32 v33, v38  }
0x4e9: {  	[tilespmem:s7+$0x70] =	vst v0;
	v20 =	vmul.f32 v20, v30;
	v0 =	vadd.f32 v48, v28;
	v27 =	vmul.f32 v44, v30  }
0x4ea: {  	[tilespmem:s7+$0x50] =	vst v22;
	v28 =	vand.u32 $0xFFFF0000, v58;
	v59 =	vmul.f32 v39, v61;
	v61 =	vmul.f32 v41, v30  }
0x4eb: {  	v60 =	vadd.f32 v26, v54;
	v26 =	vld [tilespmem:s12+$0xFFFFFFE0];
	(erf) = vpow2.f32 v23;
	v32 =	vmul.f32 v28, v31;
	[tilespmem:s7+$0xFFFFFFF0] =	vst v20  }
0x4ec: {  	v29 =	vadd.f32 $0.0e+00, v29;
	v23 =	vld [tilespmem:s13+$0x50];
	v31 =	vmul.f32 v42, v63;
	v63 =	vmul.f32 v56, v25;
	[tilespmem:s7+$0xFFFFFFD0] =	vst v27  }
0x4ed: {  	v28 =	vld [tilespmem:s12+$0xFFFFFFF0];
	v20 =	vshll.u32 v21, $0x10;
	v21 =	vmul.f32 v46, v30;
	v22 =	vadd.f32 v59, v62;
	[tilespmem:s7+$0xFFFFFFE0] =	vst v61  }
0x4ee: {  	v35 =	vmul.f32 v50, v25;
	v27 =	vld [tilespmem:s12+$0xFFFFFFC0];
	v62 =	vmul.f32 v45, v30;
	v29 =	vadd.f32 v31, v29;
	[tilespmem:s12+$0x40] =	vst v63  }
0x4ef: {  	v34 =	vadd.f32 v36, v0;
	v31 =	vmul.f32 v20, v25;
	v20 =	vld [tilespmem:s11+$0xFFFFFFD0];
	[tilespmem:s7+$0xFFFFFFA0] =	vst v21;
	v0 =	vadd.f32 v52, v22  }
0x4f0: {  	v33 =	vadd.f32 v53, v60;
	v36 =	vmul.f32 v49, v25;
	v21 =	vld [tilespmem:s13+$0x40];
	[tilespmem:s7+$0xFFFFFFB0] =	vst v62;
	v37 =	vadd.f32 v55, v29  }
0x4f1: {  	s16 =	simm.s32 $0x6;
	s20 =	simm.s32 $0x3080;
	v22 =	vmul.f32 v51, v25;
	[tilespmem:s12+$0x0] =	vst v31;
	v31 =	vmul.f32 v47, v25;
	v29 =	vld [tilespmem:s13+$0x60];
	v38 =	vadd.f32 v40, v0  }
.LBB2_16:
0x4f2: {  	v0 =	vld [tilespmem:s20+$0x0];
	s16 =	sadd.s32 $0x2, s16;
	v32 =	vadd.f32 v32, v37;
	s15 =	sadd.s32 $0x100, s15;
	v18 =	vmul.f32 v18, v30;
	v17 =	vmul.f32 v17, v30;
	[tilespmem:s7+$0x10] =	vst v16  }
0x4f3: {  	v37 =	vld [tilespmem:s20+$0x70];
	p1 =	slt.u32 s16, $0x4E;
	v33 =	vadd.f32 v33, v38;
	[tilespmem:s12+$0x20] =	vst v36;
	v36 =	vmul.f32 v12, v25;
	v38 =	vmul.f32 v10, v30  }
0x4f4: {  	v19 =	vmul.f32 v19, v25;
	v10 =	vmovc v6;
	v30 =	vld [tilespmem:s15+$0xFFFFFFB0];
	v32 =	vadd.f32 v32, v34;
	v41 =	vshll.u32 v20, $0x10;
	[tilespmem:s12+$0x60] =	vst v35  }
0x4f5: {  	v6 =	vmovc v11;
	v12 =	vmovc v8;
	v35 =	vmul.f32 $1.442695020e+00, v15;
	v34 =	vld [tilespmem:s15+$0xFFFFFF90];
	v25 =	vperm.xlane v33, v1;
	[tilespmem:s7+$0xFFFFFFC0] =	vst v17;
	v11 =	vmov v41  }
0x4f6: {  	v16 =	vmovc v31;
	v8 =	vmov v13;
	v15 =	vmov v24;
	v39 =	vld [tilespmem:s15+$0x20];
	v40 =	vperm.xlane v32, v1;
	[tilespmem:s7+$0xFFFFFF80] =	vst v18  }
0x4f7: {  	v31 =	vld [tilespmem:s15+$0xFFFFFFC0];
	v24 =	vshll.u32 v0, $0x10;
	v25 =	vadd.f32 v33, v25;
	(erf) = vpow2.f32 v35;
	[tilespmem:s7+$0xFFFFFF90] =	vst v38;
	s7 =	smov.u32 s12;
	s12 =	smov.u32 s13;
	s13 =	smov.u32 s11  }
0x4f8: {  	v0 =	vand.u32 $0xFFFF0000, v0;
	s11 =	smov.u32 s20;
	v33 =	vld [tilespmem:s20+$0x30];
	v13 =	vshll.u32 v37, $0x10;
	v32 =	vadd.f32 v32, v40;
	v17 =	vpop (erf);
	[tilespmem:s7+$0x30] =	vst v36  }
0x4f9: {  	v35 =	vld [tilespmem:s15+$0xFFFFFF80];
	v36 =	vperm.xlane v25, v2;
	v38 =	vadd.f32 $1.000000000e+00, v17;
	v17 =	vand.u32 $0xFFFF0000, v27;
	[tilespmem:s7+$0x70] =	vst v19  }
0x4fa: {  	v41 =	vshll.u32 v28, $0x10;
	v18 =	vshll.u32 v27, $0x10;
	v40 =	vld [tilespmem:s20+$0xFFFFFFB0];
	v19 =	vperm.xlane v32, v2  }
0x4fb: {  	v27 =	vld [tilespmem:s20+$0x20];
	v25 =	vadd.f32 v25, v36;
	(erf) = vrcp.f32 v38;
	v36 =	vand.u32 $0xFFFF0000, v26  }
0x4fc: {  	v42 =	vand.u32 $0xFFFF0000, v7;
	v43 =	vshll.u32 v26, $0x10;
	v7 =	vmovc v14;
	v14 =	vmovc v20;
	v38 =	vld [tilespmem:s20+$0xFFFFFF90];
	v32 =	vadd.f32 v32, v19  }
0x4fd: {  	v28 =	vand.u32 $0xFFFF0000, v28;
	v19 =	vand.u32 $0xFFFF0000, v5;
	v5 =	vmovc v9;
	v9 =	vmovc v37;
	v20 =	vld [tilespmem:s15+$0x0];
	v26 =	vperm.xlane v25, v3  }
0x4fe: {  	v45 =	vshll.u32 v29, $0x10;
	v46 =	vand.u32 $0xFFFF0000, v29;
	v37 =	vld [tilespmem:s20+$0xFFFFFFA0];
	v44 =	vperm.xlane v32, v3  }
0x4ff: {  	v47 =	vshll.u32 v23, $0x10;
	v48 =	vand.u32 $0xFFFF0000, v23;
	v29 =	vld [tilespmem:s20+$0x10];
	v26 =	vadd.f32 v25, v26  }
0x500: {  	v50 =	vshll.u32 v33, $0x10;
	v23 =	vld [tilespmem:s20+$0xFFFFFF80];
	v49 =	vshll.u32 v27, $0x10;
	v25 =	vadd.f32 v32, v44;
	v32 =	vpop (erf)  }
0x501: {  	v44 =	vshll.u32 v38, $0x10;
	v38 =	vand.u32 $0xFFFF0000, v38;
	v51 =	vld [tilespmem:s15+$0x40];
	v32 =	vadd.f32 $1.000000000e+00, v32  }
0x502: {  	v53 =	vand.u32 $0xFFFF0000, v21;
	v20 =	vmul.f32 v24, v20;
	v52 =	vld [tilespmem:s15+$0x70];
	v24 =	vperm.xlane v25, v4  }
0x503: {  	v54 =	vshll.u32 v37, $0x10;
	v37 =	vand.u32 $0xFFFF0000, v37;
	v55 =	vld [tilespmem:s15+$0x50];
	(erf) = vrcp.f32 v32  }
0x504: {  	v32 =	vld [tilespmem:s15+$0xFFFFFFA0];
	v20 =	vadd.f32 $0.0e+00, v20;
	v56 =	vshll.u32 v29, $0x10;
	v24 =	vadd.f32 v25, v24;
	v25 =	vpop (erf)  }
0x505: {  	v59 =	vperm.xlane v26, v4;
	v57 =	vshll.u32 v23, $0x10;
	v23 =	vand.u32 $0xFFFF0000, v23;
	v58 =	vld [tilespmem:s15+$0x30]  }
0x506: {  	v29 =	vand.u32 $0xFFFF0000, v29;
	v35 =	vmul.f32 v57, v35;
	v57 =	vld [tilespmem:s15+$0xFFFFFFD0];
	v24 =	vmul.f32 $-1.767766920e-01, v24  }
0x507: {  	v60 =	vshll.u32 v40, $0x10;
	v26 =	vadd.f32 v26, v59;
	v0 =	vmul.f32 v0, v51  }
0x508: {  	v39 =	vmul.f32 v49, v39;
	v35 =	vadd.f32 $0.0e+00, v35;
	v29 =	vmul.f32 v29, v55;
	v51 =	vld [tilespmem:s15+$0x60]  }
0x509: {  	v34 =	vmul.f32 v44, v34;
	v0 =	vadd.f32 $0.0e+00, v0;
	v44 =	vld [tilespmem:s15+$0xFFFFFFE0];
	v32 =	vmul.f32 v54, v32  }
0x50a: {  	v27 =	vand.u32 $0xFFFF0000, v27;
	v23 =	vmul.f32 v23, v31;
	v31 =	vmul.f32 v60, v30;
	v49 =	vld [tilespmem:s15+$0x10]  }
0x50b: {  	v59 =	vand.u32 $0xFFFF0000, v33;
	v55 =	vmul.f32 $-1.767766920e-01, v26;
	v50 =	vmul.f32 v50, v58;
	v54 =	vld [tilespmem:s15+$0xFFFFFFF0]  }
0x50c: {  	v33 =	vmul.f32 v59, v52;
	v23 =	vadd.f32 $0.0e+00, v23;
	v26 =	vadd.f32 v34, v35;
	v30 =	vpop (erf)  }
0x50d: {  	v0 =	vadd.f32 v29, v0;
	v27 =	vmul.f32 v27, v51;
	v28 =	vmul.f32 v28, v30  }
0x50e: {  	v29 =	vadd.f32 v32, v26;
	v34 =	vmul.f32 v42, v30;
	v35 =	vmul.f32 v37, v44  }
0x50f: {  	v26 =	vand.u32 $0xFFFF0000, v40;
	v37 =	vmul.f32 v56, v49;
	v0 =	vadd.f32 v27, v0;
	[tilespmem:s7+$0xFFFFFFF0] =	vst v28  }
0x510: {  	v40 =	vshll.u32 v21, $0x10;
	v21 =	vmul.f32 v43, v30;
	v32 =	vmul.f32 v26, v54;
	v26 =	vld [tilespmem:s12+$0xFFFFFFE0];
	[tilespmem:s7+$0xFFFFFFD0] =	vst v34  }
0x511: {  	v34 =	vmul.f32 v38, v57;
	v33 =	vadd.f32 v33, v0;
	v28 =	vld [tilespmem:s12+$0xFFFFFFF0];
	v0 =	vmul.f32 v36, v30;
	[tilespmem:s7+$0x50] =	vst v22  }
.Ltmp9:
0x512: {  	v22 =	vadd.f32 v37, v20;
	v36 =	vmul.f32 $1.442695020e+00, v55;
	v37 =	vmul.f32 v41, v30;
	v27 =	vld [tilespmem:s12+$0xFFFFFFC0];
	[tilespmem:s7+$0xFFFFFFA0] =	vst v21;
	(pc) =	sbr.rel @p1 .LBB2_16-.Ltmp9, $4  }
0x513: {  	v38 =	vmul.f32 v40, v25;
	v40 =	vmul.f32 v53, v25;
	v23 =	vadd.f32 v34, v23;
	v21 =	vld [tilespmem:s13+$0x40];
	[tilespmem:s7+$0xFFFFFFE0] =	vst v0  }
0x514: {  	v34 =	vadd.f32 v31, v29;
	v0 =	vadd.f32 v39, v22;
	v20 =	vld [tilespmem:s20+$0xFFFFFFD0];
	(erf) = vpow2.f32 v36;
	[tilespmem:s7+$0xFFFFFFB0] =	vst v37  }
0x515: {  	v31 =	vmul.f32 v47, v25;
	v22 =	vmul.f32 v48, v25;
	v37 =	vadd.f32 v35, v23;
	v23 =	vld [tilespmem:s13+$0x50];
	[tilespmem:s12+$0x0] =	vst v38  }
0x516: {  	s20 =	sadd.s32 $0x100, s20;
	v36 =	vmul.f32 v45, v25;
	v35 =	vmul.f32 v46, v25;
	v38 =	vadd.f32 v50, v0;
	v29 =	vld [tilespmem:s13+$0x60];
	[tilespmem:s12+$0x40] =	vst v40  }
0x517: {  	_ = 	snop  }
0x518: {  	v0 =	vadd.f32 v33, v38;
	_ =	sdelay $0x1  }
0x519: {  	v33 =	vperm.xlane v0, v1;
	_ =	sdelay $0x1  }
0x51a: {  	v0 =	vadd.f32 v0, v33;
	_ =	sdelay $0x1  }
0x51b: {  	v15 =	vmul.f32 $1.442695020e+00, v15;
	v33 =	vperm.xlane v0, v2;
	_ =	sdelay $0x1  }
0x51c: {  	(erf) = vpow2.f32 v15;
	v0 =	vadd.f32 v0, v33;
	_ =	sdelay $0x1  }
0x51d: {  	v53 =	vperm.xlane v0, v3;
	_ =	sdelay $0x1  }
0x51e: {  	v0 =	vadd.f32 v0, v53;
	_ =	sdelay $0x1  }
0x51f: {  	v54 =	vadd.f32 v32, v37;
	v55 =	vperm.xlane v0, v4;
	_ =	sdelay $0x1  }
0x520: {  	v15 =	vadd.f32 v54, v34;
	v56 =	vpop (erf);
	v0 =	vadd.f32 v0, v55  }
0x521: {  	v33 =	vadd.f32 $1.000000000e+00, v56;
	v57 =	vpop (erf)  }
0x522: {  	v58 =	vperm.xlane v15, v1;
	v34 =	vadd.f32 $1.000000000e+00, v57;
	v0 =	vmul.f32 $-1.767766920e-01, v0  }
0x523: {  	(erf) = vrcp.f32 v33  }
0x524: {  	v15 =	vadd.f32 v15, v58;
	(erf) = vrcp.f32 v34;
	v0 =	vmul.f32 $1.442695020e+00, v0  }
0x525: {  	v24 =	vmul.f32 $1.442695020e+00, v24;
	[tilespmem:s7+$0x10] =	vst v16  }
0x526: {  	[tilespmem:s12+$0x50] =	vst v22;
	v32 =	vperm.xlane v15, v2;
	(erf) = vpow2.f32 v0  }
0x527: {  	[tilespmem:s12+$0x10] =	vst v31;
	(erf) = vpow2.f32 v24  }
0x528: {  	v59 =	vmul.f32 v17, v30;
	[tilespmem:s12+$0x20] =	vst v36;
	v0 =	vadd.f32 v15, v32  }
0x529: {  	v60 =	vmul.f32 v18, v30;
	[tilespmem:s12+$0x60] =	vst v35  }
0x52a: {  	v10 =	vmul.f32 v10, v30;
	[tilespmem:s7+$0xFFFFFFC0] =	vst v59;
	v61 =	vperm.xlane v0, v3  }
0x52b: {  	v12 =	vmul.f32 v12, v25;
	[tilespmem:s7+$0xFFFFFF80] =	vst v60  }
0x52c: {  	v63 =	vmul.f32 v19, v25;
	v37 =	vshll.u32 v21, $0x10;
	[tilespmem:s7+$0xFFFFFF90] =	vst v10;
	v62 =	vpop (erf);
	v0 =	vadd.f32 v0, v61  }
0x52d: {  	[tilespmem:s12+$0x30] =	vst v12;
	v39 =	vmul.f32 v37, v62;
	v25 =	vpop (erf);
	v24 =	vand.u32 $0xFFFF0000, v28  }
0x52e: {  	v7 =	vand.u32 $0xFFFF0000, v7;
	[tilespmem:s12+$0x70] =	vst v63;
	v10 =	vmul.f32 v24, v25;
	v30 =	vperm.xlane v0, v4  }
0x52f: {  	v46 =	vand.u32 $0xFFFF0000, v23;
	v33 =	vshll.u32 v26, $0x10;
	[tilespmem:s13+$0x0] =	vst v39;
	v7 =	vmul.f32 v7, v25;
	v34 =	vpop (erf)  }
0x530: {  	v8 =	vmul.f32 v8, v62;
	[tilespmem:s12+$0xFFFFFFF0] =	vst v10;
	v0 =	vadd.f32 v0, v30;
	v10 =	vadd.f32 $1.000000000e+00, v34;
	v36 =	vpop (erf)  }
0x531: {  	v48 =	vmul.f32 v46, v62;
	[tilespmem:s12+$0xFFFFFFD0] =	vst v7;
	v7 =	vmul.f32 v33, v25;
	v18 =	vadd.f32 $1.000000000e+00, v36  }
0x532: {  	v35 =	vand.u32 $0xFFFF0000, v26;
	[tilespmem:s13+$0x30] =	vst v8;
	v0 =	vmul.f32 $-1.767766920e-01, v0;
	(erf) = vrcp.f32 v10  }
0x533: {  	v32 =	vshll.u32 v28, $0x10;
	[tilespmem:s13+$0x50] =	vst v48;
	v12 =	vmul.f32 v35, v25;
	(erf) = vrcp.f32 v18  }
0x534: {  	[tilespmem:s12+$0xFFFFFFA0] =	vst v7;
	v7 =	vmul.f32 v32, v25;
	v0 =	vmul.f32 $1.442695020e+00, v0  }
0x535: {  	v40 =	vand.u32 $0xFFFF0000, v29;
	v6 =	vmul.f32 v6, v25;
	[tilespmem:s12+$0xFFFFFFE0] =	vst v12  }
0x536: {  	v44 =	vld [tilespmem:s11+$0x40];
	v12 =	vmul.f32 v40, v62;
	[tilespmem:s12+$0xFFFFFFB0] =	vst v7;
	v7 =	vshll.u32 v29, $0x10;
	(erf) = vpow2.f32 v0  }
0x537: {  	v42 =	vld [tilespmem:s13+$0xFFFFFFF0];
	v38 =	vand.u32 $0xFFFF0000, v21;
	[tilespmem:s12+$0xFFFFFF90] =	vst v6;
	v7 =	vmul.f32 v7, v62  }
0x538: {  	[tilespmem:s13+$0x60] =	vst v12;
	v10 =	vmul.f32 v38, v62;
	v0 =	vshll.u32 v27, $0x10  }
0x539: {  	v41 =	vand.u32 $0xFFFF0000, v27;
	[tilespmem:s13+$0x20] =	vst v7;
	v0 =	vmul.f32 v0, v25  }
0x53a: {  	v5 =	vand.u32 $0xFFFF0000, v5;
	v7 =	vld [tilespmem:s13+$0xFFFFFFE0];
	[tilespmem:s13+$0x40] =	vst v10;
	v10 =	vmul.f32 v41, v25  }
0x53b: {  	v52 =	vshll.u32 v44, $0x10;
	[tilespmem:s12+$0xFFFFFF80] =	vst v0;
	v0 =	vmul.f32 v5, v62;
	v43 =	vpop (erf)  }
0x53c: {  	v45 =	vand.u32 $0xFFFF0000, v14;
	[tilespmem:s12+$0xFFFFFFC0] =	vst v10;
	v5 =	vand.u32 $0xFFFF0000, v42;
	v6 =	vpop (erf);
	v14 =	vmul.f32 v52, v43  }
0x53d: {  	[tilespmem:s13+$0x70] =	vst v0;
	v5 =	vmul.f32 v5, v6  }
0x53e: {  	v12 =	vand.u32 $0xFFFF0000, v44;
	v0 =	vmul.f32 v45, v6;
	[tilespmem:s11+$0x0] =	vst v14  }
0x53f: {  	v49 =	vshll.u32 v7, $0x10;
	v12 =	vmul.f32 v12, v43;
	v50 =	vpop (erf);
	[tilespmem:s13+$0xFFFFFFF0] =	vst v5;
	v5 =	vld [tilespmem:s11+$0x60]  }
0x540: {  	v7 =	vand.u32 $0xFFFF0000, v7;
	v51 =	vadd.f32 $1.000000000e+00, v50;
	[tilespmem:s13+$0xFFFFFFD0] =	vst v0;
	v0 =	vmul.f32 v49, v6  }
0x541: {  	v16 =	vshll.u32 v42, $0x10;
	v53 =	vld [tilespmem:s11+$0x50];
	v7 =	vmul.f32 v7, v6;
	[tilespmem:s11+$0x40] =	vst v12  }
0x542: {  	v47 =	vld [tilespmem:s13+$0xFFFFFFC0];
	(erf) = vrcp.f32 v51;
	[tilespmem:s13+$0xFFFFFFA0] =	vst v0;
	v0 =	vmul.f32 v16, v6  }
0x543: {  	v56 =	vmul.f32 v13, v43;
	[tilespmem:s13+$0xFFFFFFE0] =	vst v7;
	v7 =	vshll.u32 v23, $0x10  }
0x544: {  	[tilespmem:s13+$0xFFFFFFB0] =	vst v0;
	v0 =	vmul.f32 v7, v62;
	v7 =	vshll.u32 v5, $0x10  }
0x545: {  	[tilespmem:s11+$0x30] =	vst v56;
	v5 =	vand.u32 $0xFFFF0000, v5;
	v7 =	vmul.f32 v7, v43  }
0x546: {  	v58 =	vand.u32 $0xFFFF0000, v53;
	v5 =	vmul.f32 v5, v43;
	[tilespmem:s13+$0x10] =	vst v0  }
0x547: {  	v55 =	vld [tilespmem:s11+$0xFFFFFFF0];
	v60 =	vmul.f32 v58, v43;
	v0 =	vshll.u32 v47, $0x10;
	[tilespmem:s11+$0x20] =	vst v7  }
0x548: {  	v54 =	vand.u32 $0xFFFF0000, v47;
	v0 =	vmul.f32 v0, v6;
	[tilespmem:s11+$0x60] =	vst v5;
	v5 =	vld [tilespmem:s11+$0xFFFFFFE0];
	v7 =	vand.u32 $0xFFFF0000, v9  }
0x549: {  	v12 =	vmul.f32 v54, v6;
	[tilespmem:s11+$0x50] =	vst v60;
	v6 =	vmul.f32 v11, v6  }
0x54a: {  	[tilespmem:s13+$0xFFFFFF80] =	vst v0;
	v0 =	vmul.f32 v7, v43  }
0x54b: {  	v57 =	vand.u32 $0xFFFF0000, v20;
	[tilespmem:s13+$0xFFFFFF90] =	vst v6;
	v7 =	vpop (erf)  }
0x54c: {  	v59 =	vld [tilespmem:s11+$0xFFFFFFC0];
	v6 =	vand.u32 $0xFFFF0000, v55;
	[tilespmem:s11+$0x70] =	vst v0;
	v0 =	vmul.f32 v57, v7  }
0x54d: {  	[tilespmem:s13+$0xFFFFFFC0] =	vst v12;
	v6 =	vmul.f32 v6, v7;
	v61 =	vshll.u32 v5, $0x10  }
0x54e: {  	v5 =	vand.u32 $0xFFFF0000, v5;
	[tilespmem:s11+$0xFFFFFFD0] =	vst v0;
	v0 =	vmul.f32 v61, v7  }
0x54f: {  	[tilespmem:s11+$0xFFFFFFF0] =	vst v6;
	v6 =	vshll.u32 v55, $0x10;
	v5 =	vmul.f32 v5, v7  }
0x550: {  	v8 =	vshll.u32 v53, $0x10;
	[tilespmem:s11+$0xFFFFFFA0] =	vst v0;
	v0 =	vmul.f32 v6, v7  }
0x551: {  	v6 =	vmul.f32 v8, v43;
	[tilespmem:s11+$0xFFFFFFE0] =	vst v5;
	v5 =	vshll.u32 v59, $0x10  }
0x552: {  	v62 =	vand.u32 $0xFFFF0000, v59;
	v5 =	vmul.f32 v5, v7;
	[tilespmem:s11+$0xFFFFFFB0] =	vst v0  }
0x553: {  	v63 =	vshll.u32 v20, $0x10;
	v0 =	vmul.f32 v62, v7;
	[tilespmem:s11+$0x10] =	vst v6  }
0x554: {  	v6 =	vmul.f32 v63, v7;
	[tilespmem:s11+$0xFFFFFF80] =	vst v5  }
0x555: {  	[tilespmem:s11+$0xFFFFFFC0] =	vst v0  }
0x556: {  	[tilespmem:s11+$0xFFFFFF90] =	vst v6  }
0x557: {  	[spmem:s3] =	stream.indirect.scatter.add.f32 [tilespmem:s29], [sflag:$0x3], $0x80, s26, s25, $0xb8;
	[tilespmem:$0x1E080] =	vst v63  }
0x558: {  	_ =	swait.ge [sflag:s9], $0x2800  }
0x559: {  	[sflag:s9] =	ssyncset.done $0x0  }
0x55a: {  	[sflag:s9] =	ssyncadd.s32 $0xFFFFD800  }
0x55b: {  	_ =	swait.ge [sflag:s19], $0x2800  }
0x55c: {  	[sflag:s19] =	ssyncset.done $0x0  }
0x55d: {  	[sflag:s19] =	ssyncadd.s32 $0xFFFFD800  }
0x55e: {  	_ =	swait.ge [sflag:s19], $0x2800  }
0x55f: {  	[sflag:s19] =	ssyncset.done $0x0  }
0x560: {  	[sflag:s19] =	ssyncadd.s32 $0xFFFFD800  }
0x561: {  	_ =	swait.ge [sflag:s10], $0x100  }
0x562: {  	[sflag:s10] =	ssyncset.done $0x0  }
0x563: {  	[sflag:s10] =	ssyncadd.s32 $0xFFFFFF00  }
0x564: {  	_ =	swait.ge [sflag:s17], $0x100  }
0x565: {  	[sflag:s17] =	ssyncset.done $0x0  }
0x566: {  	[sflag:s17] =	ssyncadd.s32 $0xFFFFFF00  }
0x567: {  	s20 =	stileid.u32;
	[bflag:$0x0] =	sbarrier.arrive $0xFFFF  }
0x568: {  	s7 =	sshll.u32 s20, $0x6;
	s13 =	rddreg [dreg:$0xe]  }
0x569: {  	s7 =	sor.u32 $0x1C09, s7;
	s12 =	rddreg [dreg:$0xb];
	s11 =	sshrl.u32 @p0 s13, $0x3  }
0x56a: {  	[hbm:s12], [sflag:s7] =	dma.local @p0 [spmem:s11], $0x2700  }
0x56b: {  	s11 =	simm.s32 @p0 $0x9  }
0x56c: {  	_ =	swait.ge @p0 [sflag:s11], $0x2700  }
0x56d: {  	[sflag:s11] =	ssyncset.done @p0 $0x0  }
0x56e: {  	[sflag:s11] =	ssyncadd.s32 @p0 $0xFFFFD900;
	s11 =	sshrl.u32 @!p0 s13, $0x3  }
0x56f: {  	[hbm:s12], [sflag:s7] =	dma.local @!p0 [spmem:s11], $0x2780  }
0x570: {  	s7 =	simm.s32 @!p0 $0x9  }
0x571: {  	_ =	swait.ge @!p0 [sflag:s7], $0x2780  }
0x572: {  	s23 =	rddreg [dreg:$0x11]  }
0x573: {  	s24 =	rddreg [dreg:$0xf];
	s12 =	sadd.s32 $0x1, s23  }
0x574: {  	p1 =	sne.s32 s12, s24  }
.Ltmp10:
0x575: {  	_ = 	snop;
	(pc) =	sbr.rel @p1 .LBB2_1-.Ltmp10, $3  }
0x576: {  	_ =	sdelay $0x1  }
0x577: {  	[sflag:s7] =	ssyncset.done @!p0 $0x0  }
0x578: {  	s15 =	rddreg [dreg:$0x4];
	[sflag:s7] =	ssyncadd.s32 @!p0 $0xFFFFD880  }
0x579: {  	_ =	sfence.sel $0x180000  }
0x57a: {  	[bflag:$0x0] =	sbarrier.arrive $0xFFFF  }
0x57b: {  	_ =	strace $0x90000047  }
0x57c: {  	s0 =	stileid.u32;
	[bflag:$0x2] =	sbarrier.arrive $0xFFFF  }
0x57d: {  	p0 =	sne.s32 s0, $0x0;
	s0 =	rddreg [dreg:$0x3]  }
0x57e: {  	s0 =	sadd.s32 @!p0 $0x100000, s0  }
0x57f: {  	[sflag:s0] =	ssyncadd.tile.s32 @!p0 $0x1;
	_ =	shalt  }
.Lfunc_end2:
_tile_overlayer_lowered:
.L_overlay_start_2:
0x580: {  	(tag) =	ssettag $0x2  }
0x581: {  	s0 =	rddreg [dreg:$0x0];
	s2 =	stileid.u32  }
0x582: {  	s1 =	rddreg [dreg:$0x1];
	p0 =	sne.s32 s2, $0x0  }
0x583: {  	s3 =	rddreg [dreg:$0x2];
	[bflag:$0x3] =	sbarrier.arrive $0xFFFF;
	s2 =	simm.s32 @!p0 $0x1C09  }
0x584: {  	[timem:s3], [sflag:s2] =	dma.local @!p0 [hbm:s0], s1  }
0x585: {  	s0 =	simm.s32 @!p0 $0x9  }
0x586: {  	_ =	swait.ge @!p0 [sflag:s0], s1  }
0x587: {  	s1 =	ssub.s32 @!p0 $0x0, s1;
	[sflag:s0] =	ssyncset.done @!p0 $0x0  }
0x588: {  	[sflag:s0] =	ssyncadd.s32 @!p0 s1  }
0x589: {  	[bflag:$0x3] =	sbarrier.arrive $0xFFFF  }
0x58a: {  	_ =	shalt  }

</sc_bundles>
